<compile_context>
chip_gen: v7x
topology: tpu7x:2x2x1
jax: 0.10.2.dev20260603
libtpu: 0.0.44.dev20260713+nightly
codegen_flags: <defaults>
</compile_context>

<pallas_src>
import functools

import jax
import jax.numpy as jnp
from jax import lax
from jax.experimental import pallas as pl
from jax.experimental.pallas import tpu as pltpu
from jax.experimental.pallas import tpu_sc as plsc

N = 10000
E = 320000
IN_D = 128
HID = 256
OUT_D = 128

NC = 2
NS = 16
CH = 80
NRC = N // CH


def _mesh():
  return plsc.VectorSubcoreMesh(core_axis_name="c", subcore_axis_name="s",
                                num_cores=NC, num_subcores=NS)


def _row_chunks(tid, fn):
  for j in range(-(-NRC // NS)):
    idx = j * NS + tid

    @pl.when(idx < NRC)
    def _():
      fn(idx * CH)


def _fill(ref, n_rows, width, value):
  def body(i, _):
    for j in range(width // 16):
      ref[i, pl.ds(j * 16, 16)] = jnp.full((16,), value, jnp.float32)
    return 0
  lax.fori_loop(0, n_rows, body, 0)


def _deg_partials(dst):
  ept = E // (NC * NS)
  nchk = ept // CH
  grp = 8

  @functools.partial(
      pl.kernel,
      out_type=jax.ShapeDtypeStruct((NC, N, 128), jnp.float32),
      mesh=_mesh(),
      scratch_types=[
          pltpu.VMEM((ept,), jnp.int32),
          pltpu.VMEM((CH, 128), jnp.float32),
          pltpu.VMEM((CH, 128), jnp.float32),
          pltpu.VMEM_SHARED((N, 128), jnp.float32),
          pltpu.SemaphoreType.DMA,
          pltpu.SemaphoreType.DMA,
      ],
  )
  def k(dst_hbm, out_hbm, idx_v, ones_v, zero_v, acc_sh, sem, sidxl):
    core = lax.axis_index("c")
    tid = lax.axis_index("s")

    def didx(c):
      return idx_v.at[pl.ds(c * CH, CH)]

    idx_src = dst_hbm.at[pl.ds((core * NS + tid) * ept, ept)]
    pltpu.async_copy(idx_src, idx_v, sidxl)
    _fill(ones_v, CH, 128, 1.0)
    _fill(zero_v, CH, 128, 0.0)
    _row_chunks(tid, lambda r0: pltpu.async_copy(
        zero_v, acc_sh.at[pl.ds(r0, CH), :], sem))
    _row_chunks(tid, lambda r0: pltpu.make_async_copy(
        zero_v, acc_sh.at[pl.ds(r0, CH), :], sem).wait())
    pltpu.make_async_copy(idx_src, idx_v, sidxl).wait()
    plsc.subcore_barrier()

    def group(g, _):
      for j in range(grp):
        pltpu.async_copy(ones_v, acc_sh.at[didx(g * grp + j)], sem, add=True)
      for j in range(grp):
        pltpu.make_async_copy(ones_v, acc_sh.at[didx(g * grp + j)],
                              sem).wait()
      return 0
    lax.fori_loop(0, nchk // grp, group, 0)
    for c in range(nchk - nchk % grp, nchk):
      pltpu.async_copy(ones_v, acc_sh.at[didx(c)], sem, add=True)
    for c in range(nchk - nchk % grp, nchk):
      pltpu.make_async_copy(ones_v, acc_sh.at[didx(c)], sem).wait()
    plsc.subcore_barrier()
    _row_chunks(tid, lambda r0: pltpu.async_copy(
        acc_sh.at[pl.ds(r0, CH), :], out_hbm.at[core, pl.ds(r0, CH), :],
        sem))
    _row_chunks(tid, lambda r0: pltpu.make_async_copy(
        acc_sh.at[pl.ds(r0, CH), :], out_hbm.at[core, pl.ds(r0, CH), :],
        sem).wait())

  return k(dst)


def _agg(y, src, dst, feature_split):
  ept = E // NS if feature_split else E // (NC * NS)
  halves = 2 if feature_split else 1
  hept = ept // halves
  nchk = hept // CH
  npip = (nchk - 2) // 3

  @functools.partial(
      pl.kernel,
      out_type=jax.ShapeDtypeStruct((NC, N, 128), jnp.float32),
      mesh=_mesh(),
      scratch_types=[
          pltpu.VMEM((hept,), jnp.int32),
          pltpu.VMEM((hept,), jnp.int32),
          pltpu.VMEM((CH, 128), jnp.float32),
          pltpu.VMEM((CH, 128), jnp.float32),
          pltpu.VMEM((CH, 128), jnp.float32),
          pltpu.VMEM_SHARED((N, 128), jnp.float32),
          [pltpu.SemaphoreType.DMA] * 3,
          [pltpu.SemaphoreType.DMA] * 3,
          pltpu.SemaphoreType.DMA,
      ],
  )
  def k(y_hbm, src_hbm, dst_hbm, out_hbm, src_v, dst_v, b0, b1, b2,
        acc_sh, sg, ss, sw):
    core = lax.axis_index("c")
    tid = lax.axis_index("s")
    bufs = (b0, b1, b2)

    def sidx(c):
      return src_v.at[pl.ds(c * CH, CH)]

    def didx(c):
      return dst_v.at[pl.ds(c * CH, CH)]

    base = tid * ept if feature_split else (core * NS + tid) * ept
    pltpu.async_copy(src_hbm.at[pl.ds(base, hept)], src_v, sg[0])
    pltpu.async_copy(dst_hbm.at[pl.ds(base, hept)], dst_v, sg[1])
    _fill(b0, CH, 128, 0.0)
    _row_chunks(tid, lambda r0: pltpu.async_copy(
        b0, acc_sh.at[pl.ds(r0, CH), :], sw))
    _row_chunks(tid, lambda r0: pltpu.make_async_copy(
        b0, acc_sh.at[pl.ds(r0, CH), :], sw).wait())
    pltpu.make_async_copy(src_hbm.at[pl.ds(base, hept)], src_v, sg[0]).wait()
    pltpu.make_async_copy(dst_hbm.at[pl.ds(base, hept)], dst_v, sg[1]).wait()

    def g_start(c, j):
      pltpu.async_copy(y_hbm.at[sidx(c)], bufs[j], sg[j])

    def g_wait(c, j):
      pltpu.make_async_copy(y_hbm.at[sidx(c)], bufs[j], sg[j]).wait()

    def s_start(c, j):
      pltpu.async_copy(bufs[j], acc_sh.at[didx(c)], ss[j], add=True)

    def s_wait(c, j):
      pltpu.make_async_copy(bufs[j], acc_sh.at[didx(c)], ss[j]).wait()

    for h in range(halves):
      if h > 0:
        e0 = base + h * hept
        pltpu.sync_copy(src_hbm.at[pl.ds(e0, hept)], src_v)
        pltpu.sync_copy(dst_hbm.at[pl.ds(e0, hept)], dst_v)
      if feature_split:
        off = core * N

        def addoff(i, _):
          src_v[pl.ds(i * 16, 16)] = src_v[pl.ds(i * 16, 16)] + off
          return 0
        lax.fori_loop(0, hept // 16, addoff, 0)
      if h == 0:
        plsc.subcore_barrier()

      g_start(0, 0)
      g_start(1, 1)

      def pipe(i, _):
        for j in range(3):
          c = 3 * i + j
          g_wait(c, j)

          @pl.when(c > 0)
          def _():
            s_wait(c - 1, (j + 2) % 3)

          @pl.when(c + 2 < nchk)
          def _():
            g_start(c + 2, (j + 2) % 3)
          s_start(c, j)
        return 0
      lax.fori_loop(0, npip, pipe, 0)
      for c in range(3 * npip, nchk):
        j = c % 3
        g_wait(c, j)
        s_wait(c - 1, (j + 2) % 3)
        s_start(c, j)
      s_wait(nchk - 1, (nchk - 1) % 3)
    plsc.subcore_barrier()
    _row_chunks(tid, lambda r0: pltpu.async_copy(
        acc_sh.at[pl.ds(r0, CH), :], out_hbm.at[core, pl.ds(r0, CH), :], sw))
    _row_chunks(tid, lambda r0: pltpu.make_async_copy(
        acc_sh.at[pl.ds(r0, CH), :], out_hbm.at[core, pl.ds(r0, CH), :],
        sw).wait())

  return k(y, src, dst)


BLK = 10000


def _tc_layer1(x, w1, degp):
  def body(x_ref, w_ref, dp_ref, y_ref, ds_ref):
    deg = dp_ref[0, :, 0:1] + dp_ref[1, :, 0:1] + 1.0
    ds = lax.rsqrt(deg)
    xw = jnp.dot(x_ref[...], w_ref[...], preferred_element_type=jnp.float32)
    y = xw * ds
    y_ref[0, :, :] = y[:, :128]
    y_ref[1, :, :] = y[:, 128:]
    ds_ref[...] = ds

  return pl.pallas_call(
      body,
      grid=(N // BLK,),
      in_specs=[
          pl.BlockSpec((BLK, IN_D), lambda i: (i, 0)),
          pl.BlockSpec((IN_D, HID), lambda i: (0, 0)),
          pl.BlockSpec((NC, BLK, 128), lambda i: (0, i, 0)),
      ],
      out_specs=[
          pl.BlockSpec((NC, BLK, 128), lambda i: (0, i, 0)),
          pl.BlockSpec((BLK, 1), lambda i: (i, 0)),
      ],
      out_shape=[
          jax.ShapeDtypeStruct((NC, N, 128), jnp.float32),
          jax.ShapeDtypeStruct((N, 1), jnp.float32),
      ],
  )(x, w1, degp)


def _tc_layer2(ds, y1pair, acc1, b1r, w2):
  def body(ds_ref, y1_ref, a1_ref, b1_ref, w_ref, y2_ref):
    ds = ds_ref[...]
    pre = (a1_ref[...] + y1_ref[...]) * ds[None, :, :] + b1_ref[...]
    h = jnp.maximum(pre, 0.0)
    hf = jnp.concatenate([h[0], h[1]], axis=1)
    z = jnp.dot(hf, w_ref[...], preferred_element_type=jnp.float32)
    y2_ref[...] = z * ds

  return pl.pallas_call(
      body,
      grid=(N // BLK,),
      in_specs=[
          pl.BlockSpec((BLK, 1), lambda i: (i, 0)),
          pl.BlockSpec((NC, BLK, 128), lambda i: (0, i, 0)),
          pl.BlockSpec((NC, BLK, 128), lambda i: (0, i, 0)),
          pl.BlockSpec((NC, 1, 128), lambda i: (0, 0, 0)),
          pl.BlockSpec((HID, OUT_D), lambda i: (0, 0)),
      ],
      out_specs=pl.BlockSpec((BLK, OUT_D), lambda i: (i, 0)),
      out_shape=jax.ShapeDtypeStruct((N, OUT_D), jnp.float32),
  )(ds, y1pair, acc1, b1r, w2)


def _tc_layer3(ds, acc2, y2, b2r):
  def body(ds_ref, a2_ref, y2_ref, b2_ref, o_ref):
    o_ref[...] = ((a2_ref[0] + a2_ref[1] + y2_ref[...]) * ds_ref[...]
                  + b2_ref[...])

  return pl.pallas_call(
      body,
      grid=(N // BLK,),
      in_specs=[
          pl.BlockSpec((BLK, 1), lambda i: (i, 0)),
          pl.BlockSpec((NC, BLK, OUT_D), lambda i: (0, i, 0)),
          pl.BlockSpec((BLK, OUT_D), lambda i: (i, 0)),
          pl.BlockSpec((1, OUT_D), lambda i: (0, 0)),
      ],
      out_specs=pl.BlockSpec((BLK, OUT_D), lambda i: (i, 0)),
      out_shape=jax.ShapeDtypeStruct((N, OUT_D), jnp.float32),
  )(ds, acc2, y2, b2r)


def kernel(x, edge_index, W1, b1, W2, b2):
  src = edge_index[0].astype(jnp.int32)
  dst = edge_index[1].astype(jnp.int32)
  degp = _deg_partials(dst)
  y1pair, ds = _tc_layer1(x, W1, degp)
  acc1 = _agg(y1pair.reshape(NC * N, 128), src, dst, feature_split=True)
  y2 = _tc_layer2(ds, y1pair, acc1, b1.reshape(NC, 1, 128), W2)
  acc2 = _agg(y2, src, dst, feature_split=False)
  return _tc_layer3(ds, acc2, y2, b2.reshape(1, OUT_D))

# --- scband reference (transcript-rebuilt; emitter-appended) ---
"""Pipeline reference for scband-memory-gnn-1176821039974 (READ-ONLY COPY).

The authoritative reference and input builder live on the scoring server;
editing this copy changes nothing except your own understanding.
"""

import jax, jax.numpy as jnp
import numpy as np

N_NODES = 10000
N_EDGES = 320000
IN_DIM = 128
HID_DIM = 256
OUT_DIM = 128


def _gcn_conv(x, edge_index, W, b):
    # PyG-style GCNConv: add self loops, symmetric normalization, linear, scatter-add aggregate
    N = x.shape[0]
    loop = jnp.arange(N, dtype=edge_index.dtype)
    src = jnp.concatenate([edge_index[0], loop])
    dst = jnp.concatenate([edge_index[1], loop])
    # linear transform first (as in PyG GCNConv)
    xw = x @ W
    # degree computed on destination (col) with unit edge weights incl. self loops
    deg = jnp.zeros((N,), dtype=x.dtype).at[dst].add(1.0)
    deg_inv_sqrt = jnp.where(deg > 0, deg ** -0.5, 0.0)
    norm = deg_inv_sqrt[src] * deg_inv_sqrt[dst]
    msgs = norm[:, None] * jnp.take(xw, src, axis=0)
    out = jnp.zeros((N, W.shape[1]), dtype=x.dtype).at[dst].add(msgs)
    return out + b


def setup_inputs(seed: int = 0) -> dict:
    key = jax.random.key(seed)
    k_x, k_e, k_w1, k_b1, k_w2, k_b2 = jax.random.split(key, 6)
    x = jax.random.normal(k_x, (N_NODES, IN_DIM), dtype=jnp.float32)
    edge_index = jax.random.randint(k_e, (2, N_EDGES), 0, N_NODES, dtype=jnp.int64)
    s1 = 1.0 / np.sqrt(IN_DIM)
    s2 = 1.0 / np.sqrt(HID_DIM)
    W1 = jax.random.uniform(k_w1, (IN_DIM, HID_DIM), minval=-s1, maxval=s1, dtype=jnp.float32)
    b1 = jax.random.uniform(k_b1, (HID_DIM,), minval=-s1, maxval=s1, dtype=jnp.float32)
    W2 = jax.random.uniform(k_w2, (HID_DIM, OUT_DIM), minval=-s2, maxval=s2, dtype=jnp.float32)
    b2 = jax.random.uniform(k_b2, (OUT_DIM,), minval=-s2, maxval=s2, dtype=jnp.float32)
    return {"x": x, "edge_index": edge_index, "W1": W1, "b1": b1, "W2": W2, "b2": b2}


def reference(x, edge_index, W1, b1, W2, b2):
    h = _gcn_conv(x, edge_index, W1, b1)
    h = jax.nn.relu(h)
    out = _gcn_conv(h, edge_index, W2, b2)
    return out

if __name__ == "__main__":
    import jax
    _d = setup_inputs()
    print(jax.jit(kernel)(*tuple(_d.values())))

</pallas_src>

<mosaic_0001>
#map = affine_map<(d0, d1) -> (0)>
#map1 = affine_map<(d0, d1) -> (0, 0, 0)>
module attributes {stable_mosaic.version = 14 : i64} {
  func.func @k(%arg0: i32, %arg1: i32, %arg2: memref<320000xi32, #tpu.memory_space<hbm>>, %arg3: memref<2x10000x128xf32, #tpu.memory_space<hbm>>, %arg4: memref<10000xi32, #tpu.memory_space<vmem>>, %arg5: memref<80x128xf32, #tpu.memory_space<vmem>>, %arg6: memref<80x128xf32, #tpu.memory_space<vmem>>, %arg7: memref<10000x128xf32, #tpu.memory_space<vmem_shared>>, %arg8: memref<!tpu.dma_semaphore, #tpu.memory_space<semaphore_mem>>, %arg9: memref<!tpu.dma_semaphore, #tpu.memory_space<semaphore_mem>>) attributes {dimension_semantics = [#tpu.dimension_semantics<core_parallel>, #tpu.dimension_semantics<subcore_parallel>], iteration_bounds = array<i64: 2, 16>, scalar_prefetch = 0 : i64, scratch_operands = 6 : i64, tpu.core_type = #tpu.core_type<sc_vector_subcore>, window_params = [{transform_indices = #map}, {transform_indices = #map1}]} {
    %mul3A = arith.constant 16 : i32
    %mul3A_0 = arith.muli %arg0, %mul3A : i32
    %add3A = arith.addi %mul3A_0, %arg1 : i32
    %mul3A_1 = arith.constant 10000 : i32
    %mul3A_2 = arith.muli %add3A, %mul3A_1 : i32
    %dma_start3A = tpu.memref_slice %arg2[%mul3A_2] : memref<320000xi32, #tpu.memory_space<hbm>> -> memref<10000xi32, #tpu.memory_space<hbm>>
    %dma_start3A_3 = tpu.memref_slice %arg2[%mul3A_2] : memref<320000xi32, #tpu.memory_space<hbm>> -> memref<10000xi32, #tpu.memory_space<hbm>>
    tpu.enqueue_dma source(%dma_start3A_3 : memref<10000xi32, #tpu.memory_space<hbm>>) target(%arg4 : memref<10000xi32, #tpu.memory_space<vmem>>) target_semaphore(%arg9 : memref<!tpu.dma_semaphore, #tpu.memory_space<semaphore_mem>>)
    %scan3A = arith.constant 0 : i32
    %scan3A_4 = arith.constant 0 : i32
    %scan3A_5 = arith.constant 80 : i32
    %scan3A_6 = arith.addi %scan3A_4, %scan3A_5 : i32
    %scan3A_7 = arith.constant 1 : i32
    %scan3A_8 = scf.for %scan3A_297 = %scan3A_4 to %scan3A_6 step %scan3A_7 iter_args(%scan3A_298 = %scan3A) -> (i32)  : i32 {
      %broadcast_in_dim3A = arith.constant 1.000000e+00 : f32
      %broadcast_in_dim3A_299 = vector.broadcast %broadcast_in_dim3A : f32 to vector<16xf32>
      %swap3A = arith.index_cast %scan3A_297 : i32 to index
      %swap3A_300 = arith.constant 0 : index
      %swap3A_301 = tpu.vector_load %arg5[%swap3A, %swap3A_300] {strides = array<i32>} : memref<80x128xf32, #tpu.memory_space<vmem>>, vector<1x16xf32>,
      %swap3A_302 = vector.shape_cast %swap3A_301 : vector<1x16xf32> to vector<16xf32>
      %swap3A_303 = vector.shape_cast %broadcast_in_dim3A_299 : vector<16xf32> to vector<1x16xf32>
      tpu.vector_store %arg5[%swap3A, %swap3A_300], %swap3A_303 {strides = array<i32>} : memref<80x128xf32, #tpu.memory_space<vmem>>, vector<1x16xf32>,
      %broadcast_in_dim3A_304 = arith.constant 1.000000e+00 : f32
      %broadcast_in_dim3A_305 = vector.broadcast %broadcast_in_dim3A_304 : f32 to vector<16xf32>
      %swap3A_306 = arith.index_cast %scan3A_297 : i32 to index
      %swap3A_307 = arith.constant 16 : index
      %swap3A_308 = tpu.vector_load %arg5[%swap3A_306, %swap3A_307] {strides = array<i32>} : memref<80x128xf32, #tpu.memory_space<vmem>>, vector<1x16xf32>,
      %swap3A_309 = vector.shape_cast %swap3A_308 : vector<1x16xf32> to vector<16xf32>
      %swap3A_310 = vector.shape_cast %broadcast_in_dim3A_305 : vector<16xf32> to vector<1x16xf32>
      tpu.vector_store %arg5[%swap3A_306, %swap3A_307], %swap3A_310 {strides = array<i32>} : memref<80x128xf32, #tpu.memory_space<vmem>>, vector<1x16xf32>,
      %broadcast_in_dim3A_311 = arith.constant 1.000000e+00 : f32
      %broadcast_in_dim3A_312 = vector.broadcast %broadcast_in_dim3A_311 : f32 to vector<16xf32>
      %swap3A_313 = arith.index_cast %scan3A_297 : i32 to index
      %swap3A_314 = arith.constant 32 : index
      %swap3A_315 = tpu.vector_load %arg5[%swap3A_313, %swap3A_314] {strides = array<i32>} : memref<80x128xf32, #tpu.memory_space<vmem>>, vector<1x16xf32>,
      %swap3A_316 = vector.shape_cast %swap3A_315 : vector<1x16xf32> to vector<16xf32>
      %swap3A_317 = vector.shape_cast %broadcast_in_dim3A_312 : vector<16xf32> to vector<1x16xf32>
      tpu.vector_store %arg5[%swap3A_313, %swap3A_314], %swap3A_317 {strides = array<i32>} : memref<80x128xf32, #tpu.memory_space<vmem>>, vector<1x16xf32>,
      %broadcast_in_dim3A_318 = arith.constant 1.000000e+00 : f32
      %broadcast_in_dim3A_319 = vector.broadcast %broadcast_in_dim3A_318 : f32 to vector<16xf32>
      %swap3A_320 = arith.index_cast %scan3A_297 : i32 to index
      %swap3A_321 = arith.constant 48 : index
      %swap3A_322 = tpu.vector_load %arg5[%swap3A_320, %swap3A_321] {strides = array<i32>} : memref<80x128xf32, #tpu.memory_space<vmem>>, vector<1x16xf32>,
      %swap3A_323 = vector.shape_cast %swap3A_322 : vector<1x16xf32> to vector<16xf32>
      %swap3A_324 = vector.shape_cast %broadcast_in_dim3A_319 : vector<16xf32> to vector<1x16xf32>
      tpu.vector_store %arg5[%swap3A_320, %swap3A_321], %swap3A_324 {strides = array<i32>} : memref<80x128xf32, #tpu.memory_space<vmem>>, vector<1x16xf32>,
      %broadcast_in_dim3A_325 = arith.constant 1.000000e+00 : f32
      %broadcast_in_dim3A_326 = vector.broadcast %broadcast_in_dim3A_325 : f32 to vector<16xf32>
      %swap3A_327 = arith.index_cast %scan3A_297 : i32 to index
      %swap3A_328 = arith.constant 64 : index
      %swap3A_329 = tpu.vector_load %arg5[%swap3A_327, %swap3A_328] {strides = array<i32>} : memref<80x128xf32, #tpu.memory_space<vmem>>, vector<1x16xf32>,
      %swap3A_330 = vector.shape_cast %swap3A_329 : vector<1x16xf32> to vector<16xf32>
      %swap3A_331 = vector.shape_cast %broadcast_in_dim3A_326 : vector<16xf32> to vector<1x16xf32>
      tpu.vector_store %arg5[%swap3A_327, %swap3A_328], %swap3A_331 {strides = array<i32>} : memref<80x128xf32, #tpu.memory_space<vmem>>, vector<1x16xf32>,
      %broadcast_in_dim3A_332 = arith.constant 1.000000e+00 : f32
      %broadcast_in_dim3A_333 = vector.broadcast %broadcast_in_dim3A_332 : f32 to vector<16xf32>
      %swap3A_334 = arith.index_cast %scan3A_297 : i32 to index
      %swap3A_335 = arith.constant 80 : index
      %swap3A_336 = tpu.vector_load %arg5[%swap3A_334, %swap3A_335] {strides = array<i32>} : memref<80x128xf32, #tpu.memory_space<vmem>>, vector<1x16xf32>,
      %swap3A_337 = vector.shape_cast %swap3A_336 : vector<1x16xf32> to vector<16xf32>
      %swap3A_338 = vector.shape_cast %broadcast_in_dim3A_333 : vector<16xf32> to vector<1x16xf32>
      tpu.vector_store %arg5[%swap3A_334, %swap3A_335], %swap3A_338 {strides = array<i32>} : memref<80x128xf32, #tpu.memory_space<vmem>>, vector<1x16xf32>,
      %broadcast_in_dim3A_339 = arith.constant 1.000000e+00 : f32
      %broadcast_in_dim3A_340 = vector.broadcast %broadcast_in_dim3A_339 : f32 to vector<16xf32>
      %swap3A_341 = arith.index_cast %scan3A_297 : i32 to index
      %swap3A_342 = arith.constant 96 : index
      %swap3A_343 = tpu.vector_load %arg5[%swap3A_341, %swap3A_342] {strides = array<i32>} : memref<80x128xf32, #tpu.memory_space<vmem>>, vector<1x16xf32>,
      %swap3A_344 = vector.shape_cast %swap3A_343 : vector<1x16xf32> to vector<16xf32>
      %swap3A_345 = vector.shape_cast %broadcast_in_dim3A_340 : vector<16xf32> to vector<1x16xf32>
      tpu.vector_store %arg5[%swap3A_341, %swap3A_342], %swap3A_345 {strides = array<i32>} : memref<80x128xf32, #tpu.memory_space<vmem>>, vector<1x16xf32>,
      %broadcast_in_dim3A_346 = arith.constant 1.000000e+00 : f32
      %broadcast_in_dim3A_347 = vector.broadcast %broadcast_in_dim3A_346 : f32 to vector<16xf32>
      %swap3A_348 = arith.index_cast %scan3A_297 : i32 to index
      %swap3A_349 = arith.constant 112 : index
      %swap3A_350 = tpu.vector_load %arg5[%swap3A_348, %swap3A_349] {strides = array<i32>} : memref<80x128xf32, #tpu.memory_space<vmem>>, vector<1x16xf32>,
      %swap3A_351 = vector.shape_cast %swap3A_350 : vector<1x16xf32> to vector<16xf32>
      %swap3A_352 = vector.shape_cast %broadcast_in_dim3A_347 : vector<16xf32> to vector<1x16xf32>
      tpu.vector_store %arg5[%swap3A_348, %swap3A_349], %swap3A_352 {strides = array<i32>} : memref<80x128xf32, #tpu.memory_space<vmem>>, vector<1x16xf32>,
      %scan3A_353 = arith.constant 0 : i32
      scf.yield %scan3A_353 : i32
    }
    %scan3A_9 = arith.constant 80 : i32
    %scan3A_10 = arith.constant 0 : i32
    %scan3A_11 = arith.constant 0 : i32
    %scan3A_12 = arith.constant 80 : i32
    %scan3A_13 = arith.addi %scan3A_11, %scan3A_12 : i32
    %scan3A_14 = arith.constant 1 : i32
    %scan3A_15 = scf.for %scan3A_297 = %scan3A_11 to %scan3A_13 step %scan3A_14 iter_args(%scan3A_298 = %scan3A_10) -> (i32)  : i32 {
      %broadcast_in_dim3A = arith.constant 0.000000e+00 : f32
      %broadcast_in_dim3A_299 = vector.broadcast %broadcast_in_dim3A : f32 to vector<16xf32>
      %swap3A = arith.index_cast %scan3A_297 : i32 to index
      %swap3A_300 = arith.constant 0 : index
      %swap3A_301 = tpu.vector_load %arg6[%swap3A, %swap3A_300] {strides = array<i32>} : memref<80x128xf32, #tpu.memory_space<vmem>>, vector<1x16xf32>,
      %swap3A_302 = vector.shape_cast %swap3A_301 : vector<1x16xf32> to vector<16xf32>
      %swap3A_303 = vector.shape_cast %broadcast_in_dim3A_299 : vector<16xf32> to vector<1x16xf32>
      tpu.vector_store %arg6[%swap3A, %swap3A_300], %swap3A_303 {strides = array<i32>} : memref<80x128xf32, #tpu.memory_space<vmem>>, vector<1x16xf32>,
      %broadcast_in_dim3A_304 = arith.constant 0.000000e+00 : f32
      %broadcast_in_dim3A_305 = vector.broadcast %broadcast_in_dim3A_304 : f32 to vector<16xf32>
      %swap3A_306 = arith.index_cast %scan3A_297 : i32 to index
      %swap3A_307 = arith.constant 16 : index
      %swap3A_308 = tpu.vector_load %arg6[%swap3A_306, %swap3A_307] {strides = array<i32>} : memref<80x128xf32, #tpu.memory_space<vmem>>, vector<1x16xf32>,
      %swap3A_309 = vector.shape_cast %swap3A_308 : vector<1x16xf32> to vector<16xf32>
      %swap3A_310 = vector.shape_cast %broadcast_in_dim3A_305 : vector<16xf32> to vector<1x16xf32>
      tpu.vector_store %arg6[%swap3A_306, %swap3A_307], %swap3A_310 {strides = array<i32>} : memref<80x128xf32, #tpu.memory_space<vmem>>, vector<1x16xf32>,
      %broadcast_in_dim3A_311 = arith.constant 0.000000e+00 : f32
      %broadcast_in_dim3A_312 = vector.broadcast %broadcast_in_dim3A_311 : f32 to vector<16xf32>
      %swap3A_313 = arith.index_cast %scan3A_297 : i32 to index
      %swap3A_314 = arith.constant 32 : index
      %swap3A_315 = tpu.vector_load %arg6[%swap3A_313, %swap3A_314] {strides = array<i32>} : memref<80x128xf32, #tpu.memory_space<vmem>>, vector<1x16xf32>,
      %swap3A_316 = vector.shape_cast %swap3A_315 : vector<1x16xf32> to vector<16xf32>
      %swap3A_317 = vector.shape_cast %broadcast_in_dim3A_312 : vector<16xf32> to vector<1x16xf32>
      tpu.vector_store %arg6[%swap3A_313, %swap3A_314], %swap3A_317 {strides = array<i32>} : memref<80x128xf32, #tpu.memory_space<vmem>>, vector<1x16xf32>,
      %broadcast_in_dim3A_318 = arith.constant 0.000000e+00 : f32
      %broadcast_in_dim3A_319 = vector.broadcast %broadcast_in_dim3A_318 : f32 to vector<16xf32>
      %swap3A_320 = arith.index_cast %scan3A_297 : i32 to index
      %swap3A_321 = arith.constant 48 : index
      %swap3A_322 = tpu.vector_load %arg6[%swap3A_320, %swap3A_321] {strides = array<i32>} : memref<80x128xf32, #tpu.memory_space<vmem>>, vector<1x16xf32>,
      %swap3A_323 = vector.shape_cast %swap3A_322 : vector<1x16xf32> to vector<16xf32>
      %swap3A_324 = vector.shape_cast %broadcast_in_dim3A_319 : vector<16xf32> to vector<1x16xf32>
      tpu.vector_store %arg6[%swap3A_320, %swap3A_321], %swap3A_324 {strides = array<i32>} : memref<80x128xf32, #tpu.memory_space<vmem>>, vector<1x16xf32>,
      %broadcast_in_dim3A_325 = arith.constant 0.000000e+00 : f32
      %broadcast_in_dim3A_326 = vector.broadcast %broadcast_in_dim3A_325 : f32 to vector<16xf32>
      %swap3A_327 = arith.index_cast %scan3A_297 : i32 to index
      %swap3A_328 = arith.constant 64 : index
      %swap3A_329 = tpu.vector_load %arg6[%swap3A_327, %swap3A_328] {strides = array<i32>} : memref<80x128xf32, #tpu.memory_space<vmem>>, vector<1x16xf32>,
      %swap3A_330 = vector.shape_cast %swap3A_329 : vector<1x16xf32> to vector<16xf32>
      %swap3A_331 = vector.shape_cast %broadcast_in_dim3A_326 : vector<16xf32> to vector<1x16xf32>
      tpu.vector_store %arg6[%swap3A_327, %swap3A_328], %swap3A_331 {strides = array<i32>} : memref<80x128xf32, #tpu.memory_space<vmem>>, vector<1x16xf32>,
      %broadcast_in_dim3A_332 = arith.constant 0.000000e+00 : f32
      %broadcast_in_dim3A_333 = vector.broadcast %broadcast_in_dim3A_332 : f32 to vector<16xf32>
      %swap3A_334 = arith.index_cast %scan3A_297 : i32 to index
      %swap3A_335 = arith.constant 80 : index
      %swap3A_336 = tpu.vector_load %arg6[%swap3A_334, %swap3A_335] {strides = array<i32>} : memref<80x128xf32, #tpu.memory_space<vmem>>, vector<1x16xf32>,
      %swap3A_337 = vector.shape_cast %swap3A_336 : vector<1x16xf32> to vector<16xf32>
      %swap3A_338 = vector.shape_cast %broadcast_in_dim3A_333 : vector<16xf32> to vector<1x16xf32>
      tpu.vector_store %arg6[%swap3A_334, %swap3A_335], %swap3A_338 {strides = array<i32>} : memref<80x128xf32, #tpu.memory_space<vmem>>, vector<1x16xf32>,
      %broadcast_in_dim3A_339 = arith.constant 0.000000e+00 : f32
      %broadcast_in_dim3A_340 = vector.broadcast %broadcast_in_dim3A_339 : f32 to vector<16xf32>
      %swap3A_341 = arith.index_cast %scan3A_297 : i32 to index
      %swap3A_342 = arith.constant 96 : index
      %swap3A_343 = tpu.vector_load %arg6[%swap3A_341, %swap3A_342] {strides = array<i32>} : memref<80x128xf32, #tpu.memory_space<vmem>>, vector<1x16xf32>,
      %swap3A_344 = vector.shape_cast %swap3A_343 : vector<1x16xf32> to vector<16xf32>
      %swap3A_345 = vector.shape_cast %broadcast_in_dim3A_340 : vector<16xf32> to vector<1x16xf32>
      tpu.vector_store %arg6[%swap3A_341, %swap3A_342], %swap3A_345 {strides = array<i32>} : memref<80x128xf32, #tpu.memory_space<vmem>>, vector<1x16xf32>,
      %broadcast_in_dim3A_346 = arith.constant 0.000000e+00 : f32
      %broadcast_in_dim3A_347 = vector.broadcast %broadcast_in_dim3A_346 : f32 to vector<16xf32>
      %swap3A_348 = arith.index_cast %scan3A_297 : i32 to index
      %swap3A_349 = arith.constant 112 : index
      %swap3A_350 = tpu.vector_load %arg6[%swap3A_348, %swap3A_349] {strides = array<i32>} : memref<80x128xf32, #tpu.memory_space<vmem>>, vector<1x16xf32>,
      %swap3A_351 = vector.shape_cast %swap3A_350 : vector<1x16xf32> to vector<16xf32>
      %swap3A_352 = vector.shape_cast %broadcast_in_dim3A_347 : vector<16xf32> to vector<1x16xf32>
      tpu.vector_store %arg6[%swap3A_348, %swap3A_349], %swap3A_352 {strides = array<i32>} : memref<80x128xf32, #tpu.memory_space<vmem>>, vector<1x16xf32>,
      %scan3A_353 = arith.constant 0 : i32
      scf.yield %scan3A_353 : i32
    }
    %scan3A_16 = arith.constant 80 : i32
    %add3A_17 = arith.constant 0 : i32
    %add3A_18 = arith.addi %add3A_17, %arg1 : i32
    %lt3A = arith.constant 125 : i32
    %lt3A_19 = arith.cmpi slt, %add3A_18, %lt3A : i32
    %convert_element_type3A = arith.extui %lt3A_19 : i1 to i32
    %cond3A = arith.constant 0 : i32
    %cond3A_20 = arith.cmpi ne, %convert_element_type3A, %cond3A : i32
    scf.if %cond3A_20 {
      %mul3A_297 = arith.constant 80 : i32
      %mul3A_298 = arith.muli %add3A_18, %mul3A_297 : i32
      %dma_start3A_299 = arith.constant 0 : i32
      %dma_start3A_300 = tpu.memref_slice %arg7[%mul3A_298, %dma_start3A_299] : memref<10000x128xf32, #tpu.memory_space<vmem_shared>> -> memref<80x128xf32, #tpu.memory_space<vmem_shared>>
      %dma_start3A_301 = arith.constant 0 : i32
      %dma_start3A_302 = tpu.memref_slice %arg7[%mul3A_298, %dma_start3A_301] : memref<10000x128xf32, #tpu.memory_space<vmem_shared>> -> memref<80x128xf32, #tpu.memory_space<vmem_shared>>
      tpu.enqueue_dma source(%arg6 : memref<80x128xf32, #tpu.memory_space<vmem>>) target(%dma_start3A_302 : memref<80x128xf32, #tpu.memory_space<vmem_shared>>) target_semaphore(%arg8 : memref<!tpu.dma_semaphore, #tpu.memory_space<semaphore_mem>>)
    } else {
    }
    %add3A_21 = arith.constant 16 : i32
    %add3A_22 = arith.addi %add3A_21, %arg1 : i32
    %lt3A_23 = arith.constant 125 : i32
    %lt3A_24 = arith.cmpi slt, %add3A_22, %lt3A_23 : i32
    %convert_element_type3A_25 = arith.extui %lt3A_24 : i1 to i32
    %cond3A_26 = arith.constant 0 : i32
    %cond3A_27 = arith.cmpi ne, %convert_element_type3A_25, %cond3A_26 : i32
    scf.if %cond3A_27 {
      %mul3A_297 = arith.constant 80 : i32
      %mul3A_298 = arith.muli %add3A_22, %mul3A_297 : i32
      %dma_start3A_299 = arith.constant 0 : i32
      %dma_start3A_300 = tpu.memref_slice %arg7[%mul3A_298, %dma_start3A_299] : memref<10000x128xf32, #tpu.memory_space<vmem_shared>> -> memref<80x128xf32, #tpu.memory_space<vmem_shared>>
      %dma_start3A_301 = arith.constant 0 : i32
      %dma_start3A_302 = tpu.memref_slice %arg7[%mul3A_298, %dma_start3A_301] : memref<10000x128xf32, #tpu.memory_space<vmem_shared>> -> memref<80x128xf32, #tpu.memory_space<vmem_shared>>
      tpu.enqueue_dma source(%arg6 : memref<80x128xf32, #tpu.memory_space<vmem>>) target(%dma_start3A_302 : memref<80x128xf32, #tpu.memory_space<vmem_shared>>) target_semaphore(%arg8 : memref<!tpu.dma_semaphore, #tpu.memory_space<semaphore_mem>>)
    } else {
    }
    %add3A_28 = arith.constant 32 : i32
    %add3A_29 = arith.addi %add3A_28, %arg1 : i32
    %lt3A_30 = arith.constant 125 : i32
    %lt3A_31 = arith.cmpi slt, %add3A_29, %lt3A_30 : i32
    %convert_element_type3A_32 = arith.extui %lt3A_31 : i1 to i32
    %cond3A_33 = arith.constant 0 : i32
    %cond3A_34 = arith.cmpi ne, %convert_element_type3A_32, %cond3A_33 : i32
    scf.if %cond3A_34 {
      %mul3A_297 = arith.constant 80 : i32
      %mul3A_298 = arith.muli %add3A_29, %mul3A_297 : i32
      %dma_start3A_299 = arith.constant 0 : i32
      %dma_start3A_300 = tpu.memref_slice %arg7[%mul3A_298, %dma_start3A_299] : memref<10000x128xf32, #tpu.memory_space<vmem_shared>> -> memref<80x128xf32, #tpu.memory_space<vmem_shared>>
      %dma_start3A_301 = arith.constant 0 : i32
      %dma_start3A_302 = tpu.memref_slice %arg7[%mul3A_298, %dma_start3A_301] : memref<10000x128xf32, #tpu.memory_space<vmem_shared>> -> memref<80x128xf32, #tpu.memory_space<vmem_shared>>
      tpu.enqueue_dma source(%arg6 : memref<80x128xf32, #tpu.memory_space<vmem>>) target(%dma_start3A_302 : memref<80x128xf32, #tpu.memory_space<vmem_shared>>) target_semaphore(%arg8 : memref<!tpu.dma_semaphore, #tpu.memory_space<semaphore_mem>>)
    } else {
    }
    %add3A_35 = arith.constant 48 : i32
    %add3A_36 = arith.addi %add3A_35, %arg1 : i32
    %lt3A_37 = arith.constant 125 : i32
    %lt3A_38 = arith.cmpi slt, %add3A_36, %lt3A_37 : i32
    %convert_element_type3A_39 = arith.extui %lt3A_38 : i1 to i32
    %cond3A_40 = arith.constant 0 : i32
    %cond3A_41 = arith.cmpi ne, %convert_element_type3A_39, %cond3A_40 : i32
    scf.if %cond3A_41 {
      %mul3A_297 = arith.constant 80 : i32
      %mul3A_298 = arith.muli %add3A_36, %mul3A_297 : i32
      %dma_start3A_299 = arith.constant 0 : i32
      %dma_start3A_300 = tpu.memref_slice %arg7[%mul3A_298, %dma_start3A_299] : memref<10000x128xf32, #tpu.memory_space<vmem_shared>> -> memref<80x128xf32, #tpu.memory_space<vmem_shared>>
      %dma_start3A_301 = arith.constant 0 : i32
      %dma_start3A_302 = tpu.memref_slice %arg7[%mul3A_298, %dma_start3A_301] : memref<10000x128xf32, #tpu.memory_space<vmem_shared>> -> memref<80x128xf32, #tpu.memory_space<vmem_shared>>
      tpu.enqueue_dma source(%arg6 : memref<80x128xf32, #tpu.memory_space<vmem>>) target(%dma_start3A_302 : memref<80x128xf32, #tpu.memory_space<vmem_shared>>) target_semaphore(%arg8 : memref<!tpu.dma_semaphore, #tpu.memory_space<semaphore_mem>>)
    } else {
    }
    %add3A_42 = arith.constant 64 : i32
    %add3A_43 = arith.addi %add3A_42, %arg1 : i32
    %lt3A_44 = arith.constant 125 : i32
    %lt3A_45 = arith.cmpi slt, %add3A_43, %lt3A_44 : i32
    %convert_element_type3A_46 = arith.extui %lt3A_45 : i1 to i32
    %cond3A_47 = arith.constant 0 : i32
    %cond3A_48 = arith.cmpi ne, %convert_element_type3A_46, %cond3A_47 : i32
    scf.if %cond3A_48 {
      %mul3A_297 = arith.constant 80 : i32
      %mul3A_298 = arith.muli %add3A_43, %mul3A_297 : i32
      %dma_start3A_299 = arith.constant 0 : i32
      %dma_start3A_300 = tpu.memref_slice %arg7[%mul3A_298, %dma_start3A_299] : memref<10000x128xf32, #tpu.memory_space<vmem_shared>> -> memref<80x128xf32, #tpu.memory_space<vmem_shared>>
      %dma_start3A_301 = arith.constant 0 : i32
      %dma_start3A_302 = tpu.memref_slice %arg7[%mul3A_298, %dma_start3A_301] : memref<10000x128xf32, #tpu.memory_space<vmem_shared>> -> memref<80x128xf32, #tpu.memory_space<vmem_shared>>
      tpu.enqueue_dma source(%arg6 : memref<80x128xf32, #tpu.memory_space<vmem>>) target(%dma_start3A_302 : memref<80x128xf32, #tpu.memory_space<vmem_shared>>) target_semaphore(%arg8 : memref<!tpu.dma_semaphore, #tpu.memory_space<semaphore_mem>>)
    } else {
    }
    %add3A_49 = arith.constant 80 : i32
    %add3A_50 = arith.addi %add3A_49, %arg1 : i32
    %lt3A_51 = arith.constant 125 : i32
    %lt3A_52 = arith.cmpi slt, %add3A_50, %lt3A_51 : i32
    %convert_element_type3A_53 = arith.extui %lt3A_52 : i1 to i32
    %cond3A_54 = arith.constant 0 : i32
    %cond3A_55 = arith.cmpi ne, %convert_element_type3A_53, %cond3A_54 : i32
    scf.if %cond3A_55 {
      %mul3A_297 = arith.constant 80 : i32
      %mul3A_298 = arith.muli %add3A_50, %mul3A_297 : i32
      %dma_start3A_299 = arith.constant 0 : i32
      %dma_start3A_300 = tpu.memref_slice %arg7[%mul3A_298, %dma_start3A_299] : memref<10000x128xf32, #tpu.memory_space<vmem_shared>> -> memref<80x128xf32, #tpu.memory_space<vmem_shared>>
      %dma_start3A_301 = arith.constant 0 : i32
      %dma_start3A_302 = tpu.memref_slice %arg7[%mul3A_298, %dma_start3A_301] : memref<10000x128xf32, #tpu.memory_space<vmem_shared>> -> memref<80x128xf32, #tpu.memory_space<vmem_shared>>
      tpu.enqueue_dma source(%arg6 : memref<80x128xf32, #tpu.memory_space<vmem>>) target(%dma_start3A_302 : memref<80x128xf32, #tpu.memory_space<vmem_shared>>) target_semaphore(%arg8 : memref<!tpu.dma_semaphore, #tpu.memory_space<semaphore_mem>>)
    } else {
    }
    %add3A_56 = arith.constant 96 : i32
    %add3A_57 = arith.addi %add3A_56, %arg1 : i32
    %lt3A_58 = arith.constant 125 : i32
    %lt3A_59 = arith.cmpi slt, %add3A_57, %lt3A_58 : i32
    %convert_element_type3A_60 = arith.extui %lt3A_59 : i1 to i32
    %cond3A_61 = arith.constant 0 : i32
    %cond3A_62 = arith.cmpi ne, %convert_element_type3A_60, %cond3A_61 : i32
    scf.if %cond3A_62 {
      %mul3A_297 = arith.constant 80 : i32
      %mul3A_298 = arith.muli %add3A_57, %mul3A_297 : i32
      %dma_start3A_299 = arith.constant 0 : i32
      %dma_start3A_300 = tpu.memref_slice %arg7[%mul3A_298, %dma_start3A_299] : memref<10000x128xf32, #tpu.memory_space<vmem_shared>> -> memref<80x128xf32, #tpu.memory_space<vmem_shared>>
      %dma_start3A_301 = arith.constant 0 : i32
      %dma_start3A_302 = tpu.memref_slice %arg7[%mul3A_298, %dma_start3A_301] : memref<10000x128xf32, #tpu.memory_space<vmem_shared>> -> memref<80x128xf32, #tpu.memory_space<vmem_shared>>
      tpu.enqueue_dma source(%arg6 : memref<80x128xf32, #tpu.memory_space<vmem>>) target(%dma_start3A_302 : memref<80x128xf32, #tpu.memory_space<vmem_shared>>) target_semaphore(%arg8 : memref<!tpu.dma_semaphore, #tpu.memory_space<semaphore_mem>>)
    } else {
    }
    %add3A_63 = arith.constant 112 : i32
    %add3A_64 = arith.addi %add3A_63, %arg1 : i32
    %lt3A_65 = arith.constant 125 : i32
    %lt3A_66 = arith.cmpi slt, %add3A_64, %lt3A_65 : i32
    %convert_element_type3A_67 = arith.extui %lt3A_66 : i1 to i32
    %cond3A_68 = arith.constant 0 : i32
    %cond3A_69 = arith.cmpi ne, %convert_element_type3A_67, %cond3A_68 : i32
    scf.if %cond3A_69 {
      %mul3A_297 = arith.constant 80 : i32
      %mul3A_298 = arith.muli %add3A_64, %mul3A_297 : i32
      %dma_start3A_299 = arith.constant 0 : i32
      %dma_start3A_300 = tpu.memref_slice %arg7[%mul3A_298, %dma_start3A_299] : memref<10000x128xf32, #tpu.memory_space<vmem_shared>> -> memref<80x128xf32, #tpu.memory_space<vmem_shared>>
      %dma_start3A_301 = arith.constant 0 : i32
      %dma_start3A_302 = tpu.memref_slice %arg7[%mul3A_298, %dma_start3A_301] : memref<10000x128xf32, #tpu.memory_space<vmem_shared>> -> memref<80x128xf32, #tpu.memory_space<vmem_shared>>
      tpu.enqueue_dma source(%arg6 : memref<80x128xf32, #tpu.memory_space<vmem>>) target(%dma_start3A_302 : memref<80x128xf32, #tpu.memory_space<vmem_shared>>) target_semaphore(%arg8 : memref<!tpu.dma_semaphore, #tpu.memory_space<semaphore_mem>>)
    } else {
    }
    %add3A_70 = arith.constant 0 : i32
    %add3A_71 = arith.addi %add3A_70, %arg1 : i32
    %lt3A_72 = arith.constant 125 : i32
    %lt3A_73 = arith.cmpi slt, %add3A_71, %lt3A_72 : i32
    %convert_element_type3A_74 = arith.extui %lt3A_73 : i1 to i32
    %cond3A_75 = arith.constant 0 : i32
    %cond3A_76 = arith.cmpi ne, %convert_element_type3A_74, %cond3A_75 : i32
    scf.if %cond3A_76 {
      %mul3A_297 = arith.constant 80 : i32
      %mul3A_298 = arith.muli %add3A_71, %mul3A_297 : i32
      %dma_wait3A_299 = arith.constant 0 : i32
      %dma_wait3A_300 = tpu.memref_slice %arg7[%mul3A_298, %dma_wait3A_299] : memref<10000x128xf32, #tpu.memory_space<vmem_shared>> -> memref<80x128xf32, #tpu.memory_space<vmem_shared>>
      %dma_wait3A_301 = arith.constant 0 : i32
      %dma_wait3A_302 = tpu.memref_slice %arg7[%mul3A_298, %dma_wait3A_301] : memref<10000x128xf32, #tpu.memory_space<vmem_shared>> -> memref<80x128xf32, #tpu.memory_space<vmem_shared>>
      tpu.wait_dma2 semaphore(%arg8 : memref<!tpu.dma_semaphore, #tpu.memory_space<semaphore_mem>>) src(%arg6 : memref<80x128xf32, #tpu.memory_space<vmem>>) dst(%dma_wait3A_302 : memref<80x128xf32, #tpu.memory_space<vmem_shared>>)
    } else {
    }
    %add3A_77 = arith.constant 16 : i32
    %add3A_78 = arith.addi %add3A_77, %arg1 : i32
    %lt3A_79 = arith.constant 125 : i32
    %lt3A_80 = arith.cmpi slt, %add3A_78, %lt3A_79 : i32
    %convert_element_type3A_81 = arith.extui %lt3A_80 : i1 to i32
    %cond3A_82 = arith.constant 0 : i32
    %cond3A_83 = arith.cmpi ne, %convert_element_type3A_81, %cond3A_82 : i32
    scf.if %cond3A_83 {
      %mul3A_297 = arith.constant 80 : i32
      %mul3A_298 = arith.muli %add3A_78, %mul3A_297 : i32
      %dma_wait3A_299 = arith.constant 0 : i32
      %dma_wait3A_300 = tpu.memref_slice %arg7[%mul3A_298, %dma_wait3A_299] : memref<10000x128xf32, #tpu.memory_space<vmem_shared>> -> memref<80x128xf32, #tpu.memory_space<vmem_shared>>
      %dma_wait3A_301 = arith.constant 0 : i32
      %dma_wait3A_302 = tpu.memref_slice %arg7[%mul3A_298, %dma_wait3A_301] : memref<10000x128xf32, #tpu.memory_space<vmem_shared>> -> memref<80x128xf32, #tpu.memory_space<vmem_shared>>
      tpu.wait_dma2 semaphore(%arg8 : memref<!tpu.dma_semaphore, #tpu.memory_space<semaphore_mem>>) src(%arg6 : memref<80x128xf32, #tpu.memory_space<vmem>>) dst(%dma_wait3A_302 : memref<80x128xf32, #tpu.memory_space<vmem_shared>>)
    } else {
    }
    %add3A_84 = arith.constant 32 : i32
    %add3A_85 = arith.addi %add3A_84, %arg1 : i32
    %lt3A_86 = arith.constant 125 : i32
    %lt3A_87 = arith.cmpi slt, %add3A_85, %lt3A_86 : i32
    %convert_element_type3A_88 = arith.extui %lt3A_87 : i1 to i32
    %cond3A_89 = arith.constant 0 : i32
    %cond3A_90 = arith.cmpi ne, %convert_element_type3A_88, %cond3A_89 : i32
    scf.if %cond3A_90 {
      %mul3A_297 = arith.constant 80 : i32
      %mul3A_298 = arith.muli %add3A_85, %mul3A_297 : i32
      %dma_wait3A_299 = arith.constant 0 : i32
      %dma_wait3A_300 = tpu.memref_slice %arg7[%mul3A_298, %dma_wait3A_299] : memref<10000x128xf32, #tpu.memory_space<vmem_shared>> -> memref<80x128xf32, #tpu.memory_space<vmem_shared>>
      %dma_wait3A_301 = arith.constant 0 : i32
      %dma_wait3A_302 = tpu.memref_slice %arg7[%mul3A_298, %dma_wait3A_301] : memref<10000x128xf32, #tpu.memory_space<vmem_shared>> -> memref<80x128xf32, #tpu.memory_space<vmem_shared>>
      tpu.wait_dma2 semaphore(%arg8 : memref<!tpu.dma_semaphore, #tpu.memory_space<semaphore_mem>>) src(%arg6 : memref<80x128xf32, #tpu.memory_space<vmem>>) dst(%dma_wait3A_302 : memref<80x128xf32, #tpu.memory_space<vmem_shared>>)
    } else {
    }
    %add3A_91 = arith.constant 48 : i32
    %add3A_92 = arith.addi %add3A_91, %arg1 : i32
    %lt3A_93 = arith.constant 125 : i32
    %lt3A_94 = arith.cmpi slt, %add3A_92, %lt3A_93 : i32
    %convert_element_type3A_95 = arith.extui %lt3A_94 : i1 to i32
    %cond3A_96 = arith.constant 0 : i32
    %cond3A_97 = arith.cmpi ne, %convert_element_type3A_95, %cond3A_96 : i32
    scf.if %cond3A_97 {
      %mul3A_297 = arith.constant 80 : i32
      %mul3A_298 = arith.muli %add3A_92, %mul3A_297 : i32
      %dma_wait3A_299 = arith.constant 0 : i32
      %dma_wait3A_300 = tpu.memref_slice %arg7[%mul3A_298, %dma_wait3A_299] : memref<10000x128xf32, #tpu.memory_space<vmem_shared>> -> memref<80x128xf32, #tpu.memory_space<vmem_shared>>
      %dma_wait3A_301 = arith.constant 0 : i32
      %dma_wait3A_302 = tpu.memref_slice %arg7[%mul3A_298, %dma_wait3A_301] : memref<10000x128xf32, #tpu.memory_space<vmem_shared>> -> memref<80x128xf32, #tpu.memory_space<vmem_shared>>
      tpu.wait_dma2 semaphore(%arg8 : memref<!tpu.dma_semaphore, #tpu.memory_space<semaphore_mem>>) src(%arg6 : memref<80x128xf32, #tpu.memory_space<vmem>>) dst(%dma_wait3A_302 : memref<80x128xf32, #tpu.memory_space<vmem_shared>>)
    } else {
    }
    %add3A_98 = arith.constant 64 : i32
    %add3A_99 = arith.addi %add3A_98, %arg1 : i32
    %lt3A_100 = arith.constant 125 : i32
    %lt3A_101 = arith.cmpi slt, %add3A_99, %lt3A_100 : i32
    %convert_element_type3A_102 = arith.extui %lt3A_101 : i1 to i32
    %cond3A_103 = arith.constant 0 : i32
    %cond3A_104 = arith.cmpi ne, %convert_element_type3A_102, %cond3A_103 : i32
    scf.if %cond3A_104 {
      %mul3A_297 = arith.constant 80 : i32
      %mul3A_298 = arith.muli %add3A_99, %mul3A_297 : i32
      %dma_wait3A_299 = arith.constant 0 : i32
      %dma_wait3A_300 = tpu.memref_slice %arg7[%mul3A_298, %dma_wait3A_299] : memref<10000x128xf32, #tpu.memory_space<vmem_shared>> -> memref<80x128xf32, #tpu.memory_space<vmem_shared>>
      %dma_wait3A_301 = arith.constant 0 : i32
      %dma_wait3A_302 = tpu.memref_slice %arg7[%mul3A_298, %dma_wait3A_301] : memref<10000x128xf32, #tpu.memory_space<vmem_shared>> -> memref<80x128xf32, #tpu.memory_space<vmem_shared>>
      tpu.wait_dma2 semaphore(%arg8 : memref<!tpu.dma_semaphore, #tpu.memory_space<semaphore_mem>>) src(%arg6 : memref<80x128xf32, #tpu.memory_space<vmem>>) dst(%dma_wait3A_302 : memref<80x128xf32, #tpu.memory_space<vmem_shared>>)
    } else {
    }
    %add3A_105 = arith.constant 80 : i32
    %add3A_106 = arith.addi %add3A_105, %arg1 : i32
    %lt3A_107 = arith.constant 125 : i32
    %lt3A_108 = arith.cmpi slt, %add3A_106, %lt3A_107 : i32
    %convert_element_type3A_109 = arith.extui %lt3A_108 : i1 to i32
    %cond3A_110 = arith.constant 0 : i32
    %cond3A_111 = arith.cmpi ne, %convert_element_type3A_109, %cond3A_110 : i32
    scf.if %cond3A_111 {
      %mul3A_297 = arith.constant 80 : i32
      %mul3A_298 = arith.muli %add3A_106, %mul3A_297 : i32
      %dma_wait3A_299 = arith.constant 0 : i32
      %dma_wait3A_300 = tpu.memref_slice %arg7[%mul3A_298, %dma_wait3A_299] : memref<10000x128xf32, #tpu.memory_space<vmem_shared>> -> memref<80x128xf32, #tpu.memory_space<vmem_shared>>
      %dma_wait3A_301 = arith.constant 0 : i32
      %dma_wait3A_302 = tpu.memref_slice %arg7[%mul3A_298, %dma_wait3A_301] : memref<10000x128xf32, #tpu.memory_space<vmem_shared>> -> memref<80x128xf32, #tpu.memory_space<vmem_shared>>
      tpu.wait_dma2 semaphore(%arg8 : memref<!tpu.dma_semaphore, #tpu.memory_space<semaphore_mem>>) src(%arg6 : memref<80x128xf32, #tpu.memory_space<vmem>>) dst(%dma_wait3A_302 : memref<80x128xf32, #tpu.memory_space<vmem_shared>>)
    } else {
    }
    %add3A_112 = arith.constant 96 : i32
    %add3A_113 = arith.addi %add3A_112, %arg1 : i32
    %lt3A_114 = arith.constant 125 : i32
    %lt3A_115 = arith.cmpi slt, %add3A_113, %lt3A_114 : i32
    %convert_element_type3A_116 = arith.extui %lt3A_115 : i1 to i32
    %cond3A_117 = arith.constant 0 : i32
    %cond3A_118 = arith.cmpi ne, %convert_element_type3A_116, %cond3A_117 : i32
    scf.if %cond3A_118 {
      %mul3A_297 = arith.constant 80 : i32
      %mul3A_298 = arith.muli %add3A_113, %mul3A_297 : i32
      %dma_wait3A_299 = arith.constant 0 : i32
      %dma_wait3A_300 = tpu.memref_slice %arg7[%mul3A_298, %dma_wait3A_299] : memref<10000x128xf32, #tpu.memory_space<vmem_shared>> -> memref<80x128xf32, #tpu.memory_space<vmem_shared>>
      %dma_wait3A_301 = arith.constant 0 : i32
      %dma_wait3A_302 = tpu.memref_slice %arg7[%mul3A_298, %dma_wait3A_301] : memref<10000x128xf32, #tpu.memory_space<vmem_shared>> -> memref<80x128xf32, #tpu.memory_space<vmem_shared>>
      tpu.wait_dma2 semaphore(%arg8 : memref<!tpu.dma_semaphore, #tpu.memory_space<semaphore_mem>>) src(%arg6 : memref<80x128xf32, #tpu.memory_space<vmem>>) dst(%dma_wait3A_302 : memref<80x128xf32, #tpu.memory_space<vmem_shared>>)
    } else {
    }
    %add3A_119 = arith.constant 112 : i32
    %add3A_120 = arith.addi %add3A_119, %arg1 : i32
    %lt3A_121 = arith.constant 125 : i32
    %lt3A_122 = arith.cmpi slt, %add3A_120, %lt3A_121 : i32
    %convert_element_type3A_123 = arith.extui %lt3A_122 : i1 to i32
    %cond3A_124 = arith.constant 0 : i32
    %cond3A_125 = arith.cmpi ne, %convert_element_type3A_123, %cond3A_124 : i32
    scf.if %cond3A_125 {
      %mul3A_297 = arith.constant 80 : i32
      %mul3A_298 = arith.muli %add3A_120, %mul3A_297 : i32
      %dma_wait3A_299 = arith.constant 0 : i32
      %dma_wait3A_300 = tpu.memref_slice %arg7[%mul3A_298, %dma_wait3A_299] : memref<10000x128xf32, #tpu.memory_space<vmem_shared>> -> memref<80x128xf32, #tpu.memory_space<vmem_shared>>
      %dma_wait3A_301 = arith.constant 0 : i32
      %dma_wait3A_302 = tpu.memref_slice %arg7[%mul3A_298, %dma_wait3A_301] : memref<10000x128xf32, #tpu.memory_space<vmem_shared>> -> memref<80x128xf32, #tpu.memory_space<vmem_shared>>
      tpu.wait_dma2 semaphore(%arg8 : memref<!tpu.dma_semaphore, #tpu.memory_space<semaphore_mem>>) src(%arg6 : memref<80x128xf32, #tpu.memory_space<vmem>>) dst(%dma_wait3A_302 : memref<80x128xf32, #tpu.memory_space<vmem_shared>>)
    } else {
    }
    %dma_wait3A = tpu.memref_slice %arg2[%mul3A_2] : memref<320000xi32, #tpu.memory_space<hbm>> -> memref<10000xi32, #tpu.memory_space<hbm>>
    %dma_wait3A_126 = tpu.memref_slice %arg2[%mul3A_2] : memref<320000xi32, #tpu.memory_space<hbm>> -> memref<10000xi32, #tpu.memory_space<hbm>>
    tpu.wait_dma2 semaphore(%arg9 : memref<!tpu.dma_semaphore, #tpu.memory_space<semaphore_mem>>) src(%dma_wait3A_126 : memref<10000xi32, #tpu.memory_space<hbm>>) dst(%arg4 : memref<10000xi32, #tpu.memory_space<vmem>>)
    %barrier3A = arith.constant 0 : index
    tpu.barrier barrier_id(%barrier3A)
    %scan3A_127 = arith.constant 0 : i32
    %scan3A_128 = arith.constant 0 : i32
    %scan3A_129 = arith.constant 15 : i32
    %scan3A_130 = arith.addi %scan3A_128, %scan3A_129 : i32
    %scan3A_131 = arith.constant 1 : i32
    %scan3A_132 = scf.for %scan3A_297 = %scan3A_128 to %scan3A_130 step %scan3A_131 iter_args(%scan3A_298 = %scan3A_127) -> (i32)  : i32 {
      %mul3A_299 = arith.constant 8 : i32
      %mul3A_300 = arith.muli %scan3A_297, %mul3A_299 : i32
      %add3A_301 = arith.constant 0 : i32
      %add3A_302 = arith.addi %mul3A_300, %add3A_301 : i32
      %mul3A_303 = arith.constant 80 : i32
      %mul3A_304 = arith.muli %add3A_302, %mul3A_303 : i32
      %dma_start3A_305 = tpu.memref_slice %arg4[%mul3A_304] : memref<10000xi32, #tpu.memory_space<vmem>> -> memref<80xi32, #tpu.memory_space<vmem>>
      %dma_start3A_306 = arith.constant 0 : i32
      %dma_start3A_307 = arith.constant 0 : i32
      %dma_start3A_308 = tpu.memref_slice %arg7[%dma_start3A_306, %dma_start3A_307] : memref<10000x128xf32, #tpu.memory_space<vmem_shared>> -> memref<10000x128xf32, #tpu.memory_space<vmem_shared>>
      tpu.enqueue_indirect_dma source(%arg5 : memref<80x128xf32, #tpu.memory_space<vmem>>) target(%dma_start3A_308 : memref<10000x128xf32, #tpu.memory_space<vmem_shared>>) offsets(%dma_start3A_305 : memref<80xi32, #tpu.memory_space<vmem>>) semaphore(%arg8 : memref<!tpu.dma_semaphore, #tpu.memory_space<semaphore_mem>>) {add = true}
      %mul3A_309 = arith.constant 8 : i32
      %mul3A_310 = arith.muli %scan3A_297, %mul3A_309 : i32
      %add3A_311 = arith.constant 1 : i32
      %add3A_312 = arith.addi %mul3A_310, %add3A_311 : i32
      %mul3A_313 = arith.constant 80 : i32
      %mul3A_314 = arith.muli %add3A_312, %mul3A_313 : i32
      %dma_start3A_315 = tpu.memref_slice %arg4[%mul3A_314] : memref<10000xi32, #tpu.memory_space<vmem>> -> memref<80xi32, #tpu.memory_space<vmem>>
      %dma_start3A_316 = arith.constant 0 : i32
      %dma_start3A_317 = arith.constant 0 : i32
      %dma_start3A_318 = tpu.memref_slice %arg7[%dma_start3A_316, %dma_start3A_317] : memref<10000x128xf32, #tpu.memory_space<vmem_shared>> -> memref<10000x128xf32, #tpu.memory_space<vmem_shared>>
      tpu.enqueue_indirect_dma source(%arg5 : memref<80x128xf32, #tpu.memory_space<vmem>>) target(%dma_start3A_318 : memref<10000x128xf32, #tpu.memory_space<vmem_shared>>) offsets(%dma_start3A_315 : memref<80xi32, #tpu.memory_space<vmem>>) semaphore(%arg8 : memref<!tpu.dma_semaphore, #tpu.memory_space<semaphore_mem>>) {add = true}
      %mul3A_319 = arith.constant 8 : i32
      %mul3A_320 = arith.muli %scan3A_297, %mul3A_319 : i32
      %add3A_321 = arith.constant 2 : i32
      %add3A_322 = arith.addi %mul3A_320, %add3A_321 : i32
      %mul3A_323 = arith.constant 80 : i32
      %mul3A_324 = arith.muli %add3A_322, %mul3A_323 : i32
      %dma_start3A_325 = tpu.memref_slice %arg4[%mul3A_324] : memref<10000xi32, #tpu.memory_space<vmem>> -> memref<80xi32, #tpu.memory_space<vmem>>
      %dma_start3A_326 = arith.constant 0 : i32
      %dma_start3A_327 = arith.constant 0 : i32
      %dma_start3A_328 = tpu.memref_slice %arg7[%dma_start3A_326, %dma_start3A_327] : memref<10000x128xf32, #tpu.memory_space<vmem_shared>> -> memref<10000x128xf32, #tpu.memory_space<vmem_shared>>
      tpu.enqueue_indirect_dma source(%arg5 : memref<80x128xf32, #tpu.memory_space<vmem>>) target(%dma_start3A_328 : memref<10000x128xf32, #tpu.memory_space<vmem_shared>>) offsets(%dma_start3A_325 : memref<80xi32, #tpu.memory_space<vmem>>) semaphore(%arg8 : memref<!tpu.dma_semaphore, #tpu.memory_space<semaphore_mem>>) {add = true}
      %mul3A_329 = arith.constant 8 : i32
      %mul3A_330 = arith.muli %scan3A_297, %mul3A_329 : i32
      %add3A_331 = arith.constant 3 : i32
      %add3A_332 = arith.addi %mul3A_330, %add3A_331 : i32
      %mul3A_333 = arith.constant 80 : i32
      %mul3A_334 = arith.muli %add3A_332, %mul3A_333 : i32
      %dma_start3A_335 = tpu.memref_slice %arg4[%mul3A_334] : memref<10000xi32, #tpu.memory_space<vmem>> -> memref<80xi32, #tpu.memory_space<vmem>>
      %dma_start3A_336 = arith.constant 0 : i32
      %dma_start3A_337 = arith.constant 0 : i32
      %dma_start3A_338 = tpu.memref_slice %arg7[%dma_start3A_336, %dma_start3A_337] : memref<10000x128xf32, #tpu.memory_space<vmem_shared>> -> memref<10000x128xf32, #tpu.memory_space<vmem_shared>>
      tpu.enqueue_indirect_dma source(%arg5 : memref<80x128xf32, #tpu.memory_space<vmem>>) target(%dma_start3A_338 : memref<10000x128xf32, #tpu.memory_space<vmem_shared>>) offsets(%dma_start3A_335 : memref<80xi32, #tpu.memory_space<vmem>>) semaphore(%arg8 : memref<!tpu.dma_semaphore, #tpu.memory_space<semaphore_mem>>) {add = true}
      %mul3A_339 = arith.constant 8 : i32
      %mul3A_340 = arith.muli %scan3A_297, %mul3A_339 : i32
      %add3A_341 = arith.constant 4 : i32
      %add3A_342 = arith.addi %mul3A_340, %add3A_341 : i32
      %mul3A_343 = arith.constant 80 : i32
      %mul3A_344 = arith.muli %add3A_342, %mul3A_343 : i32
      %dma_start3A_345 = tpu.memref_slice %arg4[%mul3A_344] : memref<10000xi32, #tpu.memory_space<vmem>> -> memref<80xi32, #tpu.memory_space<vmem>>
      %dma_start3A_346 = arith.constant 0 : i32
      %dma_start3A_347 = arith.constant 0 : i32
      %dma_start3A_348 = tpu.memref_slice %arg7[%dma_start3A_346, %dma_start3A_347] : memref<10000x128xf32, #tpu.memory_space<vmem_shared>> -> memref<10000x128xf32, #tpu.memory_space<vmem_shared>>
      tpu.enqueue_indirect_dma source(%arg5 : memref<80x128xf32, #tpu.memory_space<vmem>>) target(%dma_start3A_348 : memref<10000x128xf32, #tpu.memory_space<vmem_shared>>) offsets(%dma_start3A_345 : memref<80xi32, #tpu.memory_space<vmem>>) semaphore(%arg8 : memref<!tpu.dma_semaphore, #tpu.memory_space<semaphore_mem>>) {add = true}
      %mul3A_349 = arith.constant 8 : i32
      %mul3A_350 = arith.muli %scan3A_297, %mul3A_349 : i32
      %add3A_351 = arith.constant 5 : i32
      %add3A_352 = arith.addi %mul3A_350, %add3A_351 : i32
      %mul3A_353 = arith.constant 80 : i32
      %mul3A_354 = arith.muli %add3A_352, %mul3A_353 : i32
      %dma_start3A_355 = tpu.memref_slice %arg4[%mul3A_354] : memref<10000xi32, #tpu.memory_space<vmem>> -> memref<80xi32, #tpu.memory_space<vmem>>
      %dma_start3A_356 = arith.constant 0 : i32
      %dma_start3A_357 = arith.constant 0 : i32
      %dma_start3A_358 = tpu.memref_slice %arg7[%dma_start3A_356, %dma_start3A_357] : memref<10000x128xf32, #tpu.memory_space<vmem_shared>> -> memref<10000x128xf32, #tpu.memory_space<vmem_shared>>
      tpu.enqueue_indirect_dma source(%arg5 : memref<80x128xf32, #tpu.memory_space<vmem>>) target(%dma_start3A_358 : memref<10000x128xf32, #tpu.memory_space<vmem_shared>>) offsets(%dma_start3A_355 : memref<80xi32, #tpu.memory_space<vmem>>) semaphore(%arg8 : memref<!tpu.dma_semaphore, #tpu.memory_space<semaphore_mem>>) {add = true}
      %mul3A_359 = arith.constant 8 : i32
      %mul3A_360 = arith.muli %scan3A_297, %mul3A_359 : i32
      %add3A_361 = arith.constant 6 : i32
      %add3A_362 = arith.addi %mul3A_360, %add3A_361 : i32
      %mul3A_363 = arith.constant 80 : i32
      %mul3A_364 = arith.muli %add3A_362, %mul3A_363 : i32
      %dma_start3A_365 = tpu.memref_slice %arg4[%mul3A_364] : memref<10000xi32, #tpu.memory_space<vmem>> -> memref<80xi32, #tpu.memory_space<vmem>>
      %dma_start3A_366 = arith.constant 0 : i32
      %dma_start3A_367 = arith.constant 0 : i32
      %dma_start3A_368 = tpu.memref_slice %arg7[%dma_start3A_366, %dma_start3A_367] : memref<10000x128xf32, #tpu.memory_space<vmem_shared>> -> memref<10000x128xf32, #tpu.memory_space<vmem_shared>>
      tpu.enqueue_indirect_dma source(%arg5 : memref<80x128xf32, #tpu.memory_space<vmem>>) target(%dma_start3A_368 : memref<10000x128xf32, #tpu.memory_space<vmem_shared>>) offsets(%dma_start3A_365 : memref<80xi32, #tpu.memory_space<vmem>>) semaphore(%arg8 : memref<!tpu.dma_semaphore, #tpu.memory_space<semaphore_mem>>) {add = true}
      %mul3A_369 = arith.constant 8 : i32
      %mul3A_370 = arith.muli %scan3A_297, %mul3A_369 : i32
      %add3A_371 = arith.constant 7 : i32
      %add3A_372 = arith.addi %mul3A_370, %add3A_371 : i32
      %mul3A_373 = arith.constant 80 : i32
      %mul3A_374 = arith.muli %add3A_372, %mul3A_373 : i32
      %dma_start3A_375 = tpu.memref_slice %arg4[%mul3A_374] : memref<10000xi32, #tpu.memory_space<vmem>> -> memref<80xi32, #tpu.memory_space<vmem>>
      %dma_start3A_376 = arith.constant 0 : i32
      %dma_start3A_377 = arith.constant 0 : i32
      %dma_start3A_378 = tpu.memref_slice %arg7[%dma_start3A_376, %dma_start3A_377] : memref<10000x128xf32, #tpu.memory_space<vmem_shared>> -> memref<10000x128xf32, #tpu.memory_space<vmem_shared>>
      tpu.enqueue_indirect_dma source(%arg5 : memref<80x128xf32, #tpu.memory_space<vmem>>) target(%dma_start3A_378 : memref<10000x128xf32, #tpu.memory_space<vmem_shared>>) offsets(%dma_start3A_375 : memref<80xi32, #tpu.memory_space<vmem>>) semaphore(%arg8 : memref<!tpu.dma_semaphore, #tpu.memory_space<semaphore_mem>>) {add = true}
      %mul3A_379 = arith.constant 8 : i32
      %mul3A_380 = arith.muli %scan3A_297, %mul3A_379 : i32
      %add3A_381 = arith.constant 0 : i32
      %add3A_382 = arith.addi %mul3A_380, %add3A_381 : i32
      %mul3A_383 = arith.constant 80 : i32
      %mul3A_384 = arith.muli %add3A_382, %mul3A_383 : i32
      %dma_wait3A_385 = tpu.memref_slice %arg4[%mul3A_384] : memref<10000xi32, #tpu.memory_space<vmem>> -> memref<80xi32, #tpu.memory_space<vmem>>
      %dma_wait3A_386 = arith.constant 0 : i32
      %dma_wait3A_387 = arith.constant 0 : i32
      %dma_wait3A_388 = tpu.memref_slice %arg7[%dma_wait3A_386, %dma_wait3A_387] : memref<10000x128xf32, #tpu.memory_space<vmem_shared>> -> memref<10000x128xf32, #tpu.memory_space<vmem_shared>>
      tpu.wait_indirect_dma semaphore(%arg8 : memref<!tpu.dma_semaphore, #tpu.memory_space<semaphore_mem>>) src(%arg5 : memref<80x128xf32, #tpu.memory_space<vmem>>) dst(%dma_wait3A_388 : memref<10000x128xf32, #tpu.memory_space<vmem_shared>>)
      %mul3A_389 = arith.constant 8 : i32
      %mul3A_390 = arith.muli %scan3A_297, %mul3A_389 : i32
      %add3A_391 = arith.constant 1 : i32
      %add3A_392 = arith.addi %mul3A_390, %add3A_391 : i32
      %mul3A_393 = arith.constant 80 : i32
      %mul3A_394 = arith.muli %add3A_392, %mul3A_393 : i32
      %dma_wait3A_395 = tpu.memref_slice %arg4[%mul3A_394] : memref<10000xi32, #tpu.memory_space<vmem>> -> memref<80xi32, #tpu.memory_space<vmem>>
      %dma_wait3A_396 = arith.constant 0 : i32
      %dma_wait3A_397 = arith.constant 0 : i32
      %dma_wait3A_398 = tpu.memref_slice %arg7[%dma_wait3A_396, %dma_wait3A_397] : memref<10000x128xf32, #tpu.memory_space<vmem_shared>> -> memref<10000x128xf32, #tpu.memory_space<vmem_shared>>
      tpu.wait_indirect_dma semaphore(%arg8 : memref<!tpu.dma_semaphore, #tpu.memory_space<semaphore_mem>>) src(%arg5 : memref<80x128xf32, #tpu.memory_space<vmem>>) dst(%dma_wait3A_398 : memref<10000x128xf32, #tpu.memory_space<vmem_shared>>)
      %mul3A_399 = arith.constant 8 : i32
      %mul3A_400 = arith.muli %scan3A_297, %mul3A_399 : i32
      %add3A_401 = arith.constant 2 : i32
      %add3A_402 = arith.addi %mul3A_400, %add3A_401 : i32
      %mul3A_403 = arith.constant 80 : i32
      %mul3A_404 = arith.muli %add3A_402, %mul3A_403 : i32
      %dma_wait3A_405 = tpu.memref_slice %arg4[%mul3A_404] : memref<10000xi32, #tpu.memory_space<vmem>> -> memref<80xi32, #tpu.memory_space<vmem>>
      %dma_wait3A_406 = arith.constant 0 : i32
      %dma_wait3A_407 = arith.constant 0 : i32
      %dma_wait3A_408 = tpu.memref_slice %arg7[%dma_wait3A_406, %dma_wait3A_407] : memref<10000x128xf32, #tpu.memory_space<vmem_shared>> -> memref<10000x128xf32, #tpu.memory_space<vmem_shared>>
      tpu.wait_indirect_dma semaphore(%arg8 : memref<!tpu.dma_semaphore, #tpu.memory_space<semaphore_mem>>) src(%arg5 : memref<80x128xf32, #tpu.memory_space<vmem>>) dst(%dma_wait3A_408 : memref<10000x128xf32, #tpu.memory_space<vmem_shared>>)
      %mul3A_409 = arith.constant 8 : i32
      %mul3A_410 = arith.muli %scan3A_297, %mul3A_409 : i32
      %add3A_411 = arith.constant 3 : i32
      %add3A_412 = arith.addi %mul3A_410, %add3A_411 : i32
      %mul3A_413 = arith.constant 80 : i32
      %mul3A_414 = arith.muli %add3A_412, %mul3A_413 : i32
      %dma_wait3A_415 = tpu.memref_slice %arg4[%mul3A_414] : memref<10000xi32, #tpu.memory_space<vmem>> -> memref<80xi32, #tpu.memory_space<vmem>>
      %dma_wait3A_416 = arith.constant 0 : i32
      %dma_wait3A_417 = arith.constant 0 : i32
      %dma_wait3A_418 = tpu.memref_slice %arg7[%dma_wait3A_416, %dma_wait3A_417] : memref<10000x128xf32, #tpu.memory_space<vmem_shared>> -> memref<10000x128xf32, #tpu.memory_space<vmem_shared>>
      tpu.wait_indirect_dma semaphore(%arg8 : memref<!tpu.dma_semaphore, #tpu.memory_space<semaphore_mem>>) src(%arg5 : memref<80x128xf32, #tpu.memory_space<vmem>>) dst(%dma_wait3A_418 : memref<10000x128xf32, #tpu.memory_space<vmem_shared>>)
      %mul3A_419 = arith.constant 8 : i32
      %mul3A_420 = arith.muli %scan3A_297, %mul3A_419 : i32
      %add3A_421 = arith.constant 4 : i32
      %add3A_422 = arith.addi %mul3A_420, %add3A_421 : i32
      %mul3A_423 = arith.constant 80 : i32
      %mul3A_424 = arith.muli %add3A_422, %mul3A_423 : i32
      %dma_wait3A_425 = tpu.memref_slice %arg4[%mul3A_424] : memref<10000xi32, #tpu.memory_space<vmem>> -> memref<80xi32, #tpu.memory_space<vmem>>
      %dma_wait3A_426 = arith.constant 0 : i32
      %dma_wait3A_427 = arith.constant 0 : i32
      %dma_wait3A_428 = tpu.memref_slice %arg7[%dma_wait3A_426, %dma_wait3A_427] : memref<10000x128xf32, #tpu.memory_space<vmem_shared>> -> memref<10000x128xf32, #tpu.memory_space<vmem_shared>>
      tpu.wait_indirect_dma semaphore(%arg8 : memref<!tpu.dma_semaphore, #tpu.memory_space<semaphore_mem>>) src(%arg5 : memref<80x128xf32, #tpu.memory_space<vmem>>) dst(%dma_wait3A_428 : memref<10000x128xf32, #tpu.memory_space<vmem_shared>>)
      %mul3A_429 = arith.constant 8 : i32
      %mul3A_430 = arith.muli %scan3A_297, %mul3A_429 : i32
      %add3A_431 = arith.constant 5 : i32
      %add3A_432 = arith.addi %mul3A_430, %add3A_431 : i32
      %mul3A_433 = arith.constant 80 : i32
      %mul3A_434 = arith.muli %add3A_432, %mul3A_433 : i32
      %dma_wait3A_435 = tpu.memref_slice %arg4[%mul3A_434] : memref<10000xi32, #tpu.memory_space<vmem>> -> memref<80xi32, #tpu.memory_space<vmem>>
      %dma_wait3A_436 = arith.constant 0 : i32
      %dma_wait3A_437 = arith.constant 0 : i32
      %dma_wait3A_438 = tpu.memref_slice %arg7[%dma_wait3A_436, %dma_wait3A_437] : memref<10000x128xf32, #tpu.memory_space<vmem_shared>> -> memref<10000x128xf32, #tpu.memory_space<vmem_shared>>
      tpu.wait_indirect_dma semaphore(%arg8 : memref<!tpu.dma_semaphore, #tpu.memory_space<semaphore_mem>>) src(%arg5 : memref<80x128xf32, #tpu.memory_space<vmem>>) dst(%dma_wait3A_438 : memref<10000x128xf32, #tpu.memory_space<vmem_shared>>)
      %mul3A_439 = arith.constant 8 : i32
      %mul3A_440 = arith.muli %scan3A_297, %mul3A_439 : i32
      %add3A_441 = arith.constant 6 : i32
      %add3A_442 = arith.addi %mul3A_440, %add3A_441 : i32
      %mul3A_443 = arith.constant 80 : i32
      %mul3A_444 = arith.muli %add3A_442, %mul3A_443 : i32
      %dma_wait3A_445 = tpu.memref_slice %arg4[%mul3A_444] : memref<10000xi32, #tpu.memory_space<vmem>> -> memref<80xi32, #tpu.memory_space<vmem>>
      %dma_wait3A_446 = arith.constant 0 : i32
      %dma_wait3A_447 = arith.constant 0 : i32
      %dma_wait3A_448 = tpu.memref_slice %arg7[%dma_wait3A_446, %dma_wait3A_447] : memref<10000x128xf32, #tpu.memory_space<vmem_shared>> -> memref<10000x128xf32, #tpu.memory_space<vmem_shared>>
      tpu.wait_indirect_dma semaphore(%arg8 : memref<!tpu.dma_semaphore, #tpu.memory_space<semaphore_mem>>) src(%arg5 : memref<80x128xf32, #tpu.memory_space<vmem>>) dst(%dma_wait3A_448 : memref<10000x128xf32, #tpu.memory_space<vmem_shared>>)
      %mul3A_449 = arith.constant 8 : i32
      %mul3A_450 = arith.muli %scan3A_297, %mul3A_449 : i32
      %add3A_451 = arith.constant 7 : i32
      %add3A_452 = arith.addi %mul3A_450, %add3A_451 : i32
      %mul3A_453 = arith.constant 80 : i32
      %mul3A_454 = arith.muli %add3A_452, %mul3A_453 : i32
      %dma_wait3A_455 = tpu.memref_slice %arg4[%mul3A_454] : memref<10000xi32, #tpu.memory_space<vmem>> -> memref<80xi32, #tpu.memory_space<vmem>>
      %dma_wait3A_456 = arith.constant 0 : i32
      %dma_wait3A_457 = arith.constant 0 : i32
      %dma_wait3A_458 = tpu.memref_slice %arg7[%dma_wait3A_456, %dma_wait3A_457] : memref<10000x128xf32, #tpu.memory_space<vmem_shared>> -> memref<10000x128xf32, #tpu.memory_space<vmem_shared>>
      tpu.wait_indirect_dma semaphore(%arg8 : memref<!tpu.dma_semaphore, #tpu.memory_space<semaphore_mem>>) src(%arg5 : memref<80x128xf32, #tpu.memory_space<vmem>>) dst(%dma_wait3A_458 : memref<10000x128xf32, #tpu.memory_space<vmem_shared>>)
      %scan3A_459 = arith.constant 0 : i32
      scf.yield %scan3A_459 : i32
    }
    %scan3A_133 = arith.constant 15 : i32
    %dma_start3A_134 = arith.constant 9600 : i32
    %dma_start3A_135 = tpu.memref_slice %arg4[%dma_start3A_134] : memref<10000xi32, #tpu.memory_space<vmem>> -> memref<80xi32, #tpu.memory_space<vmem>>
    %dma_start3A_136 = arith.constant 0 : i32
    %dma_start3A_137 = arith.constant 0 : i32
    %dma_start3A_138 = tpu.memref_slice %arg7[%dma_start3A_136, %dma_start3A_137] : memref<10000x128xf32, #tpu.memory_space<vmem_shared>> -> memref<10000x128xf32, #tpu.memory_space<vmem_shared>>
    tpu.enqueue_indirect_dma source(%arg5 : memref<80x128xf32, #tpu.memory_space<vmem>>) target(%dma_start3A_138 : memref<10000x128xf32, #tpu.memory_space<vmem_shared>>) offsets(%dma_start3A_135 : memref<80xi32, #tpu.memory_space<vmem>>) semaphore(%arg8 : memref<!tpu.dma_semaphore, #tpu.memory_space<semaphore_mem>>) {add = true}
    %dma_start3A_139 = arith.constant 9680 : i32
    %dma_start3A_140 = tpu.memref_slice %arg4[%dma_start3A_139] : memref<10000xi32, #tpu.memory_space<vmem>> -> memref<80xi32, #tpu.memory_space<vmem>>
    %dma_start3A_141 = arith.constant 0 : i32
    %dma_start3A_142 = arith.constant 0 : i32
    %dma_start3A_143 = tpu.memref_slice %arg7[%dma_start3A_141, %dma_start3A_142] : memref<10000x128xf32, #tpu.memory_space<vmem_shared>> -> memref<10000x128xf32, #tpu.memory_space<vmem_shared>>
    tpu.enqueue_indirect_dma source(%arg5 : memref<80x128xf32, #tpu.memory_space<vmem>>) target(%dma_start3A_143 : memref<10000x128xf32, #tpu.memory_space<vmem_shared>>) offsets(%dma_start3A_140 : memref<80xi32, #tpu.memory_space<vmem>>) semaphore(%arg8 : memref<!tpu.dma_semaphore, #tpu.memory_space<semaphore_mem>>) {add = true}
    %dma_start3A_144 = arith.constant 9760 : i32
    %dma_start3A_145 = tpu.memref_slice %arg4[%dma_start3A_144] : memref<10000xi32, #tpu.memory_space<vmem>> -> memref<80xi32, #tpu.memory_space<vmem>>
    %dma_start3A_146 = arith.constant 0 : i32
    %dma_start3A_147 = arith.constant 0 : i32
    %dma_start3A_148 = tpu.memref_slice %arg7[%dma_start3A_146, %dma_start3A_147] : memref<10000x128xf32, #tpu.memory_space<vmem_shared>> -> memref<10000x128xf32, #tpu.memory_space<vmem_shared>>
    tpu.enqueue_indirect_dma source(%arg5 : memref<80x128xf32, #tpu.memory_space<vmem>>) target(%dma_start3A_148 : memref<10000x128xf32, #tpu.memory_space<vmem_shared>>) offsets(%dma_start3A_145 : memref<80xi32, #tpu.memory_space<vmem>>) semaphore(%arg8 : memref<!tpu.dma_semaphore, #tpu.memory_space<semaphore_mem>>) {add = true}
    %dma_start3A_149 = arith.constant 9840 : i32
    %dma_start3A_150 = tpu.memref_slice %arg4[%dma_start3A_149] : memref<10000xi32, #tpu.memory_space<vmem>> -> memref<80xi32, #tpu.memory_space<vmem>>
    %dma_start3A_151 = arith.constant 0 : i32
    %dma_start3A_152 = arith.constant 0 : i32
    %dma_start3A_153 = tpu.memref_slice %arg7[%dma_start3A_151, %dma_start3A_152] : memref<10000x128xf32, #tpu.memory_space<vmem_shared>> -> memref<10000x128xf32, #tpu.memory_space<vmem_shared>>
    tpu.enqueue_indirect_dma source(%arg5 : memref<80x128xf32, #tpu.memory_space<vmem>>) target(%dma_start3A_153 : memref<10000x128xf32, #tpu.memory_space<vmem_shared>>) offsets(%dma_start3A_150 : memref<80xi32, #tpu.memory_space<vmem>>) semaphore(%arg8 : memref<!tpu.dma_semaphore, #tpu.memory_space<semaphore_mem>>) {add = true}
    %dma_start3A_154 = arith.constant 9920 : i32
    %dma_start3A_155 = tpu.memref_slice %arg4[%dma_start3A_154] : memref<10000xi32, #tpu.memory_space<vmem>> -> memref<80xi32, #tpu.memory_space<vmem>>
    %dma_start3A_156 = arith.constant 0 : i32
    %dma_start3A_157 = arith.constant 0 : i32
    %dma_start3A_158 = tpu.memref_slice %arg7[%dma_start3A_156, %dma_start3A_157] : memref<10000x128xf32, #tpu.memory_space<vmem_shared>> -> memref<10000x128xf32, #tpu.memory_space<vmem_shared>>
    tpu.enqueue_indirect_dma source(%arg5 : memref<80x128xf32, #tpu.memory_space<vmem>>) target(%dma_start3A_158 : memref<10000x128xf32, #tpu.memory_space<vmem_shared>>) offsets(%dma_start3A_155 : memref<80xi32, #tpu.memory_space<vmem>>) semaphore(%arg8 : memref<!tpu.dma_semaphore, #tpu.memory_space<semaphore_mem>>) {add = true}
    %dma_wait3A_159 = arith.constant 9600 : i32
    %dma_wait3A_160 = tpu.memref_slice %arg4[%dma_wait3A_159] : memref<10000xi32, #tpu.memory_space<vmem>> -> memref<80xi32, #tpu.memory_space<vmem>>
    %dma_wait3A_161 = arith.constant 0 : i32
    %dma_wait3A_162 = arith.constant 0 : i32
    %dma_wait3A_163 = tpu.memref_slice %arg7[%dma_wait3A_161, %dma_wait3A_162] : memref<10000x128xf32, #tpu.memory_space<vmem_shared>> -> memref<10000x128xf32, #tpu.memory_space<vmem_shared>>
    tpu.wait_indirect_dma semaphore(%arg8 : memref<!tpu.dma_semaphore, #tpu.memory_space<semaphore_mem>>) src(%arg5 : memref<80x128xf32, #tpu.memory_space<vmem>>) dst(%dma_wait3A_163 : memref<10000x128xf32, #tpu.memory_space<vmem_shared>>)
    %dma_wait3A_164 = arith.constant 9680 : i32
    %dma_wait3A_165 = tpu.memref_slice %arg4[%dma_wait3A_164] : memref<10000xi32, #tpu.memory_space<vmem>> -> memref<80xi32, #tpu.memory_space<vmem>>
    %dma_wait3A_166 = arith.constant 0 : i32
    %dma_wait3A_167 = arith.constant 0 : i32
    %dma_wait3A_168 = tpu.memref_slice %arg7[%dma_wait3A_166, %dma_wait3A_167] : memref<10000x128xf32, #tpu.memory_space<vmem_shared>> -> memref<10000x128xf32, #tpu.memory_space<vmem_shared>>
    tpu.wait_indirect_dma semaphore(%arg8 : memref<!tpu.dma_semaphore, #tpu.memory_space<semaphore_mem>>) src(%arg5 : memref<80x128xf32, #tpu.memory_space<vmem>>) dst(%dma_wait3A_168 : memref<10000x128xf32, #tpu.memory_space<vmem_shared>>)
    %dma_wait3A_169 = arith.constant 9760 : i32
    %dma_wait3A_170 = tpu.memref_slice %arg4[%dma_wait3A_169] : memref<10000xi32, #tpu.memory_space<vmem>> -> memref<80xi32, #tpu.memory_space<vmem>>
    %dma_wait3A_171 = arith.constant 0 : i32
    %dma_wait3A_172 = arith.constant 0 : i32
    %dma_wait3A_173 = tpu.memref_slice %arg7[%dma_wait3A_171, %dma_wait3A_172] : memref<10000x128xf32, #tpu.memory_space<vmem_shared>> -> memref<10000x128xf32, #tpu.memory_space<vmem_shared>>
    tpu.wait_indirect_dma semaphore(%arg8 : memref<!tpu.dma_semaphore, #tpu.memory_space<semaphore_mem>>) src(%arg5 : memref<80x128xf32, #tpu.memory_space<vmem>>) dst(%dma_wait3A_173 : memref<10000x128xf32, #tpu.memory_space<vmem_shared>>)
    %dma_wait3A_174 = arith.constant 9840 : i32
    %dma_wait3A_175 = tpu.memref_slice %arg4[%dma_wait3A_174] : memref<10000xi32, #tpu.memory_space<vmem>> -> memref<80xi32, #tpu.memory_space<vmem>>
    %dma_wait3A_176 = arith.constant 0 : i32
    %dma_wait3A_177 = arith.constant 0 : i32
    %dma_wait3A_178 = tpu.memref_slice %arg7[%dma_wait3A_176, %dma_wait3A_177] : memref<10000x128xf32, #tpu.memory_space<vmem_shared>> -> memref<10000x128xf32, #tpu.memory_space<vmem_shared>>
    tpu.wait_indirect_dma semaphore(%arg8 : memref<!tpu.dma_semaphore, #tpu.memory_space<semaphore_mem>>) src(%arg5 : memref<80x128xf32, #tpu.memory_space<vmem>>) dst(%dma_wait3A_178 : memref<10000x128xf32, #tpu.memory_space<vmem_shared>>)
    %dma_wait3A_179 = arith.constant 9920 : i32
    %dma_wait3A_180 = tpu.memref_slice %arg4[%dma_wait3A_179] : memref<10000xi32, #tpu.memory_space<vmem>> -> memref<80xi32, #tpu.memory_space<vmem>>
    %dma_wait3A_181 = arith.constant 0 : i32
    %dma_wait3A_182 = arith.constant 0 : i32
    %dma_wait3A_183 = tpu.memref_slice %arg7[%dma_wait3A_181, %dma_wait3A_182] : memref<10000x128xf32, #tpu.memory_space<vmem_shared>> -> memref<10000x128xf32, #tpu.memory_space<vmem_shared>>
    tpu.wait_indirect_dma semaphore(%arg8 : memref<!tpu.dma_semaphore, #tpu.memory_space<semaphore_mem>>) src(%arg5 : memref<80x128xf32, #tpu.memory_space<vmem>>) dst(%dma_wait3A_183 : memref<10000x128xf32, #tpu.memory_space<vmem_shared>>)
    %barrier3A_184 = arith.constant 0 : index
    tpu.barrier barrier_id(%barrier3A_184)
    %add3A_185 = arith.constant 0 : i32
    %add3A_186 = arith.addi %add3A_185, %arg1 : i32
    %lt3A_187 = arith.constant 125 : i32
    %lt3A_188 = arith.cmpi slt, %add3A_186, %lt3A_187 : i32
    %convert_element_type3A_189 = arith.extui %lt3A_188 : i1 to i32
    %cond3A_190 = arith.constant 0 : i32
    %cond3A_191 = arith.cmpi ne, %convert_element_type3A_189, %cond3A_190 : i32
    scf.if %cond3A_191 {
      %mul3A_297 = arith.constant 80 : i32
      %mul3A_298 = arith.muli %add3A_186, %mul3A_297 : i32
      %dma_start3A_299 = arith.constant 0 : i32
      %dma_start3A_300 = tpu.memref_slice %arg3[%arg0, %mul3A_298, %dma_start3A_299] : memref<2x10000x128xf32, #tpu.memory_space<hbm>> -> memref<1x80x128xf32, #tpu.memory_space<hbm>>
      %dma_start3A_301 = tpu.memref_squeeze %dma_start3A_300 : memref<1x80x128xf32, #tpu.memory_space<hbm>> -> memref<80x128xf32, #tpu.memory_space<hbm>>
      %dma_start3A_302 = arith.constant 0 : i32
      %dma_start3A_303 = tpu.memref_slice %arg7[%mul3A_298, %dma_start3A_302] : memref<10000x128xf32, #tpu.memory_space<vmem_shared>> -> memref<80x128xf32, #tpu.memory_space<vmem_shared>>
      tpu.enqueue_dma source(%dma_start3A_303 : memref<80x128xf32, #tpu.memory_space<vmem_shared>>) target(%dma_start3A_301 : memref<80x128xf32, #tpu.memory_space<hbm>>) target_semaphore(%arg8 : memref<!tpu.dma_semaphore, #tpu.memory_space<semaphore_mem>>)
    } else {
    }
    %add3A_192 = arith.constant 16 : i32
    %add3A_193 = arith.addi %add3A_192, %arg1 : i32
    %lt3A_194 = arith.constant 125 : i32
    %lt3A_195 = arith.cmpi slt, %add3A_193, %lt3A_194 : i32
    %convert_element_type3A_196 = arith.extui %lt3A_195 : i1 to i32
    %cond3A_197 = arith.constant 0 : i32
    %cond3A_198 = arith.cmpi ne, %convert_element_type3A_196, %cond3A_197 : i32
    scf.if %cond3A_198 {
      %mul3A_297 = arith.constant 80 : i32
      %mul3A_298 = arith.muli %add3A_193, %mul3A_297 : i32
      %dma_start3A_299 = arith.constant 0 : i32
      %dma_start3A_300 = tpu.memref_slice %arg3[%arg0, %mul3A_298, %dma_start3A_299] : memref<2x10000x128xf32, #tpu.memory_space<hbm>> -> memref<1x80x128xf32, #tpu.memory_space<hbm>>
      %dma_start3A_301 = tpu.memref_squeeze %dma_start3A_300 : memref<1x80x128xf32, #tpu.memory_space<hbm>> -> memref<80x128xf32, #tpu.memory_space<hbm>>
      %dma_start3A_302 = arith.constant 0 : i32
      %dma_start3A_303 = tpu.memref_slice %arg7[%mul3A_298, %dma_start3A_302] : memref<10000x128xf32, #tpu.memory_space<vmem_shared>> -> memref<80x128xf32, #tpu.memory_space<vmem_shared>>
      tpu.enqueue_dma source(%dma_start3A_303 : memref<80x128xf32, #tpu.memory_space<vmem_shared>>) target(%dma_start3A_301 : memref<80x128xf32, #tpu.memory_space<hbm>>) target_semaphore(%arg8 : memref<!tpu.dma_semaphore, #tpu.memory_space<semaphore_mem>>)
    } else {
    }
    %add3A_199 = arith.constant 32 : i32
    %add3A_200 = arith.addi %add3A_199, %arg1 : i32
    %lt3A_201 = arith.constant 125 : i32
    %lt3A_202 = arith.cmpi slt, %add3A_200, %lt3A_201 : i32
    %convert_element_type3A_203 = arith.extui %lt3A_202 : i1 to i32
    %cond3A_204 = arith.constant 0 : i32
    %cond3A_205 = arith.cmpi ne, %convert_element_type3A_203, %cond3A_204 : i32
    scf.if %cond3A_205 {
      %mul3A_297 = arith.constant 80 : i32
      %mul3A_298 = arith.muli %add3A_200, %mul3A_297 : i32
      %dma_start3A_299 = arith.constant 0 : i32
      %dma_start3A_300 = tpu.memref_slice %arg3[%arg0, %mul3A_298, %dma_start3A_299] : memref<2x10000x128xf32, #tpu.memory_space<hbm>> -> memref<1x80x128xf32, #tpu.memory_space<hbm>>
      %dma_start3A_301 = tpu.memref_squeeze %dma_start3A_300 : memref<1x80x128xf32, #tpu.memory_space<hbm>> -> memref<80x128xf32, #tpu.memory_space<hbm>>
      %dma_start3A_302 = arith.constant 0 : i32
      %dma_start3A_303 = tpu.memref_slice %arg7[%mul3A_298, %dma_start3A_302] : memref<10000x128xf32, #tpu.memory_space<vmem_shared>> -> memref<80x128xf32, #tpu.memory_space<vmem_shared>>
      tpu.enqueue_dma source(%dma_start3A_303 : memref<80x128xf32, #tpu.memory_space<vmem_shared>>) target(%dma_start3A_301 : memref<80x128xf32, #tpu.memory_space<hbm>>) target_semaphore(%arg8 : memref<!tpu.dma_semaphore, #tpu.memory_space<semaphore_mem>>)
    } else {
    }
    %add3A_206 = arith.constant 48 : i32
    %add3A_207 = arith.addi %add3A_206, %arg1 : i32
    %lt3A_208 = arith.constant 125 : i32
    %lt3A_209 = arith.cmpi slt, %add3A_207, %lt3A_208 : i32
    %convert_element_type3A_210 = arith.extui %lt3A_209 : i1 to i32
    %cond3A_211 = arith.constant 0 : i32
    %cond3A_212 = arith.cmpi ne, %convert_element_type3A_210, %cond3A_211 : i32
    scf.if %cond3A_212 {
      %mul3A_297 = arith.constant 80 : i32
      %mul3A_298 = arith.muli %add3A_207, %mul3A_297 : i32
      %dma_start3A_299 = arith.constant 0 : i32
      %dma_start3A_300 = tpu.memref_slice %arg3[%arg0, %mul3A_298, %dma_start3A_299] : memref<2x10000x128xf32, #tpu.memory_space<hbm>> -> memref<1x80x128xf32, #tpu.memory_space<hbm>>
      %dma_start3A_301 = tpu.memref_squeeze %dma_start3A_300 : memref<1x80x128xf32, #tpu.memory_space<hbm>> -> memref<80x128xf32, #tpu.memory_space<hbm>>
      %dma_start3A_302 = arith.constant 0 : i32
      %dma_start3A_303 = tpu.memref_slice %arg7[%mul3A_298, %dma_start3A_302] : memref<10000x128xf32, #tpu.memory_space<vmem_shared>> -> memref<80x128xf32, #tpu.memory_space<vmem_shared>>
      tpu.enqueue_dma source(%dma_start3A_303 : memref<80x128xf32, #tpu.memory_space<vmem_shared>>) target(%dma_start3A_301 : memref<80x128xf32, #tpu.memory_space<hbm>>) target_semaphore(%arg8 : memref<!tpu.dma_semaphore, #tpu.memory_space<semaphore_mem>>)
    } else {
    }
    %add3A_213 = arith.constant 64 : i32
    %add3A_214 = arith.addi %add3A_213, %arg1 : i32
    %lt3A_215 = arith.constant 125 : i32
    %lt3A_216 = arith.cmpi slt, %add3A_214, %lt3A_215 : i32
    %convert_element_type3A_217 = arith.extui %lt3A_216 : i1 to i32
    %cond3A_218 = arith.constant 0 : i32
    %cond3A_219 = arith.cmpi ne, %convert_element_type3A_217, %cond3A_218 : i32
    scf.if %cond3A_219 {
      %mul3A_297 = arith.constant 80 : i32
      %mul3A_298 = arith.muli %add3A_214, %mul3A_297 : i32
      %dma_start3A_299 = arith.constant 0 : i32
      %dma_start3A_300 = tpu.memref_slice %arg3[%arg0, %mul3A_298, %dma_start3A_299] : memref<2x10000x128xf32, #tpu.memory_space<hbm>> -> memref<1x80x128xf32, #tpu.memory_space<hbm>>
      %dma_start3A_301 = tpu.memref_squeeze %dma_start3A_300 : memref<1x80x128xf32, #tpu.memory_space<hbm>> -> memref<80x128xf32, #tpu.memory_space<hbm>>
      %dma_start3A_302 = arith.constant 0 : i32
      %dma_start3A_303 = tpu.memref_slice %arg7[%mul3A_298, %dma_start3A_302] : memref<10000x128xf32, #tpu.memory_space<vmem_shared>> -> memref<80x128xf32, #tpu.memory_space<vmem_shared>>
      tpu.enqueue_dma source(%dma_start3A_303 : memref<80x128xf32, #tpu.memory_space<vmem_shared>>) target(%dma_start3A_301 : memref<80x128xf32, #tpu.memory_space<hbm>>) target_semaphore(%arg8 : memref<!tpu.dma_semaphore, #tpu.memory_space<semaphore_mem>>)
    } else {
    }
    %add3A_220 = arith.constant 80 : i32
    %add3A_221 = arith.addi %add3A_220, %arg1 : i32
    %lt3A_222 = arith.constant 125 : i32
    %lt3A_223 = arith.cmpi slt, %add3A_221, %lt3A_222 : i32
    %convert_element_type3A_224 = arith.extui %lt3A_223 : i1 to i32
    %cond3A_225 = arith.constant 0 : i32
    %cond3A_226 = arith.cmpi ne, %convert_element_type3A_224, %cond3A_225 : i32
    scf.if %cond3A_226 {
      %mul3A_297 = arith.constant 80 : i32
      %mul3A_298 = arith.muli %add3A_221, %mul3A_297 : i32
      %dma_start3A_299 = arith.constant 0 : i32
      %dma_start3A_300 = tpu.memref_slice %arg3[%arg0, %mul3A_298, %dma_start3A_299] : memref<2x10000x128xf32, #tpu.memory_space<hbm>> -> memref<1x80x128xf32, #tpu.memory_space<hbm>>
      %dma_start3A_301 = tpu.memref_squeeze %dma_start3A_300 : memref<1x80x128xf32, #tpu.memory_space<hbm>> -> memref<80x128xf32, #tpu.memory_space<hbm>>
      %dma_start3A_302 = arith.constant 0 : i32
      %dma_start3A_303 = tpu.memref_slice %arg7[%mul3A_298, %dma_start3A_302] : memref<10000x128xf32, #tpu.memory_space<vmem_shared>> -> memref<80x128xf32, #tpu.memory_space<vmem_shared>>
      tpu.enqueue_dma source(%dma_start3A_303 : memref<80x128xf32, #tpu.memory_space<vmem_shared>>) target(%dma_start3A_301 : memref<80x128xf32, #tpu.memory_space<hbm>>) target_semaphore(%arg8 : memref<!tpu.dma_semaphore, #tpu.memory_space<semaphore_mem>>)
    } else {
    }
    %add3A_227 = arith.constant 96 : i32
    %add3A_228 = arith.addi %add3A_227, %arg1 : i32
    %lt3A_229 = arith.constant 125 : i32
    %lt3A_230 = arith.cmpi slt, %add3A_228, %lt3A_229 : i32
    %convert_element_type3A_231 = arith.extui %lt3A_230 : i1 to i32
    %cond3A_232 = arith.constant 0 : i32
    %cond3A_233 = arith.cmpi ne, %convert_element_type3A_231, %cond3A_232 : i32
    scf.if %cond3A_233 {
      %mul3A_297 = arith.constant 80 : i32
      %mul3A_298 = arith.muli %add3A_228, %mul3A_297 : i32
      %dma_start3A_299 = arith.constant 0 : i32
      %dma_start3A_300 = tpu.memref_slice %arg3[%arg0, %mul3A_298, %dma_start3A_299] : memref<2x10000x128xf32, #tpu.memory_space<hbm>> -> memref<1x80x128xf32, #tpu.memory_space<hbm>>
      %dma_start3A_301 = tpu.memref_squeeze %dma_start3A_300 : memref<1x80x128xf32, #tpu.memory_space<hbm>> -> memref<80x128xf32, #tpu.memory_space<hbm>>
      %dma_start3A_302 = arith.constant 0 : i32
      %dma_start3A_303 = tpu.memref_slice %arg7[%mul3A_298, %dma_start3A_302] : memref<10000x128xf32, #tpu.memory_space<vmem_shared>> -> memref<80x128xf32, #tpu.memory_space<vmem_shared>>
      tpu.enqueue_dma source(%dma_start3A_303 : memref<80x128xf32, #tpu.memory_space<vmem_shared>>) target(%dma_start3A_301 : memref<80x128xf32, #tpu.memory_space<hbm>>) target_semaphore(%arg8 : memref<!tpu.dma_semaphore, #tpu.memory_space<semaphore_mem>>)
    } else {
    }
    %add3A_234 = arith.constant 112 : i32
    %add3A_235 = arith.addi %add3A_234, %arg1 : i32
    %lt3A_236 = arith.constant 125 : i32
    %lt3A_237 = arith.cmpi slt, %add3A_235, %lt3A_236 : i32
    %convert_element_type3A_238 = arith.extui %lt3A_237 : i1 to i32
    %cond3A_239 = arith.constant 0 : i32
    %cond3A_240 = arith.cmpi ne, %convert_element_type3A_238, %cond3A_239 : i32
    scf.if %cond3A_240 {
      %mul3A_297 = arith.constant 80 : i32
      %mul3A_298 = arith.muli %add3A_235, %mul3A_297 : i32
      %dma_start3A_299 = arith.constant 0 : i32
      %dma_start3A_300 = tpu.memref_slice %arg3[%arg0, %mul3A_298, %dma_start3A_299] : memref<2x10000x128xf32, #tpu.memory_space<hbm>> -> memref<1x80x128xf32, #tpu.memory_space<hbm>>
      %dma_start3A_301 = tpu.memref_squeeze %dma_start3A_300 : memref<1x80x128xf32, #tpu.memory_space<hbm>> -> memref<80x128xf32, #tpu.memory_space<hbm>>
      %dma_start3A_302 = arith.constant 0 : i32
      %dma_start3A_303 = tpu.memref_slice %arg7[%mul3A_298, %dma_start3A_302] : memref<10000x128xf32, #tpu.memory_space<vmem_shared>> -> memref<80x128xf32, #tpu.memory_space<vmem_shared>>
      tpu.enqueue_dma source(%dma_start3A_303 : memref<80x128xf32, #tpu.memory_space<vmem_shared>>) target(%dma_start3A_301 : memref<80x128xf32, #tpu.memory_space<hbm>>) target_semaphore(%arg8 : memref<!tpu.dma_semaphore, #tpu.memory_space<semaphore_mem>>)
    } else {
    }
    %add3A_241 = arith.constant 0 : i32
    %add3A_242 = arith.addi %add3A_241, %arg1 : i32
    %lt3A_243 = arith.constant 125 : i32
    %lt3A_244 = arith.cmpi slt, %add3A_242, %lt3A_243 : i32
    %convert_element_type3A_245 = arith.extui %lt3A_244 : i1 to i32
    %cond3A_246 = arith.constant 0 : i32
    %cond3A_247 = arith.cmpi ne, %convert_element_type3A_245, %cond3A_246 : i32
    scf.if %cond3A_247 {
      %mul3A_297 = arith.constant 80 : i32
      %mul3A_298 = arith.muli %add3A_242, %mul3A_297 : i32
      %dma_wait3A_299 = arith.constant 0 : i32
      %dma_wait3A_300 = tpu.memref_slice %arg3[%arg0, %mul3A_298, %dma_wait3A_299] : memref<2x10000x128xf32, #tpu.memory_space<hbm>> -> memref<1x80x128xf32, #tpu.memory_space<hbm>>
      %dma_wait3A_301 = tpu.memref_squeeze %dma_wait3A_300 : memref<1x80x128xf32, #tpu.memory_space<hbm>> -> memref<80x128xf32, #tpu.memory_space<hbm>>
      %dma_wait3A_302 = arith.constant 0 : i32
      %dma_wait3A_303 = tpu.memref_slice %arg7[%mul3A_298, %dma_wait3A_302] : memref<10000x128xf32, #tpu.memory_space<vmem_shared>> -> memref<80x128xf32, #tpu.memory_space<vmem_shared>>
      tpu.wait_dma2 semaphore(%arg8 : memref<!tpu.dma_semaphore, #tpu.memory_space<semaphore_mem>>) src(%dma_wait3A_303 : memref<80x128xf32, #tpu.memory_space<vmem_shared>>) dst(%dma_wait3A_301 : memref<80x128xf32, #tpu.memory_space<hbm>>)
    } else {
    }
    %add3A_248 = arith.constant 16 : i32
    %add3A_249 = arith.addi %add3A_248, %arg1 : i32
    %lt3A_250 = arith.constant 125 : i32
    %lt3A_251 = arith.cmpi slt, %add3A_249, %lt3A_250 : i32
    %convert_element_type3A_252 = arith.extui %lt3A_251 : i1 to i32
    %cond3A_253 = arith.constant 0 : i32
    %cond3A_254 = arith.cmpi ne, %convert_element_type3A_252, %cond3A_253 : i32
    scf.if %cond3A_254 {
      %mul3A_297 = arith.constant 80 : i32
      %mul3A_298 = arith.muli %add3A_249, %mul3A_297 : i32
      %dma_wait3A_299 = arith.constant 0 : i32
      %dma_wait3A_300 = tpu.memref_slice %arg3[%arg0, %mul3A_298, %dma_wait3A_299] : memref<2x10000x128xf32, #tpu.memory_space<hbm>> -> memref<1x80x128xf32, #tpu.memory_space<hbm>>
      %dma_wait3A_301 = tpu.memref_squeeze %dma_wait3A_300 : memref<1x80x128xf32, #tpu.memory_space<hbm>> -> memref<80x128xf32, #tpu.memory_space<hbm>>
      %dma_wait3A_302 = arith.constant 0 : i32
      %dma_wait3A_303 = tpu.memref_slice %arg7[%mul3A_298, %dma_wait3A_302] : memref<10000x128xf32, #tpu.memory_space<vmem_shared>> -> memref<80x128xf32, #tpu.memory_space<vmem_shared>>
      tpu.wait_dma2 semaphore(%arg8 : memref<!tpu.dma_semaphore, #tpu.memory_space<semaphore_mem>>) src(%dma_wait3A_303 : memref<80x128xf32, #tpu.memory_space<vmem_shared>>) dst(%dma_wait3A_301 : memref<80x128xf32, #tpu.memory_space<hbm>>)
    } else {
    }
    %add3A_255 = arith.constant 32 : i32
    %add3A_256 = arith.addi %add3A_255, %arg1 : i32
    %lt3A_257 = arith.constant 125 : i32
    %lt3A_258 = arith.cmpi slt, %add3A_256, %lt3A_257 : i32
    %convert_element_type3A_259 = arith.extui %lt3A_258 : i1 to i32
    %cond3A_260 = arith.constant 0 : i32
    %cond3A_261 = arith.cmpi ne, %convert_element_type3A_259, %cond3A_260 : i32
    scf.if %cond3A_261 {
      %mul3A_297 = arith.constant 80 : i32
      %mul3A_298 = arith.muli %add3A_256, %mul3A_297 : i32
      %dma_wait3A_299 = arith.constant 0 : i32
      %dma_wait3A_300 = tpu.memref_slice %arg3[%arg0, %mul3A_298, %dma_wait3A_299] : memref<2x10000x128xf32, #tpu.memory_space<hbm>> -> memref<1x80x128xf32, #tpu.memory_space<hbm>>
      %dma_wait3A_301 = tpu.memref_squeeze %dma_wait3A_300 : memref<1x80x128xf32, #tpu.memory_space<hbm>> -> memref<80x128xf32, #tpu.memory_space<hbm>>
      %dma_wait3A_302 = arith.constant 0 : i32
      %dma_wait3A_303 = tpu.memref_slice %arg7[%mul3A_298, %dma_wait3A_302] : memref<10000x128xf32, #tpu.memory_space<vmem_shared>> -> memref<80x128xf32, #tpu.memory_space<vmem_shared>>
      tpu.wait_dma2 semaphore(%arg8 : memref<!tpu.dma_semaphore, #tpu.memory_space<semaphore_mem>>) src(%dma_wait3A_303 : memref<80x128xf32, #tpu.memory_space<vmem_shared>>) dst(%dma_wait3A_301 : memref<80x128xf32, #tpu.memory_space<hbm>>)
    } else {
    }
    %add3A_262 = arith.constant 48 : i32
    %add3A_263 = arith.addi %add3A_262, %arg1 : i32
    %lt3A_264 = arith.constant 125 : i32
    %lt3A_265 = arith.cmpi slt, %add3A_263, %lt3A_264 : i32
    %convert_element_type3A_266 = arith.extui %lt3A_265 : i1 to i32
    %cond3A_267 = arith.constant 0 : i32
    %cond3A_268 = arith.cmpi ne, %convert_element_type3A_266, %cond3A_267 : i32
    scf.if %cond3A_268 {
      %mul3A_297 = arith.constant 80 : i32
      %mul3A_298 = arith.muli %add3A_263, %mul3A_297 : i32
      %dma_wait3A_299 = arith.constant 0 : i32
      %dma_wait3A_300 = tpu.memref_slice %arg3[%arg0, %mul3A_298, %dma_wait3A_299] : memref<2x10000x128xf32, #tpu.memory_space<hbm>> -> memref<1x80x128xf32, #tpu.memory_space<hbm>>
      %dma_wait3A_301 = tpu.memref_squeeze %dma_wait3A_300 : memref<1x80x128xf32, #tpu.memory_space<hbm>> -> memref<80x128xf32, #tpu.memory_space<hbm>>
      %dma_wait3A_302 = arith.constant 0 : i32
      %dma_wait3A_303 = tpu.memref_slice %arg7[%mul3A_298, %dma_wait3A_302] : memref<10000x128xf32, #tpu.memory_space<vmem_shared>> -> memref<80x128xf32, #tpu.memory_space<vmem_shared>>
      tpu.wait_dma2 semaphore(%arg8 : memref<!tpu.dma_semaphore, #tpu.memory_space<semaphore_mem>>) src(%dma_wait3A_303 : memref<80x128xf32, #tpu.memory_space<vmem_shared>>) dst(%dma_wait3A_301 : memref<80x128xf32, #tpu.memory_space<hbm>>)
    } else {
    }
    %add3A_269 = arith.constant 64 : i32
    %add3A_270 = arith.addi %add3A_269, %arg1 : i32
    %lt3A_271 = arith.constant 125 : i32
    %lt3A_272 = arith.cmpi slt, %add3A_270, %lt3A_271 : i32
    %convert_element_type3A_273 = arith.extui %lt3A_272 : i1 to i32
    %cond3A_274 = arith.constant 0 : i32
    %cond3A_275 = arith.cmpi ne, %convert_element_type3A_273, %cond3A_274 : i32
    scf.if %cond3A_275 {
      %mul3A_297 = arith.constant 80 : i32
      %mul3A_298 = arith.muli %add3A_270, %mul3A_297 : i32
      %dma_wait3A_299 = arith.constant 0 : i32
      %dma_wait3A_300 = tpu.memref_slice %arg3[%arg0, %mul3A_298, %dma_wait3A_299] : memref<2x10000x128xf32, #tpu.memory_space<hbm>> -> memref<1x80x128xf32, #tpu.memory_space<hbm>>
      %dma_wait3A_301 = tpu.memref_squeeze %dma_wait3A_300 : memref<1x80x128xf32, #tpu.memory_space<hbm>> -> memref<80x128xf32, #tpu.memory_space<hbm>>
      %dma_wait3A_302 = arith.constant 0 : i32
      %dma_wait3A_303 = tpu.memref_slice %arg7[%mul3A_298, %dma_wait3A_302] : memref<10000x128xf32, #tpu.memory_space<vmem_shared>> -> memref<80x128xf32, #tpu.memory_space<vmem_shared>>
      tpu.wait_dma2 semaphore(%arg8 : memref<!tpu.dma_semaphore, #tpu.memory_space<semaphore_mem>>) src(%dma_wait3A_303 : memref<80x128xf32, #tpu.memory_space<vmem_shared>>) dst(%dma_wait3A_301 : memref<80x128xf32, #tpu.memory_space<hbm>>)
    } else {
    }
    %add3A_276 = arith.constant 80 : i32
    %add3A_277 = arith.addi %add3A_276, %arg1 : i32
    %lt3A_278 = arith.constant 125 : i32
    %lt3A_279 = arith.cmpi slt, %add3A_277, %lt3A_278 : i32
    %convert_element_type3A_280 = arith.extui %lt3A_279 : i1 to i32
    %cond3A_281 = arith.constant 0 : i32
    %cond3A_282 = arith.cmpi ne, %convert_element_type3A_280, %cond3A_281 : i32
    scf.if %cond3A_282 {
      %mul3A_297 = arith.constant 80 : i32
      %mul3A_298 = arith.muli %add3A_277, %mul3A_297 : i32
      %dma_wait3A_299 = arith.constant 0 : i32
      %dma_wait3A_300 = tpu.memref_slice %arg3[%arg0, %mul3A_298, %dma_wait3A_299] : memref<2x10000x128xf32, #tpu.memory_space<hbm>> -> memref<1x80x128xf32, #tpu.memory_space<hbm>>
      %dma_wait3A_301 = tpu.memref_squeeze %dma_wait3A_300 : memref<1x80x128xf32, #tpu.memory_space<hbm>> -> memref<80x128xf32, #tpu.memory_space<hbm>>
      %dma_wait3A_302 = arith.constant 0 : i32
      %dma_wait3A_303 = tpu.memref_slice %arg7[%mul3A_298, %dma_wait3A_302] : memref<10000x128xf32, #tpu.memory_space<vmem_shared>> -> memref<80x128xf32, #tpu.memory_space<vmem_shared>>
      tpu.wait_dma2 semaphore(%arg8 : memref<!tpu.dma_semaphore, #tpu.memory_space<semaphore_mem>>) src(%dma_wait3A_303 : memref<80x128xf32, #tpu.memory_space<vmem_shared>>) dst(%dma_wait3A_301 : memref<80x128xf32, #tpu.memory_space<hbm>>)
    } else {
    }
    %add3A_283 = arith.constant 96 : i32
    %add3A_284 = arith.addi %add3A_283, %arg1 : i32
    %lt3A_285 = arith.constant 125 : i32
    %lt3A_286 = arith.cmpi slt, %add3A_284, %lt3A_285 : i32
    %convert_element_type3A_287 = arith.extui %lt3A_286 : i1 to i32
    %cond3A_288 = arith.constant 0 : i32
    %cond3A_289 = arith.cmpi ne, %convert_element_type3A_287, %cond3A_288 : i32
    scf.if %cond3A_289 {
      %mul3A_297 = arith.constant 80 : i32
      %mul3A_298 = arith.muli %add3A_284, %mul3A_297 : i32
      %dma_wait3A_299 = arith.constant 0 : i32
      %dma_wait3A_300 = tpu.memref_slice %arg3[%arg0, %mul3A_298, %dma_wait3A_299] : memref<2x10000x128xf32, #tpu.memory_space<hbm>> -> memref<1x80x128xf32, #tpu.memory_space<hbm>>
      %dma_wait3A_301 = tpu.memref_squeeze %dma_wait3A_300 : memref<1x80x128xf32, #tpu.memory_space<hbm>> -> memref<80x128xf32, #tpu.memory_space<hbm>>
      %dma_wait3A_302 = arith.constant 0 : i32
      %dma_wait3A_303 = tpu.memref_slice %arg7[%mul3A_298, %dma_wait3A_302] : memref<10000x128xf32, #tpu.memory_space<vmem_shared>> -> memref<80x128xf32, #tpu.memory_space<vmem_shared>>
      tpu.wait_dma2 semaphore(%arg8 : memref<!tpu.dma_semaphore, #tpu.memory_space<semaphore_mem>>) src(%dma_wait3A_303 : memref<80x128xf32, #tpu.memory_space<vmem_shared>>) dst(%dma_wait3A_301 : memref<80x128xf32, #tpu.memory_space<hbm>>)
    } else {
    }
    %add3A_290 = arith.constant 112 : i32
    %add3A_291 = arith.addi %add3A_290, %arg1 : i32
    %lt3A_292 = arith.constant 125 : i32
    %lt3A_293 = arith.cmpi slt, %add3A_291, %lt3A_292 : i32
    %convert_element_type3A_294 = arith.extui %lt3A_293 : i1 to i32
    %cond3A_295 = arith.constant 0 : i32
    %cond3A_296 = arith.cmpi ne, %convert_element_type3A_294, %cond3A_295 : i32
    scf.if %cond3A_296 {
      %mul3A_297 = arith.constant 80 : i32
      %mul3A_298 = arith.muli %add3A_291, %mul3A_297 : i32
      %dma_wait3A_299 = arith.constant 0 : i32
      %dma_wait3A_300 = tpu.memref_slice %arg3[%arg0, %mul3A_298, %dma_wait3A_299] : memref<2x10000x128xf32, #tpu.memory_space<hbm>> -> memref<1x80x128xf32, #tpu.memory_space<hbm>>
      %dma_wait3A_301 = tpu.memref_squeeze %dma_wait3A_300 : memref<1x80x128xf32, #tpu.memory_space<hbm>> -> memref<80x128xf32, #tpu.memory_space<hbm>>
      %dma_wait3A_302 = arith.constant 0 : i32
      %dma_wait3A_303 = tpu.memref_slice %arg7[%mul3A_298, %dma_wait3A_302] : memref<10000x128xf32, #tpu.memory_space<vmem_shared>> -> memref<80x128xf32, #tpu.memory_space<vmem_shared>>
      tpu.wait_dma2 semaphore(%arg8 : memref<!tpu.dma_semaphore, #tpu.memory_space<semaphore_mem>>) src(%dma_wait3A_303 : memref<80x128xf32, #tpu.memory_space<vmem_shared>>) dst(%dma_wait3A_301 : memref<80x128xf32, #tpu.memory_space<hbm>>)
    } else {
    }
    return
  }
}

#map = affine_map<(d0, d1) -> (0, 0)>
#map1 = affine_map<(d0, d1) -> (0)>
#map2 = affine_map<(d0, d1) -> (0, 0, 0)>
module attributes {stable_mosaic.version = 14 : i64} {
  func.func @k(%arg0: i32, %arg1: i32, %arg2: memref<20000x128xf32, #tpu.memory_space<hbm>>, %arg3: memref<320000xi32, #tpu.memory_space<hbm>>, %arg4: memref<320000xi32, #tpu.memory_space<hbm>>, %arg5: memref<2x10000x128xf32, #tpu.memory_space<hbm>>, %arg6: memref<10000xi32, #tpu.memory_space<vmem>>, %arg7: memref<10000xi32, #tpu.memory_space<vmem>>, %arg8: memref<80x128xf32, #tpu.memory_space<vmem>>, %arg9: memref<80x128xf32, #tpu.memory_space<vmem>>, %arg10: memref<80x128xf32, #tpu.memory_space<vmem>>, %arg11: memref<10000x128xf32, #tpu.memory_space<vmem_shared>>, %arg12: memref<!tpu.dma_semaphore, #tpu.memory_space<semaphore_mem>>, %arg13: memref<!tpu.dma_semaphore, #tpu.memory_space<semaphore_mem>>, %arg14: memref<!tpu.dma_semaphore, #tpu.memory_space<semaphore_mem>>, %arg15: memref<!tpu.dma_semaphore, #tpu.memory_space<semaphore_mem>>, %arg16: memref<!tpu.dma_semaphore, #tpu.memory_space<semaphore_mem>>, %arg17: memref<!tpu.dma_semaphore, #tpu.memory_space<semaphore_mem>>, %arg18: memref<!tpu.dma_semaphore, #tpu.memory_space<semaphore_mem>>) attributes {dimension_semantics = [#tpu.dimension_semantics<core_parallel>, #tpu.dimension_semantics<subcore_parallel>], iteration_bounds = array<i64: 2, 16>, scalar_prefetch = 0 : i64, scratch_operands = 13 : i64, tpu.core_type = #tpu.core_type<sc_vector_subcore>, window_params = [{transform_indices = #map}, {transform_indices = #map1}, {transform_indices = #map1}, {transform_indices = #map2}]} {
    %mul3A = arith.constant 20000 : i32
    %mul3A_0 = arith.muli %arg1, %mul3A : i32
    %dma_start3A = tpu.memref_slice %arg3[%mul3A_0] : memref<320000xi32, #tpu.memory_space<hbm>> -> memref<10000xi32, #tpu.memory_space<hbm>>
    %dma_start3A_1 = tpu.memref_slice %arg3[%mul3A_0] : memref<320000xi32, #tpu.memory_space<hbm>> -> memref<10000xi32, #tpu.memory_space<hbm>>
    tpu.enqueue_dma source(%dma_start3A_1 : memref<10000xi32, #tpu.memory_space<hbm>>) target(%arg6 : memref<10000xi32, #tpu.memory_space<vmem>>) target_semaphore(%arg12 : memref<!tpu.dma_semaphore, #tpu.memory_space<semaphore_mem>>)
    %dma_start3A_2 = tpu.memref_slice %arg4[%mul3A_0] : memref<320000xi32, #tpu.memory_space<hbm>> -> memref<10000xi32, #tpu.memory_space<hbm>>
    %dma_start3A_3 = tpu.memref_slice %arg4[%mul3A_0] : memref<320000xi32, #tpu.memory_space<hbm>> -> memref<10000xi32, #tpu.memory_space<hbm>>
    tpu.enqueue_dma source(%dma_start3A_3 : memref<10000xi32, #tpu.memory_space<hbm>>) target(%arg7 : memref<10000xi32, #tpu.memory_space<vmem>>) target_semaphore(%arg13 : memref<!tpu.dma_semaphore, #tpu.memory_space<semaphore_mem>>)
    %scan3A = arith.constant 0 : i32
    %scan3A_4 = arith.constant 0 : i32
    %scan3A_5 = arith.constant 80 : i32
    %scan3A_6 = arith.addi %scan3A_4, %scan3A_5 : i32
    %scan3A_7 = arith.constant 1 : i32
    %scan3A_8 = scf.for %scan3A_358 = %scan3A_4 to %scan3A_6 step %scan3A_7 iter_args(%scan3A_359 = %scan3A) -> (i32)  : i32 {
      %broadcast_in_dim3A = arith.constant 0.000000e+00 : f32
      %broadcast_in_dim3A_360 = vector.broadcast %broadcast_in_dim3A : f32 to vector<16xf32>
      %swap3A = arith.index_cast %scan3A_358 : i32 to index
      %swap3A_361 = arith.constant 0 : index
      %swap3A_362 = tpu.vector_load %arg8[%swap3A, %swap3A_361] {strides = array<i32>} : memref<80x128xf32, #tpu.memory_space<vmem>>, vector<1x16xf32>,
      %swap3A_363 = vector.shape_cast %swap3A_362 : vector<1x16xf32> to vector<16xf32>
      %swap3A_364 = vector.shape_cast %broadcast_in_dim3A_360 : vector<16xf32> to vector<1x16xf32>
      tpu.vector_store %arg8[%swap3A, %swap3A_361], %swap3A_364 {strides = array<i32>} : memref<80x128xf32, #tpu.memory_space<vmem>>, vector<1x16xf32>,
      %broadcast_in_dim3A_365 = arith.constant 0.000000e+00 : f32
      %broadcast_in_dim3A_366 = vector.broadcast %broadcast_in_dim3A_365 : f32 to vector<16xf32>
      %swap3A_367 = arith.index_cast %scan3A_358 : i32 to index
      %swap3A_368 = arith.constant 16 : index
      %swap3A_369 = tpu.vector_load %arg8[%swap3A_367, %swap3A_368] {strides = array<i32>} : memref<80x128xf32, #tpu.memory_space<vmem>>, vector<1x16xf32>,
      %swap3A_370 = vector.shape_cast %swap3A_369 : vector<1x16xf32> to vector<16xf32>
      %swap3A_371 = vector.shape_cast %broadcast_in_dim3A_366 : vector<16xf32> to vector<1x16xf32>
      tpu.vector_store %arg8[%swap3A_367, %swap3A_368], %swap3A_371 {strides = array<i32>} : memref<80x128xf32, #tpu.memory_space<vmem>>, vector<1x16xf32>,
      %broadcast_in_dim3A_372 = arith.constant 0.000000e+00 : f32
      %broadcast_in_dim3A_373 = vector.broadcast %broadcast_in_dim3A_372 : f32 to vector<16xf32>
      %swap3A_374 = arith.index_cast %scan3A_358 : i32 to index
      %swap3A_375 = arith.constant 32 : index
      %swap3A_376 = tpu.vector_load %arg8[%swap3A_374, %swap3A_375] {strides = array<i32>} : memref<80x128xf32, #tpu.memory_space<vmem>>, vector<1x16xf32>,
      %swap3A_377 = vector.shape_cast %swap3A_376 : vector<1x16xf32> to vector<16xf32>
      %swap3A_378 = vector.shape_cast %broadcast_in_dim3A_373 : vector<16xf32> to vector<1x16xf32>
      tpu.vector_store %arg8[%swap3A_374, %swap3A_375], %swap3A_378 {strides = array<i32>} : memref<80x128xf32, #tpu.memory_space<vmem>>, vector<1x16xf32>,
      %broadcast_in_dim3A_379 = arith.constant 0.000000e+00 : f32
      %broadcast_in_dim3A_380 = vector.broadcast %broadcast_in_dim3A_379 : f32 to vector<16xf32>
      %swap3A_381 = arith.index_cast %scan3A_358 : i32 to index
      %swap3A_382 = arith.constant 48 : index
      %swap3A_383 = tpu.vector_load %arg8[%swap3A_381, %swap3A_382] {strides = array<i32>} : memref<80x128xf32, #tpu.memory_space<vmem>>, vector<1x16xf32>,
      %swap3A_384 = vector.shape_cast %swap3A_383 : vector<1x16xf32> to vector<16xf32>
      %swap3A_385 = vector.shape_cast %broadcast_in_dim3A_380 : vector<16xf32> to vector<1x16xf32>
      tpu.vector_store %arg8[%swap3A_381, %swap3A_382], %swap3A_385 {strides = array<i32>} : memref<80x128xf32, #tpu.memory_space<vmem>>, vector<1x16xf32>,
      %broadcast_in_dim3A_386 = arith.constant 0.000000e+00 : f32
      %broadcast_in_dim3A_387 = vector.broadcast %broadcast_in_dim3A_386 : f32 to vector<16xf32>
      %swap3A_388 = arith.index_cast %scan3A_358 : i32 to index
      %swap3A_389 = arith.constant 64 : index
      %swap3A_390 = tpu.vector_load %arg8[%swap3A_388, %swap3A_389] {strides = array<i32>} : memref<80x128xf32, #tpu.memory_space<vmem>>, vector<1x16xf32>,
      %swap3A_391 = vector.shape_cast %swap3A_390 : vector<1x16xf32> to vector<16xf32>
      %swap3A_392 = vector.shape_cast %broadcast_in_dim3A_387 : vector<16xf32> to vector<1x16xf32>
      tpu.vector_store %arg8[%swap3A_388, %swap3A_389], %swap3A_392 {strides = array<i32>} : memref<80x128xf32, #tpu.memory_space<vmem>>, vector<1x16xf32>,
      %broadcast_in_dim3A_393 = arith.constant 0.000000e+00 : f32
      %broadcast_in_dim3A_394 = vector.broadcast %broadcast_in_dim3A_393 : f32 to vector<16xf32>
      %swap3A_395 = arith.index_cast %scan3A_358 : i32 to index
      %swap3A_396 = arith.constant 80 : index
      %swap3A_397 = tpu.vector_load %arg8[%swap3A_395, %swap3A_396] {strides = array<i32>} : memref<80x128xf32, #tpu.memory_space<vmem>>, vector<1x16xf32>,
      %swap3A_398 = vector.shape_cast %swap3A_397 : vector<1x16xf32> to vector<16xf32>
      %swap3A_399 = vector.shape_cast %broadcast_in_dim3A_394 : vector<16xf32> to vector<1x16xf32>
      tpu.vector_store %arg8[%swap3A_395, %swap3A_396], %swap3A_399 {strides = array<i32>} : memref<80x128xf32, #tpu.memory_space<vmem>>, vector<1x16xf32>,
      %broadcast_in_dim3A_400 = arith.constant 0.000000e+00 : f32
      %broadcast_in_dim3A_401 = vector.broadcast %broadcast_in_dim3A_400 : f32 to vector<16xf32>
      %swap3A_402 = arith.index_cast %scan3A_358 : i32 to index
      %swap3A_403 = arith.constant 96 : index
      %swap3A_404 = tpu.vector_load %arg8[%swap3A_402, %swap3A_403] {strides = array<i32>} : memref<80x128xf32, #tpu.memory_space<vmem>>, vector<1x16xf32>,
      %swap3A_405 = vector.shape_cast %swap3A_404 : vector<1x16xf32> to vector<16xf32>
      %swap3A_406 = vector.shape_cast %broadcast_in_dim3A_401 : vector<16xf32> to vector<1x16xf32>
      tpu.vector_store %arg8[%swap3A_402, %swap3A_403], %swap3A_406 {strides = array<i32>} : memref<80x128xf32, #tpu.memory_space<vmem>>, vector<1x16xf32>,
      %broadcast_in_dim3A_407 = arith.constant 0.000000e+00 : f32
      %broadcast_in_dim3A_408 = vector.broadcast %broadcast_in_dim3A_407 : f32 to vector<16xf32>
      %swap3A_409 = arith.index_cast %scan3A_358 : i32 to index
      %swap3A_410 = arith.constant 112 : index
      %swap3A_411 = tpu.vector_load %arg8[%swap3A_409, %swap3A_410] {strides = array<i32>} : memref<80x128xf32, #tpu.memory_space<vmem>>, vector<1x16xf32>,
      %swap3A_412 = vector.shape_cast %swap3A_411 : vector<1x16xf32> to vector<16xf32>
      %swap3A_413 = vector.shape_cast %broadcast_in_dim3A_408 : vector<16xf32> to vector<1x16xf32>
      tpu.vector_store %arg8[%swap3A_409, %swap3A_410], %swap3A_413 {strides = array<i32>} : memref<80x128xf32, #tpu.memory_space<vmem>>, vector<1x16xf32>,
      %scan3A_414 = arith.constant 0 : i32
      scf.yield %scan3A_414 : i32
    }
    %scan3A_9 = arith.constant 80 : i32
    %add3A = arith.constant 0 : i32
    %add3A_10 = arith.addi %add3A, %arg1 : i32
    %lt3A = arith.constant 125 : i32
    %lt3A_11 = arith.cmpi slt, %add3A_10, %lt3A : i32
    %convert_element_type3A = arith.extui %lt3A_11 : i1 to i32
    %cond3A = arith.constant 0 : i32
    %cond3A_12 = arith.cmpi ne, %convert_element_type3A, %cond3A : i32
    scf.if %cond3A_12 {
      %mul3A_358 = arith.constant 80 : i32
      %mul3A_359 = arith.muli %add3A_10, %mul3A_358 : i32
      %dma_start3A_360 = arith.constant 0 : i32
      %dma_start3A_361 = tpu.memref_slice %arg11[%mul3A_359, %dma_start3A_360] : memref<10000x128xf32, #tpu.memory_space<vmem_shared>> -> memref<80x128xf32, #tpu.memory_space<vmem_shared>>
      %dma_start3A_362 = arith.constant 0 : i32
      %dma_start3A_363 = tpu.memref_slice %arg11[%mul3A_359, %dma_start3A_362] : memref<10000x128xf32, #tpu.memory_space<vmem_shared>> -> memref<80x128xf32, #tpu.memory_space<vmem_shared>>
      tpu.enqueue_dma source(%arg8 : memref<80x128xf32, #tpu.memory_space<vmem>>) target(%dma_start3A_363 : memref<80x128xf32, #tpu.memory_space<vmem_shared>>) target_semaphore(%arg18 : memref<!tpu.dma_semaphore, #tpu.memory_space<semaphore_mem>>)
    } else {
    }
    %add3A_13 = arith.constant 16 : i32
    %add3A_14 = arith.addi %add3A_13, %arg1 : i32
    %lt3A_15 = arith.constant 125 : i32
    %lt3A_16 = arith.cmpi slt, %add3A_14, %lt3A_15 : i32
    %convert_element_type3A_17 = arith.extui %lt3A_16 : i1 to i32
    %cond3A_18 = arith.constant 0 : i32
    %cond3A_19 = arith.cmpi ne, %convert_element_type3A_17, %cond3A_18 : i32
    scf.if %cond3A_19 {
      %mul3A_358 = arith.constant 80 : i32
      %mul3A_359 = arith.muli %add3A_14, %mul3A_358 : i32
      %dma_start3A_360 = arith.constant 0 : i32
      %dma_start3A_361 = tpu.memref_slice %arg11[%mul3A_359, %dma_start3A_360] : memref<10000x128xf32, #tpu.memory_space<vmem_shared>> -> memref<80x128xf32, #tpu.memory_space<vmem_shared>>
      %dma_start3A_362 = arith.constant 0 : i32
      %dma_start3A_363 = tpu.memref_slice %arg11[%mul3A_359, %dma_start3A_362] : memref<10000x128xf32, #tpu.memory_space<vmem_shared>> -> memref<80x128xf32, #tpu.memory_space<vmem_shared>>
      tpu.enqueue_dma source(%arg8 : memref<80x128xf32, #tpu.memory_space<vmem>>) target(%dma_start3A_363 : memref<80x128xf32, #tpu.memory_space<vmem_shared>>) target_semaphore(%arg18 : memref<!tpu.dma_semaphore, #tpu.memory_space<semaphore_mem>>)
    } else {
    }
    %add3A_20 = arith.constant 32 : i32
    %add3A_21 = arith.addi %add3A_20, %arg1 : i32
    %lt3A_22 = arith.constant 125 : i32
    %lt3A_23 = arith.cmpi slt, %add3A_21, %lt3A_22 : i32
    %convert_element_type3A_24 = arith.extui %lt3A_23 : i1 to i32
    %cond3A_25 = arith.constant 0 : i32
    %cond3A_26 = arith.cmpi ne, %convert_element_type3A_24, %cond3A_25 : i32
    scf.if %cond3A_26 {
      %mul3A_358 = arith.constant 80 : i32
      %mul3A_359 = arith.muli %add3A_21, %mul3A_358 : i32
      %dma_start3A_360 = arith.constant 0 : i32
      %dma_start3A_361 = tpu.memref_slice %arg11[%mul3A_359, %dma_start3A_360] : memref<10000x128xf32, #tpu.memory_space<vmem_shared>> -> memref<80x128xf32, #tpu.memory_space<vmem_shared>>
      %dma_start3A_362 = arith.constant 0 : i32
      %dma_start3A_363 = tpu.memref_slice %arg11[%mul3A_359, %dma_start3A_362] : memref<10000x128xf32, #tpu.memory_space<vmem_shared>> -> memref<80x128xf32, #tpu.memory_space<vmem_shared>>
      tpu.enqueue_dma source(%arg8 : memref<80x128xf32, #tpu.memory_space<vmem>>) target(%dma_start3A_363 : memref<80x128xf32, #tpu.memory_space<vmem_shared>>) target_semaphore(%arg18 : memref<!tpu.dma_semaphore, #tpu.memory_space<semaphore_mem>>)
    } else {
    }
    %add3A_27 = arith.constant 48 : i32
    %add3A_28 = arith.addi %add3A_27, %arg1 : i32
    %lt3A_29 = arith.constant 125 : i32
    %lt3A_30 = arith.cmpi slt, %add3A_28, %lt3A_29 : i32
    %convert_element_type3A_31 = arith.extui %lt3A_30 : i1 to i32
    %cond3A_32 = arith.constant 0 : i32
    %cond3A_33 = arith.cmpi ne, %convert_element_type3A_31, %cond3A_32 : i32
    scf.if %cond3A_33 {
      %mul3A_358 = arith.constant 80 : i32
      %mul3A_359 = arith.muli %add3A_28, %mul3A_358 : i32
      %dma_start3A_360 = arith.constant 0 : i32
      %dma_start3A_361 = tpu.memref_slice %arg11[%mul3A_359, %dma_start3A_360] : memref<10000x128xf32, #tpu.memory_space<vmem_shared>> -> memref<80x128xf32, #tpu.memory_space<vmem_shared>>
      %dma_start3A_362 = arith.constant 0 : i32
      %dma_start3A_363 = tpu.memref_slice %arg11[%mul3A_359, %dma_start3A_362] : memref<10000x128xf32, #tpu.memory_space<vmem_shared>> -> memref<80x128xf32, #tpu.memory_space<vmem_shared>>
      tpu.enqueue_dma source(%arg8 : memref<80x128xf32, #tpu.memory_space<vmem>>) target(%dma_start3A_363 : memref<80x128xf32, #tpu.memory_space<vmem_shared>>) target_semaphore(%arg18 : memref<!tpu.dma_semaphore, #tpu.memory_space<semaphore_mem>>)
    } else {
    }
    %add3A_34 = arith.constant 64 : i32
    %add3A_35 = arith.addi %add3A_34, %arg1 : i32
    %lt3A_36 = arith.constant 125 : i32
    %lt3A_37 = arith.cmpi slt, %add3A_35, %lt3A_36 : i32
    %convert_element_type3A_38 = arith.extui %lt3A_37 : i1 to i32
    %cond3A_39 = arith.constant 0 : i32
    %cond3A_40 = arith.cmpi ne, %convert_element_type3A_38, %cond3A_39 : i32
    scf.if %cond3A_40 {
      %mul3A_358 = arith.constant 80 : i32
      %mul3A_359 = arith.muli %add3A_35, %mul3A_358 : i32
      %dma_start3A_360 = arith.constant 0 : i32
      %dma_start3A_361 = tpu.memref_slice %arg11[%mul3A_359, %dma_start3A_360] : memref<10000x128xf32, #tpu.memory_space<vmem_shared>> -> memref<80x128xf32, #tpu.memory_space<vmem_shared>>
      %dma_start3A_362 = arith.constant 0 : i32
      %dma_start3A_363 = tpu.memref_slice %arg11[%mul3A_359, %dma_start3A_362] : memref<10000x128xf32, #tpu.memory_space<vmem_shared>> -> memref<80x128xf32, #tpu.memory_space<vmem_shared>>
      tpu.enqueue_dma source(%arg8 : memref<80x128xf32, #tpu.memory_space<vmem>>) target(%dma_start3A_363 : memref<80x128xf32, #tpu.memory_space<vmem_shared>>) target_semaphore(%arg18 : memref<!tpu.dma_semaphore, #tpu.memory_space<semaphore_mem>>)
    } else {
    }
    %add3A_41 = arith.constant 80 : i32
    %add3A_42 = arith.addi %add3A_41, %arg1 : i32
    %lt3A_43 = arith.constant 125 : i32
    %lt3A_44 = arith.cmpi slt, %add3A_42, %lt3A_43 : i32
    %convert_element_type3A_45 = arith.extui %lt3A_44 : i1 to i32
    %cond3A_46 = arith.constant 0 : i32
    %cond3A_47 = arith.cmpi ne, %convert_element_type3A_45, %cond3A_46 : i32
    scf.if %cond3A_47 {
      %mul3A_358 = arith.constant 80 : i32
      %mul3A_359 = arith.muli %add3A_42, %mul3A_358 : i32
      %dma_start3A_360 = arith.constant 0 : i32
      %dma_start3A_361 = tpu.memref_slice %arg11[%mul3A_359, %dma_start3A_360] : memref<10000x128xf32, #tpu.memory_space<vmem_shared>> -> memref<80x128xf32, #tpu.memory_space<vmem_shared>>
      %dma_start3A_362 = arith.constant 0 : i32
      %dma_start3A_363 = tpu.memref_slice %arg11[%mul3A_359, %dma_start3A_362] : memref<10000x128xf32, #tpu.memory_space<vmem_shared>> -> memref<80x128xf32, #tpu.memory_space<vmem_shared>>
      tpu.enqueue_dma source(%arg8 : memref<80x128xf32, #tpu.memory_space<vmem>>) target(%dma_start3A_363 : memref<80x128xf32, #tpu.memory_space<vmem_shared>>) target_semaphore(%arg18 : memref<!tpu.dma_semaphore, #tpu.memory_space<semaphore_mem>>)
    } else {
    }
    %add3A_48 = arith.constant 96 : i32
    %add3A_49 = arith.addi %add3A_48, %arg1 : i32
    %lt3A_50 = arith.constant 125 : i32
    %lt3A_51 = arith.cmpi slt, %add3A_49, %lt3A_50 : i32
    %convert_element_type3A_52 = arith.extui %lt3A_51 : i1 to i32
    %cond3A_53 = arith.constant 0 : i32
    %cond3A_54 = arith.cmpi ne, %convert_element_type3A_52, %cond3A_53 : i32
    scf.if %cond3A_54 {
      %mul3A_358 = arith.constant 80 : i32
      %mul3A_359 = arith.muli %add3A_49, %mul3A_358 : i32
      %dma_start3A_360 = arith.constant 0 : i32
      %dma_start3A_361 = tpu.memref_slice %arg11[%mul3A_359, %dma_start3A_360] : memref<10000x128xf32, #tpu.memory_space<vmem_shared>> -> memref<80x128xf32, #tpu.memory_space<vmem_shared>>
      %dma_start3A_362 = arith.constant 0 : i32
      %dma_start3A_363 = tpu.memref_slice %arg11[%mul3A_359, %dma_start3A_362] : memref<10000x128xf32, #tpu.memory_space<vmem_shared>> -> memref<80x128xf32, #tpu.memory_space<vmem_shared>>
      tpu.enqueue_dma source(%arg8 : memref<80x128xf32, #tpu.memory_space<vmem>>) target(%dma_start3A_363 : memref<80x128xf32, #tpu.memory_space<vmem_shared>>) target_semaphore(%arg18 : memref<!tpu.dma_semaphore, #tpu.memory_space<semaphore_mem>>)
    } else {
    }
    %add3A_55 = arith.constant 112 : i32
    %add3A_56 = arith.addi %add3A_55, %arg1 : i32
    %lt3A_57 = arith.constant 125 : i32
    %lt3A_58 = arith.cmpi slt, %add3A_56, %lt3A_57 : i32
    %convert_element_type3A_59 = arith.extui %lt3A_58 : i1 to i32
    %cond3A_60 = arith.constant 0 : i32
    %cond3A_61 = arith.cmpi ne, %convert_element_type3A_59, %cond3A_60 : i32
    scf.if %cond3A_61 {
      %mul3A_358 = arith.constant 80 : i32
      %mul3A_359 = arith.muli %add3A_56, %mul3A_358 : i32
      %dma_start3A_360 = arith.constant 0 : i32
      %dma_start3A_361 = tpu.memref_slice %arg11[%mul3A_359, %dma_start3A_360] : memref<10000x128xf32, #tpu.memory_space<vmem_shared>> -> memref<80x128xf32, #tpu.memory_space<vmem_shared>>
      %dma_start3A_362 = arith.constant 0 : i32
      %dma_start3A_363 = tpu.memref_slice %arg11[%mul3A_359, %dma_start3A_362] : memref<10000x128xf32, #tpu.memory_space<vmem_shared>> -> memref<80x128xf32, #tpu.memory_space<vmem_shared>>
      tpu.enqueue_dma source(%arg8 : memref<80x128xf32, #tpu.memory_space<vmem>>) target(%dma_start3A_363 : memref<80x128xf32, #tpu.memory_space<vmem_shared>>) target_semaphore(%arg18 : memref<!tpu.dma_semaphore, #tpu.memory_space<semaphore_mem>>)
    } else {
    }
    %add3A_62 = arith.constant 0 : i32
    %add3A_63 = arith.addi %add3A_62, %arg1 : i32
    %lt3A_64 = arith.constant 125 : i32
    %lt3A_65 = arith.cmpi slt, %add3A_63, %lt3A_64 : i32
    %convert_element_type3A_66 = arith.extui %lt3A_65 : i1 to i32
    %cond3A_67 = arith.constant 0 : i32
    %cond3A_68 = arith.cmpi ne, %convert_element_type3A_66, %cond3A_67 : i32
    scf.if %cond3A_68 {
      %mul3A_358 = arith.constant 80 : i32
      %mul3A_359 = arith.muli %add3A_63, %mul3A_358 : i32
      %dma_wait3A_360 = arith.constant 0 : i32
      %dma_wait3A_361 = tpu.memref_slice %arg11[%mul3A_359, %dma_wait3A_360] : memref<10000x128xf32, #tpu.memory_space<vmem_shared>> -> memref<80x128xf32, #tpu.memory_space<vmem_shared>>
      %dma_wait3A_362 = arith.constant 0 : i32
      %dma_wait3A_363 = tpu.memref_slice %arg11[%mul3A_359, %dma_wait3A_362] : memref<10000x128xf32, #tpu.memory_space<vmem_shared>> -> memref<80x128xf32, #tpu.memory_space<vmem_shared>>
      tpu.wait_dma2 semaphore(%arg18 : memref<!tpu.dma_semaphore, #tpu.memory_space<semaphore_mem>>) src(%arg8 : memref<80x128xf32, #tpu.memory_space<vmem>>) dst(%dma_wait3A_363 : memref<80x128xf32, #tpu.memory_space<vmem_shared>>)
    } else {
    }
    %add3A_69 = arith.constant 16 : i32
    %add3A_70 = arith.addi %add3A_69, %arg1 : i32
    %lt3A_71 = arith.constant 125 : i32
    %lt3A_72 = arith.cmpi slt, %add3A_70, %lt3A_71 : i32
    %convert_element_type3A_73 = arith.extui %lt3A_72 : i1 to i32
    %cond3A_74 = arith.constant 0 : i32
    %cond3A_75 = arith.cmpi ne, %convert_element_type3A_73, %cond3A_74 : i32
    scf.if %cond3A_75 {
      %mul3A_358 = arith.constant 80 : i32
      %mul3A_359 = arith.muli %add3A_70, %mul3A_358 : i32
      %dma_wait3A_360 = arith.constant 0 : i32
      %dma_wait3A_361 = tpu.memref_slice %arg11[%mul3A_359, %dma_wait3A_360] : memref<10000x128xf32, #tpu.memory_space<vmem_shared>> -> memref<80x128xf32, #tpu.memory_space<vmem_shared>>
      %dma_wait3A_362 = arith.constant 0 : i32
      %dma_wait3A_363 = tpu.memref_slice %arg11[%mul3A_359, %dma_wait3A_362] : memref<10000x128xf32, #tpu.memory_space<vmem_shared>> -> memref<80x128xf32, #tpu.memory_space<vmem_shared>>
      tpu.wait_dma2 semaphore(%arg18 : memref<!tpu.dma_semaphore, #tpu.memory_space<semaphore_mem>>) src(%arg8 : memref<80x128xf32, #tpu.memory_space<vmem>>) dst(%dma_wait3A_363 : memref<80x128xf32, #tpu.memory_space<vmem_shared>>)
    } else {
    }
    %add3A_76 = arith.constant 32 : i32
    %add3A_77 = arith.addi %add3A_76, %arg1 : i32
    %lt3A_78 = arith.constant 125 : i32
    %lt3A_79 = arith.cmpi slt, %add3A_77, %lt3A_78 : i32
    %convert_element_type3A_80 = arith.extui %lt3A_79 : i1 to i32
    %cond3A_81 = arith.constant 0 : i32
    %cond3A_82 = arith.cmpi ne, %convert_element_type3A_80, %cond3A_81 : i32
    scf.if %cond3A_82 {
      %mul3A_358 = arith.constant 80 : i32
      %mul3A_359 = arith.muli %add3A_77, %mul3A_358 : i32
      %dma_wait3A_360 = arith.constant 0 : i32
      %dma_wait3A_361 = tpu.memref_slice %arg11[%mul3A_359, %dma_wait3A_360] : memref<10000x128xf32, #tpu.memory_space<vmem_shared>> -> memref<80x128xf32, #tpu.memory_space<vmem_shared>>
      %dma_wait3A_362 = arith.constant 0 : i32
      %dma_wait3A_363 = tpu.memref_slice %arg11[%mul3A_359, %dma_wait3A_362] : memref<10000x128xf32, #tpu.memory_space<vmem_shared>> -> memref<80x128xf32, #tpu.memory_space<vmem_shared>>
      tpu.wait_dma2 semaphore(%arg18 : memref<!tpu.dma_semaphore, #tpu.memory_space<semaphore_mem>>) src(%arg8 : memref<80x128xf32, #tpu.memory_space<vmem>>) dst(%dma_wait3A_363 : memref<80x128xf32, #tpu.memory_space<vmem_shared>>)
    } else {
    }
    %add3A_83 = arith.constant 48 : i32
    %add3A_84 = arith.addi %add3A_83, %arg1 : i32
    %lt3A_85 = arith.constant 125 : i32
    %lt3A_86 = arith.cmpi slt, %add3A_84, %lt3A_85 : i32
    %convert_element_type3A_87 = arith.extui %lt3A_86 : i1 to i32
    %cond3A_88 = arith.constant 0 : i32
    %cond3A_89 = arith.cmpi ne, %convert_element_type3A_87, %cond3A_88 : i32
    scf.if %cond3A_89 {
      %mul3A_358 = arith.constant 80 : i32
      %mul3A_359 = arith.muli %add3A_84, %mul3A_358 : i32
      %dma_wait3A_360 = arith.constant 0 : i32
      %dma_wait3A_361 = tpu.memref_slice %arg11[%mul3A_359, %dma_wait3A_360] : memref<10000x128xf32, #tpu.memory_space<vmem_shared>> -> memref<80x128xf32, #tpu.memory_space<vmem_shared>>
      %dma_wait3A_362 = arith.constant 0 : i32
      %dma_wait3A_363 = tpu.memref_slice %arg11[%mul3A_359, %dma_wait3A_362] : memref<10000x128xf32, #tpu.memory_space<vmem_shared>> -> memref<80x128xf32, #tpu.memory_space<vmem_shared>>
      tpu.wait_dma2 semaphore(%arg18 : memref<!tpu.dma_semaphore, #tpu.memory_space<semaphore_mem>>) src(%arg8 : memref<80x128xf32, #tpu.memory_space<vmem>>) dst(%dma_wait3A_363 : memref<80x128xf32, #tpu.memory_space<vmem_shared>>)
    } else {
    }
    %add3A_90 = arith.constant 64 : i32
    %add3A_91 = arith.addi %add3A_90, %arg1 : i32
    %lt3A_92 = arith.constant 125 : i32
    %lt3A_93 = arith.cmpi slt, %add3A_91, %lt3A_92 : i32
    %convert_element_type3A_94 = arith.extui %lt3A_93 : i1 to i32
    %cond3A_95 = arith.constant 0 : i32
    %cond3A_96 = arith.cmpi ne, %convert_element_type3A_94, %cond3A_95 : i32
    scf.if %cond3A_96 {
      %mul3A_358 = arith.constant 80 : i32
      %mul3A_359 = arith.muli %add3A_91, %mul3A_358 : i32
      %dma_wait3A_360 = arith.constant 0 : i32
      %dma_wait3A_361 = tpu.memref_slice %arg11[%mul3A_359, %dma_wait3A_360] : memref<10000x128xf32, #tpu.memory_space<vmem_shared>> -> memref<80x128xf32, #tpu.memory_space<vmem_shared>>
      %dma_wait3A_362 = arith.constant 0 : i32
      %dma_wait3A_363 = tpu.memref_slice %arg11[%mul3A_359, %dma_wait3A_362] : memref<10000x128xf32, #tpu.memory_space<vmem_shared>> -> memref<80x128xf32, #tpu.memory_space<vmem_shared>>
      tpu.wait_dma2 semaphore(%arg18 : memref<!tpu.dma_semaphore, #tpu.memory_space<semaphore_mem>>) src(%arg8 : memref<80x128xf32, #tpu.memory_space<vmem>>) dst(%dma_wait3A_363 : memref<80x128xf32, #tpu.memory_space<vmem_shared>>)
    } else {
    }
    %add3A_97 = arith.constant 80 : i32
    %add3A_98 = arith.addi %add3A_97, %arg1 : i32
    %lt3A_99 = arith.constant 125 : i32
    %lt3A_100 = arith.cmpi slt, %add3A_98, %lt3A_99 : i32
    %convert_element_type3A_101 = arith.extui %lt3A_100 : i1 to i32
    %cond3A_102 = arith.constant 0 : i32
    %cond3A_103 = arith.cmpi ne, %convert_element_type3A_101, %cond3A_102 : i32
    scf.if %cond3A_103 {
      %mul3A_358 = arith.constant 80 : i32
      %mul3A_359 = arith.muli %add3A_98, %mul3A_358 : i32
      %dma_wait3A_360 = arith.constant 0 : i32
      %dma_wait3A_361 = tpu.memref_slice %arg11[%mul3A_359, %dma_wait3A_360] : memref<10000x128xf32, #tpu.memory_space<vmem_shared>> -> memref<80x128xf32, #tpu.memory_space<vmem_shared>>
      %dma_wait3A_362 = arith.constant 0 : i32
      %dma_wait3A_363 = tpu.memref_slice %arg11[%mul3A_359, %dma_wait3A_362] : memref<10000x128xf32, #tpu.memory_space<vmem_shared>> -> memref<80x128xf32, #tpu.memory_space<vmem_shared>>
      tpu.wait_dma2 semaphore(%arg18 : memref<!tpu.dma_semaphore, #tpu.memory_space<semaphore_mem>>) src(%arg8 : memref<80x128xf32, #tpu.memory_space<vmem>>) dst(%dma_wait3A_363 : memref<80x128xf32, #tpu.memory_space<vmem_shared>>)
    } else {
    }
    %add3A_104 = arith.constant 96 : i32
    %add3A_105 = arith.addi %add3A_104, %arg1 : i32
    %lt3A_106 = arith.constant 125 : i32
    %lt3A_107 = arith.cmpi slt, %add3A_105, %lt3A_106 : i32
    %convert_element_type3A_108 = arith.extui %lt3A_107 : i1 to i32
    %cond3A_109 = arith.constant 0 : i32
    %cond3A_110 = arith.cmpi ne, %convert_element_type3A_108, %cond3A_109 : i32
    scf.if %cond3A_110 {
      %mul3A_358 = arith.constant 80 : i32
      %mul3A_359 = arith.muli %add3A_105, %mul3A_358 : i32
      %dma_wait3A_360 = arith.constant 0 : i32
      %dma_wait3A_361 = tpu.memref_slice %arg11[%mul3A_359, %dma_wait3A_360] : memref<10000x128xf32, #tpu.memory_space<vmem_shared>> -> memref<80x128xf32, #tpu.memory_space<vmem_shared>>
      %dma_wait3A_362 = arith.constant 0 : i32
      %dma_wait3A_363 = tpu.memref_slice %arg11[%mul3A_359, %dma_wait3A_362] : memref<10000x128xf32, #tpu.memory_space<vmem_shared>> -> memref<80x128xf32, #tpu.memory_space<vmem_shared>>
      tpu.wait_dma2 semaphore(%arg18 : memref<!tpu.dma_semaphore, #tpu.memory_space<semaphore_mem>>) src(%arg8 : memref<80x128xf32, #tpu.memory_space<vmem>>) dst(%dma_wait3A_363 : memref<80x128xf32, #tpu.memory_space<vmem_shared>>)
    } else {
    }
    %add3A_111 = arith.constant 112 : i32
    %add3A_112 = arith.addi %add3A_111, %arg1 : i32
    %lt3A_113 = arith.constant 125 : i32
    %lt3A_114 = arith.cmpi slt, %add3A_112, %lt3A_113 : i32
    %convert_element_type3A_115 = arith.extui %lt3A_114 : i1 to i32
    %cond3A_116 = arith.constant 0 : i32
    %cond3A_117 = arith.cmpi ne, %convert_element_type3A_115, %cond3A_116 : i32
    scf.if %cond3A_117 {
      %mul3A_358 = arith.constant 80 : i32
      %mul3A_359 = arith.muli %add3A_112, %mul3A_358 : i32
      %dma_wait3A_360 = arith.constant 0 : i32
      %dma_wait3A_361 = tpu.memref_slice %arg11[%mul3A_359, %dma_wait3A_360] : memref<10000x128xf32, #tpu.memory_space<vmem_shared>> -> memref<80x128xf32, #tpu.memory_space<vmem_shared>>
      %dma_wait3A_362 = arith.constant 0 : i32
      %dma_wait3A_363 = tpu.memref_slice %arg11[%mul3A_359, %dma_wait3A_362] : memref<10000x128xf32, #tpu.memory_space<vmem_shared>> -> memref<80x128xf32, #tpu.memory_space<vmem_shared>>
      tpu.wait_dma2 semaphore(%arg18 : memref<!tpu.dma_semaphore, #tpu.memory_space<semaphore_mem>>) src(%arg8 : memref<80x128xf32, #tpu.memory_space<vmem>>) dst(%dma_wait3A_363 : memref<80x128xf32, #tpu.memory_space<vmem_shared>>)
    } else {
    }
    %dma_wait3A = tpu.memref_slice %arg3[%mul3A_0] : memref<320000xi32, #tpu.memory_space<hbm>> -> memref<10000xi32, #tpu.memory_space<hbm>>
    %dma_wait3A_118 = tpu.memref_slice %arg3[%mul3A_0] : memref<320000xi32, #tpu.memory_space<hbm>> -> memref<10000xi32, #tpu.memory_space<hbm>>
    tpu.wait_dma2 semaphore(%arg12 : memref<!tpu.dma_semaphore, #tpu.memory_space<semaphore_mem>>) src(%dma_wait3A_118 : memref<10000xi32, #tpu.memory_space<hbm>>) dst(%arg6 : memref<10000xi32, #tpu.memory_space<vmem>>)
    %dma_wait3A_119 = tpu.memref_slice %arg4[%mul3A_0] : memref<320000xi32, #tpu.memory_space<hbm>> -> memref<10000xi32, #tpu.memory_space<hbm>>
    %dma_wait3A_120 = tpu.memref_slice %arg4[%mul3A_0] : memref<320000xi32, #tpu.memory_space<hbm>> -> memref<10000xi32, #tpu.memory_space<hbm>>
    tpu.wait_dma2 semaphore(%arg13 : memref<!tpu.dma_semaphore, #tpu.memory_space<semaphore_mem>>) src(%dma_wait3A_120 : memref<10000xi32, #tpu.memory_space<hbm>>) dst(%arg7 : memref<10000xi32, #tpu.memory_space<vmem>>)
    %mul3A_121 = arith.constant 10000 : i32
    %mul3A_122 = arith.muli %arg0, %mul3A_121 : i32
    %scan3A_123 = arith.constant 0 : i32
    %scan3A_124 = arith.constant 0 : i32
    %scan3A_125 = arith.constant 625 : i32
    %scan3A_126 = arith.addi %scan3A_124, %scan3A_125 : i32
    %scan3A_127 = arith.constant 1 : i32
    %scan3A_128 = scf.for %scan3A_358 = %scan3A_124 to %scan3A_126 step %scan3A_127 iter_args(%scan3A_359 = %scan3A_123) -> (i32)  : i32 {
      %mul3A_360 = arith.constant 16 : i32
      %mul3A_361 = arith.muli %scan3A_358, %mul3A_360 : i32
      %get3A = arith.index_cast %mul3A_361 : i32 to index
      %get3A_362 = tpu.vector_load %arg6[%get3A] {strides = array<i32>} : memref<10000xi32, #tpu.memory_space<vmem>>, vector<16xi32>,
      %get3A_363 = vector.shape_cast %get3A_362 : vector<16xi32> to vector<16xi32>
      %add3A_364 = vector.broadcast %mul3A_122 : i32 to vector<16xi32>
      %add3A_365 = arith.addi %get3A_363, %add3A_364 : vector<16xi32>
      %mul3A_366 = arith.constant 16 : i32
      %mul3A_367 = arith.muli %scan3A_358, %mul3A_366 : i32
      %swap3A = arith.index_cast %mul3A_367 : i32 to index
      %swap3A_368 = tpu.vector_load %arg6[%swap3A] {strides = array<i32>} : memref<10000xi32, #tpu.memory_space<vmem>>, vector<16xi32>,
      %swap3A_369 = vector.shape_cast %swap3A_368 : vector<16xi32> to vector<16xi32>
      %swap3A_370 = vector.shape_cast %add3A_365 : vector<16xi32> to vector<16xi32>
      tpu.vector_store %arg6[%swap3A], %swap3A_370 {strides = array<i32>} : memref<10000xi32, #tpu.memory_space<vmem>>, vector<16xi32>,
      %scan3A_371 = arith.constant 0 : i32
      scf.yield %scan3A_371 : i32
    }
    %scan3A_129 = arith.constant 625 : i32
    %barrier3A = arith.constant 0 : index
    tpu.barrier barrier_id(%barrier3A)
    %dma_start3A_130 = arith.constant 0 : i32
    %dma_start3A_131 = tpu.memref_slice %arg6[%dma_start3A_130] : memref<10000xi32, #tpu.memory_space<vmem>> -> memref<80xi32, #tpu.memory_space<vmem>>
    %dma_start3A_132 = arith.constant 0 : i32
    %dma_start3A_133 = arith.constant 0 : i32
    %dma_start3A_134 = tpu.memref_slice %arg2[%dma_start3A_132, %dma_start3A_133] : memref<20000x128xf32, #tpu.memory_space<hbm>> -> memref<20000x128xf32, #tpu.memory_space<hbm>>
    tpu.enqueue_indirect_dma source(%dma_start3A_134 : memref<20000x128xf32, #tpu.memory_space<hbm>>) target(%arg8 : memref<80x128xf32, #tpu.memory_space<vmem>>) offsets(%dma_start3A_131 : memref<80xi32, #tpu.memory_space<vmem>>) semaphore(%arg12 : memref<!tpu.dma_semaphore, #tpu.memory_space<semaphore_mem>>)
    %dma_start3A_135 = arith.constant 80 : i32
    %dma_start3A_136 = tpu.memref_slice %arg6[%dma_start3A_135] : memref<10000xi32, #tpu.memory_space<vmem>> -> memref<80xi32, #tpu.memory_space<vmem>>
    %dma_start3A_137 = arith.constant 0 : i32
    %dma_start3A_138 = arith.constant 0 : i32
    %dma_start3A_139 = tpu.memref_slice %arg2[%dma_start3A_137, %dma_start3A_138] : memref<20000x128xf32, #tpu.memory_space<hbm>> -> memref<20000x128xf32, #tpu.memory_space<hbm>>
    tpu.enqueue_indirect_dma source(%dma_start3A_139 : memref<20000x128xf32, #tpu.memory_space<hbm>>) target(%arg9 : memref<80x128xf32, #tpu.memory_space<vmem>>) offsets(%dma_start3A_136 : memref<80xi32, #tpu.memory_space<vmem>>) semaphore(%arg13 : memref<!tpu.dma_semaphore, #tpu.memory_space<semaphore_mem>>)
    %scan3A_140 = arith.constant 0 : i32
    %scan3A_141 = arith.constant 0 : i32
    %scan3A_142 = arith.constant 41 : i32
    %scan3A_143 = arith.addi %scan3A_141, %scan3A_142 : i32
    %scan3A_144 = arith.constant 1 : i32
    %scan3A_145 = scf.for %scan3A_358 = %scan3A_141 to %scan3A_143 step %scan3A_144 iter_args(%scan3A_359 = %scan3A_140) -> (i32)  : i32 {
      %mul3A_360 = arith.constant 3 : i32
      %mul3A_361 = arith.muli %mul3A_360, %scan3A_358 : i32
      %add3A_362 = arith.constant 0 : i32
      %add3A_363 = arith.addi %mul3A_361, %add3A_362 : i32
      %mul3A_364 = arith.constant 80 : i32
      %mul3A_365 = arith.muli %add3A_363, %mul3A_364 : i32
      %dma_wait3A_366 = tpu.memref_slice %arg6[%mul3A_365] : memref<10000xi32, #tpu.memory_space<vmem>> -> memref<80xi32, #tpu.memory_space<vmem>>
      %dma_wait3A_367 = arith.constant 0 : i32
      %dma_wait3A_368 = arith.constant 0 : i32
      %dma_wait3A_369 = tpu.memref_slice %arg2[%dma_wait3A_367, %dma_wait3A_368] : memref<20000x128xf32, #tpu.memory_space<hbm>> -> memref<20000x128xf32, #tpu.memory_space<hbm>>
      tpu.wait_indirect_dma semaphore(%arg12 : memref<!tpu.dma_semaphore, #tpu.memory_space<semaphore_mem>>) src(%dma_wait3A_369 : memref<20000x128xf32, #tpu.memory_space<hbm>>) dst(%arg8 : memref<80x128xf32, #tpu.memory_space<vmem>>)
      %gt3A = arith.constant 0 : i32
      %gt3A_370 = arith.cmpi sgt, %add3A_363, %gt3A : i32
      %convert_element_type3A_371 = arith.extui %gt3A_370 : i1 to i32
      %cond3A_372 = arith.constant 0 : i32
      %cond3A_373 = arith.cmpi ne, %convert_element_type3A_371, %cond3A_372 : i32
      scf.if %cond3A_373 {
        %sub3A = arith.constant 1 : i32
        %sub3A_444 = arith.subi %add3A_363, %sub3A : i32
        %mul3A_445 = arith.constant 80 : i32
        %mul3A_446 = arith.muli %sub3A_444, %mul3A_445 : i32
        %dma_wait3A_447 = tpu.memref_slice %arg7[%mul3A_446] : memref<10000xi32, #tpu.memory_space<vmem>> -> memref<80xi32, #tpu.memory_space<vmem>>
        %dma_wait3A_448 = arith.constant 0 : i32
        %dma_wait3A_449 = arith.constant 0 : i32
        %dma_wait3A_450 = tpu.memref_slice %arg11[%dma_wait3A_448, %dma_wait3A_449] : memref<10000x128xf32, #tpu.memory_space<vmem_shared>> -> memref<10000x128xf32, #tpu.memory_space<vmem_shared>>
        tpu.wait_indirect_dma semaphore(%arg17 : memref<!tpu.dma_semaphore, #tpu.memory_space<semaphore_mem>>) src(%arg10 : memref<80x128xf32, #tpu.memory_space<vmem>>) dst(%dma_wait3A_450 : memref<10000x128xf32, #tpu.memory_space<vmem_shared>>)
      } else {
      }
      %add3A_374 = arith.constant 2 : i32
      %add3A_375 = arith.addi %add3A_363, %add3A_374 : i32
      %lt3A_376 = arith.constant 125 : i32
      %lt3A_377 = arith.cmpi slt, %add3A_375, %lt3A_376 : i32
      %convert_element_type3A_378 = arith.extui %lt3A_377 : i1 to i32
      %cond3A_379 = arith.constant 0 : i32
      %cond3A_380 = arith.cmpi ne, %convert_element_type3A_378, %cond3A_379 : i32
      scf.if %cond3A_380 {
        %add3A_444 = arith.constant 2 : i32
        %add3A_445 = arith.addi %add3A_363, %add3A_444 : i32
        %mul3A_446 = arith.constant 80 : i32
        %mul3A_447 = arith.muli %add3A_445, %mul3A_446 : i32
        %dma_start3A_448 = tpu.memref_slice %arg6[%mul3A_447] : memref<10000xi32, #tpu.memory_space<vmem>> -> memref<80xi32, #tpu.memory_space<vmem>>
        %dma_start3A_449 = arith.constant 0 : i32
        %dma_start3A_450 = arith.constant 0 : i32
        %dma_start3A_451 = tpu.memref_slice %arg2[%dma_start3A_449, %dma_start3A_450] : memref<20000x128xf32, #tpu.memory_space<hbm>> -> memref<20000x128xf32, #tpu.memory_space<hbm>>
        tpu.enqueue_indirect_dma source(%dma_start3A_451 : memref<20000x128xf32, #tpu.memory_space<hbm>>) target(%arg10 : memref<80x128xf32, #tpu.memory_space<vmem>>) offsets(%dma_start3A_448 : memref<80xi32, #tpu.memory_space<vmem>>) semaphore(%arg14 : memref<!tpu.dma_semaphore, #tpu.memory_space<semaphore_mem>>)
      } else {
      }
      %mul3A_381 = arith.constant 80 : i32
      %mul3A_382 = arith.muli %add3A_363, %mul3A_381 : i32
      %dma_start3A_383 = tpu.memref_slice %arg7[%mul3A_382] : memref<10000xi32, #tpu.memory_space<vmem>> -> memref<80xi32, #tpu.memory_space<vmem>>
      %dma_start3A_384 = arith.constant 0 : i32
      %dma_start3A_385 = arith.constant 0 : i32
      %dma_start3A_386 = tpu.memref_slice %arg11[%dma_start3A_384, %dma_start3A_385] : memref<10000x128xf32, #tpu.memory_space<vmem_shared>> -> memref<10000x128xf32, #tpu.memory_space<vmem_shared>>
      tpu.enqueue_indirect_dma source(%arg8 : memref<80x128xf32, #tpu.memory_space<vmem>>) target(%dma_start3A_386 : memref<10000x128xf32, #tpu.memory_space<vmem_shared>>) offsets(%dma_start3A_383 : memref<80xi32, #tpu.memory_space<vmem>>) semaphore(%arg15 : memref<!tpu.dma_semaphore, #tpu.memory_space<semaphore_mem>>) {add = true}
      %mul3A_387 = arith.constant 3 : i32
      %mul3A_388 = arith.muli %mul3A_387, %scan3A_358 : i32
      %add3A_389 = arith.constant 1 : i32
      %add3A_390 = arith.addi %mul3A_388, %add3A_389 : i32
      %mul3A_391 = arith.constant 80 : i32
      %mul3A_392 = arith.muli %add3A_390, %mul3A_391 : i32
      %dma_wait3A_393 = tpu.memref_slice %arg6[%mul3A_392] : memref<10000xi32, #tpu.memory_space<vmem>> -> memref<80xi32, #tpu.memory_space<vmem>>
      %dma_wait3A_394 = arith.constant 0 : i32
      %dma_wait3A_395 = arith.constant 0 : i32
      %dma_wait3A_396 = tpu.memref_slice %arg2[%dma_wait3A_394, %dma_wait3A_395] : memref<20000x128xf32, #tpu.memory_space<hbm>> -> memref<20000x128xf32, #tpu.memory_space<hbm>>
      tpu.wait_indirect_dma semaphore(%arg13 : memref<!tpu.dma_semaphore, #tpu.memory_space<semaphore_mem>>) src(%dma_wait3A_396 : memref<20000x128xf32, #tpu.memory_space<hbm>>) dst(%arg9 : memref<80x128xf32, #tpu.memory_space<vmem>>)
      %gt3A_397 = arith.constant 0 : i32
      %gt3A_398 = arith.cmpi sgt, %add3A_390, %gt3A_397 : i32
      %convert_element_type3A_399 = arith.extui %gt3A_398 : i1 to i32
      %cond3A_400 = arith.constant 0 : i32
      %cond3A_401 = arith.cmpi ne, %convert_element_type3A_399, %cond3A_400 : i32
      scf.if %cond3A_401 {
        %sub3A = arith.constant 1 : i32
        %sub3A_444 = arith.subi %add3A_390, %sub3A : i32
        %mul3A_445 = arith.constant 80 : i32
        %mul3A_446 = arith.muli %sub3A_444, %mul3A_445 : i32
        %dma_wait3A_447 = tpu.memref_slice %arg7[%mul3A_446] : memref<10000xi32, #tpu.memory_space<vmem>> -> memref<80xi32, #tpu.memory_space<vmem>>
        %dma_wait3A_448 = arith.constant 0 : i32
        %dma_wait3A_449 = arith.constant 0 : i32
        %dma_wait3A_450 = tpu.memref_slice %arg11[%dma_wait3A_448, %dma_wait3A_449] : memref<10000x128xf32, #tpu.memory_space<vmem_shared>> -> memref<10000x128xf32, #tpu.memory_space<vmem_shared>>
        tpu.wait_indirect_dma semaphore(%arg15 : memref<!tpu.dma_semaphore, #tpu.memory_space<semaphore_mem>>) src(%arg8 : memref<80x128xf32, #tpu.memory_space<vmem>>) dst(%dma_wait3A_450 : memref<10000x128xf32, #tpu.memory_space<vmem_shared>>)
      } else {
      }
      %add3A_402 = arith.constant 2 : i32
      %add3A_403 = arith.addi %add3A_390, %add3A_402 : i32
      %lt3A_404 = arith.constant 125 : i32
      %lt3A_405 = arith.cmpi slt, %add3A_403, %lt3A_404 : i32
      %convert_element_type3A_406 = arith.extui %lt3A_405 : i1 to i32
      %cond3A_407 = arith.constant 0 : i32
      %cond3A_408 = arith.cmpi ne, %convert_element_type3A_406, %cond3A_407 : i32
      scf.if %cond3A_408 {
        %add3A_444 = arith.constant 2 : i32
        %add3A_445 = arith.addi %add3A_390, %add3A_444 : i32
        %mul3A_446 = arith.constant 80 : i32
        %mul3A_447 = arith.muli %add3A_445, %mul3A_446 : i32
        %dma_start3A_448 = tpu.memref_slice %arg6[%mul3A_447] : memref<10000xi32, #tpu.memory_space<vmem>> -> memref<80xi32, #tpu.memory_space<vmem>>
        %dma_start3A_449 = arith.constant 0 : i32
        %dma_start3A_450 = arith.constant 0 : i32
        %dma_start3A_451 = tpu.memref_slice %arg2[%dma_start3A_449, %dma_start3A_450] : memref<20000x128xf32, #tpu.memory_space<hbm>> -> memref<20000x128xf32, #tpu.memory_space<hbm>>
        tpu.enqueue_indirect_dma source(%dma_start3A_451 : memref<20000x128xf32, #tpu.memory_space<hbm>>) target(%arg8 : memref<80x128xf32, #tpu.memory_space<vmem>>) offsets(%dma_start3A_448 : memref<80xi32, #tpu.memory_space<vmem>>) semaphore(%arg12 : memref<!tpu.dma_semaphore, #tpu.memory_space<semaphore_mem>>)
      } else {
      }
      %mul3A_409 = arith.constant 80 : i32
      %mul3A_410 = arith.muli %add3A_390, %mul3A_409 : i32
      %dma_start3A_411 = tpu.memref_slice %arg7[%mul3A_410] : memref<10000xi32, #tpu.memory_space<vmem>> -> memref<80xi32, #tpu.memory_space<vmem>>
      %dma_start3A_412 = arith.constant 0 : i32
      %dma_start3A_413 = arith.constant 0 : i32
      %dma_start3A_414 = tpu.memref_slice %arg11[%dma_start3A_412, %dma_start3A_413] : memref<10000x128xf32, #tpu.memory_space<vmem_shared>> -> memref<10000x128xf32, #tpu.memory_space<vmem_shared>>
      tpu.enqueue_indirect_dma source(%arg9 : memref<80x128xf32, #tpu.memory_space<vmem>>) target(%dma_start3A_414 : memref<10000x128xf32, #tpu.memory_space<vmem_shared>>) offsets(%dma_start3A_411 : memref<80xi32, #tpu.memory_space<vmem>>) semaphore(%arg16 : memref<!tpu.dma_semaphore, #tpu.memory_space<semaphore_mem>>) {add = true}
      %mul3A_415 = arith.constant 3 : i32
      %mul3A_416 = arith.muli %mul3A_415, %scan3A_358 : i32
      %add3A_417 = arith.constant 2 : i32
      %add3A_418 = arith.addi %mul3A_416, %add3A_417 : i32
      %mul3A_419 = arith.constant 80 : i32
      %mul3A_420 = arith.muli %add3A_418, %mul3A_419 : i32
      %dma_wait3A_421 = tpu.memref_slice %arg6[%mul3A_420] : memref<10000xi32, #tpu.memory_space<vmem>> -> memref<80xi32, #tpu.memory_space<vmem>>
      %dma_wait3A_422 = arith.constant 0 : i32
      %dma_wait3A_423 = arith.constant 0 : i32
      %dma_wait3A_424 = tpu.memref_slice %arg2[%dma_wait3A_422, %dma_wait3A_423] : memref<20000x128xf32, #tpu.memory_space<hbm>> -> memref<20000x128xf32, #tpu.memory_space<hbm>>
      tpu.wait_indirect_dma semaphore(%arg14 : memref<!tpu.dma_semaphore, #tpu.memory_space<semaphore_mem>>) src(%dma_wait3A_424 : memref<20000x128xf32, #tpu.memory_space<hbm>>) dst(%arg10 : memref<80x128xf32, #tpu.memory_space<vmem>>)
      %gt3A_425 = arith.constant 0 : i32
      %gt3A_426 = arith.cmpi sgt, %add3A_418, %gt3A_425 : i32
      %convert_element_type3A_427 = arith.extui %gt3A_426 : i1 to i32
      %cond3A_428 = arith.constant 0 : i32
      %cond3A_429 = arith.cmpi ne, %convert_element_type3A_427, %cond3A_428 : i32
      scf.if %cond3A_429 {
        %sub3A = arith.constant 1 : i32
        %sub3A_444 = arith.subi %add3A_418, %sub3A : i32
        %mul3A_445 = arith.constant 80 : i32
        %mul3A_446 = arith.muli %sub3A_444, %mul3A_445 : i32
        %dma_wait3A_447 = tpu.memref_slice %arg7[%mul3A_446] : memref<10000xi32, #tpu.memory_space<vmem>> -> memref<80xi32, #tpu.memory_space<vmem>>
        %dma_wait3A_448 = arith.constant 0 : i32
        %dma_wait3A_449 = arith.constant 0 : i32
        %dma_wait3A_450 = tpu.memref_slice %arg11[%dma_wait3A_448, %dma_wait3A_449] : memref<10000x128xf32, #tpu.memory_space<vmem_shared>> -> memref<10000x128xf32, #tpu.memory_space<vmem_shared>>
        tpu.wait_indirect_dma semaphore(%arg16 : memref<!tpu.dma_semaphore, #tpu.memory_space<semaphore_mem>>) src(%arg9 : memref<80x128xf32, #tpu.memory_space<vmem>>) dst(%dma_wait3A_450 : memref<10000x128xf32, #tpu.memory_space<vmem_shared>>)
      } else {
      }
      %add3A_430 = arith.constant 2 : i32
      %add3A_431 = arith.addi %add3A_418, %add3A_430 : i32
      %lt3A_432 = arith.constant 125 : i32
      %lt3A_433 = arith.cmpi slt, %add3A_431, %lt3A_432 : i32
      %convert_element_type3A_434 = arith.extui %lt3A_433 : i1 to i32
      %cond3A_435 = arith.constant 0 : i32
      %cond3A_436 = arith.cmpi ne, %convert_element_type3A_434, %cond3A_435 : i32
      scf.if %cond3A_436 {
        %add3A_444 = arith.constant 2 : i32
        %add3A_445 = arith.addi %add3A_418, %add3A_444 : i32
        %mul3A_446 = arith.constant 80 : i32
        %mul3A_447 = arith.muli %add3A_445, %mul3A_446 : i32
        %dma_start3A_448 = tpu.memref_slice %arg6[%mul3A_447] : memref<10000xi32, #tpu.memory_space<vmem>> -> memref<80xi32, #tpu.memory_space<vmem>>
        %dma_start3A_449 = arith.constant 0 : i32
        %dma_start3A_450 = arith.constant 0 : i32
        %dma_start3A_451 = tpu.memref_slice %arg2[%dma_start3A_449, %dma_start3A_450] : memref<20000x128xf32, #tpu.memory_space<hbm>> -> memref<20000x128xf32, #tpu.memory_space<hbm>>
        tpu.enqueue_indirect_dma source(%dma_start3A_451 : memref<20000x128xf32, #tpu.memory_space<hbm>>) target(%arg9 : memref<80x128xf32, #tpu.memory_space<vmem>>) offsets(%dma_start3A_448 : memref<80xi32, #tpu.memory_space<vmem>>) semaphore(%arg13 : memref<!tpu.dma_semaphore, #tpu.memory_space<semaphore_mem>>)
      } else {
      }
      %mul3A_437 = arith.constant 80 : i32
      %mul3A_438 = arith.muli %add3A_418, %mul3A_437 : i32
      %dma_start3A_439 = tpu.memref_slice %arg7[%mul3A_438] : memref<10000xi32, #tpu.memory_space<vmem>> -> memref<80xi32, #tpu.memory_space<vmem>>
      %dma_start3A_440 = arith.constant 0 : i32
      %dma_start3A_441 = arith.constant 0 : i32
      %dma_start3A_442 = tpu.memref_slice %arg11[%dma_start3A_440, %dma_start3A_441] : memref<10000x128xf32, #tpu.memory_space<vmem_shared>> -> memref<10000x128xf32, #tpu.memory_space<vmem_shared>>
      tpu.enqueue_indirect_dma source(%arg10 : memref<80x128xf32, #tpu.memory_space<vmem>>) target(%dma_start3A_442 : memref<10000x128xf32, #tpu.memory_space<vmem_shared>>) offsets(%dma_start3A_439 : memref<80xi32, #tpu.memory_space<vmem>>) semaphore(%arg17 : memref<!tpu.dma_semaphore, #tpu.memory_space<semaphore_mem>>) {add = true}
      %scan3A_443 = arith.constant 0 : i32
      scf.yield %scan3A_443 : i32
    }
    %scan3A_146 = arith.constant 41 : i32
    %dma_wait3A_147 = arith.constant 9840 : i32
    %dma_wait3A_148 = tpu.memref_slice %arg6[%dma_wait3A_147] : memref<10000xi32, #tpu.memory_space<vmem>> -> memref<80xi32, #tpu.memory_space<vmem>>
    %dma_wait3A_149 = arith.constant 0 : i32
    %dma_wait3A_150 = arith.constant 0 : i32
    %dma_wait3A_151 = tpu.memref_slice %arg2[%dma_wait3A_149, %dma_wait3A_150] : memref<20000x128xf32, #tpu.memory_space<hbm>> -> memref<20000x128xf32, #tpu.memory_space<hbm>>
    tpu.wait_indirect_dma semaphore(%arg12 : memref<!tpu.dma_semaphore, #tpu.memory_space<semaphore_mem>>) src(%dma_wait3A_151 : memref<20000x128xf32, #tpu.memory_space<hbm>>) dst(%arg8 : memref<80x128xf32, #tpu.memory_space<vmem>>)
    %dma_wait3A_152 = arith.constant 9760 : i32
    %dma_wait3A_153 = tpu.memref_slice %arg7[%dma_wait3A_152] : memref<10000xi32, #tpu.memory_space<vmem>> -> memref<80xi32, #tpu.memory_space<vmem>>
    %dma_wait3A_154 = arith.constant 0 : i32
    %dma_wait3A_155 = arith.constant 0 : i32
    %dma_wait3A_156 = tpu.memref_slice %arg11[%dma_wait3A_154, %dma_wait3A_155] : memref<10000x128xf32, #tpu.memory_space<vmem_shared>> -> memref<10000x128xf32, #tpu.memory_space<vmem_shared>>
    tpu.wait_indirect_dma semaphore(%arg17 : memref<!tpu.dma_semaphore, #tpu.memory_space<semaphore_mem>>) src(%arg10 : memref<80x128xf32, #tpu.memory_space<vmem>>) dst(%dma_wait3A_156 : memref<10000x128xf32, #tpu.memory_space<vmem_shared>>)
    %dma_start3A_157 = arith.constant 9840 : i32
    %dma_start3A_158 = tpu.memref_slice %arg7[%dma_start3A_157] : memref<10000xi32, #tpu.memory_space<vmem>> -> memref<80xi32, #tpu.memory_space<vmem>>
    %dma_start3A_159 = arith.constant 0 : i32
    %dma_start3A_160 = arith.constant 0 : i32
    %dma_start3A_161 = tpu.memref_slice %arg11[%dma_start3A_159, %dma_start3A_160] : memref<10000x128xf32, #tpu.memory_space<vmem_shared>> -> memref<10000x128xf32, #tpu.memory_space<vmem_shared>>
    tpu.enqueue_indirect_dma source(%arg8 : memref<80x128xf32, #tpu.memory_space<vmem>>) target(%dma_start3A_161 : memref<10000x128xf32, #tpu.memory_space<vmem_shared>>) offsets(%dma_start3A_158 : memref<80xi32, #tpu.memory_space<vmem>>) semaphore(%arg15 : memref<!tpu.dma_semaphore, #tpu.memory_space<semaphore_mem>>) {add = true}
    %dma_wait3A_162 = arith.constant 9920 : i32
    %dma_wait3A_163 = tpu.memref_slice %arg6[%dma_wait3A_162] : memref<10000xi32, #tpu.memory_space<vmem>> -> memref<80xi32, #tpu.memory_space<vmem>>
    %dma_wait3A_164 = arith.constant 0 : i32
    %dma_wait3A_165 = arith.constant 0 : i32
    %dma_wait3A_166 = tpu.memref_slice %arg2[%dma_wait3A_164, %dma_wait3A_165] : memref<20000x128xf32, #tpu.memory_space<hbm>> -> memref<20000x128xf32, #tpu.memory_space<hbm>>
    tpu.wait_indirect_dma semaphore(%arg13 : memref<!tpu.dma_semaphore, #tpu.memory_space<semaphore_mem>>) src(%dma_wait3A_166 : memref<20000x128xf32, #tpu.memory_space<hbm>>) dst(%arg9 : memref<80x128xf32, #tpu.memory_space<vmem>>)
    %dma_wait3A_167 = arith.constant 9840 : i32
    %dma_wait3A_168 = tpu.memref_slice %arg7[%dma_wait3A_167] : memref<10000xi32, #tpu.memory_space<vmem>> -> memref<80xi32, #tpu.memory_space<vmem>>
    %dma_wait3A_169 = arith.constant 0 : i32
    %dma_wait3A_170 = arith.constant 0 : i32
    %dma_wait3A_171 = tpu.memref_slice %arg11[%dma_wait3A_169, %dma_wait3A_170] : memref<10000x128xf32, #tpu.memory_space<vmem_shared>> -> memref<10000x128xf32, #tpu.memory_space<vmem_shared>>
    tpu.wait_indirect_dma semaphore(%arg15 : memref<!tpu.dma_semaphore, #tpu.memory_space<semaphore_mem>>) src(%arg8 : memref<80x128xf32, #tpu.memory_space<vmem>>) dst(%dma_wait3A_171 : memref<10000x128xf32, #tpu.memory_space<vmem_shared>>)
    %dma_start3A_172 = arith.constant 9920 : i32
    %dma_start3A_173 = tpu.memref_slice %arg7[%dma_start3A_172] : memref<10000xi32, #tpu.memory_space<vmem>> -> memref<80xi32, #tpu.memory_space<vmem>>
    %dma_start3A_174 = arith.constant 0 : i32
    %dma_start3A_175 = arith.constant 0 : i32
    %dma_start3A_176 = tpu.memref_slice %arg11[%dma_start3A_174, %dma_start3A_175] : memref<10000x128xf32, #tpu.memory_space<vmem_shared>> -> memref<10000x128xf32, #tpu.memory_space<vmem_shared>>
    tpu.enqueue_indirect_dma source(%arg9 : memref<80x128xf32, #tpu.memory_space<vmem>>) target(%dma_start3A_176 : memref<10000x128xf32, #tpu.memory_space<vmem_shared>>) offsets(%dma_start3A_173 : memref<80xi32, #tpu.memory_space<vmem>>) semaphore(%arg16 : memref<!tpu.dma_semaphore, #tpu.memory_space<semaphore_mem>>) {add = true}
    %dma_wait3A_177 = arith.constant 9920 : i32
    %dma_wait3A_178 = tpu.memref_slice %arg7[%dma_wait3A_177] : memref<10000xi32, #tpu.memory_space<vmem>> -> memref<80xi32, #tpu.memory_space<vmem>>
    %dma_wait3A_179 = arith.constant 0 : i32
    %dma_wait3A_180 = arith.constant 0 : i32
    %dma_wait3A_181 = tpu.memref_slice %arg11[%dma_wait3A_179, %dma_wait3A_180] : memref<10000x128xf32, #tpu.memory_space<vmem_shared>> -> memref<10000x128xf32, #tpu.memory_space<vmem_shared>>
    tpu.wait_indirect_dma semaphore(%arg16 : memref<!tpu.dma_semaphore, #tpu.memory_space<semaphore_mem>>) src(%arg9 : memref<80x128xf32, #tpu.memory_space<vmem>>) dst(%dma_wait3A_181 : memref<10000x128xf32, #tpu.memory_space<vmem_shared>>)
    %add3A_182 = arith.constant 10000 : i32
    %add3A_183 = arith.addi %mul3A_0, %add3A_182 : i32
    "tpu.region"() ({
      %run_scoped3A = tpu.sem_alloc : memref<!tpu.dma_semaphore, #tpu.memory_space<semaphore_mem>>
      %dma_start3A_358 = tpu.memref_slice %arg3[%add3A_183] : memref<320000xi32, #tpu.memory_space<hbm>> -> memref<10000xi32, #tpu.memory_space<hbm>>
      %dma_start3A_359 = tpu.memref_slice %arg3[%add3A_183] : memref<320000xi32, #tpu.memory_space<hbm>> -> memref<10000xi32, #tpu.memory_space<hbm>>
      tpu.enqueue_dma source(%dma_start3A_359 : memref<10000xi32, #tpu.memory_space<hbm>>) target(%arg6 : memref<10000xi32, #tpu.memory_space<vmem>>) target_semaphore(%run_scoped3A : memref<!tpu.dma_semaphore, #tpu.memory_space<semaphore_mem>>)
      %dma_wait3A_360 = tpu.memref_slice %arg3[%add3A_183] : memref<320000xi32, #tpu.memory_space<hbm>> -> memref<10000xi32, #tpu.memory_space<hbm>>
      %dma_wait3A_361 = tpu.memref_slice %arg3[%add3A_183] : memref<320000xi32, #tpu.memory_space<hbm>> -> memref<10000xi32, #tpu.memory_space<hbm>>
      tpu.wait_dma2 semaphore(%run_scoped3A : memref<!tpu.dma_semaphore, #tpu.memory_space<semaphore_mem>>) src(%dma_wait3A_361 : memref<10000xi32, #tpu.memory_space<hbm>>) dst(%arg6 : memref<10000xi32, #tpu.memory_space<vmem>>)
      tpu.yield
    }) : () -> ()
    "tpu.region"() ({
      %run_scoped3A = tpu.sem_alloc : memref<!tpu.dma_semaphore, #tpu.memory_space<semaphore_mem>>
      %dma_start3A_358 = tpu.memref_slice %arg4[%add3A_183] : memref<320000xi32, #tpu.memory_space<hbm>> -> memref<10000xi32, #tpu.memory_space<hbm>>
      %dma_start3A_359 = tpu.memref_slice %arg4[%add3A_183] : memref<320000xi32, #tpu.memory_space<hbm>> -> memref<10000xi32, #tpu.memory_space<hbm>>
      tpu.enqueue_dma source(%dma_start3A_359 : memref<10000xi32, #tpu.memory_space<hbm>>) target(%arg7 : memref<10000xi32, #tpu.memory_space<vmem>>) target_semaphore(%run_scoped3A : memref<!tpu.dma_semaphore, #tpu.memory_space<semaphore_mem>>)
      %dma_wait3A_360 = tpu.memref_slice %arg4[%add3A_183] : memref<320000xi32, #tpu.memory_space<hbm>> -> memref<10000xi32, #tpu.memory_space<hbm>>
      %dma_wait3A_361 = tpu.memref_slice %arg4[%add3A_183] : memref<320000xi32, #tpu.memory_space<hbm>> -> memref<10000xi32, #tpu.memory_space<hbm>>
      tpu.wait_dma2 semaphore(%run_scoped3A : memref<!tpu.dma_semaphore, #tpu.memory_space<semaphore_mem>>) src(%dma_wait3A_361 : memref<10000xi32, #tpu.memory_space<hbm>>) dst(%arg7 : memref<10000xi32, #tpu.memory_space<vmem>>)
      tpu.yield
    }) : () -> ()
    %mul3A_184 = arith.constant 10000 : i32
    %mul3A_185 = arith.muli %arg0, %mul3A_184 : i32
    %scan3A_186 = arith.constant 0 : i32
    %scan3A_187 = arith.constant 0 : i32
    %scan3A_188 = arith.constant 625 : i32
    %scan3A_189 = arith.addi %scan3A_187, %scan3A_188 : i32
    %scan3A_190 = arith.constant 1 : i32
    %scan3A_191 = scf.for %scan3A_358 = %scan3A_187 to %scan3A_189 step %scan3A_190 iter_args(%scan3A_359 = %scan3A_186) -> (i32)  : i32 {
      %mul3A_360 = arith.constant 16 : i32
      %mul3A_361 = arith.muli %scan3A_358, %mul3A_360 : i32
      %get3A = arith.index_cast %mul3A_361 : i32 to index
      %get3A_362 = tpu.vector_load %arg6[%get3A] {strides = array<i32>} : memref<10000xi32, #tpu.memory_space<vmem>>, vector<16xi32>,
      %get3A_363 = vector.shape_cast %get3A_362 : vector<16xi32> to vector<16xi32>
      %add3A_364 = vector.broadcast %mul3A_185 : i32 to vector<16xi32>
      %add3A_365 = arith.addi %get3A_363, %add3A_364 : vector<16xi32>
      %mul3A_366 = arith.constant 16 : i32
      %mul3A_367 = arith.muli %scan3A_358, %mul3A_366 : i32
      %swap3A = arith.index_cast %mul3A_367 : i32 to index
      %swap3A_368 = tpu.vector_load %arg6[%swap3A] {strides = array<i32>} : memref<10000xi32, #tpu.memory_space<vmem>>, vector<16xi32>,
      %swap3A_369 = vector.shape_cast %swap3A_368 : vector<16xi32> to vector<16xi32>
      %swap3A_370 = vector.shape_cast %add3A_365 : vector<16xi32> to vector<16xi32>
      tpu.vector_store %arg6[%swap3A], %swap3A_370 {strides = array<i32>} : memref<10000xi32, #tpu.memory_space<vmem>>, vector<16xi32>,
      %scan3A_371 = arith.constant 0 : i32
      scf.yield %scan3A_371 : i32
    }
    %scan3A_192 = arith.constant 625 : i32
    %dma_start3A_193 = arith.constant 0 : i32
    %dma_start3A_194 = tpu.memref_slice %arg6[%dma_start3A_193] : memref<10000xi32, #tpu.memory_space<vmem>> -> memref<80xi32, #tpu.memory_space<vmem>>
    %dma_start3A_195 = arith.constant 0 : i32
    %dma_start3A_196 = arith.constant 0 : i32
    %dma_start3A_197 = tpu.memref_slice %arg2[%dma_start3A_195, %dma_start3A_196] : memref<20000x128xf32, #tpu.memory_space<hbm>> -> memref<20000x128xf32, #tpu.memory_space<hbm>>
    tpu.enqueue_indirect_dma source(%dma_start3A_197 : memref<20000x128xf32, #tpu.memory_space<hbm>>) target(%arg8 : memref<80x128xf32, #tpu.memory_space<vmem>>) offsets(%dma_start3A_194 : memref<80xi32, #tpu.memory_space<vmem>>) semaphore(%arg12 : memref<!tpu.dma_semaphore, #tpu.memory_space<semaphore_mem>>)
    %dma_start3A_198 = arith.constant 80 : i32
    %dma_start3A_199 = tpu.memref_slice %arg6[%dma_start3A_198] : memref<10000xi32, #tpu.memory_space<vmem>> -> memref<80xi32, #tpu.memory_space<vmem>>
    %dma_start3A_200 = arith.constant 0 : i32
    %dma_start3A_201 = arith.constant 0 : i32
    %dma_start3A_202 = tpu.memref_slice %arg2[%dma_start3A_200, %dma_start3A_201] : memref<20000x128xf32, #tpu.memory_space<hbm>> -> memref<20000x128xf32, #tpu.memory_space<hbm>>
    tpu.enqueue_indirect_dma source(%dma_start3A_202 : memref<20000x128xf32, #tpu.memory_space<hbm>>) target(%arg9 : memref<80x128xf32, #tpu.memory_space<vmem>>) offsets(%dma_start3A_199 : memref<80xi32, #tpu.memory_space<vmem>>) semaphore(%arg13 : memref<!tpu.dma_semaphore, #tpu.memory_space<semaphore_mem>>)
    %scan3A_203 = arith.constant 0 : i32
    %scan3A_204 = arith.constant 0 : i32
    %scan3A_205 = arith.constant 41 : i32
    %scan3A_206 = arith.addi %scan3A_204, %scan3A_205 : i32
    %scan3A_207 = arith.constant 1 : i32
    %scan3A_208 = scf.for %scan3A_358 = %scan3A_204 to %scan3A_206 step %scan3A_207 iter_args(%scan3A_359 = %scan3A_203) -> (i32)  : i32 {
      %mul3A_360 = arith.constant 3 : i32
      %mul3A_361 = arith.muli %mul3A_360, %scan3A_358 : i32
      %add3A_362 = arith.constant 0 : i32
      %add3A_363 = arith.addi %mul3A_361, %add3A_362 : i32
      %mul3A_364 = arith.constant 80 : i32
      %mul3A_365 = arith.muli %add3A_363, %mul3A_364 : i32
      %dma_wait3A_366 = tpu.memref_slice %arg6[%mul3A_365] : memref<10000xi32, #tpu.memory_space<vmem>> -> memref<80xi32, #tpu.memory_space<vmem>>
      %dma_wait3A_367 = arith.constant 0 : i32
      %dma_wait3A_368 = arith.constant 0 : i32
      %dma_wait3A_369 = tpu.memref_slice %arg2[%dma_wait3A_367, %dma_wait3A_368] : memref<20000x128xf32, #tpu.memory_space<hbm>> -> memref<20000x128xf32, #tpu.memory_space<hbm>>
      tpu.wait_indirect_dma semaphore(%arg12 : memref<!tpu.dma_semaphore, #tpu.memory_space<semaphore_mem>>) src(%dma_wait3A_369 : memref<20000x128xf32, #tpu.memory_space<hbm>>) dst(%arg8 : memref<80x128xf32, #tpu.memory_space<vmem>>)
      %gt3A = arith.constant 0 : i32
      %gt3A_370 = arith.cmpi sgt, %add3A_363, %gt3A : i32
      %convert_element_type3A_371 = arith.extui %gt3A_370 : i1 to i32
      %cond3A_372 = arith.constant 0 : i32
      %cond3A_373 = arith.cmpi ne, %convert_element_type3A_371, %cond3A_372 : i32
      scf.if %cond3A_373 {
        %sub3A = arith.constant 1 : i32
        %sub3A_444 = arith.subi %add3A_363, %sub3A : i32
        %mul3A_445 = arith.constant 80 : i32
        %mul3A_446 = arith.muli %sub3A_444, %mul3A_445 : i32
        %dma_wait3A_447 = tpu.memref_slice %arg7[%mul3A_446] : memref<10000xi32, #tpu.memory_space<vmem>> -> memref<80xi32, #tpu.memory_space<vmem>>
        %dma_wait3A_448 = arith.constant 0 : i32
        %dma_wait3A_449 = arith.constant 0 : i32
        %dma_wait3A_450 = tpu.memref_slice %arg11[%dma_wait3A_448, %dma_wait3A_449] : memref<10000x128xf32, #tpu.memory_space<vmem_shared>> -> memref<10000x128xf32, #tpu.memory_space<vmem_shared>>
        tpu.wait_indirect_dma semaphore(%arg17 : memref<!tpu.dma_semaphore, #tpu.memory_space<semaphore_mem>>) src(%arg10 : memref<80x128xf32, #tpu.memory_space<vmem>>) dst(%dma_wait3A_450 : memref<10000x128xf32, #tpu.memory_space<vmem_shared>>)
      } else {
      }
      %add3A_374 = arith.constant 2 : i32
      %add3A_375 = arith.addi %add3A_363, %add3A_374 : i32
      %lt3A_376 = arith.constant 125 : i32
      %lt3A_377 = arith.cmpi slt, %add3A_375, %lt3A_376 : i32
      %convert_element_type3A_378 = arith.extui %lt3A_377 : i1 to i32
      %cond3A_379 = arith.constant 0 : i32
      %cond3A_380 = arith.cmpi ne, %convert_element_type3A_378, %cond3A_379 : i32
      scf.if %cond3A_380 {
        %add3A_444 = arith.constant 2 : i32
        %add3A_445 = arith.addi %add3A_363, %add3A_444 : i32
        %mul3A_446 = arith.constant 80 : i32
        %mul3A_447 = arith.muli %add3A_445, %mul3A_446 : i32
        %dma_start3A_448 = tpu.memref_slice %arg6[%mul3A_447] : memref<10000xi32, #tpu.memory_space<vmem>> -> memref<80xi32, #tpu.memory_space<vmem>>
        %dma_start3A_449 = arith.constant 0 : i32
        %dma_start3A_450 = arith.constant 0 : i32
        %dma_start3A_451 = tpu.memref_slice %arg2[%dma_start3A_449, %dma_start3A_450] : memref<20000x128xf32, #tpu.memory_space<hbm>> -> memref<20000x128xf32, #tpu.memory_space<hbm>>
        tpu.enqueue_indirect_dma source(%dma_start3A_451 : memref<20000x128xf32, #tpu.memory_space<hbm>>) target(%arg10 : memref<80x128xf32, #tpu.memory_space<vmem>>) offsets(%dma_start3A_448 : memref<80xi32, #tpu.memory_space<vmem>>) semaphore(%arg14 : memref<!tpu.dma_semaphore, #tpu.memory_space<semaphore_mem>>)
      } else {
      }
      %mul3A_381 = arith.constant 80 : i32
      %mul3A_382 = arith.muli %add3A_363, %mul3A_381 : i32
      %dma_start3A_383 = tpu.memref_slice %arg7[%mul3A_382] : memref<10000xi32, #tpu.memory_space<vmem>> -> memref<80xi32, #tpu.memory_space<vmem>>
      %dma_start3A_384 = arith.constant 0 : i32
      %dma_start3A_385 = arith.constant 0 : i32
      %dma_start3A_386 = tpu.memref_slice %arg11[%dma_start3A_384, %dma_start3A_385] : memref<10000x128xf32, #tpu.memory_space<vmem_shared>> -> memref<10000x128xf32, #tpu.memory_space<vmem_shared>>
      tpu.enqueue_indirect_dma source(%arg8 : memref<80x128xf32, #tpu.memory_space<vmem>>) target(%dma_start3A_386 : memref<10000x128xf32, #tpu.memory_space<vmem_shared>>) offsets(%dma_start3A_383 : memref<80xi32, #tpu.memory_space<vmem>>) semaphore(%arg15 : memref<!tpu.dma_semaphore, #tpu.memory_space<semaphore_mem>>) {add = true}
      %mul3A_387 = arith.constant 3 : i32
      %mul3A_388 = arith.muli %mul3A_387, %scan3A_358 : i32
      %add3A_389 = arith.constant 1 : i32
      %add3A_390 = arith.addi %mul3A_388, %add3A_389 : i32
      %mul3A_391 = arith.constant 80 : i32
      %mul3A_392 = arith.muli %add3A_390, %mul3A_391 : i32
      %dma_wait3A_393 = tpu.memref_slice %arg6[%mul3A_392] : memref<10000xi32, #tpu.memory_space<vmem>> -> memref<80xi32, #tpu.memory_space<vmem>>
      %dma_wait3A_394 = arith.constant 0 : i32
      %dma_wait3A_395 = arith.constant 0 : i32
      %dma_wait3A_396 = tpu.memref_slice %arg2[%dma_wait3A_394, %dma_wait3A_395] : memref<20000x128xf32, #tpu.memory_space<hbm>> -> memref<20000x128xf32, #tpu.memory_space<hbm>>
      tpu.wait_indirect_dma semaphore(%arg13 : memref<!tpu.dma_semaphore, #tpu.memory_space<semaphore_mem>>) src(%dma_wait3A_396 : memref<20000x128xf32, #tpu.memory_space<hbm>>) dst(%arg9 : memref<80x128xf32, #tpu.memory_space<vmem>>)
      %gt3A_397 = arith.constant 0 : i32
      %gt3A_398 = arith.cmpi sgt, %add3A_390, %gt3A_397 : i32
      %convert_element_type3A_399 = arith.extui %gt3A_398 : i1 to i32
      %cond3A_400 = arith.constant 0 : i32
      %cond3A_401 = arith.cmpi ne, %convert_element_type3A_399, %cond3A_400 : i32
      scf.if %cond3A_401 {
        %sub3A = arith.constant 1 : i32
        %sub3A_444 = arith.subi %add3A_390, %sub3A : i32
        %mul3A_445 = arith.constant 80 : i32
        %mul3A_446 = arith.muli %sub3A_444, %mul3A_445 : i32
        %dma_wait3A_447 = tpu.memref_slice %arg7[%mul3A_446] : memref<10000xi32, #tpu.memory_space<vmem>> -> memref<80xi32, #tpu.memory_space<vmem>>
        %dma_wait3A_448 = arith.constant 0 : i32
        %dma_wait3A_449 = arith.constant 0 : i32
        %dma_wait3A_450 = tpu.memref_slice %arg11[%dma_wait3A_448, %dma_wait3A_449] : memref<10000x128xf32, #tpu.memory_space<vmem_shared>> -> memref<10000x128xf32, #tpu.memory_space<vmem_shared>>
        tpu.wait_indirect_dma semaphore(%arg15 : memref<!tpu.dma_semaphore, #tpu.memory_space<semaphore_mem>>) src(%arg8 : memref<80x128xf32, #tpu.memory_space<vmem>>) dst(%dma_wait3A_450 : memref<10000x128xf32, #tpu.memory_space<vmem_shared>>)
      } else {
      }
      %add3A_402 = arith.constant 2 : i32
      %add3A_403 = arith.addi %add3A_390, %add3A_402 : i32
      %lt3A_404 = arith.constant 125 : i32
      %lt3A_405 = arith.cmpi slt, %add3A_403, %lt3A_404 : i32
      %convert_element_type3A_406 = arith.extui %lt3A_405 : i1 to i32
      %cond3A_407 = arith.constant 0 : i32
      %cond3A_408 = arith.cmpi ne, %convert_element_type3A_406, %cond3A_407 : i32
      scf.if %cond3A_408 {
        %add3A_444 = arith.constant 2 : i32
        %add3A_445 = arith.addi %add3A_390, %add3A_444 : i32
        %mul3A_446 = arith.constant 80 : i32
        %mul3A_447 = arith.muli %add3A_445, %mul3A_446 : i32
        %dma_start3A_448 = tpu.memref_slice %arg6[%mul3A_447] : memref<10000xi32, #tpu.memory_space<vmem>> -> memref<80xi32, #tpu.memory_space<vmem>>
        %dma_start3A_449 = arith.constant 0 : i32
        %dma_start3A_450 = arith.constant 0 : i32
        %dma_start3A_451 = tpu.memref_slice %arg2[%dma_start3A_449, %dma_start3A_450] : memref<20000x128xf32, #tpu.memory_space<hbm>> -> memref<20000x128xf32, #tpu.memory_space<hbm>>
        tpu.enqueue_indirect_dma source(%dma_start3A_451 : memref<20000x128xf32, #tpu.memory_space<hbm>>) target(%arg8 : memref<80x128xf32, #tpu.memory_space<vmem>>) offsets(%dma_start3A_448 : memref<80xi32, #tpu.memory_space<vmem>>) semaphore(%arg12 : memref<!tpu.dma_semaphore, #tpu.memory_space<semaphore_mem>>)
      } else {
      }
      %mul3A_409 = arith.constant 80 : i32
      %mul3A_410 = arith.muli %add3A_390, %mul3A_409 : i32
      %dma_start3A_411 = tpu.memref_slice %arg7[%mul3A_410] : memref<10000xi32, #tpu.memory_space<vmem>> -> memref<80xi32, #tpu.memory_space<vmem>>
      %dma_start3A_412 = arith.constant 0 : i32
      %dma_start3A_413 = arith.constant 0 : i32
      %dma_start3A_414 = tpu.memref_slice %arg11[%dma_start3A_412, %dma_start3A_413] : memref<10000x128xf32, #tpu.memory_space<vmem_shared>> -> memref<10000x128xf32, #tpu.memory_space<vmem_shared>>
      tpu.enqueue_indirect_dma source(%arg9 : memref<80x128xf32, #tpu.memory_space<vmem>>) target(%dma_start3A_414 : memref<10000x128xf32, #tpu.memory_space<vmem_shared>>) offsets(%dma_start3A_411 : memref<80xi32, #tpu.memory_space<vmem>>) semaphore(%arg16 : memref<!tpu.dma_semaphore, #tpu.memory_space<semaphore_mem>>) {add = true}
      %mul3A_415 = arith.constant 3 : i32
      %mul3A_416 = arith.muli %mul3A_415, %scan3A_358 : i32
      %add3A_417 = arith.constant 2 : i32
      %add3A_418 = arith.addi %mul3A_416, %add3A_417 : i32
      %mul3A_419 = arith.constant 80 : i32
      %mul3A_420 = arith.muli %add3A_418, %mul3A_419 : i32
      %dma_wait3A_421 = tpu.memref_slice %arg6[%mul3A_420] : memref<10000xi32, #tpu.memory_space<vmem>> -> memref<80xi32, #tpu.memory_space<vmem>>
      %dma_wait3A_422 = arith.constant 0 : i32
      %dma_wait3A_423 = arith.constant 0 : i32
      %dma_wait3A_424 = tpu.memref_slice %arg2[%dma_wait3A_422, %dma_wait3A_423] : memref<20000x128xf32, #tpu.memory_space<hbm>> -> memref<20000x128xf32, #tpu.memory_space<hbm>>
      tpu.wait_indirect_dma semaphore(%arg14 : memref<!tpu.dma_semaphore, #tpu.memory_space<semaphore_mem>>) src(%dma_wait3A_424 : memref<20000x128xf32, #tpu.memory_space<hbm>>) dst(%arg10 : memref<80x128xf32, #tpu.memory_space<vmem>>)
      %gt3A_425 = arith.constant 0 : i32
      %gt3A_426 = arith.cmpi sgt, %add3A_418, %gt3A_425 : i32
      %convert_element_type3A_427 = arith.extui %gt3A_426 : i1 to i32
      %cond3A_428 = arith.constant 0 : i32
      %cond3A_429 = arith.cmpi ne, %convert_element_type3A_427, %cond3A_428 : i32
      scf.if %cond3A_429 {
        %sub3A = arith.constant 1 : i32
        %sub3A_444 = arith.subi %add3A_418, %sub3A : i32
        %mul3A_445 = arith.constant 80 : i32
        %mul3A_446 = arith.muli %sub3A_444, %mul3A_445 : i32
        %dma_wait3A_447 = tpu.memref_slice %arg7[%mul3A_446] : memref<10000xi32, #tpu.memory_space<vmem>> -> memref<80xi32, #tpu.memory_space<vmem>>
        %dma_wait3A_448 = arith.constant 0 : i32
        %dma_wait3A_449 = arith.constant 0 : i32
        %dma_wait3A_450 = tpu.memref_slice %arg11[%dma_wait3A_448, %dma_wait3A_449] : memref<10000x128xf32, #tpu.memory_space<vmem_shared>> -> memref<10000x128xf32, #tpu.memory_space<vmem_shared>>
        tpu.wait_indirect_dma semaphore(%arg16 : memref<!tpu.dma_semaphore, #tpu.memory_space<semaphore_mem>>) src(%arg9 : memref<80x128xf32, #tpu.memory_space<vmem>>) dst(%dma_wait3A_450 : memref<10000x128xf32, #tpu.memory_space<vmem_shared>>)
      } else {
      }
      %add3A_430 = arith.constant 2 : i32
      %add3A_431 = arith.addi %add3A_418, %add3A_430 : i32
      %lt3A_432 = arith.constant 125 : i32
      %lt3A_433 = arith.cmpi slt, %add3A_431, %lt3A_432 : i32
      %convert_element_type3A_434 = arith.extui %lt3A_433 : i1 to i32
      %cond3A_435 = arith.constant 0 : i32
      %cond3A_436 = arith.cmpi ne, %convert_element_type3A_434, %cond3A_435 : i32
      scf.if %cond3A_436 {
        %add3A_444 = arith.constant 2 : i32
        %add3A_445 = arith.addi %add3A_418, %add3A_444 : i32
        %mul3A_446 = arith.constant 80 : i32
        %mul3A_447 = arith.muli %add3A_445, %mul3A_446 : i32
        %dma_start3A_448 = tpu.memref_slice %arg6[%mul3A_447] : memref<10000xi32, #tpu.memory_space<vmem>> -> memref<80xi32, #tpu.memory_space<vmem>>
        %dma_start3A_449 = arith.constant 0 : i32
        %dma_start3A_450 = arith.constant 0 : i32
        %dma_start3A_451 = tpu.memref_slice %arg2[%dma_start3A_449, %dma_start3A_450] : memref<20000x128xf32, #tpu.memory_space<hbm>> -> memref<20000x128xf32, #tpu.memory_space<hbm>>
        tpu.enqueue_indirect_dma source(%dma_start3A_451 : memref<20000x128xf32, #tpu.memory_space<hbm>>) target(%arg9 : memref<80x128xf32, #tpu.memory_space<vmem>>) offsets(%dma_start3A_448 : memref<80xi32, #tpu.memory_space<vmem>>) semaphore(%arg13 : memref<!tpu.dma_semaphore, #tpu.memory_space<semaphore_mem>>)
      } else {
      }
      %mul3A_437 = arith.constant 80 : i32
      %mul3A_438 = arith.muli %add3A_418, %mul3A_437 : i32
      %dma_start3A_439 = tpu.memref_slice %arg7[%mul3A_438] : memref<10000xi32, #tpu.memory_space<vmem>> -> memref<80xi32, #tpu.memory_space<vmem>>
      %dma_start3A_440 = arith.constant 0 : i32
      %dma_start3A_441 = arith.constant 0 : i32
      %dma_start3A_442 = tpu.memref_slice %arg11[%dma_start3A_440, %dma_start3A_441] : memref<10000x128xf32, #tpu.memory_space<vmem_shared>> -> memref<10000x128xf32, #tpu.memory_space<vmem_shared>>
      tpu.enqueue_indirect_dma source(%arg10 : memref<80x128xf32, #tpu.memory_space<vmem>>) target(%dma_start3A_442 : memref<10000x128xf32, #tpu.memory_space<vmem_shared>>) offsets(%dma_start3A_439 : memref<80xi32, #tpu.memory_space<vmem>>) semaphore(%arg17 : memref<!tpu.dma_semaphore, #tpu.memory_space<semaphore_mem>>) {add = true}
      %scan3A_443 = arith.constant 0 : i32
      scf.yield %scan3A_443 : i32
    }
    %scan3A_209 = arith.constant 41 : i32
    %dma_wait3A_210 = arith.constant 9840 : i32
    %dma_wait3A_211 = tpu.memref_slice %arg6[%dma_wait3A_210] : memref<10000xi32, #tpu.memory_space<vmem>> -> memref<80xi32, #tpu.memory_space<vmem>>
    %dma_wait3A_212 = arith.constant 0 : i32
    %dma_wait3A_213 = arith.constant 0 : i32
    %dma_wait3A_214 = tpu.memref_slice %arg2[%dma_wait3A_212, %dma_wait3A_213] : memref<20000x128xf32, #tpu.memory_space<hbm>> -> memref<20000x128xf32, #tpu.memory_space<hbm>>
    tpu.wait_indirect_dma semaphore(%arg12 : memref<!tpu.dma_semaphore, #tpu.memory_space<semaphore_mem>>) src(%dma_wait3A_214 : memref<20000x128xf32, #tpu.memory_space<hbm>>) dst(%arg8 : memref<80x128xf32, #tpu.memory_space<vmem>>)
    %dma_wait3A_215 = arith.constant 9760 : i32
    %dma_wait3A_216 = tpu.memref_slice %arg7[%dma_wait3A_215] : memref<10000xi32, #tpu.memory_space<vmem>> -> memref<80xi32, #tpu.memory_space<vmem>>
    %dma_wait3A_217 = arith.constant 0 : i32
    %dma_wait3A_218 = arith.constant 0 : i32
    %dma_wait3A_219 = tpu.memref_slice %arg11[%dma_wait3A_217, %dma_wait3A_218] : memref<10000x128xf32, #tpu.memory_space<vmem_shared>> -> memref<10000x128xf32, #tpu.memory_space<vmem_shared>>
    tpu.wait_indirect_dma semaphore(%arg17 : memref<!tpu.dma_semaphore, #tpu.memory_space<semaphore_mem>>) src(%arg10 : memref<80x128xf32, #tpu.memory_space<vmem>>) dst(%dma_wait3A_219 : memref<10000x128xf32, #tpu.memory_space<vmem_shared>>)
    %dma_start3A_220 = arith.constant 9840 : i32
    %dma_start3A_221 = tpu.memref_slice %arg7[%dma_start3A_220] : memref<10000xi32, #tpu.memory_space<vmem>> -> memref<80xi32, #tpu.memory_space<vmem>>
    %dma_start3A_222 = arith.constant 0 : i32
    %dma_start3A_223 = arith.constant 0 : i32
    %dma_start3A_224 = tpu.memref_slice %arg11[%dma_start3A_222, %dma_start3A_223] : memref<10000x128xf32, #tpu.memory_space<vmem_shared>> -> memref<10000x128xf32, #tpu.memory_space<vmem_shared>>
    tpu.enqueue_indirect_dma source(%arg8 : memref<80x128xf32, #tpu.memory_space<vmem>>) target(%dma_start3A_224 : memref<10000x128xf32, #tpu.memory_space<vmem_shared>>) offsets(%dma_start3A_221 : memref<80xi32, #tpu.memory_space<vmem>>) semaphore(%arg15 : memref<!tpu.dma_semaphore, #tpu.memory_space<semaphore_mem>>) {add = true}
    %dma_wait3A_225 = arith.constant 9920 : i32
    %dma_wait3A_226 = tpu.memref_slice %arg6[%dma_wait3A_225] : memref<10000xi32, #tpu.memory_space<vmem>> -> memref<80xi32, #tpu.memory_space<vmem>>
    %dma_wait3A_227 = arith.constant 0 : i32
    %dma_wait3A_228 = arith.constant 0 : i32
    %dma_wait3A_229 = tpu.memref_slice %arg2[%dma_wait3A_227, %dma_wait3A_228] : memref<20000x128xf32, #tpu.memory_space<hbm>> -> memref<20000x128xf32, #tpu.memory_space<hbm>>
    tpu.wait_indirect_dma semaphore(%arg13 : memref<!tpu.dma_semaphore, #tpu.memory_space<semaphore_mem>>) src(%dma_wait3A_229 : memref<20000x128xf32, #tpu.memory_space<hbm>>) dst(%arg9 : memref<80x128xf32, #tpu.memory_space<vmem>>)
    %dma_wait3A_230 = arith.constant 9840 : i32
    %dma_wait3A_231 = tpu.memref_slice %arg7[%dma_wait3A_230] : memref<10000xi32, #tpu.memory_space<vmem>> -> memref<80xi32, #tpu.memory_space<vmem>>
    %dma_wait3A_232 = arith.constant 0 : i32
    %dma_wait3A_233 = arith.constant 0 : i32
    %dma_wait3A_234 = tpu.memref_slice %arg11[%dma_wait3A_232, %dma_wait3A_233] : memref<10000x128xf32, #tpu.memory_space<vmem_shared>> -> memref<10000x128xf32, #tpu.memory_space<vmem_shared>>
    tpu.wait_indirect_dma semaphore(%arg15 : memref<!tpu.dma_semaphore, #tpu.memory_space<semaphore_mem>>) src(%arg8 : memref<80x128xf32, #tpu.memory_space<vmem>>) dst(%dma_wait3A_234 : memref<10000x128xf32, #tpu.memory_space<vmem_shared>>)
    %dma_start3A_235 = arith.constant 9920 : i32
    %dma_start3A_236 = tpu.memref_slice %arg7[%dma_start3A_235] : memref<10000xi32, #tpu.memory_space<vmem>> -> memref<80xi32, #tpu.memory_space<vmem>>
    %dma_start3A_237 = arith.constant 0 : i32
    %dma_start3A_238 = arith.constant 0 : i32
    %dma_start3A_239 = tpu.memref_slice %arg11[%dma_start3A_237, %dma_start3A_238] : memref<10000x128xf32, #tpu.memory_space<vmem_shared>> -> memref<10000x128xf32, #tpu.memory_space<vmem_shared>>
    tpu.enqueue_indirect_dma source(%arg9 : memref<80x128xf32, #tpu.memory_space<vmem>>) target(%dma_start3A_239 : memref<10000x128xf32, #tpu.memory_space<vmem_shared>>) offsets(%dma_start3A_236 : memref<80xi32, #tpu.memory_space<vmem>>) semaphore(%arg16 : memref<!tpu.dma_semaphore, #tpu.memory_space<semaphore_mem>>) {add = true}
    %dma_wait3A_240 = arith.constant 9920 : i32
    %dma_wait3A_241 = tpu.memref_slice %arg7[%dma_wait3A_240] : memref<10000xi32, #tpu.memory_space<vmem>> -> memref<80xi32, #tpu.memory_space<vmem>>
    %dma_wait3A_242 = arith.constant 0 : i32
    %dma_wait3A_243 = arith.constant 0 : i32
    %dma_wait3A_244 = tpu.memref_slice %arg11[%dma_wait3A_242, %dma_wait3A_243] : memref<10000x128xf32, #tpu.memory_space<vmem_shared>> -> memref<10000x128xf32, #tpu.memory_space<vmem_shared>>
    tpu.wait_indirect_dma semaphore(%arg16 : memref<!tpu.dma_semaphore, #tpu.memory_space<semaphore_mem>>) src(%arg9 : memref<80x128xf32, #tpu.memory_space<vmem>>) dst(%dma_wait3A_244 : memref<10000x128xf32, #tpu.memory_space<vmem_shared>>)
    %barrier3A_245 = arith.constant 0 : index
    tpu.barrier barrier_id(%barrier3A_245)
    %add3A_246 = arith.constant 0 : i32
    %add3A_247 = arith.addi %add3A_246, %arg1 : i32
    %lt3A_248 = arith.constant 125 : i32
    %lt3A_249 = arith.cmpi slt, %add3A_247, %lt3A_248 : i32
    %convert_element_type3A_250 = arith.extui %lt3A_249 : i1 to i32
    %cond3A_251 = arith.constant 0 : i32
    %cond3A_252 = arith.cmpi ne, %convert_element_type3A_250, %cond3A_251 : i32
    scf.if %cond3A_252 {
      %mul3A_358 = arith.constant 80 : i32
      %mul3A_359 = arith.muli %add3A_247, %mul3A_358 : i32
      %dma_start3A_360 = arith.constant 0 : i32
      %dma_start3A_361 = tpu.memref_slice %arg5[%arg0, %mul3A_359, %dma_start3A_360] : memref<2x10000x128xf32, #tpu.memory_space<hbm>> -> memref<1x80x128xf32, #tpu.memory_space<hbm>>
      %dma_start3A_362 = tpu.memref_squeeze %dma_start3A_361 : memref<1x80x128xf32, #tpu.memory_space<hbm>> -> memref<80x128xf32, #tpu.memory_space<hbm>>
      %dma_start3A_363 = arith.constant 0 : i32
      %dma_start3A_364 = tpu.memref_slice %arg11[%mul3A_359, %dma_start3A_363] : memref<10000x128xf32, #tpu.memory_space<vmem_shared>> -> memref<80x128xf32, #tpu.memory_space<vmem_shared>>
      tpu.enqueue_dma source(%dma_start3A_364 : memref<80x128xf32, #tpu.memory_space<vmem_shared>>) target(%dma_start3A_362 : memref<80x128xf32, #tpu.memory_space<hbm>>) target_semaphore(%arg18 : memref<!tpu.dma_semaphore, #tpu.memory_space<semaphore_mem>>)
    } else {
    }
    %add3A_253 = arith.constant 16 : i32
    %add3A_254 = arith.addi %add3A_253, %arg1 : i32
    %lt3A_255 = arith.constant 125 : i32
    %lt3A_256 = arith.cmpi slt, %add3A_254, %lt3A_255 : i32
    %convert_element_type3A_257 = arith.extui %lt3A_256 : i1 to i32
    %cond3A_258 = arith.constant 0 : i32
    %cond3A_259 = arith.cmpi ne, %convert_element_type3A_257, %cond3A_258 : i32
    scf.if %cond3A_259 {
      %mul3A_358 = arith.constant 80 : i32
      %mul3A_359 = arith.muli %add3A_254, %mul3A_358 : i32
      %dma_start3A_360 = arith.constant 0 : i32
      %dma_start3A_361 = tpu.memref_slice %arg5[%arg0, %mul3A_359, %dma_start3A_360] : memref<2x10000x128xf32, #tpu.memory_space<hbm>> -> memref<1x80x128xf32, #tpu.memory_space<hbm>>
      %dma_start3A_362 = tpu.memref_squeeze %dma_start3A_361 : memref<1x80x128xf32, #tpu.memory_space<hbm>> -> memref<80x128xf32, #tpu.memory_space<hbm>>
      %dma_start3A_363 = arith.constant 0 : i32
      %dma_start3A_364 = tpu.memref_slice %arg11[%mul3A_359, %dma_start3A_363] : memref<10000x128xf32, #tpu.memory_space<vmem_shared>> -> memref<80x128xf32, #tpu.memory_space<vmem_shared>>
      tpu.enqueue_dma source(%dma_start3A_364 : memref<80x128xf32, #tpu.memory_space<vmem_shared>>) target(%dma_start3A_362 : memref<80x128xf32, #tpu.memory_space<hbm>>) target_semaphore(%arg18 : memref<!tpu.dma_semaphore, #tpu.memory_space<semaphore_mem>>)
    } else {
    }
    %add3A_260 = arith.constant 32 : i32
    %add3A_261 = arith.addi %add3A_260, %arg1 : i32
    %lt3A_262 = arith.constant 125 : i32
    %lt3A_263 = arith.cmpi slt, %add3A_261, %lt3A_262 : i32
    %convert_element_type3A_264 = arith.extui %lt3A_263 : i1 to i32
    %cond3A_265 = arith.constant 0 : i32
    %cond3A_266 = arith.cmpi ne, %convert_element_type3A_264, %cond3A_265 : i32
    scf.if %cond3A_266 {
      %mul3A_358 = arith.constant 80 : i32
      %mul3A_359 = arith.muli %add3A_261, %mul3A_358 : i32
      %dma_start3A_360 = arith.constant 0 : i32
      %dma_start3A_361 = tpu.memref_slice %arg5[%arg0, %mul3A_359, %dma_start3A_360] : memref<2x10000x128xf32, #tpu.memory_space<hbm>> -> memref<1x80x128xf32, #tpu.memory_space<hbm>>
      %dma_start3A_362 = tpu.memref_squeeze %dma_start3A_361 : memref<1x80x128xf32, #tpu.memory_space<hbm>> -> memref<80x128xf32, #tpu.memory_space<hbm>>
      %dma_start3A_363 = arith.constant 0 : i32
      %dma_start3A_364 = tpu.memref_slice %arg11[%mul3A_359, %dma_start3A_363] : memref<10000x128xf32, #tpu.memory_space<vmem_shared>> -> memref<80x128xf32, #tpu.memory_space<vmem_shared>>
      tpu.enqueue_dma source(%dma_start3A_364 : memref<80x128xf32, #tpu.memory_space<vmem_shared>>) target(%dma_start3A_362 : memref<80x128xf32, #tpu.memory_space<hbm>>) target_semaphore(%arg18 : memref<!tpu.dma_semaphore, #tpu.memory_space<semaphore_mem>>)
    } else {
    }
    %add3A_267 = arith.constant 48 : i32
    %add3A_268 = arith.addi %add3A_267, %arg1 : i32
    %lt3A_269 = arith.constant 125 : i32
    %lt3A_270 = arith.cmpi slt, %add3A_268, %lt3A_269 : i32
    %convert_element_type3A_271 = arith.extui %lt3A_270 : i1 to i32
    %cond3A_272 = arith.constant 0 : i32
    %cond3A_273 = arith.cmpi ne, %convert_element_type3A_271, %cond3A_272 : i32
    scf.if %cond3A_273 {
      %mul3A_358 = arith.constant 80 : i32
      %mul3A_359 = arith.muli %add3A_268, %mul3A_358 : i32
      %dma_start3A_360 = arith.constant 0 : i32
      %dma_start3A_361 = tpu.memref_slice %arg5[%arg0, %mul3A_359, %dma_start3A_360] : memref<2x10000x128xf32, #tpu.memory_space<hbm>> -> memref<1x80x128xf32, #tpu.memory_space<hbm>>
      %dma_start3A_362 = tpu.memref_squeeze %dma_start3A_361 : memref<1x80x128xf32, #tpu.memory_space<hbm>> -> memref<80x128xf32, #tpu.memory_space<hbm>>
      %dma_start3A_363 = arith.constant 0 : i32
      %dma_start3A_364 = tpu.memref_slice %arg11[%mul3A_359, %dma_start3A_363] : memref<10000x128xf32, #tpu.memory_space<vmem_shared>> -> memref<80x128xf32, #tpu.memory_space<vmem_shared>>
      tpu.enqueue_dma source(%dma_start3A_364 : memref<80x128xf32, #tpu.memory_space<vmem_shared>>) target(%dma_start3A_362 : memref<80x128xf32, #tpu.memory_space<hbm>>) target_semaphore(%arg18 : memref<!tpu.dma_semaphore, #tpu.memory_space<semaphore_mem>>)
    } else {
    }
    %add3A_274 = arith.constant 64 : i32
    %add3A_275 = arith.addi %add3A_274, %arg1 : i32
    %lt3A_276 = arith.constant 125 : i32
    %lt3A_277 = arith.cmpi slt, %add3A_275, %lt3A_276 : i32
    %convert_element_type3A_278 = arith.extui %lt3A_277 : i1 to i32
    %cond3A_279 = arith.constant 0 : i32
    %cond3A_280 = arith.cmpi ne, %convert_element_type3A_278, %cond3A_279 : i32
    scf.if %cond3A_280 {
      %mul3A_358 = arith.constant 80 : i32
      %mul3A_359 = arith.muli %add3A_275, %mul3A_358 : i32
      %dma_start3A_360 = arith.constant 0 : i32
      %dma_start3A_361 = tpu.memref_slice %arg5[%arg0, %mul3A_359, %dma_start3A_360] : memref<2x10000x128xf32, #tpu.memory_space<hbm>> -> memref<1x80x128xf32, #tpu.memory_space<hbm>>
      %dma_start3A_362 = tpu.memref_squeeze %dma_start3A_361 : memref<1x80x128xf32, #tpu.memory_space<hbm>> -> memref<80x128xf32, #tpu.memory_space<hbm>>
      %dma_start3A_363 = arith.constant 0 : i32
      %dma_start3A_364 = tpu.memref_slice %arg11[%mul3A_359, %dma_start3A_363] : memref<10000x128xf32, #tpu.memory_space<vmem_shared>> -> memref<80x128xf32, #tpu.memory_space<vmem_shared>>
      tpu.enqueue_dma source(%dma_start3A_364 : memref<80x128xf32, #tpu.memory_space<vmem_shared>>) target(%dma_start3A_362 : memref<80x128xf32, #tpu.memory_space<hbm>>) target_semaphore(%arg18 : memref<!tpu.dma_semaphore, #tpu.memory_space<semaphore_mem>>)
    } else {
    }
    %add3A_281 = arith.constant 80 : i32
    %add3A_282 = arith.addi %add3A_281, %arg1 : i32
    %lt3A_283 = arith.constant 125 : i32
    %lt3A_284 = arith.cmpi slt, %add3A_282, %lt3A_283 : i32
    %convert_element_type3A_285 = arith.extui %lt3A_284 : i1 to i32
    %cond3A_286 = arith.constant 0 : i32
    %cond3A_287 = arith.cmpi ne, %convert_element_type3A_285, %cond3A_286 : i32
    scf.if %cond3A_287 {
      %mul3A_358 = arith.constant 80 : i32
      %mul3A_359 = arith.muli %add3A_282, %mul3A_358 : i32
      %dma_start3A_360 = arith.constant 0 : i32
      %dma_start3A_361 = tpu.memref_slice %arg5[%arg0, %mul3A_359, %dma_start3A_360] : memref<2x10000x128xf32, #tpu.memory_space<hbm>> -> memref<1x80x128xf32, #tpu.memory_space<hbm>>
      %dma_start3A_362 = tpu.memref_squeeze %dma_start3A_361 : memref<1x80x128xf32, #tpu.memory_space<hbm>> -> memref<80x128xf32, #tpu.memory_space<hbm>>
      %dma_start3A_363 = arith.constant 0 : i32
      %dma_start3A_364 = tpu.memref_slice %arg11[%mul3A_359, %dma_start3A_363] : memref<10000x128xf32, #tpu.memory_space<vmem_shared>> -> memref<80x128xf32, #tpu.memory_space<vmem_shared>>
      tpu.enqueue_dma source(%dma_start3A_364 : memref<80x128xf32, #tpu.memory_space<vmem_shared>>) target(%dma_start3A_362 : memref<80x128xf32, #tpu.memory_space<hbm>>) target_semaphore(%arg18 : memref<!tpu.dma_semaphore, #tpu.memory_space<semaphore_mem>>)
    } else {
    }
    %add3A_288 = arith.constant 96 : i32
    %add3A_289 = arith.addi %add3A_288, %arg1 : i32
    %lt3A_290 = arith.constant 125 : i32
    %lt3A_291 = arith.cmpi slt, %add3A_289, %lt3A_290 : i32
    %convert_element_type3A_292 = arith.extui %lt3A_291 : i1 to i32
    %cond3A_293 = arith.constant 0 : i32
    %cond3A_294 = arith.cmpi ne, %convert_element_type3A_292, %cond3A_293 : i32
    scf.if %cond3A_294 {
      %mul3A_358 = arith.constant 80 : i32
      %mul3A_359 = arith.muli %add3A_289, %mul3A_358 : i32
      %dma_start3A_360 = arith.constant 0 : i32
      %dma_start3A_361 = tpu.memref_slice %arg5[%arg0, %mul3A_359, %dma_start3A_360] : memref<2x10000x128xf32, #tpu.memory_space<hbm>> -> memref<1x80x128xf32, #tpu.memory_space<hbm>>
      %dma_start3A_362 = tpu.memref_squeeze %dma_start3A_361 : memref<1x80x128xf32, #tpu.memory_space<hbm>> -> memref<80x128xf32, #tpu.memory_space<hbm>>
      %dma_start3A_363 = arith.constant 0 : i32
      %dma_start3A_364 = tpu.memref_slice %arg11[%mul3A_359, %dma_start3A_363] : memref<10000x128xf32, #tpu.memory_space<vmem_shared>> -> memref<80x128xf32, #tpu.memory_space<vmem_shared>>
      tpu.enqueue_dma source(%dma_start3A_364 : memref<80x128xf32, #tpu.memory_space<vmem_shared>>) target(%dma_start3A_362 : memref<80x128xf32, #tpu.memory_space<hbm>>) target_semaphore(%arg18 : memref<!tpu.dma_semaphore, #tpu.memory_space<semaphore_mem>>)
    } else {
    }
    %add3A_295 = arith.constant 112 : i32
    %add3A_296 = arith.addi %add3A_295, %arg1 : i32
    %lt3A_297 = arith.constant 125 : i32
    %lt3A_298 = arith.cmpi slt, %add3A_296, %lt3A_297 : i32
    %convert_element_type3A_299 = arith.extui %lt3A_298 : i1 to i32
    %cond3A_300 = arith.constant 0 : i32
    %cond3A_301 = arith.cmpi ne, %convert_element_type3A_299, %cond3A_300 : i32
    scf.if %cond3A_301 {
      %mul3A_358 = arith.constant 80 : i32
      %mul3A_359 = arith.muli %add3A_296, %mul3A_358 : i32
      %dma_start3A_360 = arith.constant 0 : i32
      %dma_start3A_361 = tpu.memref_slice %arg5[%arg0, %mul3A_359, %dma_start3A_360] : memref<2x10000x128xf32, #tpu.memory_space<hbm>> -> memref<1x80x128xf32, #tpu.memory_space<hbm>>
      %dma_start3A_362 = tpu.memref_squeeze %dma_start3A_361 : memref<1x80x128xf32, #tpu.memory_space<hbm>> -> memref<80x128xf32, #tpu.memory_space<hbm>>
      %dma_start3A_363 = arith.constant 0 : i32
      %dma_start3A_364 = tpu.memref_slice %arg11[%mul3A_359, %dma_start3A_363] : memref<10000x128xf32, #tpu.memory_space<vmem_shared>> -> memref<80x128xf32, #tpu.memory_space<vmem_shared>>
      tpu.enqueue_dma source(%dma_start3A_364 : memref<80x128xf32, #tpu.memory_space<vmem_shared>>) target(%dma_start3A_362 : memref<80x128xf32, #tpu.memory_space<hbm>>) target_semaphore(%arg18 : memref<!tpu.dma_semaphore, #tpu.memory_space<semaphore_mem>>)
    } else {
    }
    %add3A_302 = arith.constant 0 : i32
    %add3A_303 = arith.addi %add3A_302, %arg1 : i32
    %lt3A_304 = arith.constant 125 : i32
    %lt3A_305 = arith.cmpi slt, %add3A_303, %lt3A_304 : i32
    %convert_element_type3A_306 = arith.extui %lt3A_305 : i1 to i32
    %cond3A_307 = arith.constant 0 : i32
    %cond3A_308 = arith.cmpi ne, %convert_element_type3A_306, %cond3A_307 : i32
    scf.if %cond3A_308 {
      %mul3A_358 = arith.constant 80 : i32
      %mul3A_359 = arith.muli %add3A_303, %mul3A_358 : i32
      %dma_wait3A_360 = arith.constant 0 : i32
      %dma_wait3A_361 = tpu.memref_slice %arg5[%arg0, %mul3A_359, %dma_wait3A_360] : memref<2x10000x128xf32, #tpu.memory_space<hbm>> -> memref<1x80x128xf32, #tpu.memory_space<hbm>>
      %dma_wait3A_362 = tpu.memref_squeeze %dma_wait3A_361 : memref<1x80x128xf32, #tpu.memory_space<hbm>> -> memref<80x128xf32, #tpu.memory_space<hbm>>
      %dma_wait3A_363 = arith.constant 0 : i32
      %dma_wait3A_364 = tpu.memref_slice %arg11[%mul3A_359, %dma_wait3A_363] : memref<10000x128xf32, #tpu.memory_space<vmem_shared>> -> memref<80x128xf32, #tpu.memory_space<vmem_shared>>
      tpu.wait_dma2 semaphore(%arg18 : memref<!tpu.dma_semaphore, #tpu.memory_space<semaphore_mem>>) src(%dma_wait3A_364 : memref<80x128xf32, #tpu.memory_space<vmem_shared>>) dst(%dma_wait3A_362 : memref<80x128xf32, #tpu.memory_space<hbm>>)
    } else {
    }
    %add3A_309 = arith.constant 16 : i32
    %add3A_310 = arith.addi %add3A_309, %arg1 : i32
    %lt3A_311 = arith.constant 125 : i32
    %lt3A_312 = arith.cmpi slt, %add3A_310, %lt3A_311 : i32
    %convert_element_type3A_313 = arith.extui %lt3A_312 : i1 to i32
    %cond3A_314 = arith.constant 0 : i32
    %cond3A_315 = arith.cmpi ne, %convert_element_type3A_313, %cond3A_314 : i32
    scf.if %cond3A_315 {
      %mul3A_358 = arith.constant 80 : i32
      %mul3A_359 = arith.muli %add3A_310, %mul3A_358 : i32
      %dma_wait3A_360 = arith.constant 0 : i32
      %dma_wait3A_361 = tpu.memref_slice %arg5[%arg0, %mul3A_359, %dma_wait3A_360] : memref<2x10000x128xf32, #tpu.memory_space<hbm>> -> memref<1x80x128xf32, #tpu.memory_space<hbm>>
      %dma_wait3A_362 = tpu.memref_squeeze %dma_wait3A_361 : memref<1x80x128xf32, #tpu.memory_space<hbm>> -> memref<80x128xf32, #tpu.memory_space<hbm>>
      %dma_wait3A_363 = arith.constant 0 : i32
      %dma_wait3A_364 = tpu.memref_slice %arg11[%mul3A_359, %dma_wait3A_363] : memref<10000x128xf32, #tpu.memory_space<vmem_shared>> -> memref<80x128xf32, #tpu.memory_space<vmem_shared>>
      tpu.wait_dma2 semaphore(%arg18 : memref<!tpu.dma_semaphore, #tpu.memory_space<semaphore_mem>>) src(%dma_wait3A_364 : memref<80x128xf32, #tpu.memory_space<vmem_shared>>) dst(%dma_wait3A_362 : memref<80x128xf32, #tpu.memory_space<hbm>>)
    } else {
    }
    %add3A_316 = arith.constant 32 : i32
    %add3A_317 = arith.addi %add3A_316, %arg1 : i32
    %lt3A_318 = arith.constant 125 : i32
    %lt3A_319 = arith.cmpi slt, %add3A_317, %lt3A_318 : i32
    %convert_element_type3A_320 = arith.extui %lt3A_319 : i1 to i32
    %cond3A_321 = arith.constant 0 : i32
    %cond3A_322 = arith.cmpi ne, %convert_element_type3A_320, %cond3A_321 : i32
    scf.if %cond3A_322 {
      %mul3A_358 = arith.constant 80 : i32
      %mul3A_359 = arith.muli %add3A_317, %mul3A_358 : i32
      %dma_wait3A_360 = arith.constant 0 : i32
      %dma_wait3A_361 = tpu.memref_slice %arg5[%arg0, %mul3A_359, %dma_wait3A_360] : memref<2x10000x128xf32, #tpu.memory_space<hbm>> -> memref<1x80x128xf32, #tpu.memory_space<hbm>>
      %dma_wait3A_362 = tpu.memref_squeeze %dma_wait3A_361 : memref<1x80x128xf32, #tpu.memory_space<hbm>> -> memref<80x128xf32, #tpu.memory_space<hbm>>
      %dma_wait3A_363 = arith.constant 0 : i32
      %dma_wait3A_364 = tpu.memref_slice %arg11[%mul3A_359, %dma_wait3A_363] : memref<10000x128xf32, #tpu.memory_space<vmem_shared>> -> memref<80x128xf32, #tpu.memory_space<vmem_shared>>
      tpu.wait_dma2 semaphore(%arg18 : memref<!tpu.dma_semaphore, #tpu.memory_space<semaphore_mem>>) src(%dma_wait3A_364 : memref<80x128xf32, #tpu.memory_space<vmem_shared>>) dst(%dma_wait3A_362 : memref<80x128xf32, #tpu.memory_space<hbm>>)
    } else {
    }
    %add3A_323 = arith.constant 48 : i32
    %add3A_324 = arith.addi %add3A_323, %arg1 : i32
    %lt3A_325 = arith.constant 125 : i32
    %lt3A_326 = arith.cmpi slt, %add3A_324, %lt3A_325 : i32
    %convert_element_type3A_327 = arith.extui %lt3A_326 : i1 to i32
    %cond3A_328 = arith.constant 0 : i32
    %cond3A_329 = arith.cmpi ne, %convert_element_type3A_327, %cond3A_328 : i32
    scf.if %cond3A_329 {
      %mul3A_358 = arith.constant 80 : i32
      %mul3A_359 = arith.muli %add3A_324, %mul3A_358 : i32
      %dma_wait3A_360 = arith.constant 0 : i32
      %dma_wait3A_361 = tpu.memref_slice %arg5[%arg0, %mul3A_359, %dma_wait3A_360] : memref<2x10000x128xf32, #tpu.memory_space<hbm>> -> memref<1x80x128xf32, #tpu.memory_space<hbm>>
      %dma_wait3A_362 = tpu.memref_squeeze %dma_wait3A_361 : memref<1x80x128xf32, #tpu.memory_space<hbm>> -> memref<80x128xf32, #tpu.memory_space<hbm>>
      %dma_wait3A_363 = arith.constant 0 : i32
      %dma_wait3A_364 = tpu.memref_slice %arg11[%mul3A_359, %dma_wait3A_363] : memref<10000x128xf32, #tpu.memory_space<vmem_shared>> -> memref<80x128xf32, #tpu.memory_space<vmem_shared>>
      tpu.wait_dma2 semaphore(%arg18 : memref<!tpu.dma_semaphore, #tpu.memory_space<semaphore_mem>>) src(%dma_wait3A_364 : memref<80x128xf32, #tpu.memory_space<vmem_shared>>) dst(%dma_wait3A_362 : memref<80x128xf32, #tpu.memory_space<hbm>>)
    } else {
    }
    %add3A_330 = arith.constant 64 : i32
    %add3A_331 = arith.addi %add3A_330, %arg1 : i32
    %lt3A_332 = arith.constant 125 : i32
    %lt3A_333 = arith.cmpi slt, %add3A_331, %lt3A_332 : i32
    %convert_element_type3A_334 = arith.extui %lt3A_333 : i1 to i32
    %cond3A_335 = arith.constant 0 : i32
    %cond3A_336 = arith.cmpi ne, %convert_element_type3A_334, %cond3A_335 : i32
    scf.if %cond3A_336 {
      %mul3A_358 = arith.constant 80 : i32
      %mul3A_359 = arith.muli %add3A_331, %mul3A_358 : i32
      %dma_wait3A_360 = arith.constant 0 : i32
      %dma_wait3A_361 = tpu.memref_slice %arg5[%arg0, %mul3A_359, %dma_wait3A_360] : memref<2x10000x128xf32, #tpu.memory_space<hbm>> -> memref<1x80x128xf32, #tpu.memory_space<hbm>>
      %dma_wait3A_362 = tpu.memref_squeeze %dma_wait3A_361 : memref<1x80x128xf32, #tpu.memory_space<hbm>> -> memref<80x128xf32, #tpu.memory_space<hbm>>
      %dma_wait3A_363 = arith.constant 0 : i32
      %dma_wait3A_364 = tpu.memref_slice %arg11[%mul3A_359, %dma_wait3A_363] : memref<10000x128xf32, #tpu.memory_space<vmem_shared>> -> memref<80x128xf32, #tpu.memory_space<vmem_shared>>
      tpu.wait_dma2 semaphore(%arg18 : memref<!tpu.dma_semaphore, #tpu.memory_space<semaphore_mem>>) src(%dma_wait3A_364 : memref<80x128xf32, #tpu.memory_space<vmem_shared>>) dst(%dma_wait3A_362 : memref<80x128xf32, #tpu.memory_space<hbm>>)
    } else {
    }
    %add3A_337 = arith.constant 80 : i32
    %add3A_338 = arith.addi %add3A_337, %arg1 : i32
    %lt3A_339 = arith.constant 125 : i32
    %lt3A_340 = arith.cmpi slt, %add3A_338, %lt3A_339 : i32
    %convert_element_type3A_341 = arith.extui %lt3A_340 : i1 to i32
    %cond3A_342 = arith.constant 0 : i32
    %cond3A_343 = arith.cmpi ne, %convert_element_type3A_341, %cond3A_342 : i32
    scf.if %cond3A_343 {
      %mul3A_358 = arith.constant 80 : i32
      %mul3A_359 = arith.muli %add3A_338, %mul3A_358 : i32
      %dma_wait3A_360 = arith.constant 0 : i32
      %dma_wait3A_361 = tpu.memref_slice %arg5[%arg0, %mul3A_359, %dma_wait3A_360] : memref<2x10000x128xf32, #tpu.memory_space<hbm>> -> memref<1x80x128xf32, #tpu.memory_space<hbm>>
      %dma_wait3A_362 = tpu.memref_squeeze %dma_wait3A_361 : memref<1x80x128xf32, #tpu.memory_space<hbm>> -> memref<80x128xf32, #tpu.memory_space<hbm>>
      %dma_wait3A_363 = arith.constant 0 : i32
      %dma_wait3A_364 = tpu.memref_slice %arg11[%mul3A_359, %dma_wait3A_363] : memref<10000x128xf32, #tpu.memory_space<vmem_shared>> -> memref<80x128xf32, #tpu.memory_space<vmem_shared>>
      tpu.wait_dma2 semaphore(%arg18 : memref<!tpu.dma_semaphore, #tpu.memory_space<semaphore_mem>>) src(%dma_wait3A_364 : memref<80x128xf32, #tpu.memory_space<vmem_shared>>) dst(%dma_wait3A_362 : memref<80x128xf32, #tpu.memory_space<hbm>>)
    } else {
    }
    %add3A_344 = arith.constant 96 : i32
    %add3A_345 = arith.addi %add3A_344, %arg1 : i32
    %lt3A_346 = arith.constant 125 : i32
    %lt3A_347 = arith.cmpi slt, %add3A_345, %lt3A_346 : i32
    %convert_element_type3A_348 = arith.extui %lt3A_347 : i1 to i32
    %cond3A_349 = arith.constant 0 : i32
    %cond3A_350 = arith.cmpi ne, %convert_element_type3A_348, %cond3A_349 : i32
    scf.if %cond3A_350 {
      %mul3A_358 = arith.constant 80 : i32
      %mul3A_359 = arith.muli %add3A_345, %mul3A_358 : i32
      %dma_wait3A_360 = arith.constant 0 : i32
      %dma_wait3A_361 = tpu.memref_slice %arg5[%arg0, %mul3A_359, %dma_wait3A_360] : memref<2x10000x128xf32, #tpu.memory_space<hbm>> -> memref<1x80x128xf32, #tpu.memory_space<hbm>>
      %dma_wait3A_362 = tpu.memref_squeeze %dma_wait3A_361 : memref<1x80x128xf32, #tpu.memory_space<hbm>> -> memref<80x128xf32, #tpu.memory_space<hbm>>
      %dma_wait3A_363 = arith.constant 0 : i32
      %dma_wait3A_364 = tpu.memref_slice %arg11[%mul3A_359, %dma_wait3A_363] : memref<10000x128xf32, #tpu.memory_space<vmem_shared>> -> memref<80x128xf32, #tpu.memory_space<vmem_shared>>
      tpu.wait_dma2 semaphore(%arg18 : memref<!tpu.dma_semaphore, #tpu.memory_space<semaphore_mem>>) src(%dma_wait3A_364 : memref<80x128xf32, #tpu.memory_space<vmem_shared>>) dst(%dma_wait3A_362 : memref<80x128xf32, #tpu.memory_space<hbm>>)
    } else {
    }
    %add3A_351 = arith.constant 112 : i32
    %add3A_352 = arith.addi %add3A_351, %arg1 : i32
    %lt3A_353 = arith.constant 125 : i32
    %lt3A_354 = arith.cmpi slt, %add3A_352, %lt3A_353 : i32
    %convert_element_type3A_355 = arith.extui %lt3A_354 : i1 to i32
    %cond3A_356 = arith.constant 0 : i32
    %cond3A_357 = arith.cmpi ne, %convert_element_type3A_355, %cond3A_356 : i32
    scf.if %cond3A_357 {
      %mul3A_358 = arith.constant 80 : i32
      %mul3A_359 = arith.muli %add3A_352, %mul3A_358 : i32
      %dma_wait3A_360 = arith.constant 0 : i32
      %dma_wait3A_361 = tpu.memref_slice %arg5[%arg0, %mul3A_359, %dma_wait3A_360] : memref<2x10000x128xf32, #tpu.memory_space<hbm>> -> memref<1x80x128xf32, #tpu.memory_space<hbm>>
      %dma_wait3A_362 = tpu.memref_squeeze %dma_wait3A_361 : memref<1x80x128xf32, #tpu.memory_space<hbm>> -> memref<80x128xf32, #tpu.memory_space<hbm>>
      %dma_wait3A_363 = arith.constant 0 : i32
      %dma_wait3A_364 = tpu.memref_slice %arg11[%mul3A_359, %dma_wait3A_363] : memref<10000x128xf32, #tpu.memory_space<vmem_shared>> -> memref<80x128xf32, #tpu.memory_space<vmem_shared>>
      tpu.wait_dma2 semaphore(%arg18 : memref<!tpu.dma_semaphore, #tpu.memory_space<semaphore_mem>>) src(%dma_wait3A_364 : memref<80x128xf32, #tpu.memory_space<vmem_shared>>) dst(%dma_wait3A_362 : memref<80x128xf32, #tpu.memory_space<hbm>>)
    } else {
    }
    return
  }
}

#map = affine_map<(d0, d1) -> (0, 0)>
#map1 = affine_map<(d0, d1) -> (0)>
#map2 = affine_map<(d0, d1) -> (0, 0, 0)>
module attributes {stable_mosaic.version = 14 : i64} {
  func.func @k(%arg0: i32, %arg1: i32, %arg2: memref<10000x128xf32, #tpu.memory_space<hbm>>, %arg3: memref<320000xi32, #tpu.memory_space<hbm>>, %arg4: memref<320000xi32, #tpu.memory_space<hbm>>, %arg5: memref<2x10000x128xf32, #tpu.memory_space<hbm>>, %arg6: memref<10000xi32, #tpu.memory_space<vmem>>, %arg7: memref<10000xi32, #tpu.memory_space<vmem>>, %arg8: memref<80x128xf32, #tpu.memory_space<vmem>>, %arg9: memref<80x128xf32, #tpu.memory_space<vmem>>, %arg10: memref<80x128xf32, #tpu.memory_space<vmem>>, %arg11: memref<10000x128xf32, #tpu.memory_space<vmem_shared>>, %arg12: memref<!tpu.dma_semaphore, #tpu.memory_space<semaphore_mem>>, %arg13: memref<!tpu.dma_semaphore, #tpu.memory_space<semaphore_mem>>, %arg14: memref<!tpu.dma_semaphore, #tpu.memory_space<semaphore_mem>>, %arg15: memref<!tpu.dma_semaphore, #tpu.memory_space<semaphore_mem>>, %arg16: memref<!tpu.dma_semaphore, #tpu.memory_space<semaphore_mem>>, %arg17: memref<!tpu.dma_semaphore, #tpu.memory_space<semaphore_mem>>, %arg18: memref<!tpu.dma_semaphore, #tpu.memory_space<semaphore_mem>>) attributes {dimension_semantics = [#tpu.dimension_semantics<core_parallel>, #tpu.dimension_semantics<subcore_parallel>], iteration_bounds = array<i64: 2, 16>, scalar_prefetch = 0 : i64, scratch_operands = 13 : i64, tpu.core_type = #tpu.core_type<sc_vector_subcore>, window_params = [{transform_indices = #map}, {transform_indices = #map1}, {transform_indices = #map1}, {transform_indices = #map2}]} {
    %mul3A = arith.constant 16 : i32
    %mul3A_0 = arith.muli %arg0, %mul3A : i32
    %add3A = arith.addi %mul3A_0, %arg1 : i32
    %mul3A_1 = arith.constant 10000 : i32
    %mul3A_2 = arith.muli %add3A, %mul3A_1 : i32
    %dma_start3A = tpu.memref_slice %arg3[%mul3A_2] : memref<320000xi32, #tpu.memory_space<hbm>> -> memref<10000xi32, #tpu.memory_space<hbm>>
    %dma_start3A_3 = tpu.memref_slice %arg3[%mul3A_2] : memref<320000xi32, #tpu.memory_space<hbm>> -> memref<10000xi32, #tpu.memory_space<hbm>>
    tpu.enqueue_dma source(%dma_start3A_3 : memref<10000xi32, #tpu.memory_space<hbm>>) target(%arg6 : memref<10000xi32, #tpu.memory_space<vmem>>) target_semaphore(%arg12 : memref<!tpu.dma_semaphore, #tpu.memory_space<semaphore_mem>>)
    %dma_start3A_4 = tpu.memref_slice %arg4[%mul3A_2] : memref<320000xi32, #tpu.memory_space<hbm>> -> memref<10000xi32, #tpu.memory_space<hbm>>
    %dma_start3A_5 = tpu.memref_slice %arg4[%mul3A_2] : memref<320000xi32, #tpu.memory_space<hbm>> -> memref<10000xi32, #tpu.memory_space<hbm>>
    tpu.enqueue_dma source(%dma_start3A_5 : memref<10000xi32, #tpu.memory_space<hbm>>) target(%arg7 : memref<10000xi32, #tpu.memory_space<vmem>>) target_semaphore(%arg13 : memref<!tpu.dma_semaphore, #tpu.memory_space<semaphore_mem>>)
    %scan3A = arith.constant 0 : i32
    %scan3A_6 = arith.constant 0 : i32
    %scan3A_7 = arith.constant 80 : i32
    %scan3A_8 = arith.addi %scan3A_6, %scan3A_7 : i32
    %scan3A_9 = arith.constant 1 : i32
    %scan3A_10 = scf.for %scan3A_289 = %scan3A_6 to %scan3A_8 step %scan3A_9 iter_args(%scan3A_290 = %scan3A) -> (i32)  : i32 {
      %broadcast_in_dim3A = arith.constant 0.000000e+00 : f32
      %broadcast_in_dim3A_291 = vector.broadcast %broadcast_in_dim3A : f32 to vector<16xf32>
      %swap3A = arith.index_cast %scan3A_289 : i32 to index
      %swap3A_292 = arith.constant 0 : index
      %swap3A_293 = tpu.vector_load %arg8[%swap3A, %swap3A_292] {strides = array<i32>} : memref<80x128xf32, #tpu.memory_space<vmem>>, vector<1x16xf32>,
      %swap3A_294 = vector.shape_cast %swap3A_293 : vector<1x16xf32> to vector<16xf32>
      %swap3A_295 = vector.shape_cast %broadcast_in_dim3A_291 : vector<16xf32> to vector<1x16xf32>
      tpu.vector_store %arg8[%swap3A, %swap3A_292], %swap3A_295 {strides = array<i32>} : memref<80x128xf32, #tpu.memory_space<vmem>>, vector<1x16xf32>,
      %broadcast_in_dim3A_296 = arith.constant 0.000000e+00 : f32
      %broadcast_in_dim3A_297 = vector.broadcast %broadcast_in_dim3A_296 : f32 to vector<16xf32>
      %swap3A_298 = arith.index_cast %scan3A_289 : i32 to index
      %swap3A_299 = arith.constant 16 : index
      %swap3A_300 = tpu.vector_load %arg8[%swap3A_298, %swap3A_299] {strides = array<i32>} : memref<80x128xf32, #tpu.memory_space<vmem>>, vector<1x16xf32>,
      %swap3A_301 = vector.shape_cast %swap3A_300 : vector<1x16xf32> to vector<16xf32>
      %swap3A_302 = vector.shape_cast %broadcast_in_dim3A_297 : vector<16xf32> to vector<1x16xf32>
      tpu.vector_store %arg8[%swap3A_298, %swap3A_299], %swap3A_302 {strides = array<i32>} : memref<80x128xf32, #tpu.memory_space<vmem>>, vector<1x16xf32>,
      %broadcast_in_dim3A_303 = arith.constant 0.000000e+00 : f32
      %broadcast_in_dim3A_304 = vector.broadcast %broadcast_in_dim3A_303 : f32 to vector<16xf32>
      %swap3A_305 = arith.index_cast %scan3A_289 : i32 to index
      %swap3A_306 = arith.constant 32 : index
      %swap3A_307 = tpu.vector_load %arg8[%swap3A_305, %swap3A_306] {strides = array<i32>} : memref<80x128xf32, #tpu.memory_space<vmem>>, vector<1x16xf32>,
      %swap3A_308 = vector.shape_cast %swap3A_307 : vector<1x16xf32> to vector<16xf32>
      %swap3A_309 = vector.shape_cast %broadcast_in_dim3A_304 : vector<16xf32> to vector<1x16xf32>
      tpu.vector_store %arg8[%swap3A_305, %swap3A_306], %swap3A_309 {strides = array<i32>} : memref<80x128xf32, #tpu.memory_space<vmem>>, vector<1x16xf32>,
      %broadcast_in_dim3A_310 = arith.constant 0.000000e+00 : f32
      %broadcast_in_dim3A_311 = vector.broadcast %broadcast_in_dim3A_310 : f32 to vector<16xf32>
      %swap3A_312 = arith.index_cast %scan3A_289 : i32 to index
      %swap3A_313 = arith.constant 48 : index
      %swap3A_314 = tpu.vector_load %arg8[%swap3A_312, %swap3A_313] {strides = array<i32>} : memref<80x128xf32, #tpu.memory_space<vmem>>, vector<1x16xf32>,
      %swap3A_315 = vector.shape_cast %swap3A_314 : vector<1x16xf32> to vector<16xf32>
      %swap3A_316 = vector.shape_cast %broadcast_in_dim3A_311 : vector<16xf32> to vector<1x16xf32>
      tpu.vector_store %arg8[%swap3A_312, %swap3A_313], %swap3A_316 {strides = array<i32>} : memref<80x128xf32, #tpu.memory_space<vmem>>, vector<1x16xf32>,
      %broadcast_in_dim3A_317 = arith.constant 0.000000e+00 : f32
      %broadcast_in_dim3A_318 = vector.broadcast %broadcast_in_dim3A_317 : f32 to vector<16xf32>
      %swap3A_319 = arith.index_cast %scan3A_289 : i32 to index
      %swap3A_320 = arith.constant 64 : index
      %swap3A_321 = tpu.vector_load %arg8[%swap3A_319, %swap3A_320] {strides = array<i32>} : memref<80x128xf32, #tpu.memory_space<vmem>>, vector<1x16xf32>,
      %swap3A_322 = vector.shape_cast %swap3A_321 : vector<1x16xf32> to vector<16xf32>
      %swap3A_323 = vector.shape_cast %broadcast_in_dim3A_318 : vector<16xf32> to vector<1x16xf32>
      tpu.vector_store %arg8[%swap3A_319, %swap3A_320], %swap3A_323 {strides = array<i32>} : memref<80x128xf32, #tpu.memory_space<vmem>>, vector<1x16xf32>,
      %broadcast_in_dim3A_324 = arith.constant 0.000000e+00 : f32
      %broadcast_in_dim3A_325 = vector.broadcast %broadcast_in_dim3A_324 : f32 to vector<16xf32>
      %swap3A_326 = arith.index_cast %scan3A_289 : i32 to index
      %swap3A_327 = arith.constant 80 : index
      %swap3A_328 = tpu.vector_load %arg8[%swap3A_326, %swap3A_327] {strides = array<i32>} : memref<80x128xf32, #tpu.memory_space<vmem>>, vector<1x16xf32>,
      %swap3A_329 = vector.shape_cast %swap3A_328 : vector<1x16xf32> to vector<16xf32>
      %swap3A_330 = vector.shape_cast %broadcast_in_dim3A_325 : vector<16xf32> to vector<1x16xf32>
      tpu.vector_store %arg8[%swap3A_326, %swap3A_327], %swap3A_330 {strides = array<i32>} : memref<80x128xf32, #tpu.memory_space<vmem>>, vector<1x16xf32>,
      %broadcast_in_dim3A_331 = arith.constant 0.000000e+00 : f32
      %broadcast_in_dim3A_332 = vector.broadcast %broadcast_in_dim3A_331 : f32 to vector<16xf32>
      %swap3A_333 = arith.index_cast %scan3A_289 : i32 to index
      %swap3A_334 = arith.constant 96 : index
      %swap3A_335 = tpu.vector_load %arg8[%swap3A_333, %swap3A_334] {strides = array<i32>} : memref<80x128xf32, #tpu.memory_space<vmem>>, vector<1x16xf32>,
      %swap3A_336 = vector.shape_cast %swap3A_335 : vector<1x16xf32> to vector<16xf32>
      %swap3A_337 = vector.shape_cast %broadcast_in_dim3A_332 : vector<16xf32> to vector<1x16xf32>
      tpu.vector_store %arg8[%swap3A_333, %swap3A_334], %swap3A_337 {strides = array<i32>} : memref<80x128xf32, #tpu.memory_space<vmem>>, vector<1x16xf32>,
      %broadcast_in_dim3A_338 = arith.constant 0.000000e+00 : f32
      %broadcast_in_dim3A_339 = vector.broadcast %broadcast_in_dim3A_338 : f32 to vector<16xf32>
      %swap3A_340 = arith.index_cast %scan3A_289 : i32 to index
      %swap3A_341 = arith.constant 112 : index
      %swap3A_342 = tpu.vector_load %arg8[%swap3A_340, %swap3A_341] {strides = array<i32>} : memref<80x128xf32, #tpu.memory_space<vmem>>, vector<1x16xf32>,
      %swap3A_343 = vector.shape_cast %swap3A_342 : vector<1x16xf32> to vector<16xf32>
      %swap3A_344 = vector.shape_cast %broadcast_in_dim3A_339 : vector<16xf32> to vector<1x16xf32>
      tpu.vector_store %arg8[%swap3A_340, %swap3A_341], %swap3A_344 {strides = array<i32>} : memref<80x128xf32, #tpu.memory_space<vmem>>, vector<1x16xf32>,
      %scan3A_345 = arith.constant 0 : i32
      scf.yield %scan3A_345 : i32
    }
    %scan3A_11 = arith.constant 80 : i32
    %add3A_12 = arith.constant 0 : i32
    %add3A_13 = arith.addi %add3A_12, %arg1 : i32
    %lt3A = arith.constant 125 : i32
    %lt3A_14 = arith.cmpi slt, %add3A_13, %lt3A : i32
    %convert_element_type3A = arith.extui %lt3A_14 : i1 to i32
    %cond3A = arith.constant 0 : i32
    %cond3A_15 = arith.cmpi ne, %convert_element_type3A, %cond3A : i32
    scf.if %cond3A_15 {
      %mul3A_289 = arith.constant 80 : i32
      %mul3A_290 = arith.muli %add3A_13, %mul3A_289 : i32
      %dma_start3A_291 = arith.constant 0 : i32
      %dma_start3A_292 = tpu.memref_slice %arg11[%mul3A_290, %dma_start3A_291] : memref<10000x128xf32, #tpu.memory_space<vmem_shared>> -> memref<80x128xf32, #tpu.memory_space<vmem_shared>>
      %dma_start3A_293 = arith.constant 0 : i32
      %dma_start3A_294 = tpu.memref_slice %arg11[%mul3A_290, %dma_start3A_293] : memref<10000x128xf32, #tpu.memory_space<vmem_shared>> -> memref<80x128xf32, #tpu.memory_space<vmem_shared>>
      tpu.enqueue_dma source(%arg8 : memref<80x128xf32, #tpu.memory_space<vmem>>) target(%dma_start3A_294 : memref<80x128xf32, #tpu.memory_space<vmem_shared>>) target_semaphore(%arg18 : memref<!tpu.dma_semaphore, #tpu.memory_space<semaphore_mem>>)
    } else {
    }
    %add3A_16 = arith.constant 16 : i32
    %add3A_17 = arith.addi %add3A_16, %arg1 : i32
    %lt3A_18 = arith.constant 125 : i32
    %lt3A_19 = arith.cmpi slt, %add3A_17, %lt3A_18 : i32
    %convert_element_type3A_20 = arith.extui %lt3A_19 : i1 to i32
    %cond3A_21 = arith.constant 0 : i32
    %cond3A_22 = arith.cmpi ne, %convert_element_type3A_20, %cond3A_21 : i32
    scf.if %cond3A_22 {
      %mul3A_289 = arith.constant 80 : i32
      %mul3A_290 = arith.muli %add3A_17, %mul3A_289 : i32
      %dma_start3A_291 = arith.constant 0 : i32
      %dma_start3A_292 = tpu.memref_slice %arg11[%mul3A_290, %dma_start3A_291] : memref<10000x128xf32, #tpu.memory_space<vmem_shared>> -> memref<80x128xf32, #tpu.memory_space<vmem_shared>>
      %dma_start3A_293 = arith.constant 0 : i32
      %dma_start3A_294 = tpu.memref_slice %arg11[%mul3A_290, %dma_start3A_293] : memref<10000x128xf32, #tpu.memory_space<vmem_shared>> -> memref<80x128xf32, #tpu.memory_space<vmem_shared>>
      tpu.enqueue_dma source(%arg8 : memref<80x128xf32, #tpu.memory_space<vmem>>) target(%dma_start3A_294 : memref<80x128xf32, #tpu.memory_space<vmem_shared>>) target_semaphore(%arg18 : memref<!tpu.dma_semaphore, #tpu.memory_space<semaphore_mem>>)
    } else {
    }
    %add3A_23 = arith.constant 32 : i32
    %add3A_24 = arith.addi %add3A_23, %arg1 : i32
    %lt3A_25 = arith.constant 125 : i32
    %lt3A_26 = arith.cmpi slt, %add3A_24, %lt3A_25 : i32
    %convert_element_type3A_27 = arith.extui %lt3A_26 : i1 to i32
    %cond3A_28 = arith.constant 0 : i32
    %cond3A_29 = arith.cmpi ne, %convert_element_type3A_27, %cond3A_28 : i32
    scf.if %cond3A_29 {
      %mul3A_289 = arith.constant 80 : i32
      %mul3A_290 = arith.muli %add3A_24, %mul3A_289 : i32
      %dma_start3A_291 = arith.constant 0 : i32
      %dma_start3A_292 = tpu.memref_slice %arg11[%mul3A_290, %dma_start3A_291] : memref<10000x128xf32, #tpu.memory_space<vmem_shared>> -> memref<80x128xf32, #tpu.memory_space<vmem_shared>>
      %dma_start3A_293 = arith.constant 0 : i32
      %dma_start3A_294 = tpu.memref_slice %arg11[%mul3A_290, %dma_start3A_293] : memref<10000x128xf32, #tpu.memory_space<vmem_shared>> -> memref<80x128xf32, #tpu.memory_space<vmem_shared>>
      tpu.enqueue_dma source(%arg8 : memref<80x128xf32, #tpu.memory_space<vmem>>) target(%dma_start3A_294 : memref<80x128xf32, #tpu.memory_space<vmem_shared>>) target_semaphore(%arg18 : memref<!tpu.dma_semaphore, #tpu.memory_space<semaphore_mem>>)
    } else {
    }
    %add3A_30 = arith.constant 48 : i32
    %add3A_31 = arith.addi %add3A_30, %arg1 : i32
    %lt3A_32 = arith.constant 125 : i32
    %lt3A_33 = arith.cmpi slt, %add3A_31, %lt3A_32 : i32
    %convert_element_type3A_34 = arith.extui %lt3A_33 : i1 to i32
    %cond3A_35 = arith.constant 0 : i32
    %cond3A_36 = arith.cmpi ne, %convert_element_type3A_34, %cond3A_35 : i32
    scf.if %cond3A_36 {
      %mul3A_289 = arith.constant 80 : i32
      %mul3A_290 = arith.muli %add3A_31, %mul3A_289 : i32
      %dma_start3A_291 = arith.constant 0 : i32
      %dma_start3A_292 = tpu.memref_slice %arg11[%mul3A_290, %dma_start3A_291] : memref<10000x128xf32, #tpu.memory_space<vmem_shared>> -> memref<80x128xf32, #tpu.memory_space<vmem_shared>>
      %dma_start3A_293 = arith.constant 0 : i32
      %dma_start3A_294 = tpu.memref_slice %arg11[%mul3A_290, %dma_start3A_293] : memref<10000x128xf32, #tpu.memory_space<vmem_shared>> -> memref<80x128xf32, #tpu.memory_space<vmem_shared>>
      tpu.enqueue_dma source(%arg8 : memref<80x128xf32, #tpu.memory_space<vmem>>) target(%dma_start3A_294 : memref<80x128xf32, #tpu.memory_space<vmem_shared>>) target_semaphore(%arg18 : memref<!tpu.dma_semaphore, #tpu.memory_space<semaphore_mem>>)
    } else {
    }
    %add3A_37 = arith.constant 64 : i32
    %add3A_38 = arith.addi %add3A_37, %arg1 : i32
    %lt3A_39 = arith.constant 125 : i32
    %lt3A_40 = arith.cmpi slt, %add3A_38, %lt3A_39 : i32
    %convert_element_type3A_41 = arith.extui %lt3A_40 : i1 to i32
    %cond3A_42 = arith.constant 0 : i32
    %cond3A_43 = arith.cmpi ne, %convert_element_type3A_41, %cond3A_42 : i32
    scf.if %cond3A_43 {
      %mul3A_289 = arith.constant 80 : i32
      %mul3A_290 = arith.muli %add3A_38, %mul3A_289 : i32
      %dma_start3A_291 = arith.constant 0 : i32
      %dma_start3A_292 = tpu.memref_slice %arg11[%mul3A_290, %dma_start3A_291] : memref<10000x128xf32, #tpu.memory_space<vmem_shared>> -> memref<80x128xf32, #tpu.memory_space<vmem_shared>>
      %dma_start3A_293 = arith.constant 0 : i32
      %dma_start3A_294 = tpu.memref_slice %arg11[%mul3A_290, %dma_start3A_293] : memref<10000x128xf32, #tpu.memory_space<vmem_shared>> -> memref<80x128xf32, #tpu.memory_space<vmem_shared>>
      tpu.enqueue_dma source(%arg8 : memref<80x128xf32, #tpu.memory_space<vmem>>) target(%dma_start3A_294 : memref<80x128xf32, #tpu.memory_space<vmem_shared>>) target_semaphore(%arg18 : memref<!tpu.dma_semaphore, #tpu.memory_space<semaphore_mem>>)
    } else {
    }
    %add3A_44 = arith.constant 80 : i32
    %add3A_45 = arith.addi %add3A_44, %arg1 : i32
    %lt3A_46 = arith.constant 125 : i32
    %lt3A_47 = arith.cmpi slt, %add3A_45, %lt3A_46 : i32
    %convert_element_type3A_48 = arith.extui %lt3A_47 : i1 to i32
    %cond3A_49 = arith.constant 0 : i32
    %cond3A_50 = arith.cmpi ne, %convert_element_type3A_48, %cond3A_49 : i32
    scf.if %cond3A_50 {
      %mul3A_289 = arith.constant 80 : i32
      %mul3A_290 = arith.muli %add3A_45, %mul3A_289 : i32
      %dma_start3A_291 = arith.constant 0 : i32
      %dma_start3A_292 = tpu.memref_slice %arg11[%mul3A_290, %dma_start3A_291] : memref<10000x128xf32, #tpu.memory_space<vmem_shared>> -> memref<80x128xf32, #tpu.memory_space<vmem_shared>>
      %dma_start3A_293 = arith.constant 0 : i32
      %dma_start3A_294 = tpu.memref_slice %arg11[%mul3A_290, %dma_start3A_293] : memref<10000x128xf32, #tpu.memory_space<vmem_shared>> -> memref<80x128xf32, #tpu.memory_space<vmem_shared>>
      tpu.enqueue_dma source(%arg8 : memref<80x128xf32, #tpu.memory_space<vmem>>) target(%dma_start3A_294 : memref<80x128xf32, #tpu.memory_space<vmem_shared>>) target_semaphore(%arg18 : memref<!tpu.dma_semaphore, #tpu.memory_space<semaphore_mem>>)
    } else {
    }
    %add3A_51 = arith.constant 96 : i32
    %add3A_52 = arith.addi %add3A_51, %arg1 : i32
    %lt3A_53 = arith.constant 125 : i32
    %lt3A_54 = arith.cmpi slt, %add3A_52, %lt3A_53 : i32
    %convert_element_type3A_55 = arith.extui %lt3A_54 : i1 to i32
    %cond3A_56 = arith.constant 0 : i32
    %cond3A_57 = arith.cmpi ne, %convert_element_type3A_55, %cond3A_56 : i32
    scf.if %cond3A_57 {
      %mul3A_289 = arith.constant 80 : i32
      %mul3A_290 = arith.muli %add3A_52, %mul3A_289 : i32
      %dma_start3A_291 = arith.constant 0 : i32
      %dma_start3A_292 = tpu.memref_slice %arg11[%mul3A_290, %dma_start3A_291] : memref<10000x128xf32, #tpu.memory_space<vmem_shared>> -> memref<80x128xf32, #tpu.memory_space<vmem_shared>>
      %dma_start3A_293 = arith.constant 0 : i32
      %dma_start3A_294 = tpu.memref_slice %arg11[%mul3A_290, %dma_start3A_293] : memref<10000x128xf32, #tpu.memory_space<vmem_shared>> -> memref<80x128xf32, #tpu.memory_space<vmem_shared>>
      tpu.enqueue_dma source(%arg8 : memref<80x128xf32, #tpu.memory_space<vmem>>) target(%dma_start3A_294 : memref<80x128xf32, #tpu.memory_space<vmem_shared>>) target_semaphore(%arg18 : memref<!tpu.dma_semaphore, #tpu.memory_space<semaphore_mem>>)
    } else {
    }
    %add3A_58 = arith.constant 112 : i32
    %add3A_59 = arith.addi %add3A_58, %arg1 : i32
    %lt3A_60 = arith.constant 125 : i32
    %lt3A_61 = arith.cmpi slt, %add3A_59, %lt3A_60 : i32
    %convert_element_type3A_62 = arith.extui %lt3A_61 : i1 to i32
    %cond3A_63 = arith.constant 0 : i32
    %cond3A_64 = arith.cmpi ne, %convert_element_type3A_62, %cond3A_63 : i32
    scf.if %cond3A_64 {
      %mul3A_289 = arith.constant 80 : i32
      %mul3A_290 = arith.muli %add3A_59, %mul3A_289 : i32
      %dma_start3A_291 = arith.constant 0 : i32
      %dma_start3A_292 = tpu.memref_slice %arg11[%mul3A_290, %dma_start3A_291] : memref<10000x128xf32, #tpu.memory_space<vmem_shared>> -> memref<80x128xf32, #tpu.memory_space<vmem_shared>>
      %dma_start3A_293 = arith.constant 0 : i32
      %dma_start3A_294 = tpu.memref_slice %arg11[%mul3A_290, %dma_start3A_293] : memref<10000x128xf32, #tpu.memory_space<vmem_shared>> -> memref<80x128xf32, #tpu.memory_space<vmem_shared>>
      tpu.enqueue_dma source(%arg8 : memref<80x128xf32, #tpu.memory_space<vmem>>) target(%dma_start3A_294 : memref<80x128xf32, #tpu.memory_space<vmem_shared>>) target_semaphore(%arg18 : memref<!tpu.dma_semaphore, #tpu.memory_space<semaphore_mem>>)
    } else {
    }
    %add3A_65 = arith.constant 0 : i32
    %add3A_66 = arith.addi %add3A_65, %arg1 : i32
    %lt3A_67 = arith.constant 125 : i32
    %lt3A_68 = arith.cmpi slt, %add3A_66, %lt3A_67 : i32
    %convert_element_type3A_69 = arith.extui %lt3A_68 : i1 to i32
    %cond3A_70 = arith.constant 0 : i32
    %cond3A_71 = arith.cmpi ne, %convert_element_type3A_69, %cond3A_70 : i32
    scf.if %cond3A_71 {
      %mul3A_289 = arith.constant 80 : i32
      %mul3A_290 = arith.muli %add3A_66, %mul3A_289 : i32
      %dma_wait3A_291 = arith.constant 0 : i32
      %dma_wait3A_292 = tpu.memref_slice %arg11[%mul3A_290, %dma_wait3A_291] : memref<10000x128xf32, #tpu.memory_space<vmem_shared>> -> memref<80x128xf32, #tpu.memory_space<vmem_shared>>
      %dma_wait3A_293 = arith.constant 0 : i32
      %dma_wait3A_294 = tpu.memref_slice %arg11[%mul3A_290, %dma_wait3A_293] : memref<10000x128xf32, #tpu.memory_space<vmem_shared>> -> memref<80x128xf32, #tpu.memory_space<vmem_shared>>
      tpu.wait_dma2 semaphore(%arg18 : memref<!tpu.dma_semaphore, #tpu.memory_space<semaphore_mem>>) src(%arg8 : memref<80x128xf32, #tpu.memory_space<vmem>>) dst(%dma_wait3A_294 : memref<80x128xf32, #tpu.memory_space<vmem_shared>>)
    } else {
    }
    %add3A_72 = arith.constant 16 : i32
    %add3A_73 = arith.addi %add3A_72, %arg1 : i32
    %lt3A_74 = arith.constant 125 : i32
    %lt3A_75 = arith.cmpi slt, %add3A_73, %lt3A_74 : i32
    %convert_element_type3A_76 = arith.extui %lt3A_75 : i1 to i32
    %cond3A_77 = arith.constant 0 : i32
    %cond3A_78 = arith.cmpi ne, %convert_element_type3A_76, %cond3A_77 : i32
    scf.if %cond3A_78 {
      %mul3A_289 = arith.constant 80 : i32
      %mul3A_290 = arith.muli %add3A_73, %mul3A_289 : i32
      %dma_wait3A_291 = arith.constant 0 : i32
      %dma_wait3A_292 = tpu.memref_slice %arg11[%mul3A_290, %dma_wait3A_291] : memref<10000x128xf32, #tpu.memory_space<vmem_shared>> -> memref<80x128xf32, #tpu.memory_space<vmem_shared>>
      %dma_wait3A_293 = arith.constant 0 : i32
      %dma_wait3A_294 = tpu.memref_slice %arg11[%mul3A_290, %dma_wait3A_293] : memref<10000x128xf32, #tpu.memory_space<vmem_shared>> -> memref<80x128xf32, #tpu.memory_space<vmem_shared>>
      tpu.wait_dma2 semaphore(%arg18 : memref<!tpu.dma_semaphore, #tpu.memory_space<semaphore_mem>>) src(%arg8 : memref<80x128xf32, #tpu.memory_space<vmem>>) dst(%dma_wait3A_294 : memref<80x128xf32, #tpu.memory_space<vmem_shared>>)
    } else {
    }
    %add3A_79 = arith.constant 32 : i32
    %add3A_80 = arith.addi %add3A_79, %arg1 : i32
    %lt3A_81 = arith.constant 125 : i32
    %lt3A_82 = arith.cmpi slt, %add3A_80, %lt3A_81 : i32
    %convert_element_type3A_83 = arith.extui %lt3A_82 : i1 to i32
    %cond3A_84 = arith.constant 0 : i32
    %cond3A_85 = arith.cmpi ne, %convert_element_type3A_83, %cond3A_84 : i32
    scf.if %cond3A_85 {
      %mul3A_289 = arith.constant 80 : i32
      %mul3A_290 = arith.muli %add3A_80, %mul3A_289 : i32
      %dma_wait3A_291 = arith.constant 0 : i32
      %dma_wait3A_292 = tpu.memref_slice %arg11[%mul3A_290, %dma_wait3A_291] : memref<10000x128xf32, #tpu.memory_space<vmem_shared>> -> memref<80x128xf32, #tpu.memory_space<vmem_shared>>
      %dma_wait3A_293 = arith.constant 0 : i32
      %dma_wait3A_294 = tpu.memref_slice %arg11[%mul3A_290, %dma_wait3A_293] : memref<10000x128xf32, #tpu.memory_space<vmem_shared>> -> memref<80x128xf32, #tpu.memory_space<vmem_shared>>
      tpu.wait_dma2 semaphore(%arg18 : memref<!tpu.dma_semaphore, #tpu.memory_space<semaphore_mem>>) src(%arg8 : memref<80x128xf32, #tpu.memory_space<vmem>>) dst(%dma_wait3A_294 : memref<80x128xf32, #tpu.memory_space<vmem_shared>>)
    } else {
    }
    %add3A_86 = arith.constant 48 : i32
    %add3A_87 = arith.addi %add3A_86, %arg1 : i32
    %lt3A_88 = arith.constant 125 : i32
    %lt3A_89 = arith.cmpi slt, %add3A_87, %lt3A_88 : i32
    %convert_element_type3A_90 = arith.extui %lt3A_89 : i1 to i32
    %cond3A_91 = arith.constant 0 : i32
    %cond3A_92 = arith.cmpi ne, %convert_element_type3A_90, %cond3A_91 : i32
    scf.if %cond3A_92 {
      %mul3A_289 = arith.constant 80 : i32
      %mul3A_290 = arith.muli %add3A_87, %mul3A_289 : i32
      %dma_wait3A_291 = arith.constant 0 : i32
      %dma_wait3A_292 = tpu.memref_slice %arg11[%mul3A_290, %dma_wait3A_291] : memref<10000x128xf32, #tpu.memory_space<vmem_shared>> -> memref<80x128xf32, #tpu.memory_space<vmem_shared>>
      %dma_wait3A_293 = arith.constant 0 : i32
      %dma_wait3A_294 = tpu.memref_slice %arg11[%mul3A_290, %dma_wait3A_293] : memref<10000x128xf32, #tpu.memory_space<vmem_shared>> -> memref<80x128xf32, #tpu.memory_space<vmem_shared>>
      tpu.wait_dma2 semaphore(%arg18 : memref<!tpu.dma_semaphore, #tpu.memory_space<semaphore_mem>>) src(%arg8 : memref<80x128xf32, #tpu.memory_space<vmem>>) dst(%dma_wait3A_294 : memref<80x128xf32, #tpu.memory_space<vmem_shared>>)
    } else {
    }
    %add3A_93 = arith.constant 64 : i32
    %add3A_94 = arith.addi %add3A_93, %arg1 : i32
    %lt3A_95 = arith.constant 125 : i32
    %lt3A_96 = arith.cmpi slt, %add3A_94, %lt3A_95 : i32
    %convert_element_type3A_97 = arith.extui %lt3A_96 : i1 to i32
    %cond3A_98 = arith.constant 0 : i32
    %cond3A_99 = arith.cmpi ne, %convert_element_type3A_97, %cond3A_98 : i32
    scf.if %cond3A_99 {
      %mul3A_289 = arith.constant 80 : i32
      %mul3A_290 = arith.muli %add3A_94, %mul3A_289 : i32
      %dma_wait3A_291 = arith.constant 0 : i32
      %dma_wait3A_292 = tpu.memref_slice %arg11[%mul3A_290, %dma_wait3A_291] : memref<10000x128xf32, #tpu.memory_space<vmem_shared>> -> memref<80x128xf32, #tpu.memory_space<vmem_shared>>
      %dma_wait3A_293 = arith.constant 0 : i32
      %dma_wait3A_294 = tpu.memref_slice %arg11[%mul3A_290, %dma_wait3A_293] : memref<10000x128xf32, #tpu.memory_space<vmem_shared>> -> memref<80x128xf32, #tpu.memory_space<vmem_shared>>
      tpu.wait_dma2 semaphore(%arg18 : memref<!tpu.dma_semaphore, #tpu.memory_space<semaphore_mem>>) src(%arg8 : memref<80x128xf32, #tpu.memory_space<vmem>>) dst(%dma_wait3A_294 : memref<80x128xf32, #tpu.memory_space<vmem_shared>>)
    } else {
    }
    %add3A_100 = arith.constant 80 : i32
    %add3A_101 = arith.addi %add3A_100, %arg1 : i32
    %lt3A_102 = arith.constant 125 : i32
    %lt3A_103 = arith.cmpi slt, %add3A_101, %lt3A_102 : i32
    %convert_element_type3A_104 = arith.extui %lt3A_103 : i1 to i32
    %cond3A_105 = arith.constant 0 : i32
    %cond3A_106 = arith.cmpi ne, %convert_element_type3A_104, %cond3A_105 : i32
    scf.if %cond3A_106 {
      %mul3A_289 = arith.constant 80 : i32
      %mul3A_290 = arith.muli %add3A_101, %mul3A_289 : i32
      %dma_wait3A_291 = arith.constant 0 : i32
      %dma_wait3A_292 = tpu.memref_slice %arg11[%mul3A_290, %dma_wait3A_291] : memref<10000x128xf32, #tpu.memory_space<vmem_shared>> -> memref<80x128xf32, #tpu.memory_space<vmem_shared>>
      %dma_wait3A_293 = arith.constant 0 : i32
      %dma_wait3A_294 = tpu.memref_slice %arg11[%mul3A_290, %dma_wait3A_293] : memref<10000x128xf32, #tpu.memory_space<vmem_shared>> -> memref<80x128xf32, #tpu.memory_space<vmem_shared>>
      tpu.wait_dma2 semaphore(%arg18 : memref<!tpu.dma_semaphore, #tpu.memory_space<semaphore_mem>>) src(%arg8 : memref<80x128xf32, #tpu.memory_space<vmem>>) dst(%dma_wait3A_294 : memref<80x128xf32, #tpu.memory_space<vmem_shared>>)
    } else {
    }
    %add3A_107 = arith.constant 96 : i32
    %add3A_108 = arith.addi %add3A_107, %arg1 : i32
    %lt3A_109 = arith.constant 125 : i32
    %lt3A_110 = arith.cmpi slt, %add3A_108, %lt3A_109 : i32
    %convert_element_type3A_111 = arith.extui %lt3A_110 : i1 to i32
    %cond3A_112 = arith.constant 0 : i32
    %cond3A_113 = arith.cmpi ne, %convert_element_type3A_111, %cond3A_112 : i32
    scf.if %cond3A_113 {
      %mul3A_289 = arith.constant 80 : i32
      %mul3A_290 = arith.muli %add3A_108, %mul3A_289 : i32
      %dma_wait3A_291 = arith.constant 0 : i32
      %dma_wait3A_292 = tpu.memref_slice %arg11[%mul3A_290, %dma_wait3A_291] : memref<10000x128xf32, #tpu.memory_space<vmem_shared>> -> memref<80x128xf32, #tpu.memory_space<vmem_shared>>
      %dma_wait3A_293 = arith.constant 0 : i32
      %dma_wait3A_294 = tpu.memref_slice %arg11[%mul3A_290, %dma_wait3A_293] : memref<10000x128xf32, #tpu.memory_space<vmem_shared>> -> memref<80x128xf32, #tpu.memory_space<vmem_shared>>
      tpu.wait_dma2 semaphore(%arg18 : memref<!tpu.dma_semaphore, #tpu.memory_space<semaphore_mem>>) src(%arg8 : memref<80x128xf32, #tpu.memory_space<vmem>>) dst(%dma_wait3A_294 : memref<80x128xf32, #tpu.memory_space<vmem_shared>>)
    } else {
    }
    %add3A_114 = arith.constant 112 : i32
    %add3A_115 = arith.addi %add3A_114, %arg1 : i32
    %lt3A_116 = arith.constant 125 : i32
    %lt3A_117 = arith.cmpi slt, %add3A_115, %lt3A_116 : i32
    %convert_element_type3A_118 = arith.extui %lt3A_117 : i1 to i32
    %cond3A_119 = arith.constant 0 : i32
    %cond3A_120 = arith.cmpi ne, %convert_element_type3A_118, %cond3A_119 : i32
    scf.if %cond3A_120 {
      %mul3A_289 = arith.constant 80 : i32
      %mul3A_290 = arith.muli %add3A_115, %mul3A_289 : i32
      %dma_wait3A_291 = arith.constant 0 : i32
      %dma_wait3A_292 = tpu.memref_slice %arg11[%mul3A_290, %dma_wait3A_291] : memref<10000x128xf32, #tpu.memory_space<vmem_shared>> -> memref<80x128xf32, #tpu.memory_space<vmem_shared>>
      %dma_wait3A_293 = arith.constant 0 : i32
      %dma_wait3A_294 = tpu.memref_slice %arg11[%mul3A_290, %dma_wait3A_293] : memref<10000x128xf32, #tpu.memory_space<vmem_shared>> -> memref<80x128xf32, #tpu.memory_space<vmem_shared>>
      tpu.wait_dma2 semaphore(%arg18 : memref<!tpu.dma_semaphore, #tpu.memory_space<semaphore_mem>>) src(%arg8 : memref<80x128xf32, #tpu.memory_space<vmem>>) dst(%dma_wait3A_294 : memref<80x128xf32, #tpu.memory_space<vmem_shared>>)
    } else {
    }
    %dma_wait3A = tpu.memref_slice %arg3[%mul3A_2] : memref<320000xi32, #tpu.memory_space<hbm>> -> memref<10000xi32, #tpu.memory_space<hbm>>
    %dma_wait3A_121 = tpu.memref_slice %arg3[%mul3A_2] : memref<320000xi32, #tpu.memory_space<hbm>> -> memref<10000xi32, #tpu.memory_space<hbm>>
    tpu.wait_dma2 semaphore(%arg12 : memref<!tpu.dma_semaphore, #tpu.memory_space<semaphore_mem>>) src(%dma_wait3A_121 : memref<10000xi32, #tpu.memory_space<hbm>>) dst(%arg6 : memref<10000xi32, #tpu.memory_space<vmem>>)
    %dma_wait3A_122 = tpu.memref_slice %arg4[%mul3A_2] : memref<320000xi32, #tpu.memory_space<hbm>> -> memref<10000xi32, #tpu.memory_space<hbm>>
    %dma_wait3A_123 = tpu.memref_slice %arg4[%mul3A_2] : memref<320000xi32, #tpu.memory_space<hbm>> -> memref<10000xi32, #tpu.memory_space<hbm>>
    tpu.wait_dma2 semaphore(%arg13 : memref<!tpu.dma_semaphore, #tpu.memory_space<semaphore_mem>>) src(%dma_wait3A_123 : memref<10000xi32, #tpu.memory_space<hbm>>) dst(%arg7 : memref<10000xi32, #tpu.memory_space<vmem>>)
    %barrier3A = arith.constant 0 : index
    tpu.barrier barrier_id(%barrier3A)
    %dma_start3A_124 = arith.constant 0 : i32
    %dma_start3A_125 = tpu.memref_slice %arg6[%dma_start3A_124] : memref<10000xi32, #tpu.memory_space<vmem>> -> memref<80xi32, #tpu.memory_space<vmem>>
    %dma_start3A_126 = arith.constant 0 : i32
    %dma_start3A_127 = arith.constant 0 : i32
    %dma_start3A_128 = tpu.memref_slice %arg2[%dma_start3A_126, %dma_start3A_127] : memref<10000x128xf32, #tpu.memory_space<hbm>> -> memref<10000x128xf32, #tpu.memory_space<hbm>>
    tpu.enqueue_indirect_dma source(%dma_start3A_128 : memref<10000x128xf32, #tpu.memory_space<hbm>>) target(%arg8 : memref<80x128xf32, #tpu.memory_space<vmem>>) offsets(%dma_start3A_125 : memref<80xi32, #tpu.memory_space<vmem>>) semaphore(%arg12 : memref<!tpu.dma_semaphore, #tpu.memory_space<semaphore_mem>>)
    %dma_start3A_129 = arith.constant 80 : i32
    %dma_start3A_130 = tpu.memref_slice %arg6[%dma_start3A_129] : memref<10000xi32, #tpu.memory_space<vmem>> -> memref<80xi32, #tpu.memory_space<vmem>>
    %dma_start3A_131 = arith.constant 0 : i32
    %dma_start3A_132 = arith.constant 0 : i32
    %dma_start3A_133 = tpu.memref_slice %arg2[%dma_start3A_131, %dma_start3A_132] : memref<10000x128xf32, #tpu.memory_space<hbm>> -> memref<10000x128xf32, #tpu.memory_space<hbm>>
    tpu.enqueue_indirect_dma source(%dma_start3A_133 : memref<10000x128xf32, #tpu.memory_space<hbm>>) target(%arg9 : memref<80x128xf32, #tpu.memory_space<vmem>>) offsets(%dma_start3A_130 : memref<80xi32, #tpu.memory_space<vmem>>) semaphore(%arg13 : memref<!tpu.dma_semaphore, #tpu.memory_space<semaphore_mem>>)
    %scan3A_134 = arith.constant 0 : i32
    %scan3A_135 = arith.constant 0 : i32
    %scan3A_136 = arith.constant 41 : i32
    %scan3A_137 = arith.addi %scan3A_135, %scan3A_136 : i32
    %scan3A_138 = arith.constant 1 : i32
    %scan3A_139 = scf.for %scan3A_289 = %scan3A_135 to %scan3A_137 step %scan3A_138 iter_args(%scan3A_290 = %scan3A_134) -> (i32)  : i32 {
      %mul3A_291 = arith.constant 3 : i32
      %mul3A_292 = arith.muli %mul3A_291, %scan3A_289 : i32
      %add3A_293 = arith.constant 0 : i32
      %add3A_294 = arith.addi %mul3A_292, %add3A_293 : i32
      %mul3A_295 = arith.constant 80 : i32
      %mul3A_296 = arith.muli %add3A_294, %mul3A_295 : i32
      %dma_wait3A_297 = tpu.memref_slice %arg6[%mul3A_296] : memref<10000xi32, #tpu.memory_space<vmem>> -> memref<80xi32, #tpu.memory_space<vmem>>
      %dma_wait3A_298 = arith.constant 0 : i32
      %dma_wait3A_299 = arith.constant 0 : i32
      %dma_wait3A_300 = tpu.memref_slice %arg2[%dma_wait3A_298, %dma_wait3A_299] : memref<10000x128xf32, #tpu.memory_space<hbm>> -> memref<10000x128xf32, #tpu.memory_space<hbm>>
      tpu.wait_indirect_dma semaphore(%arg12 : memref<!tpu.dma_semaphore, #tpu.memory_space<semaphore_mem>>) src(%dma_wait3A_300 : memref<10000x128xf32, #tpu.memory_space<hbm>>) dst(%arg8 : memref<80x128xf32, #tpu.memory_space<vmem>>)
      %gt3A = arith.constant 0 : i32
      %gt3A_301 = arith.cmpi sgt, %add3A_294, %gt3A : i32
      %convert_element_type3A_302 = arith.extui %gt3A_301 : i1 to i32
      %cond3A_303 = arith.constant 0 : i32
      %cond3A_304 = arith.cmpi ne, %convert_element_type3A_302, %cond3A_303 : i32
      scf.if %cond3A_304 {
        %sub3A = arith.constant 1 : i32
        %sub3A_375 = arith.subi %add3A_294, %sub3A : i32
        %mul3A_376 = arith.constant 80 : i32
        %mul3A_377 = arith.muli %sub3A_375, %mul3A_376 : i32
        %dma_wait3A_378 = tpu.memref_slice %arg7[%mul3A_377] : memref<10000xi32, #tpu.memory_space<vmem>> -> memref<80xi32, #tpu.memory_space<vmem>>
        %dma_wait3A_379 = arith.constant 0 : i32
        %dma_wait3A_380 = arith.constant 0 : i32
        %dma_wait3A_381 = tpu.memref_slice %arg11[%dma_wait3A_379, %dma_wait3A_380] : memref<10000x128xf32, #tpu.memory_space<vmem_shared>> -> memref<10000x128xf32, #tpu.memory_space<vmem_shared>>
        tpu.wait_indirect_dma semaphore(%arg17 : memref<!tpu.dma_semaphore, #tpu.memory_space<semaphore_mem>>) src(%arg10 : memref<80x128xf32, #tpu.memory_space<vmem>>) dst(%dma_wait3A_381 : memref<10000x128xf32, #tpu.memory_space<vmem_shared>>)
      } else {
      }
      %add3A_305 = arith.constant 2 : i32
      %add3A_306 = arith.addi %add3A_294, %add3A_305 : i32
      %lt3A_307 = arith.constant 125 : i32
      %lt3A_308 = arith.cmpi slt, %add3A_306, %lt3A_307 : i32
      %convert_element_type3A_309 = arith.extui %lt3A_308 : i1 to i32
      %cond3A_310 = arith.constant 0 : i32
      %cond3A_311 = arith.cmpi ne, %convert_element_type3A_309, %cond3A_310 : i32
      scf.if %cond3A_311 {
        %add3A_375 = arith.constant 2 : i32
        %add3A_376 = arith.addi %add3A_294, %add3A_375 : i32
        %mul3A_377 = arith.constant 80 : i32
        %mul3A_378 = arith.muli %add3A_376, %mul3A_377 : i32
        %dma_start3A_379 = tpu.memref_slice %arg6[%mul3A_378] : memref<10000xi32, #tpu.memory_space<vmem>> -> memref<80xi32, #tpu.memory_space<vmem>>
        %dma_start3A_380 = arith.constant 0 : i32
        %dma_start3A_381 = arith.constant 0 : i32
        %dma_start3A_382 = tpu.memref_slice %arg2[%dma_start3A_380, %dma_start3A_381] : memref<10000x128xf32, #tpu.memory_space<hbm>> -> memref<10000x128xf32, #tpu.memory_space<hbm>>
        tpu.enqueue_indirect_dma source(%dma_start3A_382 : memref<10000x128xf32, #tpu.memory_space<hbm>>) target(%arg10 : memref<80x128xf32, #tpu.memory_space<vmem>>) offsets(%dma_start3A_379 : memref<80xi32, #tpu.memory_space<vmem>>) semaphore(%arg14 : memref<!tpu.dma_semaphore, #tpu.memory_space<semaphore_mem>>)
      } else {
      }
      %mul3A_312 = arith.constant 80 : i32
      %mul3A_313 = arith.muli %add3A_294, %mul3A_312 : i32
      %dma_start3A_314 = tpu.memref_slice %arg7[%mul3A_313] : memref<10000xi32, #tpu.memory_space<vmem>> -> memref<80xi32, #tpu.memory_space<vmem>>
      %dma_start3A_315 = arith.constant 0 : i32
      %dma_start3A_316 = arith.constant 0 : i32
      %dma_start3A_317 = tpu.memref_slice %arg11[%dma_start3A_315, %dma_start3A_316] : memref<10000x128xf32, #tpu.memory_space<vmem_shared>> -> memref<10000x128xf32, #tpu.memory_space<vmem_shared>>
      tpu.enqueue_indirect_dma source(%arg8 : memref<80x128xf32, #tpu.memory_space<vmem>>) target(%dma_start3A_317 : memref<10000x128xf32, #tpu.memory_space<vmem_shared>>) offsets(%dma_start3A_314 : memref<80xi32, #tpu.memory_space<vmem>>) semaphore(%arg15 : memref<!tpu.dma_semaphore, #tpu.memory_space<semaphore_mem>>) {add = true}
      %mul3A_318 = arith.constant 3 : i32
      %mul3A_319 = arith.muli %mul3A_318, %scan3A_289 : i32
      %add3A_320 = arith.constant 1 : i32
      %add3A_321 = arith.addi %mul3A_319, %add3A_320 : i32
      %mul3A_322 = arith.constant 80 : i32
      %mul3A_323 = arith.muli %add3A_321, %mul3A_322 : i32
      %dma_wait3A_324 = tpu.memref_slice %arg6[%mul3A_323] : memref<10000xi32, #tpu.memory_space<vmem>> -> memref<80xi32, #tpu.memory_space<vmem>>
      %dma_wait3A_325 = arith.constant 0 : i32
      %dma_wait3A_326 = arith.constant 0 : i32
      %dma_wait3A_327 = tpu.memref_slice %arg2[%dma_wait3A_325, %dma_wait3A_326] : memref<10000x128xf32, #tpu.memory_space<hbm>> -> memref<10000x128xf32, #tpu.memory_space<hbm>>
      tpu.wait_indirect_dma semaphore(%arg13 : memref<!tpu.dma_semaphore, #tpu.memory_space<semaphore_mem>>) src(%dma_wait3A_327 : memref<10000x128xf32, #tpu.memory_space<hbm>>) dst(%arg9 : memref<80x128xf32, #tpu.memory_space<vmem>>)
      %gt3A_328 = arith.constant 0 : i32
      %gt3A_329 = arith.cmpi sgt, %add3A_321, %gt3A_328 : i32
      %convert_element_type3A_330 = arith.extui %gt3A_329 : i1 to i32
      %cond3A_331 = arith.constant 0 : i32
      %cond3A_332 = arith.cmpi ne, %convert_element_type3A_330, %cond3A_331 : i32
      scf.if %cond3A_332 {
        %sub3A = arith.constant 1 : i32
        %sub3A_375 = arith.subi %add3A_321, %sub3A : i32
        %mul3A_376 = arith.constant 80 : i32
        %mul3A_377 = arith.muli %sub3A_375, %mul3A_376 : i32
        %dma_wait3A_378 = tpu.memref_slice %arg7[%mul3A_377] : memref<10000xi32, #tpu.memory_space<vmem>> -> memref<80xi32, #tpu.memory_space<vmem>>
        %dma_wait3A_379 = arith.constant 0 : i32
        %dma_wait3A_380 = arith.constant 0 : i32
        %dma_wait3A_381 = tpu.memref_slice %arg11[%dma_wait3A_379, %dma_wait3A_380] : memref<10000x128xf32, #tpu.memory_space<vmem_shared>> -> memref<10000x128xf32, #tpu.memory_space<vmem_shared>>
        tpu.wait_indirect_dma semaphore(%arg15 : memref<!tpu.dma_semaphore, #tpu.memory_space<semaphore_mem>>) src(%arg8 : memref<80x128xf32, #tpu.memory_space<vmem>>) dst(%dma_wait3A_381 : memref<10000x128xf32, #tpu.memory_space<vmem_shared>>)
      } else {
      }
      %add3A_333 = arith.constant 2 : i32
      %add3A_334 = arith.addi %add3A_321, %add3A_333 : i32
      %lt3A_335 = arith.constant 125 : i32
      %lt3A_336 = arith.cmpi slt, %add3A_334, %lt3A_335 : i32
      %convert_element_type3A_337 = arith.extui %lt3A_336 : i1 to i32
      %cond3A_338 = arith.constant 0 : i32
      %cond3A_339 = arith.cmpi ne, %convert_element_type3A_337, %cond3A_338 : i32
      scf.if %cond3A_339 {
        %add3A_375 = arith.constant 2 : i32
        %add3A_376 = arith.addi %add3A_321, %add3A_375 : i32
        %mul3A_377 = arith.constant 80 : i32
        %mul3A_378 = arith.muli %add3A_376, %mul3A_377 : i32
        %dma_start3A_379 = tpu.memref_slice %arg6[%mul3A_378] : memref<10000xi32, #tpu.memory_space<vmem>> -> memref<80xi32, #tpu.memory_space<vmem>>
        %dma_start3A_380 = arith.constant 0 : i32
        %dma_start3A_381 = arith.constant 0 : i32
        %dma_start3A_382 = tpu.memref_slice %arg2[%dma_start3A_380, %dma_start3A_381] : memref<10000x128xf32, #tpu.memory_space<hbm>> -> memref<10000x128xf32, #tpu.memory_space<hbm>>
        tpu.enqueue_indirect_dma source(%dma_start3A_382 : memref<10000x128xf32, #tpu.memory_space<hbm>>) target(%arg8 : memref<80x128xf32, #tpu.memory_space<vmem>>) offsets(%dma_start3A_379 : memref<80xi32, #tpu.memory_space<vmem>>) semaphore(%arg12 : memref<!tpu.dma_semaphore, #tpu.memory_space<semaphore_mem>>)
      } else {
      }
      %mul3A_340 = arith.constant 80 : i32
      %mul3A_341 = arith.muli %add3A_321, %mul3A_340 : i32
      %dma_start3A_342 = tpu.memref_slice %arg7[%mul3A_341] : memref<10000xi32, #tpu.memory_space<vmem>> -> memref<80xi32, #tpu.memory_space<vmem>>
      %dma_start3A_343 = arith.constant 0 : i32
      %dma_start3A_344 = arith.constant 0 : i32
      %dma_start3A_345 = tpu.memref_slice %arg11[%dma_start3A_343, %dma_start3A_344] : memref<10000x128xf32, #tpu.memory_space<vmem_shared>> -> memref<10000x128xf32, #tpu.memory_space<vmem_shared>>
      tpu.enqueue_indirect_dma source(%arg9 : memref<80x128xf32, #tpu.memory_space<vmem>>) target(%dma_start3A_345 : memref<10000x128xf32, #tpu.memory_space<vmem_shared>>) offsets(%dma_start3A_342 : memref<80xi32, #tpu.memory_space<vmem>>) semaphore(%arg16 : memref<!tpu.dma_semaphore, #tpu.memory_space<semaphore_mem>>) {add = true}
      %mul3A_346 = arith.constant 3 : i32
      %mul3A_347 = arith.muli %mul3A_346, %scan3A_289 : i32
      %add3A_348 = arith.constant 2 : i32
      %add3A_349 = arith.addi %mul3A_347, %add3A_348 : i32
      %mul3A_350 = arith.constant 80 : i32
      %mul3A_351 = arith.muli %add3A_349, %mul3A_350 : i32
      %dma_wait3A_352 = tpu.memref_slice %arg6[%mul3A_351] : memref<10000xi32, #tpu.memory_space<vmem>> -> memref<80xi32, #tpu.memory_space<vmem>>
      %dma_wait3A_353 = arith.constant 0 : i32
      %dma_wait3A_354 = arith.constant 0 : i32
      %dma_wait3A_355 = tpu.memref_slice %arg2[%dma_wait3A_353, %dma_wait3A_354] : memref<10000x128xf32, #tpu.memory_space<hbm>> -> memref<10000x128xf32, #tpu.memory_space<hbm>>
      tpu.wait_indirect_dma semaphore(%arg14 : memref<!tpu.dma_semaphore, #tpu.memory_space<semaphore_mem>>) src(%dma_wait3A_355 : memref<10000x128xf32, #tpu.memory_space<hbm>>) dst(%arg10 : memref<80x128xf32, #tpu.memory_space<vmem>>)
      %gt3A_356 = arith.constant 0 : i32
      %gt3A_357 = arith.cmpi sgt, %add3A_349, %gt3A_356 : i32
      %convert_element_type3A_358 = arith.extui %gt3A_357 : i1 to i32
      %cond3A_359 = arith.constant 0 : i32
      %cond3A_360 = arith.cmpi ne, %convert_element_type3A_358, %cond3A_359 : i32
      scf.if %cond3A_360 {
        %sub3A = arith.constant 1 : i32
        %sub3A_375 = arith.subi %add3A_349, %sub3A : i32
        %mul3A_376 = arith.constant 80 : i32
        %mul3A_377 = arith.muli %sub3A_375, %mul3A_376 : i32
        %dma_wait3A_378 = tpu.memref_slice %arg7[%mul3A_377] : memref<10000xi32, #tpu.memory_space<vmem>> -> memref<80xi32, #tpu.memory_space<vmem>>
        %dma_wait3A_379 = arith.constant 0 : i32
        %dma_wait3A_380 = arith.constant 0 : i32
        %dma_wait3A_381 = tpu.memref_slice %arg11[%dma_wait3A_379, %dma_wait3A_380] : memref<10000x128xf32, #tpu.memory_space<vmem_shared>> -> memref<10000x128xf32, #tpu.memory_space<vmem_shared>>
        tpu.wait_indirect_dma semaphore(%arg16 : memref<!tpu.dma_semaphore, #tpu.memory_space<semaphore_mem>>) src(%arg9 : memref<80x128xf32, #tpu.memory_space<vmem>>) dst(%dma_wait3A_381 : memref<10000x128xf32, #tpu.memory_space<vmem_shared>>)
      } else {
      }
      %add3A_361 = arith.constant 2 : i32
      %add3A_362 = arith.addi %add3A_349, %add3A_361 : i32
      %lt3A_363 = arith.constant 125 : i32
      %lt3A_364 = arith.cmpi slt, %add3A_362, %lt3A_363 : i32
      %convert_element_type3A_365 = arith.extui %lt3A_364 : i1 to i32
      %cond3A_366 = arith.constant 0 : i32
      %cond3A_367 = arith.cmpi ne, %convert_element_type3A_365, %cond3A_366 : i32
      scf.if %cond3A_367 {
        %add3A_375 = arith.constant 2 : i32
        %add3A_376 = arith.addi %add3A_349, %add3A_375 : i32
        %mul3A_377 = arith.constant 80 : i32
        %mul3A_378 = arith.muli %add3A_376, %mul3A_377 : i32
        %dma_start3A_379 = tpu.memref_slice %arg6[%mul3A_378] : memref<10000xi32, #tpu.memory_space<vmem>> -> memref<80xi32, #tpu.memory_space<vmem>>
        %dma_start3A_380 = arith.constant 0 : i32
        %dma_start3A_381 = arith.constant 0 : i32
        %dma_start3A_382 = tpu.memref_slice %arg2[%dma_start3A_380, %dma_start3A_381] : memref<10000x128xf32, #tpu.memory_space<hbm>> -> memref<10000x128xf32, #tpu.memory_space<hbm>>
        tpu.enqueue_indirect_dma source(%dma_start3A_382 : memref<10000x128xf32, #tpu.memory_space<hbm>>) target(%arg9 : memref<80x128xf32, #tpu.memory_space<vmem>>) offsets(%dma_start3A_379 : memref<80xi32, #tpu.memory_space<vmem>>) semaphore(%arg13 : memref<!tpu.dma_semaphore, #tpu.memory_space<semaphore_mem>>)
      } else {
      }
      %mul3A_368 = arith.constant 80 : i32
      %mul3A_369 = arith.muli %add3A_349, %mul3A_368 : i32
      %dma_start3A_370 = tpu.memref_slice %arg7[%mul3A_369] : memref<10000xi32, #tpu.memory_space<vmem>> -> memref<80xi32, #tpu.memory_space<vmem>>
      %dma_start3A_371 = arith.constant 0 : i32
      %dma_start3A_372 = arith.constant 0 : i32
      %dma_start3A_373 = tpu.memref_slice %arg11[%dma_start3A_371, %dma_start3A_372] : memref<10000x128xf32, #tpu.memory_space<vmem_shared>> -> memref<10000x128xf32, #tpu.memory_space<vmem_shared>>
      tpu.enqueue_indirect_dma source(%arg10 : memref<80x128xf32, #tpu.memory_space<vmem>>) target(%dma_start3A_373 : memref<10000x128xf32, #tpu.memory_space<vmem_shared>>) offsets(%dma_start3A_370 : memref<80xi32, #tpu.memory_space<vmem>>) semaphore(%arg17 : memref<!tpu.dma_semaphore, #tpu.memory_space<semaphore_mem>>) {add = true}
      %scan3A_374 = arith.constant 0 : i32
      scf.yield %scan3A_374 : i32
    }
    %scan3A_140 = arith.constant 41 : i32
    %dma_wait3A_141 = arith.constant 9840 : i32
    %dma_wait3A_142 = tpu.memref_slice %arg6[%dma_wait3A_141] : memref<10000xi32, #tpu.memory_space<vmem>> -> memref<80xi32, #tpu.memory_space<vmem>>
    %dma_wait3A_143 = arith.constant 0 : i32
    %dma_wait3A_144 = arith.constant 0 : i32
    %dma_wait3A_145 = tpu.memref_slice %arg2[%dma_wait3A_143, %dma_wait3A_144] : memref<10000x128xf32, #tpu.memory_space<hbm>> -> memref<10000x128xf32, #tpu.memory_space<hbm>>
    tpu.wait_indirect_dma semaphore(%arg12 : memref<!tpu.dma_semaphore, #tpu.memory_space<semaphore_mem>>) src(%dma_wait3A_145 : memref<10000x128xf32, #tpu.memory_space<hbm>>) dst(%arg8 : memref<80x128xf32, #tpu.memory_space<vmem>>)
    %dma_wait3A_146 = arith.constant 9760 : i32
    %dma_wait3A_147 = tpu.memref_slice %arg7[%dma_wait3A_146] : memref<10000xi32, #tpu.memory_space<vmem>> -> memref<80xi32, #tpu.memory_space<vmem>>
    %dma_wait3A_148 = arith.constant 0 : i32
    %dma_wait3A_149 = arith.constant 0 : i32
    %dma_wait3A_150 = tpu.memref_slice %arg11[%dma_wait3A_148, %dma_wait3A_149] : memref<10000x128xf32, #tpu.memory_space<vmem_shared>> -> memref<10000x128xf32, #tpu.memory_space<vmem_shared>>
    tpu.wait_indirect_dma semaphore(%arg17 : memref<!tpu.dma_semaphore, #tpu.memory_space<semaphore_mem>>) src(%arg10 : memref<80x128xf32, #tpu.memory_space<vmem>>) dst(%dma_wait3A_150 : memref<10000x128xf32, #tpu.memory_space<vmem_shared>>)
    %dma_start3A_151 = arith.constant 9840 : i32
    %dma_start3A_152 = tpu.memref_slice %arg7[%dma_start3A_151] : memref<10000xi32, #tpu.memory_space<vmem>> -> memref<80xi32, #tpu.memory_space<vmem>>
    %dma_start3A_153 = arith.constant 0 : i32
    %dma_start3A_154 = arith.constant 0 : i32
    %dma_start3A_155 = tpu.memref_slice %arg11[%dma_start3A_153, %dma_start3A_154] : memref<10000x128xf32, #tpu.memory_space<vmem_shared>> -> memref<10000x128xf32, #tpu.memory_space<vmem_shared>>
    tpu.enqueue_indirect_dma source(%arg8 : memref<80x128xf32, #tpu.memory_space<vmem>>) target(%dma_start3A_155 : memref<10000x128xf32, #tpu.memory_space<vmem_shared>>) offsets(%dma_start3A_152 : memref<80xi32, #tpu.memory_space<vmem>>) semaphore(%arg15 : memref<!tpu.dma_semaphore, #tpu.memory_space<semaphore_mem>>) {add = true}
    %dma_wait3A_156 = arith.constant 9920 : i32
    %dma_wait3A_157 = tpu.memref_slice %arg6[%dma_wait3A_156] : memref<10000xi32, #tpu.memory_space<vmem>> -> memref<80xi32, #tpu.memory_space<vmem>>
    %dma_wait3A_158 = arith.constant 0 : i32
    %dma_wait3A_159 = arith.constant 0 : i32
    %dma_wait3A_160 = tpu.memref_slice %arg2[%dma_wait3A_158, %dma_wait3A_159] : memref<10000x128xf32, #tpu.memory_space<hbm>> -> memref<10000x128xf32, #tpu.memory_space<hbm>>
    tpu.wait_indirect_dma semaphore(%arg13 : memref<!tpu.dma_semaphore, #tpu.memory_space<semaphore_mem>>) src(%dma_wait3A_160 : memref<10000x128xf32, #tpu.memory_space<hbm>>) dst(%arg9 : memref<80x128xf32, #tpu.memory_space<vmem>>)
    %dma_wait3A_161 = arith.constant 9840 : i32
    %dma_wait3A_162 = tpu.memref_slice %arg7[%dma_wait3A_161] : memref<10000xi32, #tpu.memory_space<vmem>> -> memref<80xi32, #tpu.memory_space<vmem>>
    %dma_wait3A_163 = arith.constant 0 : i32
    %dma_wait3A_164 = arith.constant 0 : i32
    %dma_wait3A_165 = tpu.memref_slice %arg11[%dma_wait3A_163, %dma_wait3A_164] : memref<10000x128xf32, #tpu.memory_space<vmem_shared>> -> memref<10000x128xf32, #tpu.memory_space<vmem_shared>>
    tpu.wait_indirect_dma semaphore(%arg15 : memref<!tpu.dma_semaphore, #tpu.memory_space<semaphore_mem>>) src(%arg8 : memref<80x128xf32, #tpu.memory_space<vmem>>) dst(%dma_wait3A_165 : memref<10000x128xf32, #tpu.memory_space<vmem_shared>>)
    %dma_start3A_166 = arith.constant 9920 : i32
    %dma_start3A_167 = tpu.memref_slice %arg7[%dma_start3A_166] : memref<10000xi32, #tpu.memory_space<vmem>> -> memref<80xi32, #tpu.memory_space<vmem>>
    %dma_start3A_168 = arith.constant 0 : i32
    %dma_start3A_169 = arith.constant 0 : i32
    %dma_start3A_170 = tpu.memref_slice %arg11[%dma_start3A_168, %dma_start3A_169] : memref<10000x128xf32, #tpu.memory_space<vmem_shared>> -> memref<10000x128xf32, #tpu.memory_space<vmem_shared>>
    tpu.enqueue_indirect_dma source(%arg9 : memref<80x128xf32, #tpu.memory_space<vmem>>) target(%dma_start3A_170 : memref<10000x128xf32, #tpu.memory_space<vmem_shared>>) offsets(%dma_start3A_167 : memref<80xi32, #tpu.memory_space<vmem>>) semaphore(%arg16 : memref<!tpu.dma_semaphore, #tpu.memory_space<semaphore_mem>>) {add = true}
    %dma_wait3A_171 = arith.constant 9920 : i32
    %dma_wait3A_172 = tpu.memref_slice %arg7[%dma_wait3A_171] : memref<10000xi32, #tpu.memory_space<vmem>> -> memref<80xi32, #tpu.memory_space<vmem>>
    %dma_wait3A_173 = arith.constant 0 : i32
    %dma_wait3A_174 = arith.constant 0 : i32
    %dma_wait3A_175 = tpu.memref_slice %arg11[%dma_wait3A_173, %dma_wait3A_174] : memref<10000x128xf32, #tpu.memory_space<vmem_shared>> -> memref<10000x128xf32, #tpu.memory_space<vmem_shared>>
    tpu.wait_indirect_dma semaphore(%arg16 : memref<!tpu.dma_semaphore, #tpu.memory_space<semaphore_mem>>) src(%arg9 : memref<80x128xf32, #tpu.memory_space<vmem>>) dst(%dma_wait3A_175 : memref<10000x128xf32, #tpu.memory_space<vmem_shared>>)
    %barrier3A_176 = arith.constant 0 : index
    tpu.barrier barrier_id(%barrier3A_176)
    %add3A_177 = arith.constant 0 : i32
    %add3A_178 = arith.addi %add3A_177, %arg1 : i32
    %lt3A_179 = arith.constant 125 : i32
    %lt3A_180 = arith.cmpi slt, %add3A_178, %lt3A_179 : i32
    %convert_element_type3A_181 = arith.extui %lt3A_180 : i1 to i32
    %cond3A_182 = arith.constant 0 : i32
    %cond3A_183 = arith.cmpi ne, %convert_element_type3A_181, %cond3A_182 : i32
    scf.if %cond3A_183 {
      %mul3A_289 = arith.constant 80 : i32
      %mul3A_290 = arith.muli %add3A_178, %mul3A_289 : i32
      %dma_start3A_291 = arith.constant 0 : i32
      %dma_start3A_292 = tpu.memref_slice %arg5[%arg0, %mul3A_290, %dma_start3A_291] : memref<2x10000x128xf32, #tpu.memory_space<hbm>> -> memref<1x80x128xf32, #tpu.memory_space<hbm>>
      %dma_start3A_293 = tpu.memref_squeeze %dma_start3A_292 : memref<1x80x128xf32, #tpu.memory_space<hbm>> -> memref<80x128xf32, #tpu.memory_space<hbm>>
      %dma_start3A_294 = arith.constant 0 : i32
      %dma_start3A_295 = tpu.memref_slice %arg11[%mul3A_290, %dma_start3A_294] : memref<10000x128xf32, #tpu.memory_space<vmem_shared>> -> memref<80x128xf32, #tpu.memory_space<vmem_shared>>
      tpu.enqueue_dma source(%dma_start3A_295 : memref<80x128xf32, #tpu.memory_space<vmem_shared>>) target(%dma_start3A_293 : memref<80x128xf32, #tpu.memory_space<hbm>>) target_semaphore(%arg18 : memref<!tpu.dma_semaphore, #tpu.memory_space<semaphore_mem>>)
    } else {
    }
    %add3A_184 = arith.constant 16 : i32
    %add3A_185 = arith.addi %add3A_184, %arg1 : i32
    %lt3A_186 = arith.constant 125 : i32
    %lt3A_187 = arith.cmpi slt, %add3A_185, %lt3A_186 : i32
    %convert_element_type3A_188 = arith.extui %lt3A_187 : i1 to i32
    %cond3A_189 = arith.constant 0 : i32
    %cond3A_190 = arith.cmpi ne, %convert_element_type3A_188, %cond3A_189 : i32
    scf.if %cond3A_190 {
      %mul3A_289 = arith.constant 80 : i32
      %mul3A_290 = arith.muli %add3A_185, %mul3A_289 : i32
      %dma_start3A_291 = arith.constant 0 : i32
      %dma_start3A_292 = tpu.memref_slice %arg5[%arg0, %mul3A_290, %dma_start3A_291] : memref<2x10000x128xf32, #tpu.memory_space<hbm>> -> memref<1x80x128xf32, #tpu.memory_space<hbm>>
      %dma_start3A_293 = tpu.memref_squeeze %dma_start3A_292 : memref<1x80x128xf32, #tpu.memory_space<hbm>> -> memref<80x128xf32, #tpu.memory_space<hbm>>
      %dma_start3A_294 = arith.constant 0 : i32
      %dma_start3A_295 = tpu.memref_slice %arg11[%mul3A_290, %dma_start3A_294] : memref<10000x128xf32, #tpu.memory_space<vmem_shared>> -> memref<80x128xf32, #tpu.memory_space<vmem_shared>>
      tpu.enqueue_dma source(%dma_start3A_295 : memref<80x128xf32, #tpu.memory_space<vmem_shared>>) target(%dma_start3A_293 : memref<80x128xf32, #tpu.memory_space<hbm>>) target_semaphore(%arg18 : memref<!tpu.dma_semaphore, #tpu.memory_space<semaphore_mem>>)
    } else {
    }
    %add3A_191 = arith.constant 32 : i32
    %add3A_192 = arith.addi %add3A_191, %arg1 : i32
    %lt3A_193 = arith.constant 125 : i32
    %lt3A_194 = arith.cmpi slt, %add3A_192, %lt3A_193 : i32
    %convert_element_type3A_195 = arith.extui %lt3A_194 : i1 to i32
    %cond3A_196 = arith.constant 0 : i32
    %cond3A_197 = arith.cmpi ne, %convert_element_type3A_195, %cond3A_196 : i32
    scf.if %cond3A_197 {
      %mul3A_289 = arith.constant 80 : i32
      %mul3A_290 = arith.muli %add3A_192, %mul3A_289 : i32
      %dma_start3A_291 = arith.constant 0 : i32
      %dma_start3A_292 = tpu.memref_slice %arg5[%arg0, %mul3A_290, %dma_start3A_291] : memref<2x10000x128xf32, #tpu.memory_space<hbm>> -> memref<1x80x128xf32, #tpu.memory_space<hbm>>
      %dma_start3A_293 = tpu.memref_squeeze %dma_start3A_292 : memref<1x80x128xf32, #tpu.memory_space<hbm>> -> memref<80x128xf32, #tpu.memory_space<hbm>>
      %dma_start3A_294 = arith.constant 0 : i32
      %dma_start3A_295 = tpu.memref_slice %arg11[%mul3A_290, %dma_start3A_294] : memref<10000x128xf32, #tpu.memory_space<vmem_shared>> -> memref<80x128xf32, #tpu.memory_space<vmem_shared>>
      tpu.enqueue_dma source(%dma_start3A_295 : memref<80x128xf32, #tpu.memory_space<vmem_shared>>) target(%dma_start3A_293 : memref<80x128xf32, #tpu.memory_space<hbm>>) target_semaphore(%arg18 : memref<!tpu.dma_semaphore, #tpu.memory_space<semaphore_mem>>)
    } else {
    }
    %add3A_198 = arith.constant 48 : i32
    %add3A_199 = arith.addi %add3A_198, %arg1 : i32
    %lt3A_200 = arith.constant 125 : i32
    %lt3A_201 = arith.cmpi slt, %add3A_199, %lt3A_200 : i32
    %convert_element_type3A_202 = arith.extui %lt3A_201 : i1 to i32
    %cond3A_203 = arith.constant 0 : i32
    %cond3A_204 = arith.cmpi ne, %convert_element_type3A_202, %cond3A_203 : i32
    scf.if %cond3A_204 {
      %mul3A_289 = arith.constant 80 : i32
      %mul3A_290 = arith.muli %add3A_199, %mul3A_289 : i32
      %dma_start3A_291 = arith.constant 0 : i32
      %dma_start3A_292 = tpu.memref_slice %arg5[%arg0, %mul3A_290, %dma_start3A_291] : memref<2x10000x128xf32, #tpu.memory_space<hbm>> -> memref<1x80x128xf32, #tpu.memory_space<hbm>>
      %dma_start3A_293 = tpu.memref_squeeze %dma_start3A_292 : memref<1x80x128xf32, #tpu.memory_space<hbm>> -> memref<80x128xf32, #tpu.memory_space<hbm>>
      %dma_start3A_294 = arith.constant 0 : i32
      %dma_start3A_295 = tpu.memref_slice %arg11[%mul3A_290, %dma_start3A_294] : memref<10000x128xf32, #tpu.memory_space<vmem_shared>> -> memref<80x128xf32, #tpu.memory_space<vmem_shared>>
      tpu.enqueue_dma source(%dma_start3A_295 : memref<80x128xf32, #tpu.memory_space<vmem_shared>>) target(%dma_start3A_293 : memref<80x128xf32, #tpu.memory_space<hbm>>) target_semaphore(%arg18 : memref<!tpu.dma_semaphore, #tpu.memory_space<semaphore_mem>>)
    } else {
    }
    %add3A_205 = arith.constant 64 : i32
    %add3A_206 = arith.addi %add3A_205, %arg1 : i32
    %lt3A_207 = arith.constant 125 : i32
    %lt3A_208 = arith.cmpi slt, %add3A_206, %lt3A_207 : i32
    %convert_element_type3A_209 = arith.extui %lt3A_208 : i1 to i32
    %cond3A_210 = arith.constant 0 : i32
    %cond3A_211 = arith.cmpi ne, %convert_element_type3A_209, %cond3A_210 : i32
    scf.if %cond3A_211 {
      %mul3A_289 = arith.constant 80 : i32
      %mul3A_290 = arith.muli %add3A_206, %mul3A_289 : i32
      %dma_start3A_291 = arith.constant 0 : i32
      %dma_start3A_292 = tpu.memref_slice %arg5[%arg0, %mul3A_290, %dma_start3A_291] : memref<2x10000x128xf32, #tpu.memory_space<hbm>> -> memref<1x80x128xf32, #tpu.memory_space<hbm>>
      %dma_start3A_293 = tpu.memref_squeeze %dma_start3A_292 : memref<1x80x128xf32, #tpu.memory_space<hbm>> -> memref<80x128xf32, #tpu.memory_space<hbm>>
      %dma_start3A_294 = arith.constant 0 : i32
      %dma_start3A_295 = tpu.memref_slice %arg11[%mul3A_290, %dma_start3A_294] : memref<10000x128xf32, #tpu.memory_space<vmem_shared>> -> memref<80x128xf32, #tpu.memory_space<vmem_shared>>
      tpu.enqueue_dma source(%dma_start3A_295 : memref<80x128xf32, #tpu.memory_space<vmem_shared>>) target(%dma_start3A_293 : memref<80x128xf32, #tpu.memory_space<hbm>>) target_semaphore(%arg18 : memref<!tpu.dma_semaphore, #tpu.memory_space<semaphore_mem>>)
    } else {
    }
    %add3A_212 = arith.constant 80 : i32
    %add3A_213 = arith.addi %add3A_212, %arg1 : i32
    %lt3A_214 = arith.constant 125 : i32
    %lt3A_215 = arith.cmpi slt, %add3A_213, %lt3A_214 : i32
    %convert_element_type3A_216 = arith.extui %lt3A_215 : i1 to i32
    %cond3A_217 = arith.constant 0 : i32
    %cond3A_218 = arith.cmpi ne, %convert_element_type3A_216, %cond3A_217 : i32
    scf.if %cond3A_218 {
      %mul3A_289 = arith.constant 80 : i32
      %mul3A_290 = arith.muli %add3A_213, %mul3A_289 : i32
      %dma_start3A_291 = arith.constant 0 : i32
      %dma_start3A_292 = tpu.memref_slice %arg5[%arg0, %mul3A_290, %dma_start3A_291] : memref<2x10000x128xf32, #tpu.memory_space<hbm>> -> memref<1x80x128xf32, #tpu.memory_space<hbm>>
      %dma_start3A_293 = tpu.memref_squeeze %dma_start3A_292 : memref<1x80x128xf32, #tpu.memory_space<hbm>> -> memref<80x128xf32, #tpu.memory_space<hbm>>
      %dma_start3A_294 = arith.constant 0 : i32
      %dma_start3A_295 = tpu.memref_slice %arg11[%mul3A_290, %dma_start3A_294] : memref<10000x128xf32, #tpu.memory_space<vmem_shared>> -> memref<80x128xf32, #tpu.memory_space<vmem_shared>>
      tpu.enqueue_dma source(%dma_start3A_295 : memref<80x128xf32, #tpu.memory_space<vmem_shared>>) target(%dma_start3A_293 : memref<80x128xf32, #tpu.memory_space<hbm>>) target_semaphore(%arg18 : memref<!tpu.dma_semaphore, #tpu.memory_space<semaphore_mem>>)
    } else {
    }
    %add3A_219 = arith.constant 96 : i32
    %add3A_220 = arith.addi %add3A_219, %arg1 : i32
    %lt3A_221 = arith.constant 125 : i32
    %lt3A_222 = arith.cmpi slt, %add3A_220, %lt3A_221 : i32
    %convert_element_type3A_223 = arith.extui %lt3A_222 : i1 to i32
    %cond3A_224 = arith.constant 0 : i32
    %cond3A_225 = arith.cmpi ne, %convert_element_type3A_223, %cond3A_224 : i32
    scf.if %cond3A_225 {
      %mul3A_289 = arith.constant 80 : i32
      %mul3A_290 = arith.muli %add3A_220, %mul3A_289 : i32
      %dma_start3A_291 = arith.constant 0 : i32
      %dma_start3A_292 = tpu.memref_slice %arg5[%arg0, %mul3A_290, %dma_start3A_291] : memref<2x10000x128xf32, #tpu.memory_space<hbm>> -> memref<1x80x128xf32, #tpu.memory_space<hbm>>
      %dma_start3A_293 = tpu.memref_squeeze %dma_start3A_292 : memref<1x80x128xf32, #tpu.memory_space<hbm>> -> memref<80x128xf32, #tpu.memory_space<hbm>>
      %dma_start3A_294 = arith.constant 0 : i32
      %dma_start3A_295 = tpu.memref_slice %arg11[%mul3A_290, %dma_start3A_294] : memref<10000x128xf32, #tpu.memory_space<vmem_shared>> -> memref<80x128xf32, #tpu.memory_space<vmem_shared>>
      tpu.enqueue_dma source(%dma_start3A_295 : memref<80x128xf32, #tpu.memory_space<vmem_shared>>) target(%dma_start3A_293 : memref<80x128xf32, #tpu.memory_space<hbm>>) target_semaphore(%arg18 : memref<!tpu.dma_semaphore, #tpu.memory_space<semaphore_mem>>)
    } else {
    }
    %add3A_226 = arith.constant 112 : i32
    %add3A_227 = arith.addi %add3A_226, %arg1 : i32
    %lt3A_228 = arith.constant 125 : i32
    %lt3A_229 = arith.cmpi slt, %add3A_227, %lt3A_228 : i32
    %convert_element_type3A_230 = arith.extui %lt3A_229 : i1 to i32
    %cond3A_231 = arith.constant 0 : i32
    %cond3A_232 = arith.cmpi ne, %convert_element_type3A_230, %cond3A_231 : i32
    scf.if %cond3A_232 {
      %mul3A_289 = arith.constant 80 : i32
      %mul3A_290 = arith.muli %add3A_227, %mul3A_289 : i32
      %dma_start3A_291 = arith.constant 0 : i32
      %dma_start3A_292 = tpu.memref_slice %arg5[%arg0, %mul3A_290, %dma_start3A_291] : memref<2x10000x128xf32, #tpu.memory_space<hbm>> -> memref<1x80x128xf32, #tpu.memory_space<hbm>>
      %dma_start3A_293 = tpu.memref_squeeze %dma_start3A_292 : memref<1x80x128xf32, #tpu.memory_space<hbm>> -> memref<80x128xf32, #tpu.memory_space<hbm>>
      %dma_start3A_294 = arith.constant 0 : i32
      %dma_start3A_295 = tpu.memref_slice %arg11[%mul3A_290, %dma_start3A_294] : memref<10000x128xf32, #tpu.memory_space<vmem_shared>> -> memref<80x128xf32, #tpu.memory_space<vmem_shared>>
      tpu.enqueue_dma source(%dma_start3A_295 : memref<80x128xf32, #tpu.memory_space<vmem_shared>>) target(%dma_start3A_293 : memref<80x128xf32, #tpu.memory_space<hbm>>) target_semaphore(%arg18 : memref<!tpu.dma_semaphore, #tpu.memory_space<semaphore_mem>>)
    } else {
    }
    %add3A_233 = arith.constant 0 : i32
    %add3A_234 = arith.addi %add3A_233, %arg1 : i32
    %lt3A_235 = arith.constant 125 : i32
    %lt3A_236 = arith.cmpi slt, %add3A_234, %lt3A_235 : i32
    %convert_element_type3A_237 = arith.extui %lt3A_236 : i1 to i32
    %cond3A_238 = arith.constant 0 : i32
    %cond3A_239 = arith.cmpi ne, %convert_element_type3A_237, %cond3A_238 : i32
    scf.if %cond3A_239 {
      %mul3A_289 = arith.constant 80 : i32
      %mul3A_290 = arith.muli %add3A_234, %mul3A_289 : i32
      %dma_wait3A_291 = arith.constant 0 : i32
      %dma_wait3A_292 = tpu.memref_slice %arg5[%arg0, %mul3A_290, %dma_wait3A_291] : memref<2x10000x128xf32, #tpu.memory_space<hbm>> -> memref<1x80x128xf32, #tpu.memory_space<hbm>>
      %dma_wait3A_293 = tpu.memref_squeeze %dma_wait3A_292 : memref<1x80x128xf32, #tpu.memory_space<hbm>> -> memref<80x128xf32, #tpu.memory_space<hbm>>
      %dma_wait3A_294 = arith.constant 0 : i32
      %dma_wait3A_295 = tpu.memref_slice %arg11[%mul3A_290, %dma_wait3A_294] : memref<10000x128xf32, #tpu.memory_space<vmem_shared>> -> memref<80x128xf32, #tpu.memory_space<vmem_shared>>
      tpu.wait_dma2 semaphore(%arg18 : memref<!tpu.dma_semaphore, #tpu.memory_space<semaphore_mem>>) src(%dma_wait3A_295 : memref<80x128xf32, #tpu.memory_space<vmem_shared>>) dst(%dma_wait3A_293 : memref<80x128xf32, #tpu.memory_space<hbm>>)
    } else {
    }
    %add3A_240 = arith.constant 16 : i32
    %add3A_241 = arith.addi %add3A_240, %arg1 : i32
    %lt3A_242 = arith.constant 125 : i32
    %lt3A_243 = arith.cmpi slt, %add3A_241, %lt3A_242 : i32
    %convert_element_type3A_244 = arith.extui %lt3A_243 : i1 to i32
    %cond3A_245 = arith.constant 0 : i32
    %cond3A_246 = arith.cmpi ne, %convert_element_type3A_244, %cond3A_245 : i32
    scf.if %cond3A_246 {
      %mul3A_289 = arith.constant 80 : i32
      %mul3A_290 = arith.muli %add3A_241, %mul3A_289 : i32
      %dma_wait3A_291 = arith.constant 0 : i32
      %dma_wait3A_292 = tpu.memref_slice %arg5[%arg0, %mul3A_290, %dma_wait3A_291] : memref<2x10000x128xf32, #tpu.memory_space<hbm>> -> memref<1x80x128xf32, #tpu.memory_space<hbm>>
      %dma_wait3A_293 = tpu.memref_squeeze %dma_wait3A_292 : memref<1x80x128xf32, #tpu.memory_space<hbm>> -> memref<80x128xf32, #tpu.memory_space<hbm>>
      %dma_wait3A_294 = arith.constant 0 : i32
      %dma_wait3A_295 = tpu.memref_slice %arg11[%mul3A_290, %dma_wait3A_294] : memref<10000x128xf32, #tpu.memory_space<vmem_shared>> -> memref<80x128xf32, #tpu.memory_space<vmem_shared>>
      tpu.wait_dma2 semaphore(%arg18 : memref<!tpu.dma_semaphore, #tpu.memory_space<semaphore_mem>>) src(%dma_wait3A_295 : memref<80x128xf32, #tpu.memory_space<vmem_shared>>) dst(%dma_wait3A_293 : memref<80x128xf32, #tpu.memory_space<hbm>>)
    } else {
    }
    %add3A_247 = arith.constant 32 : i32
    %add3A_248 = arith.addi %add3A_247, %arg1 : i32
    %lt3A_249 = arith.constant 125 : i32
    %lt3A_250 = arith.cmpi slt, %add3A_248, %lt3A_249 : i32
    %convert_element_type3A_251 = arith.extui %lt3A_250 : i1 to i32
    %cond3A_252 = arith.constant 0 : i32
    %cond3A_253 = arith.cmpi ne, %convert_element_type3A_251, %cond3A_252 : i32
    scf.if %cond3A_253 {
      %mul3A_289 = arith.constant 80 : i32
      %mul3A_290 = arith.muli %add3A_248, %mul3A_289 : i32
      %dma_wait3A_291 = arith.constant 0 : i32
      %dma_wait3A_292 = tpu.memref_slice %arg5[%arg0, %mul3A_290, %dma_wait3A_291] : memref<2x10000x128xf32, #tpu.memory_space<hbm>> -> memref<1x80x128xf32, #tpu.memory_space<hbm>>
      %dma_wait3A_293 = tpu.memref_squeeze %dma_wait3A_292 : memref<1x80x128xf32, #tpu.memory_space<hbm>> -> memref<80x128xf32, #tpu.memory_space<hbm>>
      %dma_wait3A_294 = arith.constant 0 : i32
      %dma_wait3A_295 = tpu.memref_slice %arg11[%mul3A_290, %dma_wait3A_294] : memref<10000x128xf32, #tpu.memory_space<vmem_shared>> -> memref<80x128xf32, #tpu.memory_space<vmem_shared>>
      tpu.wait_dma2 semaphore(%arg18 : memref<!tpu.dma_semaphore, #tpu.memory_space<semaphore_mem>>) src(%dma_wait3A_295 : memref<80x128xf32, #tpu.memory_space<vmem_shared>>) dst(%dma_wait3A_293 : memref<80x128xf32, #tpu.memory_space<hbm>>)
    } else {
    }
    %add3A_254 = arith.constant 48 : i32
    %add3A_255 = arith.addi %add3A_254, %arg1 : i32
    %lt3A_256 = arith.constant 125 : i32
    %lt3A_257 = arith.cmpi slt, %add3A_255, %lt3A_256 : i32
    %convert_element_type3A_258 = arith.extui %lt3A_257 : i1 to i32
    %cond3A_259 = arith.constant 0 : i32
    %cond3A_260 = arith.cmpi ne, %convert_element_type3A_258, %cond3A_259 : i32
    scf.if %cond3A_260 {
      %mul3A_289 = arith.constant 80 : i32
      %mul3A_290 = arith.muli %add3A_255, %mul3A_289 : i32
      %dma_wait3A_291 = arith.constant 0 : i32
      %dma_wait3A_292 = tpu.memref_slice %arg5[%arg0, %mul3A_290, %dma_wait3A_291] : memref<2x10000x128xf32, #tpu.memory_space<hbm>> -> memref<1x80x128xf32, #tpu.memory_space<hbm>>
      %dma_wait3A_293 = tpu.memref_squeeze %dma_wait3A_292 : memref<1x80x128xf32, #tpu.memory_space<hbm>> -> memref<80x128xf32, #tpu.memory_space<hbm>>
      %dma_wait3A_294 = arith.constant 0 : i32
      %dma_wait3A_295 = tpu.memref_slice %arg11[%mul3A_290, %dma_wait3A_294] : memref<10000x128xf32, #tpu.memory_space<vmem_shared>> -> memref<80x128xf32, #tpu.memory_space<vmem_shared>>
      tpu.wait_dma2 semaphore(%arg18 : memref<!tpu.dma_semaphore, #tpu.memory_space<semaphore_mem>>) src(%dma_wait3A_295 : memref<80x128xf32, #tpu.memory_space<vmem_shared>>) dst(%dma_wait3A_293 : memref<80x128xf32, #tpu.memory_space<hbm>>)
    } else {
    }
    %add3A_261 = arith.constant 64 : i32
    %add3A_262 = arith.addi %add3A_261, %arg1 : i32
    %lt3A_263 = arith.constant 125 : i32
    %lt3A_264 = arith.cmpi slt, %add3A_262, %lt3A_263 : i32
    %convert_element_type3A_265 = arith.extui %lt3A_264 : i1 to i32
    %cond3A_266 = arith.constant 0 : i32
    %cond3A_267 = arith.cmpi ne, %convert_element_type3A_265, %cond3A_266 : i32
    scf.if %cond3A_267 {
      %mul3A_289 = arith.constant 80 : i32
      %mul3A_290 = arith.muli %add3A_262, %mul3A_289 : i32
      %dma_wait3A_291 = arith.constant 0 : i32
      %dma_wait3A_292 = tpu.memref_slice %arg5[%arg0, %mul3A_290, %dma_wait3A_291] : memref<2x10000x128xf32, #tpu.memory_space<hbm>> -> memref<1x80x128xf32, #tpu.memory_space<hbm>>
      %dma_wait3A_293 = tpu.memref_squeeze %dma_wait3A_292 : memref<1x80x128xf32, #tpu.memory_space<hbm>> -> memref<80x128xf32, #tpu.memory_space<hbm>>
      %dma_wait3A_294 = arith.constant 0 : i32
      %dma_wait3A_295 = tpu.memref_slice %arg11[%mul3A_290, %dma_wait3A_294] : memref<10000x128xf32, #tpu.memory_space<vmem_shared>> -> memref<80x128xf32, #tpu.memory_space<vmem_shared>>
      tpu.wait_dma2 semaphore(%arg18 : memref<!tpu.dma_semaphore, #tpu.memory_space<semaphore_mem>>) src(%dma_wait3A_295 : memref<80x128xf32, #tpu.memory_space<vmem_shared>>) dst(%dma_wait3A_293 : memref<80x128xf32, #tpu.memory_space<hbm>>)
    } else {
    }
    %add3A_268 = arith.constant 80 : i32
    %add3A_269 = arith.addi %add3A_268, %arg1 : i32
    %lt3A_270 = arith.constant 125 : i32
    %lt3A_271 = arith.cmpi slt, %add3A_269, %lt3A_270 : i32
    %convert_element_type3A_272 = arith.extui %lt3A_271 : i1 to i32
    %cond3A_273 = arith.constant 0 : i32
    %cond3A_274 = arith.cmpi ne, %convert_element_type3A_272, %cond3A_273 : i32
    scf.if %cond3A_274 {
      %mul3A_289 = arith.constant 80 : i32
      %mul3A_290 = arith.muli %add3A_269, %mul3A_289 : i32
      %dma_wait3A_291 = arith.constant 0 : i32
      %dma_wait3A_292 = tpu.memref_slice %arg5[%arg0, %mul3A_290, %dma_wait3A_291] : memref<2x10000x128xf32, #tpu.memory_space<hbm>> -> memref<1x80x128xf32, #tpu.memory_space<hbm>>
      %dma_wait3A_293 = tpu.memref_squeeze %dma_wait3A_292 : memref<1x80x128xf32, #tpu.memory_space<hbm>> -> memref<80x128xf32, #tpu.memory_space<hbm>>
      %dma_wait3A_294 = arith.constant 0 : i32
      %dma_wait3A_295 = tpu.memref_slice %arg11[%mul3A_290, %dma_wait3A_294] : memref<10000x128xf32, #tpu.memory_space<vmem_shared>> -> memref<80x128xf32, #tpu.memory_space<vmem_shared>>
      tpu.wait_dma2 semaphore(%arg18 : memref<!tpu.dma_semaphore, #tpu.memory_space<semaphore_mem>>) src(%dma_wait3A_295 : memref<80x128xf32, #tpu.memory_space<vmem_shared>>) dst(%dma_wait3A_293 : memref<80x128xf32, #tpu.memory_space<hbm>>)
    } else {
    }
    %add3A_275 = arith.constant 96 : i32
    %add3A_276 = arith.addi %add3A_275, %arg1 : i32
    %lt3A_277 = arith.constant 125 : i32
    %lt3A_278 = arith.cmpi slt, %add3A_276, %lt3A_277 : i32
    %convert_element_type3A_279 = arith.extui %lt3A_278 : i1 to i32
    %cond3A_280 = arith.constant 0 : i32
    %cond3A_281 = arith.cmpi ne, %convert_element_type3A_279, %cond3A_280 : i32
    scf.if %cond3A_281 {
      %mul3A_289 = arith.constant 80 : i32
      %mul3A_290 = arith.muli %add3A_276, %mul3A_289 : i32
      %dma_wait3A_291 = arith.constant 0 : i32
      %dma_wait3A_292 = tpu.memref_slice %arg5[%arg0, %mul3A_290, %dma_wait3A_291] : memref<2x10000x128xf32, #tpu.memory_space<hbm>> -> memref<1x80x128xf32, #tpu.memory_space<hbm>>
      %dma_wait3A_293 = tpu.memref_squeeze %dma_wait3A_292 : memref<1x80x128xf32, #tpu.memory_space<hbm>> -> memref<80x128xf32, #tpu.memory_space<hbm>>
      %dma_wait3A_294 = arith.constant 0 : i32
      %dma_wait3A_295 = tpu.memref_slice %arg11[%mul3A_290, %dma_wait3A_294] : memref<10000x128xf32, #tpu.memory_space<vmem_shared>> -> memref<80x128xf32, #tpu.memory_space<vmem_shared>>
      tpu.wait_dma2 semaphore(%arg18 : memref<!tpu.dma_semaphore, #tpu.memory_space<semaphore_mem>>) src(%dma_wait3A_295 : memref<80x128xf32, #tpu.memory_space<vmem_shared>>) dst(%dma_wait3A_293 : memref<80x128xf32, #tpu.memory_space<hbm>>)
    } else {
    }
    %add3A_282 = arith.constant 112 : i32
    %add3A_283 = arith.addi %add3A_282, %arg1 : i32
    %lt3A_284 = arith.constant 125 : i32
    %lt3A_285 = arith.cmpi slt, %add3A_283, %lt3A_284 : i32
    %convert_element_type3A_286 = arith.extui %lt3A_285 : i1 to i32
    %cond3A_287 = arith.constant 0 : i32
    %cond3A_288 = arith.cmpi ne, %convert_element_type3A_286, %cond3A_287 : i32
    scf.if %cond3A_288 {
      %mul3A_289 = arith.constant 80 : i32
      %mul3A_290 = arith.muli %add3A_283, %mul3A_289 : i32
      %dma_wait3A_291 = arith.constant 0 : i32
      %dma_wait3A_292 = tpu.memref_slice %arg5[%arg0, %mul3A_290, %dma_wait3A_291] : memref<2x10000x128xf32, #tpu.memory_space<hbm>> -> memref<1x80x128xf32, #tpu.memory_space<hbm>>
      %dma_wait3A_293 = tpu.memref_squeeze %dma_wait3A_292 : memref<1x80x128xf32, #tpu.memory_space<hbm>> -> memref<80x128xf32, #tpu.memory_space<hbm>>
      %dma_wait3A_294 = arith.constant 0 : i32
      %dma_wait3A_295 = tpu.memref_slice %arg11[%mul3A_290, %dma_wait3A_294] : memref<10000x128xf32, #tpu.memory_space<vmem_shared>> -> memref<80x128xf32, #tpu.memory_space<vmem_shared>>
      tpu.wait_dma2 semaphore(%arg18 : memref<!tpu.dma_semaphore, #tpu.memory_space<semaphore_mem>>) src(%dma_wait3A_295 : memref<80x128xf32, #tpu.memory_space<vmem_shared>>) dst(%dma_wait3A_293 : memref<80x128xf32, #tpu.memory_space<hbm>>)
    } else {
    }
    return
  }
}

module attributes {stable_mosaic.version = 14 : i64} {
  func.func @body(%arg0: i32, %arg1: memref<10000x1xf32, #tpu.memory_space<vmem>>, %arg2: memref<2x10000x128xf32, #tpu.memory_space<vmem>>, %arg3: memref<10000x128xf32, #tpu.memory_space<vmem>>, %arg4: memref<1x128xf32, #tpu.memory_space<vmem>>, %arg5: memref<10000x128xf32, #tpu.memory_space<vmem>>) attributes {dimension_semantics = [#tpu.dimension_semantics<arbitrary>], iteration_bounds = array<i64: 1>, scalar_prefetch = 0 : i64, scratch_operands = 0 : i64, tpu.core_type = #tpu.core_type<tc>, window_params = [{transform_indices = @transform_0, window_bounds = array<i64: 10000, 1>}, {transform_indices = @transform_1, window_bounds = array<i64: 2, 10000, 128>}, {transform_indices = @transform_2, window_bounds = array<i64: 10000, 128>}, {pipeline_mode = #tpu.pipeline_mode<synchronous>, transform_indices = @transform_3, window_bounds = array<i64: 1, 128>}, {transform_indices = @transform_4, window_bounds = array<i64: 10000, 128>}]} {
    %get3A = arith.constant 0 : index
    %get3A_0 = arith.constant 0 : index
    %get3A_1 = arith.constant 0 : index
    %get3A_2 = vector.load %arg2[%get3A, %get3A_0, %get3A_1] : memref<2x10000x128xf32, #tpu.memory_space<vmem>>, vector<1x10000x128xf32>
    %get3A_3 = vector.shape_cast %get3A_2 : vector<1x10000x128xf32> to vector<10000x128xf32>
    %get3A_4 = arith.constant 1 : index
    %get3A_5 = arith.constant 0 : index
    %get3A_6 = arith.constant 0 : index
    %get3A_7 = vector.load %arg2[%get3A_4, %get3A_5, %get3A_6] : memref<2x10000x128xf32, #tpu.memory_space<vmem>>, vector<1x10000x128xf32>
    %get3A_8 = vector.shape_cast %get3A_7 : vector<1x10000x128xf32> to vector<10000x128xf32>
    %add3A = arith.addf %get3A_3, %get3A_8 : vector<10000x128xf32>
    %get3A_9 = arith.constant 0 : index
    %get3A_10 = arith.constant 0 : index
    %get3A_11 = vector.load %arg3[%get3A_9, %get3A_10] : memref<10000x128xf32, #tpu.memory_space<vmem>>, vector<10000x128xf32>
    %add3A_12 = arith.addf %add3A, %get3A_11 : vector<10000x128xf32>
    %get3A_13 = arith.constant 0 : index
    %get3A_14 = arith.constant 0 : index
    %get3A_15 = vector.load %arg1[%get3A_13, %get3A_14] : memref<10000x1xf32, #tpu.memory_space<vmem>>, vector<10000x1xf32>
    %mul3A = vector.broadcast %get3A_15 : vector<10000x1xf32> to vector<10000x128xf32>
    %mul3A_16 = arith.mulf %add3A_12, %mul3A : vector<10000x128xf32>
    %get3A_17 = arith.constant 0 : index
    %get3A_18 = arith.constant 0 : index
    %get3A_19 = vector.load %arg4[%get3A_17, %get3A_18] : memref<1x128xf32, #tpu.memory_space<vmem>>, vector<1x128xf32>
    %add3A_20 = vector.broadcast %get3A_19 : vector<1x128xf32> to vector<10000x128xf32>
    %add3A_21 = arith.addf %mul3A_16, %add3A_20 : vector<10000x128xf32>
    %swap3A = arith.constant 0 : index
    %swap3A_22 = arith.constant 0 : index
    %swap3A_23 = vector.load %arg5[%swap3A, %swap3A_22] : memref<10000x128xf32, #tpu.memory_space<vmem>>, vector<10000x128xf32>
    tpu.vector_store %arg5[%swap3A, %swap3A_22], %add3A_21 {strides = array<i32>} : memref<10000x128xf32, #tpu.memory_space<vmem>>, vector<10000x128xf32>,
    return
  }
  func.func @transform_0(%arg0: i32) -> (i32, i32) {
    %c0_i32 = arith.constant 0 : i32
    %c0_i32_0 = arith.constant 0 : i32
    return %arg0, %c0_i32 : i32, i32
  }
  func.func @transform_1(%arg0: i32) -> (i32, i32, i32) {
    %c0_i32 = arith.constant 0 : i32
    %c0_i32_0 = arith.constant 0 : i32
    %c0_i32_1 = arith.constant 0 : i32
    return %c0_i32, %arg0, %c0_i32_0 : i32, i32, i32
  }
  func.func @transform_2(%arg0: i32) -> (i32, i32) {
    %c0_i32 = arith.constant 0 : i32
    %c0_i32_0 = arith.constant 0 : i32
    return %arg0, %c0_i32 : i32, i32
  }
  func.func @transform_3(%arg0: i32) -> (i32, i32) {
    %c0_i32 = arith.constant 0 : i32
    %c0_i32_0 = arith.constant 0 : i32
    %c0_i32_1 = arith.constant 0 : i32
    return %c0_i32, %c0_i32_0 : i32, i32
  }
  func.func @transform_4(%arg0: i32) -> (i32, i32) {
    %c0_i32 = arith.constant 0 : i32
    %c0_i32_0 = arith.constant 0 : i32
    return %arg0, %c0_i32 : i32, i32
  }
}

module attributes {stable_mosaic.version = 14 : i64} {
  func.func @body(%arg0: i32, %arg1: memref<10000x1xf32, #tpu.memory_space<vmem>>, %arg2: memref<2x10000x128xf32, #tpu.memory_space<vmem>>, %arg3: memref<2x10000x128xf32, #tpu.memory_space<vmem>>, %arg4: memref<2x1x128xf32, #tpu.memory_space<vmem>>, %arg5: memref<256x128xf32, #tpu.memory_space<vmem>>, %arg6: memref<10000x128xf32, #tpu.memory_space<vmem>>) attributes {dimension_semantics = [#tpu.dimension_semantics<arbitrary>], iteration_bounds = array<i64: 1>, scalar_prefetch = 0 : i64, scratch_operands = 0 : i64, tpu.core_type = #tpu.core_type<tc>, window_params = [{transform_indices = @transform_0, window_bounds = array<i64: 10000, 1>}, {transform_indices = @transform_1, window_bounds = array<i64: 2, 10000, 128>}, {transform_indices = @transform_2, window_bounds = array<i64: 2, 10000, 128>}, {pipeline_mode = #tpu.pipeline_mode<synchronous>, transform_indices = @transform_3, window_bounds = array<i64: 2, 1, 128>}, {pipeline_mode = #tpu.pipeline_mode<synchronous>, transform_indices = @transform_4, window_bounds = array<i64: 256, 128>}, {transform_indices = @transform_5, window_bounds = array<i64: 10000, 128>}]} {
    %get3A = arith.constant 0 : index
    %get3A_0 = arith.constant 0 : index
    %get3A_1 = vector.load %arg1[%get3A, %get3A_0] : memref<10000x1xf32, #tpu.memory_space<vmem>>, vector<10000x1xf32>
    %get3A_2 = arith.constant 0 : index
    %get3A_3 = arith.constant 0 : index
    %get3A_4 = arith.constant 0 : index
    %get3A_5 = vector.load %arg3[%get3A_2, %get3A_3, %get3A_4] : memref<2x10000x128xf32, #tpu.memory_space<vmem>>, vector<2x10000x128xf32>
    %get3A_6 = arith.constant 0 : index
    %get3A_7 = arith.constant 0 : index
    %get3A_8 = arith.constant 0 : index
    %get3A_9 = vector.load %arg2[%get3A_6, %get3A_7, %get3A_8] : memref<2x10000x128xf32, #tpu.memory_space<vmem>>, vector<2x10000x128xf32>
    %add3A = arith.addf %get3A_5, %get3A_9 : vector<2x10000x128xf32>
    %broadcast_in_dim3A = vector.shape_cast %get3A_1 : vector<10000x1xf32> to vector<1x10000x1xf32>
    %mul3A = vector.broadcast %broadcast_in_dim3A : vector<1x10000x1xf32> to vector<2x10000x128xf32>
    %mul3A_10 = arith.mulf %add3A, %mul3A : vector<2x10000x128xf32>
    %get3A_11 = arith.constant 0 : index
    %get3A_12 = arith.constant 0 : index
    %get3A_13 = arith.constant 0 : index
    %get3A_14 = vector.load %arg4[%get3A_11, %get3A_12, %get3A_13] : memref<2x1x128xf32, #tpu.memory_space<vmem>>, vector<2x1x128xf32>
    %add3A_15 = vector.broadcast %get3A_14 : vector<2x1x128xf32> to vector<2x10000x128xf32>
    %add3A_16 = arith.addf %mul3A_10, %add3A_15 : vector<2x10000x128xf32>
    %max3A = arith.constant 0.000000e+00 : f32
    %max3A_17 = vector.broadcast %max3A : f32 to vector<2x10000x128xf32>
    %max3A_18 = arith.maximumf %add3A_16, %max3A_17 : vector<2x10000x128xf32>
    %slice3A = vector.extract_strided_slice %max3A_18 {offsets = [0, 0, 0], sizes = [1, 10000, 128], strides = [1, 1, 1]} : vector<2x10000x128xf32> to vector<1x10000x128xf32>
    %squeeze3A = vector.shape_cast %slice3A : vector<1x10000x128xf32> to vector<10000x128xf32>
    %slice3A_19 = vector.extract_strided_slice %max3A_18 {offsets = [1, 0, 0], sizes = [1, 10000, 128], strides = [1, 1, 1]} : vector<2x10000x128xf32> to vector<1x10000x128xf32>
    %squeeze3A_20 = vector.shape_cast %slice3A_19 : vector<1x10000x128xf32> to vector<10000x128xf32>
    %concatenate3A = tpu.concatenate %squeeze3A, %squeeze3A_20 in 1 : vector<10000x128xf32>, vector<10000x128xf32> -> vector<10000x256xf32>
    %get3A_21 = arith.constant 0 : index
    %get3A_22 = arith.constant 0 : index
    %get3A_23 = vector.load %arg5[%get3A_21, %get3A_22] : memref<256x128xf32, #tpu.memory_space<vmem>>, vector<256x128xf32>
    %dot_general3A = arith.constant dense<0.000000e+00> : vector<10000x128xf32>
    %dot_general3A_24 = tpu.matmul %concatenate3A, %get3A_23, %dot_general3A {dimension_numbers = #tpu.dot_dimension_numbers<[1], [0], [0], [1], [0, 0, 1, 1], [], []>, transpose_lhs_hint = false} : vector<10000x256xf32>, vector<256x128xf32>, vector<10000x128xf32> -> vector<10000x128xf32>
    %mul3A_25 = vector.broadcast %get3A_1 : vector<10000x1xf32> to vector<10000x128xf32>
    %mul3A_26 = arith.mulf %dot_general3A_24, %mul3A_25 : vector<10000x128xf32>
    %swap3A = arith.constant 0 : index
    %swap3A_27 = arith.constant 0 : index
    %swap3A_28 = vector.load %arg6[%swap3A, %swap3A_27] : memref<10000x128xf32, #tpu.memory_space<vmem>>, vector<10000x128xf32>
    tpu.vector_store %arg6[%swap3A, %swap3A_27], %mul3A_26 {strides = array<i32>} : memref<10000x128xf32, #tpu.memory_space<vmem>>, vector<10000x128xf32>,
    return
  }
  func.func @transform_0(%arg0: i32) -> (i32, i32) {
    %c0_i32 = arith.constant 0 : i32
    %c0_i32_0 = arith.constant 0 : i32
    return %arg0, %c0_i32 : i32, i32
  }
  func.func @transform_1(%arg0: i32) -> (i32, i32, i32) {
    %c0_i32 = arith.constant 0 : i32
    %c0_i32_0 = arith.constant 0 : i32
    %c0_i32_1 = arith.constant 0 : i32
    return %c0_i32, %arg0, %c0_i32_0 : i32, i32, i32
  }
  func.func @transform_2(%arg0: i32) -> (i32, i32, i32) {
    %c0_i32 = arith.constant 0 : i32
    %c0_i32_0 = arith.constant 0 : i32
    %c0_i32_1 = arith.constant 0 : i32
    return %c0_i32, %arg0, %c0_i32_0 : i32, i32, i32
  }
  func.func @transform_3(%arg0: i32) -> (i32, i32, i32) {
    %c0_i32 = arith.constant 0 : i32
    %c0_i32_0 = arith.constant 0 : i32
    %c0_i32_1 = arith.constant 0 : i32
    %c0_i32_2 = arith.constant 0 : i32
    return %c0_i32, %c0_i32_0, %c0_i32_1 : i32, i32, i32
  }
  func.func @transform_4(%arg0: i32) -> (i32, i32) {
    %c0_i32 = arith.constant 0 : i32
    %c0_i32_0 = arith.constant 0 : i32
    %c0_i32_1 = arith.constant 0 : i32
    return %c0_i32, %c0_i32_0 : i32, i32
  }
  func.func @transform_5(%arg0: i32) -> (i32, i32) {
    %c0_i32 = arith.constant 0 : i32
    %c0_i32_0 = arith.constant 0 : i32
    return %arg0, %c0_i32 : i32, i32
  }
}

module attributes {stable_mosaic.version = 14 : i64} {
  func.func @body(%arg0: i32, %arg1: memref<10000x128xf32, #tpu.memory_space<vmem>>, %arg2: memref<128x256xf32, #tpu.memory_space<vmem>>, %arg3: memref<2x10000x128xf32, #tpu.memory_space<vmem>>, %arg4: memref<2x10000x128xf32, #tpu.memory_space<vmem>>, %arg5: memref<10000x1xf32, #tpu.memory_space<vmem>>) attributes {dimension_semantics = [#tpu.dimension_semantics<arbitrary>], iteration_bounds = array<i64: 1>, scalar_prefetch = 0 : i64, scratch_operands = 0 : i64, tpu.core_type = #tpu.core_type<tc>, window_params = [{transform_indices = @transform_0, window_bounds = array<i64: 10000, 128>}, {pipeline_mode = #tpu.pipeline_mode<synchronous>, transform_indices = @transform_1, window_bounds = array<i64: 128, 256>}, {transform_indices = @transform_2, window_bounds = array<i64: 2, 10000, 128>}, {transform_indices = @transform_3, window_bounds = array<i64: 2, 10000, 128>}, {transform_indices = @transform_4, window_bounds = array<i64: 10000, 1>}]} {
    %get3A = arith.constant 0 : index
    %get3A_0 = arith.constant 0 : index
    %get3A_1 = arith.constant 0 : index
    %get3A_2 = vector.load %arg3[%get3A, %get3A_0, %get3A_1] : memref<2x10000x128xf32, #tpu.memory_space<vmem>>, vector<1x10000x1xf32>
    %get3A_3 = vector.shape_cast %get3A_2 : vector<1x10000x1xf32> to vector<10000x1xf32>
    %get3A_4 = arith.constant 1 : index
    %get3A_5 = arith.constant 0 : index
    %get3A_6 = arith.constant 0 : index
    %get3A_7 = vector.load %arg3[%get3A_4, %get3A_5, %get3A_6] : memref<2x10000x128xf32, #tpu.memory_space<vmem>>, vector<1x10000x1xf32>
    %get3A_8 = vector.shape_cast %get3A_7 : vector<1x10000x1xf32> to vector<10000x1xf32>
    %add3A = arith.addf %get3A_3, %get3A_8 : vector<10000x1xf32>
    %add3A_9 = arith.constant 1.000000e+00 : f32
    %add3A_10 = vector.broadcast %add3A_9 : f32 to vector<10000x1xf32>
    %add3A_11 = arith.addf %add3A, %add3A_10 : vector<10000x1xf32>
    %rsqrt3A = math.rsqrt %add3A_11 : vector<10000x1xf32>
    %get3A_12 = arith.constant 0 : index
    %get3A_13 = arith.constant 0 : index
    %get3A_14 = vector.load %arg1[%get3A_12, %get3A_13] : memref<10000x128xf32, #tpu.memory_space<vmem>>, vector<10000x128xf32>
    %get3A_15 = arith.constant 0 : index
    %get3A_16 = arith.constant 0 : index
    %get3A_17 = vector.load %arg2[%get3A_15, %get3A_16] : memref<128x256xf32, #tpu.memory_space<vmem>>, vector<128x256xf32>
    %dot_general3A = arith.constant dense<0.000000e+00> : vector<10000x256xf32>
    %dot_general3A_18 = tpu.matmul %get3A_14, %get3A_17, %dot_general3A {dimension_numbers = #tpu.dot_dimension_numbers<[1], [0], [0], [1], [0, 0, 1, 1], [], []>, transpose_lhs_hint = false} : vector<10000x128xf32>, vector<128x256xf32>, vector<10000x256xf32> -> vector<10000x256xf32>
    %mul3A = vector.broadcast %rsqrt3A : vector<10000x1xf32> to vector<10000x256xf32>
    %mul3A_19 = arith.mulf %dot_general3A_18, %mul3A : vector<10000x256xf32>
    %slice3A = vector.extract_strided_slice %mul3A_19 {offsets = [0, 0], sizes = [10000, 128], strides = [1, 1]} : vector<10000x256xf32> to vector<10000x128xf32>
    %swap3A = arith.constant 0 : index
    %swap3A_20 = arith.constant 0 : index
    %swap3A_21 = arith.constant 0 : index
    %swap3A_22 = vector.load %arg4[%swap3A, %swap3A_20, %swap3A_21] : memref<2x10000x128xf32, #tpu.memory_space<vmem>>, vector<1x10000x128xf32>
    %swap3A_23 = vector.shape_cast %swap3A_22 : vector<1x10000x128xf32> to vector<10000x128xf32>
    %swap3A_24 = vector.shape_cast %slice3A : vector<10000x128xf32> to vector<1x10000x128xf32>
    tpu.vector_store %arg4[%swap3A, %swap3A_20, %swap3A_21], %swap3A_24 {strides = array<i32>} : memref<2x10000x128xf32, #tpu.memory_space<vmem>>, vector<1x10000x128xf32>,
    %slice3A_25 = vector.extract_strided_slice %mul3A_19 {offsets = [0, 128], sizes = [10000, 128], strides = [1, 1]} : vector<10000x256xf32> to vector<10000x128xf32>
    %swap3A_26 = arith.constant 1 : index
    %swap3A_27 = arith.constant 0 : index
    %swap3A_28 = arith.constant 0 : index
    %swap3A_29 = vector.load %arg4[%swap3A_26, %swap3A_27, %swap3A_28] : memref<2x10000x128xf32, #tpu.memory_space<vmem>>, vector<1x10000x128xf32>
    %swap3A_30 = vector.shape_cast %swap3A_29 : vector<1x10000x128xf32> to vector<10000x128xf32>
    %swap3A_31 = vector.shape_cast %slice3A_25 : vector<10000x128xf32> to vector<1x10000x128xf32>
    tpu.vector_store %arg4[%swap3A_26, %swap3A_27, %swap3A_28], %swap3A_31 {strides = array<i32>} : memref<2x10000x128xf32, #tpu.memory_space<vmem>>, vector<1x10000x128xf32>,
    %swap3A_32 = arith.constant 0 : index
    %swap3A_33 = arith.constant 0 : index
    %swap3A_34 = vector.load %arg5[%swap3A_32, %swap3A_33] : memref<10000x1xf32, #tpu.memory_space<vmem>>, vector<10000x1xf32>
    tpu.vector_store %arg5[%swap3A_32, %swap3A_33], %rsqrt3A {strides = array<i32>} : memref<10000x1xf32, #tpu.memory_space<vmem>>, vector<10000x1xf32>,
    return
  }
  func.func @transform_0(%arg0: i32) -> (i32, i32) {
    %c0_i32 = arith.constant 0 : i32
    %c0_i32_0 = arith.constant 0 : i32
    return %arg0, %c0_i32 : i32, i32
  }
  func.func @transform_1(%arg0: i32) -> (i32, i32) {
    %c0_i32 = arith.constant 0 : i32
    %c0_i32_0 = arith.constant 0 : i32
    %c0_i32_1 = arith.constant 0 : i32
    return %c0_i32, %c0_i32_0 : i32, i32
  }
  func.func @transform_2(%arg0: i32) -> (i32, i32, i32) {
    %c0_i32 = arith.constant 0 : i32
    %c0_i32_0 = arith.constant 0 : i32
    %c0_i32_1 = arith.constant 0 : i32
    return %c0_i32, %arg0, %c0_i32_0 : i32, i32, i32
  }
  func.func @transform_3(%arg0: i32) -> (i32, i32, i32) {
    %c0_i32 = arith.constant 0 : i32
    %c0_i32_0 = arith.constant 0 : i32
    %c0_i32_1 = arith.constant 0 : i32
    return %c0_i32, %arg0, %c0_i32_0 : i32, i32, i32
  }
  func.func @transform_4(%arg0: i32) -> (i32, i32) {
    %c0_i32 = arith.constant 0 : i32
    %c0_i32_0 = arith.constant 0 : i32
    return %arg0, %c0_i32 : i32, i32
  }
}

</mosaic_0001>

<sc_bundles>
// kernel: kernel.11.cloned.1.call-start
scs
__scs_entry_jumppad:
0x0: {  	(pc) =	sbr.rel $0x88, $3  }
0x1: {  	(tag) =	ssettag $0x0;
	lr =	simm.s32 $0x1  }
0x2: {  	[smem:$0x3F9B] =	sst lr;
	_ =	strace $0xD0000000  }
0x3: {  	_ = 	snop  }
0x4: {  	_ = 	snop  }
0x5: {  	_ = 	snop  }
0x6: {  	_ = 	snop  }
0x7: {  	_ = 	snop  }
__scs_overlays_trampoline_lowered:
0x8: {  	[smem:$0x3FAA] =	sst s0  }
0x9: {  	[smem:$0x3FAB] =	sst s1  }
0xa: {  	[smem:$0x3FAC] =	sst s2  }
0xb: {  	[smem:$0x3FAD] =	sst s3  }
0xc: {  	[smem:$0x3FAE] =	sst s4  }
0xd: {  	[smem:$0x3FAF] =	sst s5  }
0xe: {  	[smem:$0x3FB0] =	sst s6  }
0xf: {  	[smem:$0x3FB1] =	sst s7  }
0x10: {  	[smem:$0x3FB2] =	sst s8  }
0x11: {  	[smem:$0x3FB3] =	sst s9;
	s0 =	simm.s32 @!p0 $0x0  }
0x12: {  	s1 =	sld [smem:$0x3F99];
	s0 =	simm.s32 @p0 $0x1  }
0x13: {  	[smem:$0x3FB4] =	sst s0;
	s0 =	simm.s32 @!p1 $0x0  }
0x14: {  	s2 =	sld [smem:$0x3F98];
	s0 =	simm.s32 @p1 $0x1  }
0x15: {  	[smem:$0x3FB5] =	sst s0;
	s0 =	simm.s32 @!p2 $0x0  }
0x16: {  	s3 =	sld [smem:$0x3FDB];
	s0 =	simm.s32 @p2 $0x1  }
0x17: {  	s4 =	simm.s32 $0x1BF5;
	[smem:$0x3FB7] =	sst s0  }
0x18: {  	s0 =	sld [smem:$0x3F9A];
	_ =	swait.ge [sflag:s4], $0x0  }
0x19: {  	s7 =	sld [smem:$0x3F9B]  }
0x1a: {  	s8 =	sadd.s32 $0xFFFFE003, lr  }
0x1b: {  	s9 =	sadd.s32 $0xFFFFFEF7, lr;
	s5 =	simm.s32 $0xFFFFFFFF;
	p2 =	slt.u32 s8, $0xFFFFF086  }
0x1c: {  	p1 =	slt.u32 s9, $0xF7A;
	s5 =	simm.s32 @!p2 $0x0  }
0x1d: {  	s5 =	simm.s32 @p1 $0x1;
	p0 =	seq.s32 s7, s2  }
0x1e: {  	s7 =	smul.u32 @!p0 $0xF7A, s2;
	p2 =	seq.s32 @!p0 s5, $0x0  }
0x1f: {  	s9 =	smul.u32 $0xF7A, s1;
	s8 =	simm.s32 @!p0 $0x1BF5;
	p2 =	por !p2, p0  }
0x20: {  	[sflag:s8] =	ssyncset.s32 @!p0 $0xFFFFF086;
	s6 =	sadd.s32 @!p0 s3, s7;
	s7 =	simm.s32 @!p0 $0x108  }
0x21: {  	s3 =	sadd.s32 s3, s9;
	s6 =	sadd.s32 @!p0 $0x88, s6;
	s7 =	simm.s32 @p2 $0x1082  }
0x22: {  	[simem:s7], [sflag:s8] =	dma.local @!p0 [hbm:s6], $0xF7A  }
0x23: {  	s9 =	sor.u32 $0xD0000000, s2;
	s6 =	simm.s32 $0x108;
	_ =	swait.ge @!p0 [sflag:s8], $0x0  }
0x24: {  	s3 =	sadd.s32 $0x88, s3;
	s6 =	simm.s32 @!p1 $0x1082;
	[sflag:s4] =	ssyncset.s32 $0xFFFFF086  }
0x25: {  	[simem:s6], [sflag:s4] =	dma.local [hbm:s3], $0xF7A  }
0x26: {  	[smem:$0x3F9B] =	sst s1;
	(tag) =	ssettag s2;
	_ =	strace s9  }
0x27: {  	s1 =	sld [smem:$0x3FAB]  }
0x28: {  	s2 =	sld [smem:$0x3FAC]  }
0x29: {  	s4 =	sld [smem:$0x3FAE]  }
0x2a: {  	p0 =	seq.s32 s5, $0x0;
	s5 =	sld [smem:$0x3FAF]  }
0x2b: {  	s6 =	sld [smem:$0x3FB0]  }
0x2c: {  	s7 =	sld [smem:$0x3FB1]  }
0x2d: {  	s3 =	simm.s32 $0x108;
	s8 =	sld [smem:$0x3FB2]  }
0x2e: {  	s3 =	simm.s32 @!p0 $0x1082;
	s9 =	sld [smem:$0x3FB3]  }
0x2f: {  	lr =	sadd.s32 s0, s3;
	s0 =	sld [smem:$0x3FAA]  }
0x30: {  	s3 =	sld [smem:$0x3FAD]  }
0x31: {  	[smem:$0x3FB6] =	sst s10  }
0x32: {  	s10 =	sld [smem:$0x3FB4];
	_ =	sdelay $0x3  }
0x33: {  	p0 =	seq.s32 s10, $0x1;
	s10 =	sld [smem:$0x3FB6];
	_ =	sdelay $0x3  }
0x34: {  	[smem:$0x3FB6] =	sst s10  }
0x35: {  	s10 =	sld [smem:$0x3FB5];
	_ =	sdelay $0x3  }
0x36: {  	p1 =	seq.s32 s10, $0x1;
	s10 =	sld [smem:$0x3FB6];
	_ =	sdelay $0x3  }
0x37: {  	[smem:$0x3FB6] =	sst s10  }
0x38: {  	s10 =	sld [smem:$0x3FB7]  }
0x39: {  	_ = 	snop;
	(pc) =	sbr.ind lr, $3  }
0x3a: {  	_ = 	snop  }
0x3b: {  	_ = 	snop  }
0x3c: {  	p2 =	seq.s32 s10, $0x1;
	s10 =	sld [smem:$0x3FB6]  }
0x3d: {  	_ =	shalt  }
0x3e: {  	_ =	shalt  }
0x3f: {  	_ =	shalt  }
0x40: {  	_ =	shalt  }
0x41: {  	_ =	shalt  }
0x42: {  	_ =	shalt  }
0x43: {  	_ =	shalt  }
0x44: {  	_ =	shalt  }
0x45: {  	_ =	shalt  }
0x46: {  	_ =	shalt  }
0x47: {  	_ =	shalt  }
0x48: {  	_ =	shalt  }
0x49: {  	_ =	shalt  }
0x4a: {  	_ =	shalt  }
0x4b: {  	_ =	shalt  }
0x4c: {  	_ =	shalt  }
0x4d: {  	_ =	shalt  }
0x4e: {  	_ =	shalt  }
0x4f: {  	_ =	shalt  }
0x50: {  	_ =	shalt  }
0x51: {  	_ =	shalt  }
0x52: {  	_ =	shalt  }
0x53: {  	_ =	shalt  }
0x54: {  	_ =	shalt  }
0x55: {  	_ =	shalt  }
0x56: {  	_ =	shalt  }
0x57: {  	_ =	shalt  }
0x58: {  	_ =	shalt  }
0x59: {  	_ =	shalt  }
0x5a: {  	_ =	shalt  }
0x5b: {  	_ =	shalt  }
0x5c: {  	_ =	shalt  }
0x5d: {  	_ =	shalt  }
0x5e: {  	_ =	shalt  }
0x5f: {  	_ =	shalt  }
0x60: {  	_ =	shalt  }
0x61: {  	_ =	shalt  }
0x62: {  	_ =	shalt  }
0x63: {  	_ =	shalt  }
0x64: {  	_ =	shalt  }
0x65: {  	_ =	shalt  }
0x66: {  	_ =	shalt  }
0x67: {  	_ =	shalt  }
0x68: {  	_ =	shalt  }
0x69: {  	_ =	shalt  }
0x6a: {  	_ =	shalt  }
0x6b: {  	_ =	shalt  }
0x6c: {  	_ =	shalt  }
0x6d: {  	_ =	shalt  }
0x6e: {  	_ =	shalt  }
0x6f: {  	_ =	shalt  }
0x70: {  	_ =	shalt  }
0x71: {  	_ =	shalt  }
0x72: {  	_ =	shalt  }
0x73: {  	_ =	shalt  }
0x74: {  	_ =	shalt  }
0x75: {  	_ =	shalt  }
0x76: {  	_ =	shalt  }
0x77: {  	_ =	shalt  }
0x78: {  	_ =	shalt  }
0x79: {  	_ =	shalt  }
0x7a: {  	_ =	shalt  }
0x7b: {  	_ =	shalt  }
0x7c: {  	_ =	shalt  }
0x7d: {  	_ =	shalt  }
0x7e: {  	_ =	shalt  }
0x7f: {  	_ =	shalt  }
0x80: {  	_ =	shalt  }
0x81: {  	_ =	shalt  }
0x82: {  	_ =	shalt  }
0x83: {  	_ =	shalt  }
0x84: {  	_ =	shalt  }
0x85: {  	_ =	shalt  }
0x86: {  	_ =	shalt  }
0x87: {  	_ =	shalt  }
.Lfunc_end0:
.L_simem_size_0:
called_computation.1_lowered:
.L_overlay_start_0:
0x88: {  	s2 =	sld [smem:$0x3FD9]  }
0x89: {  	s3 =	sld [smem:$0x3FFE];
	_ =	sdelay $0x1  }
0x8a: {  	s1 =	srdreg.scid  }
0x8b: {  	s0 =	sand.u32 $0x1, s1  }
0x8c: {  	s16 =	sshll.u32 s0, $0xA;
	s2 =	sadd.s32 s3, s2  }
0x8d: {  	s2 =	sadd.s32 s2, s16  }
0x8e: {  	[smem:$0x3FC2] =	sst s2  }
0x8f: {  	_ = 	snop  }
0x90: {  	(tm) =	ssettm $0x1  }
0x91: {  	s17 =	sld [smem:$0x3FFB];
	_ =	sdelay $0x3  }
0x92: {  	_ =	strace s17  }
0x93: {  	s2 =	sld [smem:$0x3FFC];
	_ =	sdelay $0x3  }
0x94: {  	_ =	strace s2  }
0x95: {  	s2 =	sld [smem:$0x3FFD];
	_ =	sdelay $0x3  }
0x96: {  	_ =	strace s2  }
0x97: {  	_ =	strace $0x8FFFFFFF  }
0x98: {  	s18 =	sld [smem:$0x3FDB];
	_ =	sdelay $0x1  }
0x99: {  	s19 =	simm.s32 $_scs_section_size  }
0x9a: {  	s4 =	simm.s32 $_size__tile_overlayer_lowered;
	s5 =	simm.s32 $_tile_overlayer_lowered  }
0x9b: {  	s22 =	simm.s32 $0x1BFF;
	s21 =	sshll.u32 s5, $0x1;
	s2 =	sadd.s32 s19, s18  }
0x9c: {  	s6 =	simm.s32 $0x0;
	s20 =	sshll.u32 s4, $0x1;
	s4 =	sadd.s32 s21, s2  }
0x9d: {  	[timem:s6], [sflag:s22] =	dma.local [hbm:s4], s20  }
0x9e: {  	_ =	swait.ge [sflag:s22], s20  }
0x9f: {  	s3 =	ssub.s32 $0x0, s20;
	[sflag:s22] =	ssyncset.done $0x0  }
0xa0: {  	[sflag:s22] =	ssyncadd.s32 s3;
	_ =	sdelay $0x1  }
0xa1: {  	s23 =	simm.s32 $0x1B8B  }
0xa2: {  	_ =	swait.ge [sflag:s23], $0x1  }
0xa3: {  	[sflag:s23] =	ssyncset.done $0x0  }
0xa4: {  	s25 =	simm.s32 $0x1B8E;
	s24 =	sld [smem:$0x3FFE];
	[sflag:s23] =	ssyncadd.s32 $0xFFFFFFFF  }
0xa5: {  	s26 =	simm.s32 $execute0_lowered;
	[smem:$0x3FD2] =	sst s25  }
0xa6: {  	s4 =	sshll.u32 s26, $0x1;
	_ =	strace $0x80000049;
	[dreg:$0x1] =	wrdreg $0xFFFFFFFF  }
0xa7: {  	s28 =	simm.s32 $_size_execute0_lowered;
	s2 =	sadd.s32 s2, s4;
	[dreg:$0x0] =	wrdreg $0x0  }
0xa8: {  	s4 =	sshll.u32 s28, $0x1;
	[dreg:$0x2] =	wrdreg s2  }
0xa9: {  	[dreg:$0x3] =	wrdreg s4  }
0xaa: {  	[dreg:$0x4] =	wrdreg $0xC0  }
0xab: {  	_ =	task [dreg:s6], $0x5FFFF  }
0xac: {  	[dreg:$0x1] =	wrdreg $0xFFFFFFFF  }
0xad: {  	[dreg:$0x0] =	wrdreg $0x60  }
0xae: {  	[dreg:$0x2] =	wrdreg s24  }
0xaf: {  	[dreg:$0x3] =	wrdreg $0xC7000  }
0xb0: {  	[dreg:$0x4] =	wrdreg $0x9  }
0xb1: {  	_ =	task.clear_ibuf [dreg:s6], $0x5FFFF;
	_ =	strace $0x90000049  }
0xb2: {  	s29 =	simm.s32 $0x9;
	_ =	strace $0x8000004B  }
0xb3: {  	_ =	swait.ge [sflag:s29], $0x1  }
0xb4: {  	[sflag:s29] =	ssyncadd.s32 $0xFFFFFFFF  }
0xb5: {  	_ =	strace $0x9000004B  }
0xb6: {  	_ =	sfence  }
0xb7: {  	s30 =	sld [smem:$0x0];
	_ =	sdelay $0x2  }
0xb8: {  	s31 =	sshll.u32 s1, $0xD;
	s1 =	sshrl.u32 s1, $0x2  }
0xb9: {  	s3 =	sand.u32 $0x4000, s31;
	s1 =	sadd.s32 s1, s30  }
0xba: {  	s0 =	sor.u32 s3, s0;
	s1 =	sshll.u32 s1, $0x11  }
0xbb: {  	s0 =	sor.u32 s1, s0  }
0xbc: {  	s0 =	sadd.s32 $0x8F2B, s0  }
0xbd: {  	[sflag:s0] =	ssyncadd.remote.s32 $0x1  }
0xbe: {  	_ =	sfence.sel $0xFFFF  }
0xbf: {  	[dreg:$0x0] =	wrdreg $0xFFFFFFFF;
	(pc) =	sbr.abs _section_cstart, $3  }
0xc0: {  	[dreg:$0x1] =	wrdreg $0xFFFFFFFF  }
0xc1: {  	_ =	task.clear_ibuf [dreg:s6], $0x2FFFF;
	_ =	strace $0x9FFFFFFF  }
0xc2: {  	(tm) =	ssettm $0x7FFFFFFF  }
0xc3: {  	_ =	shalt  }
tec
execute0_lowered:
.L_overlay_start_1:
0x0: {  	(tag) =	ssettag $0x1  }
0x1: {  	s3 =	rddreg [dreg:$0x0]  }
0x2: {  	s1 =	rddreg [dreg:$0x1];
	s0 =	srdreg.scid  }
0x3: {  	s21 =	simm.s32 $0x0;
	s25 =	stileid.u32;
	s28 =	simm.s32 $0x4F00  }
0x4: {  	s29 =	simm.s32 $0x7;
	s30 =	simm.s32 $0x1;
	s5 =	smul.u32 $0x4E20, s25  }
0x5: {  	s31 =	simm.s32 $0x2;
	s0 =	sand.u32 $0x1, s0;
	s9 =	smul.u32 $0x2800, s25  }
0x6: {  	s4 =	sadd.s32 $0x2A00, s3;
	s10 =	sor.u32 $0x20, s25;
	s8 =	smul.u32 $0x138800, s0  }
0x7: {  	s6 =	sadd.s32 $0xC800, s3;
	s18 =	sor.u32 $0x50, s25;
	s13 =	smul.u32 $0x2800, s10  }
0x8: {  	s19 =	sor.u32 $0x60, s25;
	s20 =	sor.u32 $0x70, s25;
	s17 =	smul.u32 $0x2800, s18  }
0x9: {  	[smem:$0x7FF] =	sst s21;
	s2 =	ssub.s32 $0x2, s0;
	s23 =	smul.u32 $0x2800, s19  }
0xa: {  	p0 =	sgt.u32 s25, $0xC;
	s10 =	smul.u32 $0xA000, s10;
	s7 =	sshrl.u32 s2, $0x1  }
0xb: {  	s5 =	sshrl.u32 s5, $0x3;
	s2 =	ssub.s32 s2, s7;
	s7 =	sor.u32 $0x10, s25  }
0xc: {  	s12 =	sadd.s32 s4, s5;
	s14 =	sadd.s32 s6, s5;
	s5 =	sadd.s32 $0x4E2, s5  }
0xd: {  	s24 =	sadd.s32 s9, s8;
	s13 =	sadd.s32 s8, s13;
	s9 =	sadd.s32 $0x64800, s3  }
0xe: {  	s11 =	smul.u32 $0x2800, s7;
	[dreg:$0x3] =	wrdreg s12;
	s12 =	sor.u32 $0x30, s25  }
0xf: {  	[dreg:$0x4] =	wrdreg s14;
	s14 =	sor.u32 $0x40, s25;
	s4 =	sadd.s32 s4, s5  }
0x10: {  	s22 =	sadd.s32 s6, s5;
	s7 =	smul.u32 $0xA000, s7;
	s5 =	sshrl.u32 s24, $0x3  }
0x11: {  	s24 =	sshrl.u32 s13, $0x3;
	s15 =	smul.u32 $0x2800, s12;
	[dreg:$0x5] =	wrdreg s4  }
0x12: {  	s16 =	smul.u32 $0x2800, s14;
	[dreg:$0x6] =	wrdreg s22;
	s22 =	sadd.s32 s8, s17  }
0x13: {  	s4 =	sadd.s32 s8, s23;
	s5 =	sadd.s32 s9, s5;
	s6 =	sadd.s32 s9, s24  }
0x14: {  	s24 =	smul.u32 $0xA000, s25;
	s25 =	simm.s32 $0x0;
	[dreg:$0x7] =	wrdreg s5  }
0x15: {  	s26 =	sadd.s32 s8, s11;
	s11 =	smul.u32 $0x2800, s20;
	[dreg:$0x9] =	wrdreg s6  }
0x16: {  	s21 =	sshrl.u32 s22, $0x3;
	s4 =	sshrl.u32 s4, $0x3;
	s6 =	smul.u32 $0xA000, s14  }
0x17: {  	s7 =	sshrl.u32 s7, $0x2;
	s15 =	sadd.s32 s8, s15;
	s16 =	sadd.s32 s8, s16  }
0x18: {  	s23 =	sshrl.u32 s26, $0x3;
	s22 =	sadd.s32 s9, s21;
	s4 =	sadd.s32 s9, s4  }
0x19: {  	s8 =	sadd.s32 s8, s11;
	s26 =	sshrl.u32 s15, $0x3;
	s5 =	sadd.s32 s9, s23  }
0x1a: {  	s17 =	sshrl.u32 s16, $0x3;
	[dreg:$0xc] =	wrdreg s22;
	s11 =	smul.u32 $0xA000, s20  }
0x1b: {  	[dreg:$0xd] =	wrdreg s4;
	s16 =	sadd.s32 $0x16600, s3;
	s15 =	smul.u32 $0x2710, s0  }
0x1c: {  	s0 =	simm.s32 $0x7700;
	s3 =	simm.s32 $0x9F00;
	[dreg:$0x8] =	wrdreg s5  }
0x1d: {  	s13 =	sadd.s32 s9, s26;
	s5 =	sadd.s32 s9, s17;
	s26 =	smul.u32 $0xA000, s12  }
0x1e: {  	s23 =	sshrl.u32 s8, $0x3;
	s8 =	smul.u32 $0xA000, s18;
	[dreg:$0xa] =	wrdreg s13  }
0x1f: {  	s18 =	sadd.s32 s7, s1;
	s7 =	simm.s32 $0x3;
	[dreg:$0xb] =	wrdreg s5  }
0x20: {  	s4 =	sadd.s32 s9, s23;
	s5 =	sshrl.u32 s24, $0x2;
	s9 =	sshrl.u32 s10, $0x2  }
0x21: {  	s10 =	smul.u32 $0xA000, s19;
	s14 =	sshrl.u32 s11, $0x2;
	s11 =	simm.s32 $0x50  }
0x22: {  	v0 =	vmov s15;
	s15 =	simm.s32 $0x8;
	[dreg:$0xe] =	wrdreg s4;
	s17 =	sadd.s32 s5, s1  }
0x23: {  	s4 =	sshrl.u32 s26, $0x2;
	s5 =	sshrl.u32 s6, $0x2;
	s19 =	sadd.s32 s9, s1  }
0x24: {  	s12 =	sshrl.u32 s8, $0x2;
	s24 =	sadd.s32 s14, s1;
	s26 =	smax.u32 s2, $0x1  }
0x25: {  	s8 =	simm.s32 $0x5;
	s9 =	simm.s32 $0x140;
	s14 =	simm.s32 $0x4E40  }
0x26: {  	_ =	strace $0x8000004A;
	s20 =	sadd.s32 s4, s1;
	s21 =	sadd.s32 s5, s1  }
0x27: {  	s13 =	sshrl.u32 s10, $0x2;
	s22 =	sadd.s32 s12, s1;
	[dreg:$0xf] =	wrdreg s26  }
0x28: {  	s26 =	simm.s32 $0x2780;
	s4 =	simm.s32 $0x4;
	s10 =	simm.s32 $0x2820  }
0x29: {  	v1 =	vimm.f32 $0.0e+00;
	s12 =	simm.s32 $0x6;
	s23 =	sadd.s32 s13, s1;
	s13 =	simm.s32 $0x4DF0  }
.LBB2_1:
0x2a: {  	s2 =	simm.s32 $0x0;
	s5 =	rddreg [dreg:$0x3]  }
0x2b: {  	[tilespmem:s2], [sflag:$0x1] =	stream.linear.gather [hbm4b:s5+s2], $0x2710, $0x38;
	[tilespmem:$0x1FF80] =	vst v63  }
0x2c: {  	s6 =	rddreg [dreg:$0x4]  }
0x2d: {  	[tilespmem:s26], [sflag:$0x2] =	stream.linear.gather [hbm4b:s6+s2], $0x2710, $0x38;
	[tilespmem:$0x1FF80] =	vst v63  }
0x2e: {  	s5 =	simm.s32 $0x200;
	s2 =	simm.s32 $0x0  }
.LBB2_2:
0x2f: {  	p1 =	sne.s32 s5, $0x9E00;
	[tilespmem:s2+$0x4F70] =	vst v1  }
0x30: {  	[tilespmem:s2+$0x4F00] =	vst v1  }
0x31: {  	[tilespmem:s2+$0x4F10] =	vst v1  }
.Ltmp0:
0x32: {  	[tilespmem:s2+$0x4F20] =	vst v1;
	(pc) =	sbr.rel @p1 .LBB2_2-.Ltmp0, $4  }
0x33: {  	[tilespmem:s2+$0x4F30] =	vst v1  }
0x34: {  	[tilespmem:s2+$0x4F40] =	vst v1  }
0x35: {  	[tilespmem:s2+$0x4F50] =	vst v1  }
0x36: {  	[tilespmem:s2+$0x4F60] =	vst v1;
	s2 =	sshra.s32 s5, $0x2;
	s5 =	sadd.s32 $0x200, s5  }
0x37: {  	[tilespmem:s2+$0x4F70] =	vst v1  }
0x38: {  	[tilespmem:s2+$0x4F00] =	vst v1  }
0x39: {  	[tilespmem:s2+$0x4F10] =	vst v1  }
0x3a: {  	[tilespmem:s2+$0x4F20] =	vst v1  }
0x3b: {  	[tilespmem:s2+$0x4F30] =	vst v1  }
0x3c: {  	[tilespmem:s2+$0x4F40] =	vst v1  }
0x3d: {  	[tilespmem:s2+$0x4F50] =	vst v1  }
0x3e: {  	[tilespmem:s2+$0x4F60] =	vst v1  }
0x3f: {  	[spmem:s17] =	stream.linear.scatter [tilespmem:s28], [sflag:$0x7], $0x2800, $0x38;
	[tilespmem:$0x1FF80] =	vst v63  }
0x40: {  	_ = 	snop  }
0x41: {  	[spmem:s18] =	stream.linear.scatter [tilespmem:s28], [sflag:$0x7], $0x2800, $0x38;
	[tilespmem:$0x1FF80] =	vst v63  }
0x42: {  	_ = 	snop  }
0x43: {  	[spmem:s19] =	stream.linear.scatter [tilespmem:s28], [sflag:$0x7], $0x2800, $0x38;
	[tilespmem:$0x1FF80] =	vst v63  }
0x44: {  	_ = 	snop  }
0x45: {  	[spmem:s20] =	stream.linear.scatter [tilespmem:s28], [sflag:$0x7], $0x2800, $0x38;
	[tilespmem:$0x1FF80] =	vst v63  }
0x46: {  	_ = 	snop  }
0x47: {  	[spmem:s21] =	stream.linear.scatter [tilespmem:s28], [sflag:$0x7], $0x2800, $0x38;
	[tilespmem:$0x1FF80] =	vst v63  }
0x48: {  	_ = 	snop  }
0x49: {  	[spmem:s22] =	stream.linear.scatter [tilespmem:s28], [sflag:$0x7], $0x2800, $0x38;
	[tilespmem:$0x1FF80] =	vst v63  }
0x4a: {  	_ = 	snop  }
0x4b: {  	[spmem:s23] =	stream.linear.scatter [tilespmem:s28], [sflag:$0x7], $0x2800, $0x38;
	[tilespmem:$0x1FF80] =	vst v63  }
0x4c: {  	s2 =	simm.s32 @!p0 $0x4F00  }
0x4d: {  	[spmem:s24] =	stream.linear.scatter @!p0 [tilespmem:s2], [sflag:$0x7], $0x2800, $0x38;
	[tilespmem:$0x1FF80] =	vst v63  }
0x4e: {  	_ =	swait.ge [sflag:s29], $0x2800  }
0x4f: {  	[sflag:s29] =	ssyncset.done $0x0  }
0x50: {  	[sflag:s29] =	ssyncadd.s32 $0xFFFFD800  }
0x51: {  	_ =	swait.ge [sflag:s29], $0x2800  }
0x52: {  	[sflag:s29] =	ssyncset.done $0x0  }
0x53: {  	[sflag:s29] =	ssyncadd.s32 $0xFFFFD800  }
0x54: {  	_ =	swait.ge [sflag:s29], $0x2800  }
0x55: {  	[sflag:s29] =	ssyncset.done $0x0  }
0x56: {  	[sflag:s29] =	ssyncadd.s32 $0xFFFFD800  }
0x57: {  	_ =	swait.ge [sflag:s29], $0x2800  }
0x58: {  	[sflag:s29] =	ssyncset.done $0x0  }
0x59: {  	[sflag:s29] =	ssyncadd.s32 $0xFFFFD800  }
0x5a: {  	_ =	swait.ge [sflag:s29], $0x2800  }
0x5b: {  	[sflag:s29] =	ssyncset.done $0x0  }
0x5c: {  	[sflag:s29] =	ssyncadd.s32 $0xFFFFD800  }
0x5d: {  	_ =	swait.ge [sflag:s29], $0x2800  }
0x5e: {  	[sflag:s29] =	ssyncset.done $0x0  }
0x5f: {  	[sflag:s29] =	ssyncadd.s32 $0xFFFFD800  }
0x60: {  	_ =	swait.ge [sflag:s29], $0x2800  }
0x61: {  	[sflag:s29] =	ssyncset.done $0x0  }
0x62: {  	s2 =	simm.s32 @!p0 $0x7;
	[sflag:s29] =	ssyncadd.s32 $0xFFFFD800  }
0x63: {  	_ =	swait.ge @!p0 [sflag:s2], $0x2800  }
0x64: {  	[sflag:s2] =	ssyncset.done @!p0 $0x0  }
0x65: {  	[sflag:s2] =	ssyncadd.s32 @!p0 $0xFFFFD800  }
0x66: {  	_ =	swait.ge [sflag:s30], $0x2710  }
0x67: {  	[sflag:s30] =	ssyncset.done $0x0  }
0x68: {  	[sflag:s30] =	ssyncadd.s32 $0xFFFFD8F0  }
0x69: {  	_ =	swait.ge [sflag:s31], $0x2710  }
0x6a: {  	[sflag:s31] =	ssyncset.done $0x0  }
0x6b: {  	s5 =	simm.s32 $0x40;
	s2 =	simm.s32 $0x0;
	[sflag:s31] =	ssyncadd.s32 $0xFFFFD8F0  }
.LBB2_4:
0x6c: {  	p1 =	sne.s32 s5, $0x9C00;
	v2 =	vld [tilespmem:s2+$0x0];
	_ =	sdelay $0x1  }
.Ltmp1:
0x6d: {  	(pc) =	sbr.rel @p1 .LBB2_4-.Ltmp1, $3  }
0x6e: {  	_ =	sdelay $0x1  }
0x6f: {  	v2 =	vadd.s32 v0, v2  }
0x70: {  	[tilespmem:s2+$0x0] =	vst v2;
	s2 =	sshra.s32 s5, $0x2;
	s5 =	sadd.s32 $0x40, s5  }
0x71: {  	v2 =	vld [tilespmem:s2+$0x0];
	_ =	sdelay $0x4  }
0x72: {  	v2 =	vadd.s32 v0, v2  }
0x73: {  	[tilespmem:s2+$0x0] =	vst v2  }
0x74: {  	s6 =	simm.s32 $0x0;
	[bflag:$0x0] =	sbarrier.arrive $0xFFFF  }
0x75: {  	[tilespmem:s28], [sflag:$0x1] =	stream.indirect.gather [hbm4b:s16+s11], $0x80, s6, s11, $0xb8;
	[tilespmem:$0x1FF80] =	vst v63  }
0x76: {  	_ = 	snop  }
0x77: {  	[tilespmem:s0], [sflag:$0x2] =	stream.indirect.gather [hbm4b:s16+s11], $0x80, s11, s11, $0xb8;
	[tilespmem:$0x1FF80] =	vst v63  }
0x78: {  	_ =	swait.ge [sflag:s30], $0x2800  }
0x79: {  	[sflag:s30] =	ssyncset.done $0x0  }
0x7a: {  	s5 =	simm.s32 $0xA0;
	[sflag:s30] =	ssyncadd.s32 $0xFFFFD800  }
0x7b: {  	[tilespmem:s3], [sflag:$0x3] =	stream.indirect.gather [hbm4b:s16+s11], $0x80, s5, s11, $0xb8;
	[tilespmem:$0x1FF80] =	vst v63  }
0x7c: {  	_ = 	snop  }
0x7d: {  	[spmem:s1] =	stream.indirect.scatter.add.f32 [tilespmem:s28], [sflag:$0x4], $0x80, s26, s11, $0xb8;
	[tilespmem:$0x1FF80] =	vst v63  }
0x7e: {  	_ =	swait.ge [sflag:s31], $0x2800  }
0x7f: {  	[sflag:s31] =	ssyncset.done $0x0  }
0x80: {  	[sflag:s31] =	ssyncadd.s32 $0xFFFFD800  }
0x81: {  	_ =	swait.ge [sflag:s4], $0x2800  }
0x82: {  	[sflag:s4] =	ssyncset.done $0x0  }
0x83: {  	s6 =	simm.s32 $0xF0;
	[sflag:s4] =	ssyncadd.s32 $0xFFFFD800  }
0x84: {  	[tilespmem:s28], [sflag:$0x1] =	stream.indirect.gather [hbm4b:s16+s11], $0x80, s6, s11, $0xb8;
	[tilespmem:$0x1FF80] =	vst v63  }
0x85: {  	s5 =	simm.s32 $0x27D0  }
0x86: {  	[spmem:s1] =	stream.indirect.scatter.add.f32 [tilespmem:s0], [sflag:$0x5], $0x80, s5, s11, $0xb8;
	[tilespmem:$0x1FF80] =	vst v63  }
0x87: {  	_ =	swait.ge [sflag:s7], $0x2800  }
0x88: {  	[sflag:s7] =	ssyncset.done $0x0  }
0x89: {  	[sflag:s7] =	ssyncadd.s32 $0xFFFFD800  }
0x8a: {  	_ =	swait.ge [sflag:s8], $0x2800  }
0x8b: {  	[sflag:s8] =	ssyncset.done $0x0  }
0x8c: {  	[sflag:s8] =	ssyncadd.s32 $0xFFFFD800  }
0x8d: {  	[tilespmem:s0], [sflag:$0x2] =	stream.indirect.gather [hbm4b:s16+s11], $0x80, s9, s11, $0xb8;
	[tilespmem:$0x1FF80] =	vst v63  }
0x8e: {  	_ = 	snop  }
0x8f: {  	[spmem:s1] =	stream.indirect.scatter.add.f32 [tilespmem:s3], [sflag:$0x6], $0x80, s10, s11, $0xb8;
	[tilespmem:$0x1FF80] =	vst v63  }
0x90: {  	_ =	swait.ge [sflag:s30], $0x2800  }
0x91: {  	[sflag:s30] =	ssyncset.done $0x0  }
0x92: {  	[sflag:s30] =	ssyncadd.s32 $0xFFFFD800  }
0x93: {  	_ =	swait.ge [sflag:s12], $0x2800  }
0x94: {  	[sflag:s12] =	ssyncset.done $0x0  }
0x95: {  	s6 =	simm.s32 $0x190;
	[sflag:s12] =	ssyncadd.s32 $0xFFFFD800  }
0x96: {  	[tilespmem:s3], [sflag:$0x3] =	stream.indirect.gather [hbm4b:s16+s11], $0x80, s6, s11, $0xb8;
	[tilespmem:$0x1FF80] =	vst v63  }
0x97: {  	s5 =	simm.s32 $0x2870  }
0x98: {  	[spmem:s1] =	stream.indirect.scatter.add.f32 [tilespmem:s28], [sflag:$0x4], $0x80, s5, s11, $0xb8;
	[tilespmem:$0x1FF80] =	vst v63  }
0x99: {  	_ =	swait.ge [sflag:s31], $0x2800  }
0x9a: {  	[sflag:s31] =	ssyncset.done $0x0  }
0x9b: {  	[sflag:s31] =	ssyncadd.s32 $0xFFFFD800  }
0x9c: {  	_ =	swait.ge [sflag:s4], $0x2800  }
0x9d: {  	[sflag:s4] =	ssyncset.done $0x0  }
0x9e: {  	s6 =	simm.s32 $0x1E0;
	[sflag:s4] =	ssyncadd.s32 $0xFFFFD800  }
0x9f: {  	[tilespmem:s28], [sflag:$0x1] =	stream.indirect.gather [hbm4b:s16+s11], $0x80, s6, s11, $0xb8;
	[tilespmem:$0x1FF80] =	vst v63  }
0xa0: {  	s5 =	simm.s32 $0x28C0  }
0xa1: {  	[spmem:s1] =	stream.indirect.scatter.add.f32 [tilespmem:s0], [sflag:$0x5], $0x80, s5, s11, $0xb8;
	[tilespmem:$0x1FF80] =	vst v63  }
0xa2: {  	_ =	swait.ge [sflag:s7], $0x2800  }
0xa3: {  	[sflag:s7] =	ssyncset.done $0x0  }
0xa4: {  	[sflag:s7] =	ssyncadd.s32 $0xFFFFD800  }
0xa5: {  	_ =	swait.ge [sflag:s8], $0x2800  }
0xa6: {  	s2 =	simm.s32 $0x3C0;
	[sflag:s8] =	ssyncset.done $0x0  }
0xa7: {  	s6 =	simm.s32 $0x230;
	s5 =	simm.s32 $0x2910;
	[sflag:s8] =	ssyncadd.s32 $0xFFFFD800  }
0xa8: {  	[tilespmem:s0], [sflag:$0x2] =	stream.indirect.gather [hbm4b:s16+s11], $0x80, s6, s11, $0xb8;
	[tilespmem:$0x1FF80] =	vst v63  }
.LBB2_6:
0xa9: {  	[spmem:s1] =	stream.indirect.scatter.add.f32 [tilespmem:s3], [sflag:$0x6], $0x80, s5, s11, $0xb8;
	[tilespmem:$0x1FF80] =	vst v63  }
0xaa: {  	s5 =	smov.u32 s2  }
0xab: {  	p1 =	sne.s32 s2, $0x9240;
	s2 =	sadd.s32 $0x3C0, s2;
	_ =	swait.ge [sflag:s30], $0x2800  }
0xac: {  	[sflag:s30] =	ssyncset.done $0x0  }
0xad: {  	[sflag:s30] =	ssyncadd.s32 $0xFFFFD800  }
0xae: {  	_ =	swait.ge [sflag:s12], $0x2800  }
0xaf: {  	s5 =	sshra.s32 s5, $0x2;
	[sflag:s12] =	ssyncset.done $0x0  }
0xb0: {  	s6 =	sadd.s32 $0x190, s5;
	[sflag:s12] =	ssyncadd.s32 $0xFFFFD800  }
0xb1: {  	[tilespmem:s3], [sflag:$0x3] =	stream.indirect.gather [hbm4b:s16+s11], $0x80, s6, s11, $0xb8;
	[tilespmem:$0x1FF80] =	vst v63  }
0xb2: {  	s6 =	sadd.s32 $0x2870, s5  }
0xb3: {  	[spmem:s1] =	stream.indirect.scatter.add.f32 [tilespmem:s28], [sflag:$0x4], $0x80, s6, s11, $0xb8;
	[tilespmem:$0x1FF80] =	vst v63  }
0xb4: {  	_ =	swait.ge [sflag:s31], $0x2800  }
0xb5: {  	[sflag:s31] =	ssyncset.done $0x0  }
0xb6: {  	[sflag:s31] =	ssyncadd.s32 $0xFFFFD800  }
0xb7: {  	_ =	swait.ge [sflag:s4], $0x2800  }
0xb8: {  	[sflag:s4] =	ssyncset.done $0x0  }
0xb9: {  	s6 =	sadd.s32 $0x1E0, s5;
	[sflag:s4] =	ssyncadd.s32 $0xFFFFD800  }
0xba: {  	[tilespmem:s28], [sflag:$0x1] =	stream.indirect.gather [hbm4b:s16+s11], $0x80, s6, s11, $0xb8;
	[tilespmem:$0x1FF80] =	vst v63  }
0xbb: {  	s6 =	sadd.s32 $0x28C0, s5  }
0xbc: {  	[spmem:s1] =	stream.indirect.scatter.add.f32 [tilespmem:s0], [sflag:$0x5], $0x80, s6, s11, $0xb8;
	[tilespmem:$0x1FF80] =	vst v63  }
0xbd: {  	_ =	swait.ge [sflag:s7], $0x2800  }
0xbe: {  	[sflag:s7] =	ssyncset.done $0x0  }
0xbf: {  	[sflag:s7] =	ssyncadd.s32 $0xFFFFD800  }
.Ltmp2:
0xc0: {  	_ =	swait.ge [sflag:s8], $0x2800;
	(pc) =	sbr.rel @p1 .LBB2_6-.Ltmp2, $4  }
0xc1: {  	[sflag:s8] =	ssyncset.done $0x0  }
0xc2: {  	s6 =	sadd.s32 $0x230, s5;
	[sflag:s8] =	ssyncadd.s32 $0xFFFFD800  }
0xc3: {  	[tilespmem:s0], [sflag:$0x2] =	stream.indirect.gather [hbm4b:s16+s11], $0x80, s6, s11, $0xb8;
	[tilespmem:$0x1FF80] =	vst v63  }
0xc4: {  	s5 =	sadd.s32 $0x2910, s5  }
0xc5: {  	[spmem:s1] =	stream.indirect.scatter.add.f32 [tilespmem:s3], [sflag:$0x6], $0x80, s5, s11, $0xb8;
	[tilespmem:$0x1FF80] =	vst v63  }
0xc6: {  	_ =	swait.ge [sflag:s30], $0x2800  }
0xc7: {  	[sflag:s30] =	ssyncset.done $0x0  }
0xc8: {  	[sflag:s30] =	ssyncadd.s32 $0xFFFFD800  }
0xc9: {  	_ =	swait.ge [sflag:s12], $0x2800  }
0xca: {  	[sflag:s12] =	ssyncset.done $0x0  }
0xcb: {  	[sflag:s12] =	ssyncadd.s32 $0xFFFFD800  }
0xcc: {  	[spmem:s1] =	stream.indirect.scatter.add.f32 [tilespmem:s28], [sflag:$0x4], $0x80, s13, s11, $0xb8;
	[tilespmem:$0x1FF80] =	vst v63  }
0xcd: {  	_ =	swait.ge [sflag:s31], $0x2800  }
0xce: {  	[sflag:s31] =	ssyncset.done $0x0  }
0xcf: {  	[sflag:s31] =	ssyncadd.s32 $0xFFFFD800  }
0xd0: {  	_ =	swait.ge [sflag:s4], $0x2800  }
0xd1: {  	[sflag:s4] =	ssyncset.done $0x0  }
0xd2: {  	[sflag:s4] =	ssyncadd.s32 $0xFFFFD800  }
0xd3: {  	[spmem:s1] =	stream.indirect.scatter.add.f32 [tilespmem:s0], [sflag:$0x5], $0x80, s14, s11, $0xb8;
	[tilespmem:$0x1FF80] =	vst v63  }
0xd4: {  	_ =	swait.ge [sflag:s8], $0x2800  }
0xd5: {  	[sflag:s8] =	ssyncset.done $0x0  }
0xd6: {  	s2 =	simm.s32 $0x0;
	s6 =	rddreg [dreg:$0x5];
	[sflag:s8] =	ssyncadd.s32 $0xFFFFD800  }
0xd7: {  	[tilespmem:s2], [sflag:$0x8] =	stream.linear.gather [hbm4b:s6+s2], $0x2710, $0x38;
	[tilespmem:$0x1FF80] =	vst v63  }
0xd8: {  	_ =	swait.ge [sflag:s15], $0x2710  }
0xd9: {  	[sflag:s15] =	ssyncset.done $0x0  }
0xda: {  	s6 =	rddreg [dreg:$0x6];
	[sflag:s15] =	ssyncadd.s32 $0xFFFFD8F0  }
0xdb: {  	[tilespmem:s26], [sflag:$0x8] =	stream.linear.gather [hbm4b:s6+s2], $0x2710, $0x38;
	[tilespmem:$0x1FF80] =	vst v63  }
0xdc: {  	_ =	swait.ge [sflag:s15], $0x2710  }
0xdd: {  	[sflag:s15] =	ssyncset.done $0x0  }
0xde: {  	s5 =	simm.s32 $0x40;
	s2 =	simm.s32 $0x0;
	[sflag:s15] =	ssyncadd.s32 $0xFFFFD8F0  }
.LBB2_8:
0xdf: {  	p1 =	sne.s32 s5, $0x9C00;
	v2 =	vld [tilespmem:s2+$0x0];
	_ =	sdelay $0x1  }
.Ltmp3:
0xe0: {  	(pc) =	sbr.rel @p1 .LBB2_8-.Ltmp3, $3  }
0xe1: {  	_ =	sdelay $0x1  }
0xe2: {  	v2 =	vadd.s32 v0, v2  }
0xe3: {  	[tilespmem:s2+$0x0] =	vst v2;
	s2 =	sshra.s32 s5, $0x2;
	s5 =	sadd.s32 $0x40, s5  }
0xe4: {  	v2 =	vld [tilespmem:s2+$0x0];
	_ =	sdelay $0x4  }
0xe5: {  	v2 =	vadd.s32 v0, v2  }
0xe6: {  	s6 =	simm.s32 $0x0;
	[tilespmem:s2+$0x0] =	vst v2  }
0xe7: {  	[tilespmem:s28], [sflag:$0x1] =	stream.indirect.gather [hbm4b:s16+s11], $0x80, s6, s11, $0xb8;
	[tilespmem:$0x1FF80] =	vst v63  }
0xe8: {  	_ = 	snop  }
0xe9: {  	[tilespmem:s0], [sflag:$0x2] =	stream.indirect.gather [hbm4b:s16+s11], $0x80, s11, s11, $0xb8;
	[tilespmem:$0x1FF80] =	vst v63  }
0xea: {  	_ =	swait.ge [sflag:s30], $0x2800  }
0xeb: {  	[sflag:s30] =	ssyncset.done $0x0  }
0xec: {  	s5 =	simm.s32 $0xA0;
	[sflag:s30] =	ssyncadd.s32 $0xFFFFD800  }
0xed: {  	[tilespmem:s3], [sflag:$0x3] =	stream.indirect.gather [hbm4b:s16+s11], $0x80, s5, s11, $0xb8;
	[tilespmem:$0x1FF80] =	vst v63  }
0xee: {  	_ = 	snop  }
0xef: {  	[spmem:s1] =	stream.indirect.scatter.add.f32 [tilespmem:s28], [sflag:$0x4], $0x80, s26, s11, $0xb8;
	[tilespmem:$0x1FF80] =	vst v63  }
0xf0: {  	_ =	swait.ge [sflag:s31], $0x2800  }
0xf1: {  	[sflag:s31] =	ssyncset.done $0x0  }
0xf2: {  	[sflag:s31] =	ssyncadd.s32 $0xFFFFD800  }
0xf3: {  	_ =	swait.ge [sflag:s4], $0x2800  }
0xf4: {  	[sflag:s4] =	ssyncset.done $0x0  }
0xf5: {  	s6 =	simm.s32 $0xF0;
	[sflag:s4] =	ssyncadd.s32 $0xFFFFD800  }
0xf6: {  	[tilespmem:s28], [sflag:$0x1] =	stream.indirect.gather [hbm4b:s16+s11], $0x80, s6, s11, $0xb8;
	[tilespmem:$0x1FF80] =	vst v63  }
0xf7: {  	s5 =	simm.s32 $0x27D0  }
0xf8: {  	[spmem:s1] =	stream.indirect.scatter.add.f32 [tilespmem:s0], [sflag:$0x5], $0x80, s5, s11, $0xb8;
	[tilespmem:$0x1FF80] =	vst v63  }
0xf9: {  	_ =	swait.ge [sflag:s7], $0x2800  }
0xfa: {  	[sflag:s7] =	ssyncset.done $0x0  }
0xfb: {  	[sflag:s7] =	ssyncadd.s32 $0xFFFFD800  }
0xfc: {  	_ =	swait.ge [sflag:s8], $0x2800  }
0xfd: {  	[sflag:s8] =	ssyncset.done $0x0  }
0xfe: {  	[sflag:s8] =	ssyncadd.s32 $0xFFFFD800  }
0xff: {  	[tilespmem:s0], [sflag:$0x2] =	stream.indirect.gather [hbm4b:s16+s11], $0x80, s9, s11, $0xb8;
	[tilespmem:$0x1FF80] =	vst v63  }
0x100: {  	_ = 	snop  }
0x101: {  	[spmem:s1] =	stream.indirect.scatter.add.f32 [tilespmem:s3], [sflag:$0x6], $0x80, s10, s11, $0xb8;
	[tilespmem:$0x1FF80] =	vst v63  }
0x102: {  	_ =	swait.ge [sflag:s30], $0x2800  }
0x103: {  	[sflag:s30] =	ssyncset.done $0x0  }
0x104: {  	[sflag:s30] =	ssyncadd.s32 $0xFFFFD800  }
0x105: {  	_ =	swait.ge [sflag:s12], $0x2800  }
0x106: {  	[sflag:s12] =	ssyncset.done $0x0  }
0x107: {  	s6 =	simm.s32 $0x190;
	[sflag:s12] =	ssyncadd.s32 $0xFFFFD800  }
0x108: {  	[tilespmem:s3], [sflag:$0x3] =	stream.indirect.gather [hbm4b:s16+s11], $0x80, s6, s11, $0xb8;
	[tilespmem:$0x1FF80] =	vst v63  }
0x109: {  	s5 =	simm.s32 $0x2870  }
0x10a: {  	[spmem:s1] =	stream.indirect.scatter.add.f32 [tilespmem:s28], [sflag:$0x4], $0x80, s5, s11, $0xb8;
	[tilespmem:$0x1FF80] =	vst v63  }
0x10b: {  	_ =	swait.ge [sflag:s31], $0x2800  }
0x10c: {  	[sflag:s31] =	ssyncset.done $0x0  }
0x10d: {  	[sflag:s31] =	ssyncadd.s32 $0xFFFFD800  }
0x10e: {  	_ =	swait.ge [sflag:s4], $0x2800  }
0x10f: {  	[sflag:s4] =	ssyncset.done $0x0  }
0x110: {  	s6 =	simm.s32 $0x1E0;
	[sflag:s4] =	ssyncadd.s32 $0xFFFFD800  }
0x111: {  	[tilespmem:s28], [sflag:$0x1] =	stream.indirect.gather [hbm4b:s16+s11], $0x80, s6, s11, $0xb8;
	[tilespmem:$0x1FF80] =	vst v63  }
0x112: {  	s5 =	simm.s32 $0x28C0  }
0x113: {  	[spmem:s1] =	stream.indirect.scatter.add.f32 [tilespmem:s0], [sflag:$0x5], $0x80, s5, s11, $0xb8;
	[tilespmem:$0x1FF80] =	vst v63  }
0x114: {  	_ =	swait.ge [sflag:s7], $0x2800  }
0x115: {  	[sflag:s7] =	ssyncset.done $0x0  }
0x116: {  	[sflag:s7] =	ssyncadd.s32 $0xFFFFD800  }
0x117: {  	_ =	swait.ge [sflag:s8], $0x2800  }
0x118: {  	s2 =	simm.s32 $0x3C0;
	[sflag:s8] =	ssyncset.done $0x0  }
0x119: {  	s6 =	simm.s32 $0x230;
	s5 =	simm.s32 $0x2910;
	[sflag:s8] =	ssyncadd.s32 $0xFFFFD800  }
0x11a: {  	[tilespmem:s0], [sflag:$0x2] =	stream.indirect.gather [hbm4b:s16+s11], $0x80, s6, s11, $0xb8;
	[tilespmem:$0x1FF80] =	vst v63  }
.LBB2_10:
0x11b: {  	[spmem:s1] =	stream.indirect.scatter.add.f32 [tilespmem:s3], [sflag:$0x6], $0x80, s5, s11, $0xb8;
	[tilespmem:$0x1FF80] =	vst v63  }
0x11c: {  	s5 =	smov.u32 s2  }
0x11d: {  	p1 =	sne.s32 s2, $0x9240;
	s2 =	sadd.s32 $0x3C0, s2;
	_ =	swait.ge [sflag:s30], $0x2800  }
0x11e: {  	[sflag:s30] =	ssyncset.done $0x0  }
0x11f: {  	[sflag:s30] =	ssyncadd.s32 $0xFFFFD800  }
0x120: {  	_ =	swait.ge [sflag:s12], $0x2800  }
0x121: {  	s5 =	sshra.s32 s5, $0x2;
	[sflag:s12] =	ssyncset.done $0x0  }
0x122: {  	s6 =	sadd.s32 $0x190, s5;
	[sflag:s12] =	ssyncadd.s32 $0xFFFFD800  }
0x123: {  	[tilespmem:s3], [sflag:$0x3] =	stream.indirect.gather [hbm4b:s16+s11], $0x80, s6, s11, $0xb8;
	[tilespmem:$0x1FF80] =	vst v63  }
0x124: {  	s6 =	sadd.s32 $0x2870, s5  }
0x125: {  	[spmem:s1] =	stream.indirect.scatter.add.f32 [tilespmem:s28], [sflag:$0x4], $0x80, s6, s11, $0xb8;
	[tilespmem:$0x1FF80] =	vst v63  }
0x126: {  	_ =	swait.ge [sflag:s31], $0x2800  }
0x127: {  	[sflag:s31] =	ssyncset.done $0x0  }
0x128: {  	[sflag:s31] =	ssyncadd.s32 $0xFFFFD800  }
0x129: {  	_ =	swait.ge [sflag:s4], $0x2800  }
0x12a: {  	[sflag:s4] =	ssyncset.done $0x0  }
0x12b: {  	s6 =	sadd.s32 $0x1E0, s5;
	[sflag:s4] =	ssyncadd.s32 $0xFFFFD800  }
0x12c: {  	[tilespmem:s28], [sflag:$0x1] =	stream.indirect.gather [hbm4b:s16+s11], $0x80, s6, s11, $0xb8;
	[tilespmem:$0x1FF80] =	vst v63  }
0x12d: {  	s6 =	sadd.s32 $0x28C0, s5  }
0x12e: {  	[spmem:s1] =	stream.indirect.scatter.add.f32 [tilespmem:s0], [sflag:$0x5], $0x80, s6, s11, $0xb8;
	[tilespmem:$0x1FF80] =	vst v63  }
0x12f: {  	_ =	swait.ge [sflag:s7], $0x2800  }
0x130: {  	[sflag:s7] =	ssyncset.done $0x0  }
0x131: {  	[sflag:s7] =	ssyncadd.s32 $0xFFFFD800  }
.Ltmp4:
0x132: {  	_ =	swait.ge [sflag:s8], $0x2800;
	(pc) =	sbr.rel @p1 .LBB2_10-.Ltmp4, $4  }
0x133: {  	[sflag:s8] =	ssyncset.done $0x0  }
0x134: {  	s6 =	sadd.s32 $0x230, s5;
	[sflag:s8] =	ssyncadd.s32 $0xFFFFD800  }
0x135: {  	[tilespmem:s0], [sflag:$0x2] =	stream.indirect.gather [hbm4b:s16+s11], $0x80, s6, s11, $0xb8;
	[tilespmem:$0x1FF80] =	vst v63  }
0x136: {  	s5 =	sadd.s32 $0x2910, s5  }
0x137: {  	[spmem:s1] =	stream.indirect.scatter.add.f32 [tilespmem:s3], [sflag:$0x6], $0x80, s5, s11, $0xb8;
	[tilespmem:$0x1FF80] =	vst v63  }
0x138: {  	_ =	swait.ge [sflag:s30], $0x2800  }
0x139: {  	[sflag:s30] =	ssyncset.done $0x0  }
0x13a: {  	[sflag:s30] =	ssyncadd.s32 $0xFFFFD800  }
0x13b: {  	_ =	swait.ge [sflag:s12], $0x2800  }
0x13c: {  	[sflag:s12] =	ssyncset.done $0x0  }
0x13d: {  	[sflag:s12] =	ssyncadd.s32 $0xFFFFD800  }
0x13e: {  	[spmem:s1] =	stream.indirect.scatter.add.f32 [tilespmem:s28], [sflag:$0x4], $0x80, s13, s11, $0xb8;
	[tilespmem:$0x1FF80] =	vst v63  }
0x13f: {  	_ =	swait.ge [sflag:s31], $0x2800  }
0x140: {  	[sflag:s31] =	ssyncset.done $0x0  }
0x141: {  	[sflag:s31] =	ssyncadd.s32 $0xFFFFD800  }
0x142: {  	_ =	swait.ge [sflag:s4], $0x2800  }
0x143: {  	[sflag:s4] =	ssyncset.done $0x0  }
0x144: {  	[sflag:s4] =	ssyncadd.s32 $0xFFFFD800  }
0x145: {  	[spmem:s1] =	stream.indirect.scatter.add.f32 [tilespmem:s0], [sflag:$0x5], $0x80, s14, s11, $0xb8;
	[tilespmem:$0x1FF80] =	vst v63  }
0x146: {  	_ =	swait.ge [sflag:s8], $0x2800  }
0x147: {  	[sflag:s8] =	ssyncset.done $0x0  }
0x148: {  	s2 =	stileid.u32;
	[sflag:s8] =	ssyncadd.s32 $0xFFFFD800  }
0x149: {  	s2 =	sshll.u32 s2, $0x6;
	[bflag:$0x0] =	sbarrier.arrive $0xFFFF  }
0x14a: {  	s5 =	sshrl.u32 s17, $0x3;
	s2 =	sor.u32 $0x1C07, s2;
	s6 =	rddreg [dreg:$0x7]  }
0x14b: {  	[hbm:s6], [sflag:s2] =	dma.local [spmem:s5], $0x500  }
0x14c: {  	s5 =	sshrl.u32 s18, $0x3;
	s6 =	rddreg [dreg:$0x8]  }
0x14d: {  	[hbm:s6], [sflag:s2] =	dma.local [spmem:s5], $0x500  }
0x14e: {  	s5 =	sshrl.u32 s19, $0x3;
	s6 =	rddreg [dreg:$0x9]  }
0x14f: {  	[hbm:s6], [sflag:s2] =	dma.local [spmem:s5], $0x500  }
0x150: {  	s5 =	sshrl.u32 s20, $0x3;
	s6 =	rddreg [dreg:$0xa]  }
0x151: {  	[hbm:s6], [sflag:s2] =	dma.local [spmem:s5], $0x500  }
0x152: {  	s5 =	sshrl.u32 s21, $0x3;
	s6 =	rddreg [dreg:$0xb]  }
0x153: {  	[hbm:s6], [sflag:s2] =	dma.local [spmem:s5], $0x500  }
0x154: {  	s5 =	sshrl.u32 s22, $0x3;
	s6 =	rddreg [dreg:$0xc]  }
0x155: {  	[hbm:s6], [sflag:s2] =	dma.local [spmem:s5], $0x500  }
0x156: {  	s5 =	sshrl.u32 s23, $0x3;
	s6 =	rddreg [dreg:$0xd]  }
0x157: {  	[hbm:s6], [sflag:s2] =	dma.local [spmem:s5], $0x500  }
0x158: {  	s5 =	sshrl.u32 @!p0 s24, $0x3;
	s6 =	rddreg [dreg:$0xe]  }
0x159: {  	[hbm:s6], [sflag:s2] =	dma.local @!p0 [spmem:s5], $0x500  }
0x15a: {  	_ =	swait.ge [sflag:s29], $0x500  }
0x15b: {  	[sflag:s29] =	ssyncset.done $0x0  }
0x15c: {  	[sflag:s29] =	ssyncadd.s32 $0xFFFFFB00  }
0x15d: {  	_ =	swait.ge [sflag:s29], $0x500  }
0x15e: {  	[sflag:s29] =	ssyncset.done $0x0  }
0x15f: {  	[sflag:s29] =	ssyncadd.s32 $0xFFFFFB00  }
0x160: {  	_ =	swait.ge [sflag:s29], $0x500  }
0x161: {  	[sflag:s29] =	ssyncset.done $0x0  }
0x162: {  	[sflag:s29] =	ssyncadd.s32 $0xFFFFFB00  }
0x163: {  	_ =	swait.ge [sflag:s29], $0x500  }
0x164: {  	[sflag:s29] =	ssyncset.done $0x0  }
0x165: {  	[sflag:s29] =	ssyncadd.s32 $0xFFFFFB00  }
0x166: {  	_ =	swait.ge [sflag:s29], $0x500  }
0x167: {  	[sflag:s29] =	ssyncset.done $0x0  }
0x168: {  	[sflag:s29] =	ssyncadd.s32 $0xFFFFFB00  }
0x169: {  	_ =	swait.ge [sflag:s29], $0x500  }
0x16a: {  	[sflag:s29] =	ssyncset.done $0x0  }
0x16b: {  	[sflag:s29] =	ssyncadd.s32 $0xFFFFFB00  }
0x16c: {  	_ =	swait.ge [sflag:s29], $0x500  }
0x16d: {  	[sflag:s29] =	ssyncset.done $0x0  }
0x16e: {  	s2 =	simm.s32 @!p0 $0x7;
	[sflag:s29] =	ssyncadd.s32 $0xFFFFFB00  }
0x16f: {  	_ =	swait.ge @!p0 [sflag:s2], $0x500  }
0x170: {  	s25 =	sadd.s32 $0x1, s25;
	s6 =	rddreg [dreg:$0xf]  }
0x171: {  	p1 =	sne.s32 s25, s6  }
.Ltmp5:
0x172: {  	_ = 	snop;
	(pc) =	sbr.rel @p1 .LBB2_1-.Ltmp5, $3  }
0x173: {  	_ =	sdelay $0x1  }
0x174: {  	[sflag:s2] =	ssyncset.done @!p0 $0x0  }
0x175: {  	[sflag:s2] =	ssyncadd.s32 @!p0 $0xFFFFFB00  }
0x176: {  	_ =	sfence.sel $0x180000  }
0x177: {  	[bflag:$0x0] =	sbarrier.arrive $0xFFFF  }
0x178: {  	_ =	strace $0x9000004A  }
0x179: {  	s0 =	stileid.u32;
	[bflag:$0x2] =	sbarrier.arrive $0xFFFF  }
0x17a: {  	p0 =	sne.s32 s0, $0x0;
	s0 =	rddreg [dreg:$0x2]  }
0x17b: {  	s0 =	sadd.s32 @!p0 $0x100000, s0  }
0x17c: {  	[sflag:s0] =	ssyncadd.tile.s32 @!p0 $0x1;
	_ =	shalt  }
.Lfunc_end2:
_tile_overlayer_lowered:
.L_overlay_start_2:
0x17d: {  	(tag) =	ssettag $0x2  }
0x17e: {  	s0 =	rddreg [dreg:$0x0];
	s2 =	stileid.u32  }
0x17f: {  	s1 =	rddreg [dreg:$0x1];
	p0 =	sne.s32 s2, $0x0  }
0x180: {  	s3 =	rddreg [dreg:$0x2];
	[bflag:$0x3] =	sbarrier.arrive $0xFFFF;
	s2 =	simm.s32 @!p0 $0x1C08  }
0x181: {  	[timem:s3], [sflag:s2] =	dma.local @!p0 [hbm:s0], s1  }
0x182: {  	s0 =	simm.s32 @!p0 $0x8  }
0x183: {  	_ =	swait.ge @!p0 [sflag:s0], s1  }
0x184: {  	s1 =	ssub.s32 @!p0 $0x0, s1;
	[sflag:s0] =	ssyncset.done @!p0 $0x0  }
0x185: {  	[sflag:s0] =	ssyncadd.s32 @!p0 s1  }
0x186: {  	[bflag:$0x3] =	sbarrier.arrive $0xFFFF  }
0x187: {  	_ =	shalt  }

// kernel: kernel.14.cloned.1.call-start
scs
__scs_entry_jumppad:
0x0: {  	(pc) =	sbr.rel $0x88, $3  }
0x1: {  	(tag) =	ssettag $0x0;
	lr =	simm.s32 $0x1  }
0x2: {  	[smem:$0x3F9B] =	sst lr;
	_ =	strace $0xD0000000  }
0x3: {  	_ = 	snop  }
0x4: {  	_ = 	snop  }
0x5: {  	_ = 	snop  }
0x6: {  	_ = 	snop  }
0x7: {  	_ = 	snop  }
__scs_overlays_trampoline_lowered:
0x8: {  	[smem:$0x3FAA] =	sst s0  }
0x9: {  	[smem:$0x3FAB] =	sst s1  }
0xa: {  	[smem:$0x3FAC] =	sst s2  }
0xb: {  	[smem:$0x3FAD] =	sst s3  }
0xc: {  	[smem:$0x3FAE] =	sst s4  }
0xd: {  	[smem:$0x3FAF] =	sst s5  }
0xe: {  	[smem:$0x3FB0] =	sst s6  }
0xf: {  	[smem:$0x3FB1] =	sst s7  }
0x10: {  	[smem:$0x3FB2] =	sst s8  }
0x11: {  	[smem:$0x3FB3] =	sst s9;
	s0 =	simm.s32 @!p0 $0x0  }
0x12: {  	s1 =	sld [smem:$0x3F99];
	s0 =	simm.s32 @p0 $0x1  }
0x13: {  	[smem:$0x3FB4] =	sst s0;
	s0 =	simm.s32 @!p1 $0x0  }
0x14: {  	s2 =	sld [smem:$0x3F98];
	s0 =	simm.s32 @p1 $0x1  }
0x15: {  	[smem:$0x3FB5] =	sst s0;
	s0 =	simm.s32 @!p2 $0x0  }
0x16: {  	s3 =	sld [smem:$0x3FDB];
	s0 =	simm.s32 @p2 $0x1  }
0x17: {  	s4 =	simm.s32 $0x1BF5;
	[smem:$0x3FB7] =	sst s0  }
0x18: {  	s0 =	sld [smem:$0x3F9A];
	_ =	swait.ge [sflag:s4], $0x0  }
0x19: {  	s7 =	sld [smem:$0x3F9B]  }
0x1a: {  	s8 =	sadd.s32 $0xFFFFE003, lr  }
0x1b: {  	s9 =	sadd.s32 $0xFFFFFEF7, lr;
	s5 =	simm.s32 $0xFFFFFFFF;
	p2 =	slt.u32 s8, $0xFFFFF086  }
0x1c: {  	p1 =	slt.u32 s9, $0xF7A;
	s5 =	simm.s32 @!p2 $0x0  }
0x1d: {  	s5 =	simm.s32 @p1 $0x1;
	p0 =	seq.s32 s7, s2  }
0x1e: {  	s7 =	smul.u32 @!p0 $0xF7A, s2;
	p2 =	seq.s32 @!p0 s5, $0x0  }
0x1f: {  	s9 =	smul.u32 $0xF7A, s1;
	s8 =	simm.s32 @!p0 $0x1BF5;
	p2 =	por !p2, p0  }
0x20: {  	[sflag:s8] =	ssyncset.s32 @!p0 $0xFFFFF086;
	s6 =	sadd.s32 @!p0 s3, s7;
	s7 =	simm.s32 @!p0 $0x108  }
0x21: {  	s3 =	sadd.s32 s3, s9;
	s6 =	sadd.s32 @!p0 $0x88, s6;
	s7 =	simm.s32 @p2 $0x1082  }
0x22: {  	[simem:s7], [sflag:s8] =	dma.local @!p0 [hbm:s6], $0xF7A  }
0x23: {  	s9 =	sor.u32 $0xD0000000, s2;
	s6 =	simm.s32 $0x108;
	_ =	swait.ge @!p0 [sflag:s8], $0x0  }
0x24: {  	s3 =	sadd.s32 $0x88, s3;
	s6 =	simm.s32 @!p1 $0x1082;
	[sflag:s4] =	ssyncset.s32 $0xFFFFF086  }
0x25: {  	[simem:s6], [sflag:s4] =	dma.local [hbm:s3], $0xF7A  }
0x26: {  	[smem:$0x3F9B] =	sst s1;
	(tag) =	ssettag s2;
	_ =	strace s9  }
0x27: {  	s1 =	sld [smem:$0x3FAB]  }
0x28: {  	s2 =	sld [smem:$0x3FAC]  }
0x29: {  	s4 =	sld [smem:$0x3FAE]  }
0x2a: {  	p0 =	seq.s32 s5, $0x0;
	s5 =	sld [smem:$0x3FAF]  }
0x2b: {  	s6 =	sld [smem:$0x3FB0]  }
0x2c: {  	s7 =	sld [smem:$0x3FB1]  }
0x2d: {  	s3 =	simm.s32 $0x108;
	s8 =	sld [smem:$0x3FB2]  }
0x2e: {  	s3 =	simm.s32 @!p0 $0x1082;
	s9 =	sld [smem:$0x3FB3]  }
0x2f: {  	lr =	sadd.s32 s0, s3;
	s0 =	sld [smem:$0x3FAA]  }
0x30: {  	s3 =	sld [smem:$0x3FAD]  }
0x31: {  	[smem:$0x3FB6] =	sst s10  }
0x32: {  	s10 =	sld [smem:$0x3FB4];
	_ =	sdelay $0x3  }
0x33: {  	p0 =	seq.s32 s10, $0x1;
	s10 =	sld [smem:$0x3FB6];
	_ =	sdelay $0x3  }
0x34: {  	[smem:$0x3FB6] =	sst s10  }
0x35: {  	s10 =	sld [smem:$0x3FB5];
	_ =	sdelay $0x3  }
0x36: {  	p1 =	seq.s32 s10, $0x1;
	s10 =	sld [smem:$0x3FB6];
	_ =	sdelay $0x3  }
0x37: {  	[smem:$0x3FB6] =	sst s10  }
0x38: {  	s10 =	sld [smem:$0x3FB7]  }
0x39: {  	_ = 	snop;
	(pc) =	sbr.ind lr, $3  }
0x3a: {  	_ = 	snop  }
0x3b: {  	_ = 	snop  }
0x3c: {  	p2 =	seq.s32 s10, $0x1;
	s10 =	sld [smem:$0x3FB6]  }
0x3d: {  	_ =	shalt  }
0x3e: {  	_ =	shalt  }
0x3f: {  	_ =	shalt  }
0x40: {  	_ =	shalt  }
0x41: {  	_ =	shalt  }
0x42: {  	_ =	shalt  }
0x43: {  	_ =	shalt  }
0x44: {  	_ =	shalt  }
0x45: {  	_ =	shalt  }
0x46: {  	_ =	shalt  }
0x47: {  	_ =	shalt  }
0x48: {  	_ =	shalt  }
0x49: {  	_ =	shalt  }
0x4a: {  	_ =	shalt  }
0x4b: {  	_ =	shalt  }
0x4c: {  	_ =	shalt  }
0x4d: {  	_ =	shalt  }
0x4e: {  	_ =	shalt  }
0x4f: {  	_ =	shalt  }
0x50: {  	_ =	shalt  }
0x51: {  	_ =	shalt  }
0x52: {  	_ =	shalt  }
0x53: {  	_ =	shalt  }
0x54: {  	_ =	shalt  }
0x55: {  	_ =	shalt  }
0x56: {  	_ =	shalt  }
0x57: {  	_ =	shalt  }
0x58: {  	_ =	shalt  }
0x59: {  	_ =	shalt  }
0x5a: {  	_ =	shalt  }
0x5b: {  	_ =	shalt  }
0x5c: {  	_ =	shalt  }
0x5d: {  	_ =	shalt  }
0x5e: {  	_ =	shalt  }
0x5f: {  	_ =	shalt  }
0x60: {  	_ =	shalt  }
0x61: {  	_ =	shalt  }
0x62: {  	_ =	shalt  }
0x63: {  	_ =	shalt  }
0x64: {  	_ =	shalt  }
0x65: {  	_ =	shalt  }
0x66: {  	_ =	shalt  }
0x67: {  	_ =	shalt  }
0x68: {  	_ =	shalt  }
0x69: {  	_ =	shalt  }
0x6a: {  	_ =	shalt  }
0x6b: {  	_ =	shalt  }
0x6c: {  	_ =	shalt  }
0x6d: {  	_ =	shalt  }
0x6e: {  	_ =	shalt  }
0x6f: {  	_ =	shalt  }
0x70: {  	_ =	shalt  }
0x71: {  	_ =	shalt  }
0x72: {  	_ =	shalt  }
0x73: {  	_ =	shalt  }
0x74: {  	_ =	shalt  }
0x75: {  	_ =	shalt  }
0x76: {  	_ =	shalt  }
0x77: {  	_ =	shalt  }
0x78: {  	_ =	shalt  }
0x79: {  	_ =	shalt  }
0x7a: {  	_ =	shalt  }
0x7b: {  	_ =	shalt  }
0x7c: {  	_ =	shalt  }
0x7d: {  	_ =	shalt  }
0x7e: {  	_ =	shalt  }
0x7f: {  	_ =	shalt  }
0x80: {  	_ =	shalt  }
0x81: {  	_ =	shalt  }
0x82: {  	_ =	shalt  }
0x83: {  	_ =	shalt  }
0x84: {  	_ =	shalt  }
0x85: {  	_ =	shalt  }
0x86: {  	_ =	shalt  }
0x87: {  	_ =	shalt  }
.Lfunc_end0:
.L_simem_size_0:
called_computation.2_lowered:
.L_overlay_start_0:
0x88: {  	s2 =	sld [smem:$0x3FD9]  }
0x89: {  	s3 =	sld [smem:$0x3FFE];
	_ =	sdelay $0x1  }
0x8a: {  	s1 =	srdreg.scid  }
0x8b: {  	s0 =	sand.u32 $0x1, s1  }
0x8c: {  	s17 =	sshll.u32 s0, $0xA;
	s2 =	sadd.s32 s3, s2  }
0x8d: {  	s2 =	sadd.s32 s2, s17  }
0x8e: {  	[smem:$0x3FC2] =	sst s2  }
0x8f: {  	_ = 	snop  }
0x90: {  	s2 =	sld [smem:$0x3FD0];
	(tm) =	ssettm $0x1  }
0x91: {  	s18 =	sld [smem:$0x3FFB];
	_ =	sdelay $0x3  }
0x92: {  	_ =	strace s18  }
0x93: {  	s3 =	sld [smem:$0x3FFC];
	_ =	sdelay $0x3  }
0x94: {  	_ =	strace s3  }
0x95: {  	s3 =	sld [smem:$0x3FFD];
	_ =	sdelay $0x3  }
0x96: {  	_ =	strace s3  }
0x97: {  	_ =	strace $0x8FFFFFFF  }
0x98: {  	s19 =	sld [smem:$0x3FDB];
	_ =	sdelay $0x1  }
0x99: {  	s4 =	simm.s32 $_scs_section_size  }
0x9a: {  	s5 =	simm.s32 $_size__tile_overlayer_lowered;
	s6 =	simm.s32 $_tile_overlayer_lowered  }
0x9b: {  	s22 =	simm.s32 $0x1BFF;
	s21 =	sshll.u32 s6, $0x1;
	s3 =	sadd.s32 s4, s19  }
0x9c: {  	s7 =	simm.s32 $0x0;
	s20 =	sshll.u32 s5, $0x1;
	s5 =	sadd.s32 s21, s3  }
0x9d: {  	[timem:s7], [sflag:s22] =	dma.local [hbm:s5], s20  }
0x9e: {  	_ =	swait.ge [sflag:s22], s20  }
0x9f: {  	s4 =	ssub.s32 $0x0, s20;
	[sflag:s22] =	ssyncset.done $0x0  }
0xa0: {  	[sflag:s22] =	ssyncadd.s32 s4;
	_ =	sdelay $0x1  }
0xa1: {  	s23 =	simm.s32 $0x1B8B  }
0xa2: {  	_ =	swait.ge [sflag:s23], $0x1  }
0xa3: {  	[sflag:s23] =	ssyncset.done $0x0  }
0xa4: {  	s25 =	simm.s32 $0x1B8E;
	s24 =	sld [smem:$0x3FFE];
	[sflag:s23] =	ssyncadd.s32 $0xFFFFFFFF  }
0xa5: {  	s26 =	simm.s32 $execute0_lowered;
	[smem:$0x3FD2] =	sst s25  }
0xa6: {  	s5 =	sshll.u32 s26, $0x1;
	_ =	strace $0x8000004C;
	[dreg:$0x1] =	wrdreg $0xFFFFFFFF  }
0xa7: {  	s28 =	simm.s32 $_size_execute0_lowered;
	s3 =	sadd.s32 s3, s5;
	[dreg:$0x0] =	wrdreg $0x0  }
0xa8: {  	s5 =	sshll.u32 s28, $0x1;
	[dreg:$0x2] =	wrdreg s3  }
0xa9: {  	[dreg:$0x3] =	wrdreg s5  }
0xaa: {  	[dreg:$0x4] =	wrdreg $0xC0  }
0xab: {  	_ =	task [dreg:s7], $0x5FFFF  }
0xac: {  	[dreg:$0x1] =	wrdreg $0xFFFFFFFF  }
0xad: {  	[dreg:$0x0] =	wrdreg $0x60  }
0xae: {  	[dreg:$0x2] =	wrdreg s2  }
0xaf: {  	[dreg:$0x3] =	wrdreg s24  }
0xb0: {  	[dreg:$0x4] =	wrdreg $0xC7000  }
0xb1: {  	[dreg:$0x5] =	wrdreg $0x9  }
0xb2: {  	_ =	task.clear_ibuf [dreg:s7], $0x6FFFF;
	_ =	strace $0x9000004C  }
0xb3: {  	s29 =	simm.s32 $0x9;
	_ =	strace $0x8000004E  }
0xb4: {  	_ =	swait.ge [sflag:s29], $0x1  }
0xb5: {  	[sflag:s29] =	ssyncadd.s32 $0xFFFFFFFF  }
0xb6: {  	_ =	strace $0x9000004E  }
0xb7: {  	_ =	sfence  }
0xb8: {  	s30 =	sld [smem:$0x0];
	_ =	sdelay $0x2  }
0xb9: {  	s31 =	sshll.u32 s1, $0xD;
	s1 =	sshrl.u32 s1, $0x2  }
0xba: {  	s3 =	sand.u32 $0x4000, s31;
	s1 =	sadd.s32 s1, s30  }
0xbb: {  	s0 =	sor.u32 s3, s0;
	s1 =	sshll.u32 s1, $0x11  }
0xbc: {  	s0 =	sor.u32 s1, s0  }
0xbd: {  	s0 =	sadd.s32 $0x8F2B, s0  }
0xbe: {  	[sflag:s0] =	ssyncadd.remote.s32 $0x1  }
0xbf: {  	_ =	sfence.sel $0xFFFF  }
0xc0: {  	[dreg:$0x0] =	wrdreg $0xFFFFFFFF;
	(pc) =	sbr.abs _section_cstart, $3  }
0xc1: {  	[dreg:$0x1] =	wrdreg $0xFFFFFFFF  }
0xc2: {  	_ =	task.clear_ibuf [dreg:s7], $0x2FFFF;
	_ =	strace $0x9FFFFFFF  }
0xc3: {  	(tm) =	ssettm $0x7FFFFFFF  }
tec
execute0_lowered:
.L_overlay_start_1:
0x0: {  	(tag) =	ssettag $0x1  }
0x1: {  	s0 =	srdreg.scid;
	s25 =	stileid.u32  }
0x2: {  	s1 =	rddreg [dreg:$0x0];
	s24 =	smul.u32 $0xA000, s25;
	s26 =	sor.u32 $0x10, s25  }
0x3: {  	s21 =	rddreg [dreg:$0x1];
	s13 =	sor.u32 $0x20, s25;
	s8 =	smul.u32 $0xA000, s26  }
0x4: {  	s3 =	rddreg [dreg:$0x2];
	s15 =	sor.u32 $0x30, s25;
	s19 =	smul.u32 $0xA000, s13  }
0x5: {  	s5 =	simm.s32 $0x0;
	s16 =	sor.u32 $0x40, s25;
	s10 =	smul.u32 $0xA000, s15  }
0x6: {  	s28 =	simm.s32 $0x1;
	s17 =	sor.u32 $0x50, s25;
	s11 =	smul.u32 $0xA000, s16  }
0x7: {  	s29 =	simm.s32 $0x2;
	s18 =	sor.u32 $0x60, s25;
	s12 =	smul.u32 $0xA000, s17  }
0x8: {  	s30 =	simm.s32 $0x50;
	s4 =	sand.u32 $0x1, s0;
	s14 =	smul.u32 $0xA000, s18  }
0x9: {  	s2 =	sshll.u32 s4, $0x4;
	s22 =	ssub.s32 $0x2, s4;
	s4 =	smul.u32 $0x138800, s4  }
0xa: {  	s31 =	simm.s32 $0x7700;
	[smem:$0x7FF] =	sst s5;
	s15 =	smul.u32 $0x2800, s15  }
0xb: {  	s0 =	sadd.s32 $0x16600, s21;
	p0 =	sgt.u32 s25, $0xC;
	s16 =	smul.u32 $0x2800, s16  }
0xc: {  	_ =	strace $0x8000004D;
	s17 =	smul.u32 $0x2800, s17;
	s2 =	sor.u32 s25, s2  }
0xd: {  	s23 =	sshrl.u32 s22, $0x1;
	s5 =	sshrl.u32 s24, $0x2;
	s2 =	smul.u32 $0x4E2, s2  }
0xe: {  	s8 =	sshrl.u32 s8, $0x2;
	s20 =	sshrl.u32 s10, $0x2;
	s12 =	sshrl.u32 s12, $0x2  }
0xf: {  	s14 =	sshrl.u32 s14, $0x2;
	s8 =	sadd.s32 s8, s3;
	s10 =	sadd.s32 s20, s3  }
0x10: {  	s20 =	smul.u32 $0x2800, s25;
	s12 =	sadd.s32 s12, s3;
	s6 =	sadd.s32 s2, s21  }
0x11: {  	s2 =	ssub.s32 s22, s23;
	s21 =	sshrl.u32 s11, $0x2;
	s7 =	sadd.s32 $0x2A00, s6  }
0x12: {  	s6 =	sadd.s32 $0xC800, s6;
	s11 =	sadd.s32 s21, s3;
	s20 =	sadd.s32 s20, s4  }
0x13: {  	s21 =	smul.u32 $0x2800, s13;
	s13 =	sadd.s32 s14, s3;
	[dreg:$0x4] =	wrdreg s7  }
0x14: {  	[dreg:$0x5] =	wrdreg s6;
	s7 =	sadd.s32 s5, s3;
	s5 =	sshrl.u32 s19, $0x2  }
0x15: {  	s19 =	sor.u32 $0x70, s25;
	s6 =	smul.u32 $0x2800, s26;
	s20 =	sshrl.u32 s20, $0x3  }
0x16: {  	s25 =	simm.s32 $0x4F00;
	s9 =	sadd.s32 s5, s3;
	s22 =	smul.u32 $0xA000, s19  }
0x17: {  	s23 =	sadd.s32 s0, s20;
	s26 =	sadd.s32 s4, s21;
	s20 =	sadd.s32 s4, s15  }
0x18: {  	s21 =	sadd.s32 s4, s16;
	[dreg:$0x6] =	wrdreg s23;
	s24 =	sadd.s32 s4, s6  }
0x19: {  	s6 =	sshrl.u32 s26, $0x3;
	s15 =	sshrl.u32 s21, $0x3;
	s23 =	smul.u32 $0x2800, s19  }
0x1a: {  	s5 =	sshrl.u32 s22, $0x2;
	s6 =	sadd.s32 s0, s6;
	s22 =	smul.u32 $0x2800, s18  }
0x1b: {  	s19 =	sadd.s32 s0, s15;
	s14 =	sadd.s32 s5, s3;
	s5 =	sshrl.u32 s24, $0x3  }
0x1c: {  	[dreg:$0x8] =	wrdreg s6;
	s6 =	sshrl.u32 s20, $0x3;
	s5 =	sadd.s32 s0, s5  }
0x1d: {  	s15 =	simm.s32 $0x0;
	s6 =	sadd.s32 s0, s6;
	[dreg:$0x7] =	wrdreg s5  }
0x1e: {  	s24 =	sadd.s32 s4, s22;
	[dreg:$0x9] =	wrdreg s6;
	s5 =	sadd.s32 s4, s17  }
0x1f: {  	s4 =	sadd.s32 s4, s23;
	s26 =	sshrl.u32 s24, $0x3;
	s23 =	smax.u32 s2, $0x1  }
0x20: {  	s24 =	simm.s32 $0x2780;
	s2 =	simm.s32 $0x9F00;
	s6 =	simm.s32 $0x6  }
0x21: {  	s5 =	sshrl.u32 s5, $0x3;
	s4 =	sshrl.u32 s4, $0x3;
	s21 =	sadd.s32 s0, s26  }
0x22: {  	s26 =	simm.s32 $0x7;
	s20 =	sadd.s32 s0, s5;
	s22 =	sadd.s32 s0, s4  }
0x23: {  	v0 =	vimm.f32 $0.0e+00;
	s0 =	simm.s32 $0x4;
	s4 =	simm.s32 $0x3;
	s5 =	simm.s32 $0x5  }
.LBB2_1:
0x24: {  	s16 =	simm.s32 $0x0;
	s17 =	rddreg [dreg:$0x4]  }
0x25: {  	[tilespmem:s16], [sflag:$0x1] =	stream.linear.gather [hbm4b:s17+s16], $0x2710, $0x38;
	[tilespmem:$0x1FF80] =	vst v63  }
0x26: {  	s18 =	rddreg [dreg:$0x5]  }
0x27: {  	[tilespmem:s24], [sflag:$0x2] =	stream.linear.gather [hbm4b:s18+s16], $0x2710, $0x38;
	[tilespmem:$0x1FF80] =	vst v63  }
0x28: {  	s17 =	simm.s32 $0x200;
	s16 =	simm.s32 $0x0  }
.LBB2_2:
0x29: {  	p1 =	sne.s32 s17, $0x9E00;
	[tilespmem:s16+$0x4F70] =	vst v0  }
0x2a: {  	[tilespmem:s16+$0x4F00] =	vst v0  }
0x2b: {  	[tilespmem:s16+$0x4F10] =	vst v0  }
.Ltmp0:
0x2c: {  	[tilespmem:s16+$0x4F20] =	vst v0;
	(pc) =	sbr.rel @p1 .LBB2_2-.Ltmp0, $4  }
0x2d: {  	[tilespmem:s16+$0x4F30] =	vst v0  }
0x2e: {  	[tilespmem:s16+$0x4F40] =	vst v0  }
0x2f: {  	[tilespmem:s16+$0x4F50] =	vst v0  }
0x30: {  	[tilespmem:s16+$0x4F60] =	vst v0;
	s16 =	sshra.s32 s17, $0x2;
	s17 =	sadd.s32 $0x200, s17  }
0x31: {  	[tilespmem:s16+$0x4F70] =	vst v0  }
0x32: {  	[tilespmem:s16+$0x4F00] =	vst v0  }
0x33: {  	[tilespmem:s16+$0x4F10] =	vst v0  }
0x34: {  	[tilespmem:s16+$0x4F20] =	vst v0  }
0x35: {  	[tilespmem:s16+$0x4F30] =	vst v0  }
0x36: {  	[tilespmem:s16+$0x4F40] =	vst v0  }
0x37: {  	[tilespmem:s16+$0x4F50] =	vst v0  }
0x38: {  	[tilespmem:s16+$0x4F60] =	vst v0  }
0x39: {  	[spmem:s7] =	stream.linear.scatter [tilespmem:s25], [sflag:$0x7], $0x2800, $0x38;
	[tilespmem:$0x1FF80] =	vst v63  }
0x3a: {  	_ = 	snop  }
0x3b: {  	[spmem:s8] =	stream.linear.scatter [tilespmem:s25], [sflag:$0x7], $0x2800, $0x38;
	[tilespmem:$0x1FF80] =	vst v63  }
0x3c: {  	_ = 	snop  }
0x3d: {  	[spmem:s9] =	stream.linear.scatter [tilespmem:s25], [sflag:$0x7], $0x2800, $0x38;
	[tilespmem:$0x1FF80] =	vst v63  }
0x3e: {  	_ = 	snop  }
0x3f: {  	[spmem:s10] =	stream.linear.scatter [tilespmem:s25], [sflag:$0x7], $0x2800, $0x38;
	[tilespmem:$0x1FF80] =	vst v63  }
0x40: {  	_ = 	snop  }
0x41: {  	[spmem:s11] =	stream.linear.scatter [tilespmem:s25], [sflag:$0x7], $0x2800, $0x38;
	[tilespmem:$0x1FF80] =	vst v63  }
0x42: {  	_ = 	snop  }
0x43: {  	[spmem:s12] =	stream.linear.scatter [tilespmem:s25], [sflag:$0x7], $0x2800, $0x38;
	[tilespmem:$0x1FF80] =	vst v63  }
0x44: {  	_ = 	snop  }
0x45: {  	[spmem:s13] =	stream.linear.scatter [tilespmem:s25], [sflag:$0x7], $0x2800, $0x38;
	[tilespmem:$0x1FF80] =	vst v63  }
0x46: {  	s16 =	simm.s32 @!p0 $0x4F00  }
0x47: {  	[spmem:s14] =	stream.linear.scatter @!p0 [tilespmem:s16], [sflag:$0x7], $0x2800, $0x38;
	[tilespmem:$0x1FF80] =	vst v63  }
0x48: {  	_ =	swait.ge [sflag:s26], $0x2800  }
0x49: {  	[sflag:s26] =	ssyncset.done $0x0  }
0x4a: {  	[sflag:s26] =	ssyncadd.s32 $0xFFFFD800  }
0x4b: {  	_ =	swait.ge [sflag:s26], $0x2800  }
0x4c: {  	[sflag:s26] =	ssyncset.done $0x0  }
0x4d: {  	[sflag:s26] =	ssyncadd.s32 $0xFFFFD800  }
0x4e: {  	_ =	swait.ge [sflag:s26], $0x2800  }
0x4f: {  	[sflag:s26] =	ssyncset.done $0x0  }
0x50: {  	[sflag:s26] =	ssyncadd.s32 $0xFFFFD800  }
0x51: {  	_ =	swait.ge [sflag:s26], $0x2800  }
0x52: {  	[sflag:s26] =	ssyncset.done $0x0  }
0x53: {  	[sflag:s26] =	ssyncadd.s32 $0xFFFFD800  }
0x54: {  	_ =	swait.ge [sflag:s26], $0x2800  }
0x55: {  	[sflag:s26] =	ssyncset.done $0x0  }
0x56: {  	[sflag:s26] =	ssyncadd.s32 $0xFFFFD800  }
0x57: {  	_ =	swait.ge [sflag:s26], $0x2800  }
0x58: {  	[sflag:s26] =	ssyncset.done $0x0  }
0x59: {  	[sflag:s26] =	ssyncadd.s32 $0xFFFFD800  }
0x5a: {  	_ =	swait.ge [sflag:s26], $0x2800  }
0x5b: {  	[sflag:s26] =	ssyncset.done $0x0  }
0x5c: {  	s16 =	simm.s32 @!p0 $0x7;
	[sflag:s26] =	ssyncadd.s32 $0xFFFFD800  }
0x5d: {  	_ =	swait.ge @!p0 [sflag:s16], $0x2800  }
0x5e: {  	[sflag:s16] =	ssyncset.done @!p0 $0x0  }
0x5f: {  	[sflag:s16] =	ssyncadd.s32 @!p0 $0xFFFFD800  }
0x60: {  	_ =	swait.ge [sflag:s28], $0x2710  }
0x61: {  	[sflag:s28] =	ssyncset.done $0x0  }
0x62: {  	[sflag:s28] =	ssyncadd.s32 $0xFFFFD8F0  }
0x63: {  	_ =	swait.ge [sflag:s29], $0x2710  }
0x64: {  	[sflag:s29] =	ssyncset.done $0x0  }
0x65: {  	[sflag:s29] =	ssyncadd.s32 $0xFFFFD8F0  }
0x66: {  	s18 =	simm.s32 $0x0;
	[bflag:$0x0] =	sbarrier.arrive $0xFFFF  }
0x67: {  	[tilespmem:s25], [sflag:$0x1] =	stream.indirect.gather [hbm4b:s1+s30], $0x80, s18, s30, $0xb8;
	[tilespmem:$0x1FF80] =	vst v63  }
0x68: {  	_ = 	snop  }
0x69: {  	[tilespmem:s31], [sflag:$0x2] =	stream.indirect.gather [hbm4b:s1+s30], $0x80, s30, s30, $0xb8;
	[tilespmem:$0x1FF80] =	vst v63  }
0x6a: {  	_ =	swait.ge [sflag:s28], $0x2800  }
0x6b: {  	[sflag:s28] =	ssyncset.done $0x0  }
0x6c: {  	s17 =	simm.s32 $0xA0;
	[sflag:s28] =	ssyncadd.s32 $0xFFFFD800  }
0x6d: {  	[tilespmem:s2], [sflag:$0x3] =	stream.indirect.gather [hbm4b:s1+s30], $0x80, s17, s30, $0xb8;
	[tilespmem:$0x1FF80] =	vst v63  }
0x6e: {  	_ = 	snop  }
0x6f: {  	[spmem:s3] =	stream.indirect.scatter.add.f32 [tilespmem:s25], [sflag:$0x4], $0x80, s24, s30, $0xb8;
	[tilespmem:$0x1FF80] =	vst v63  }
0x70: {  	_ =	swait.ge [sflag:s29], $0x2800  }
0x71: {  	[sflag:s29] =	ssyncset.done $0x0  }
0x72: {  	[sflag:s29] =	ssyncadd.s32 $0xFFFFD800  }
0x73: {  	_ =	swait.ge [sflag:s0], $0x2800  }
0x74: {  	[sflag:s0] =	ssyncset.done $0x0  }
0x75: {  	s18 =	simm.s32 $0xF0;
	[sflag:s0] =	ssyncadd.s32 $0xFFFFD800  }
0x76: {  	[tilespmem:s25], [sflag:$0x1] =	stream.indirect.gather [hbm4b:s1+s30], $0x80, s18, s30, $0xb8;
	[tilespmem:$0x1FF80] =	vst v63  }
0x77: {  	s17 =	simm.s32 $0x27D0  }
0x78: {  	[spmem:s3] =	stream.indirect.scatter.add.f32 [tilespmem:s31], [sflag:$0x5], $0x80, s17, s30, $0xb8;
	[tilespmem:$0x1FF80] =	vst v63  }
0x79: {  	_ =	swait.ge [sflag:s4], $0x2800  }
0x7a: {  	[sflag:s4] =	ssyncset.done $0x0  }
0x7b: {  	[sflag:s4] =	ssyncadd.s32 $0xFFFFD800  }
0x7c: {  	_ =	swait.ge [sflag:s5], $0x2800  }
0x7d: {  	[sflag:s5] =	ssyncset.done $0x0  }
0x7e: {  	s18 =	simm.s32 $0x140;
	[sflag:s5] =	ssyncadd.s32 $0xFFFFD800  }
0x7f: {  	[tilespmem:s31], [sflag:$0x2] =	stream.indirect.gather [hbm4b:s1+s30], $0x80, s18, s30, $0xb8;
	[tilespmem:$0x1FF80] =	vst v63  }
0x80: {  	s17 =	simm.s32 $0x2820  }
0x81: {  	[spmem:s3] =	stream.indirect.scatter.add.f32 [tilespmem:s2], [sflag:$0x6], $0x80, s17, s30, $0xb8;
	[tilespmem:$0x1FF80] =	vst v63  }
0x82: {  	_ =	swait.ge [sflag:s28], $0x2800  }
0x83: {  	[sflag:s28] =	ssyncset.done $0x0  }
0x84: {  	[sflag:s28] =	ssyncadd.s32 $0xFFFFD800  }
0x85: {  	_ =	swait.ge [sflag:s6], $0x2800  }
0x86: {  	[sflag:s6] =	ssyncset.done $0x0  }
0x87: {  	s18 =	simm.s32 $0x190;
	[sflag:s6] =	ssyncadd.s32 $0xFFFFD800  }
0x88: {  	[tilespmem:s2], [sflag:$0x3] =	stream.indirect.gather [hbm4b:s1+s30], $0x80, s18, s30, $0xb8;
	[tilespmem:$0x1FF80] =	vst v63  }
0x89: {  	s17 =	simm.s32 $0x2870  }
0x8a: {  	[spmem:s3] =	stream.indirect.scatter.add.f32 [tilespmem:s25], [sflag:$0x4], $0x80, s17, s30, $0xb8;
	[tilespmem:$0x1FF80] =	vst v63  }
0x8b: {  	_ =	swait.ge [sflag:s29], $0x2800  }
0x8c: {  	[sflag:s29] =	ssyncset.done $0x0  }
0x8d: {  	[sflag:s29] =	ssyncadd.s32 $0xFFFFD800  }
0x8e: {  	_ =	swait.ge [sflag:s0], $0x2800  }
0x8f: {  	[sflag:s0] =	ssyncset.done $0x0  }
0x90: {  	s18 =	simm.s32 $0x1E0;
	[sflag:s0] =	ssyncadd.s32 $0xFFFFD800  }
0x91: {  	[tilespmem:s25], [sflag:$0x1] =	stream.indirect.gather [hbm4b:s1+s30], $0x80, s18, s30, $0xb8;
	[tilespmem:$0x1FF80] =	vst v63  }
0x92: {  	s17 =	simm.s32 $0x28C0  }
0x93: {  	[spmem:s3] =	stream.indirect.scatter.add.f32 [tilespmem:s31], [sflag:$0x5], $0x80, s17, s30, $0xb8;
	[tilespmem:$0x1FF80] =	vst v63  }
0x94: {  	_ =	swait.ge [sflag:s4], $0x2800  }
0x95: {  	[sflag:s4] =	ssyncset.done $0x0  }
0x96: {  	[sflag:s4] =	ssyncadd.s32 $0xFFFFD800  }
0x97: {  	_ =	swait.ge [sflag:s5], $0x2800  }
0x98: {  	s16 =	simm.s32 $0x3C0;
	[sflag:s5] =	ssyncset.done $0x0  }
0x99: {  	s18 =	simm.s32 $0x230;
	s17 =	simm.s32 $0x2910;
	[sflag:s5] =	ssyncadd.s32 $0xFFFFD800  }
0x9a: {  	[tilespmem:s31], [sflag:$0x2] =	stream.indirect.gather [hbm4b:s1+s30], $0x80, s18, s30, $0xb8;
	[tilespmem:$0x1FF80] =	vst v63  }
.LBB2_4:
0x9b: {  	[spmem:s3] =	stream.indirect.scatter.add.f32 [tilespmem:s2], [sflag:$0x6], $0x80, s17, s30, $0xb8;
	[tilespmem:$0x1FF80] =	vst v63  }
0x9c: {  	s17 =	smov.u32 s16  }
0x9d: {  	p1 =	sne.s32 s16, $0x9240;
	s16 =	sadd.s32 $0x3C0, s16;
	_ =	swait.ge [sflag:s28], $0x2800  }
0x9e: {  	[sflag:s28] =	ssyncset.done $0x0  }
0x9f: {  	[sflag:s28] =	ssyncadd.s32 $0xFFFFD800  }
0xa0: {  	_ =	swait.ge [sflag:s6], $0x2800  }
0xa1: {  	s17 =	sshra.s32 s17, $0x2;
	[sflag:s6] =	ssyncset.done $0x0  }
0xa2: {  	s18 =	sadd.s32 $0x190, s17;
	[sflag:s6] =	ssyncadd.s32 $0xFFFFD800  }
0xa3: {  	[tilespmem:s2], [sflag:$0x3] =	stream.indirect.gather [hbm4b:s1+s30], $0x80, s18, s30, $0xb8;
	[tilespmem:$0x1FF80] =	vst v63  }
0xa4: {  	s18 =	sadd.s32 $0x2870, s17  }
0xa5: {  	[spmem:s3] =	stream.indirect.scatter.add.f32 [tilespmem:s25], [sflag:$0x4], $0x80, s18, s30, $0xb8;
	[tilespmem:$0x1FF80] =	vst v63  }
0xa6: {  	_ =	swait.ge [sflag:s29], $0x2800  }
0xa7: {  	[sflag:s29] =	ssyncset.done $0x0  }
0xa8: {  	[sflag:s29] =	ssyncadd.s32 $0xFFFFD800  }
0xa9: {  	_ =	swait.ge [sflag:s0], $0x2800  }
0xaa: {  	[sflag:s0] =	ssyncset.done $0x0  }
0xab: {  	s18 =	sadd.s32 $0x1E0, s17;
	[sflag:s0] =	ssyncadd.s32 $0xFFFFD800  }
0xac: {  	[tilespmem:s25], [sflag:$0x1] =	stream.indirect.gather [hbm4b:s1+s30], $0x80, s18, s30, $0xb8;
	[tilespmem:$0x1FF80] =	vst v63  }
0xad: {  	s18 =	sadd.s32 $0x28C0, s17  }
0xae: {  	[spmem:s3] =	stream.indirect.scatter.add.f32 [tilespmem:s31], [sflag:$0x5], $0x80, s18, s30, $0xb8;
	[tilespmem:$0x1FF80] =	vst v63  }
0xaf: {  	_ =	swait.ge [sflag:s4], $0x2800  }
0xb0: {  	[sflag:s4] =	ssyncset.done $0x0  }
0xb1: {  	[sflag:s4] =	ssyncadd.s32 $0xFFFFD800  }
.Ltmp1:
0xb2: {  	_ =	swait.ge [sflag:s5], $0x2800;
	(pc) =	sbr.rel @p1 .LBB2_4-.Ltmp1, $4  }
0xb3: {  	[sflag:s5] =	ssyncset.done $0x0  }
0xb4: {  	s18 =	sadd.s32 $0x230, s17;
	[sflag:s5] =	ssyncadd.s32 $0xFFFFD800  }
0xb5: {  	[tilespmem:s31], [sflag:$0x2] =	stream.indirect.gather [hbm4b:s1+s30], $0x80, s18, s30, $0xb8;
	[tilespmem:$0x1FF80] =	vst v63  }
0xb6: {  	s17 =	sadd.s32 $0x2910, s17  }
0xb7: {  	[spmem:s3] =	stream.indirect.scatter.add.f32 [tilespmem:s2], [sflag:$0x6], $0x80, s17, s30, $0xb8;
	[tilespmem:$0x1FF80] =	vst v63  }
0xb8: {  	_ =	swait.ge [sflag:s28], $0x2800  }
0xb9: {  	[sflag:s28] =	ssyncset.done $0x0  }
0xba: {  	[sflag:s28] =	ssyncadd.s32 $0xFFFFD800  }
0xbb: {  	_ =	swait.ge [sflag:s6], $0x2800  }
0xbc: {  	[sflag:s6] =	ssyncset.done $0x0  }
0xbd: {  	s16 =	simm.s32 $0x4DF0;
	[sflag:s6] =	ssyncadd.s32 $0xFFFFD800  }
0xbe: {  	[spmem:s3] =	stream.indirect.scatter.add.f32 [tilespmem:s25], [sflag:$0x4], $0x80, s16, s30, $0xb8;
	[tilespmem:$0x1FF80] =	vst v63  }
0xbf: {  	_ =	swait.ge [sflag:s29], $0x2800  }
0xc0: {  	[sflag:s29] =	ssyncset.done $0x0  }
0xc1: {  	[sflag:s29] =	ssyncadd.s32 $0xFFFFD800  }
0xc2: {  	_ =	swait.ge [sflag:s0], $0x2800  }
0xc3: {  	[sflag:s0] =	ssyncset.done $0x0  }
0xc4: {  	s18 =	simm.s32 $0x4E40;
	[sflag:s0] =	ssyncadd.s32 $0xFFFFD800  }
0xc5: {  	[spmem:s3] =	stream.indirect.scatter.add.f32 [tilespmem:s31], [sflag:$0x5], $0x80, s18, s30, $0xb8;
	[tilespmem:$0x1FF80] =	vst v63  }
0xc6: {  	_ =	swait.ge [sflag:s5], $0x2800  }
0xc7: {  	[sflag:s5] =	ssyncset.done $0x0  }
0xc8: {  	s17 =	stileid.u32;
	[sflag:s5] =	ssyncadd.s32 $0xFFFFD800  }
0xc9: {  	s16 =	sshll.u32 s17, $0x6;
	[bflag:$0x0] =	sbarrier.arrive $0xFFFF  }
0xca: {  	s17 =	sshrl.u32 s7, $0x3;
	s16 =	sor.u32 $0x1C07, s16;
	s18 =	rddreg [dreg:$0x6]  }
0xcb: {  	[hbm:s18], [sflag:s16] =	dma.local [spmem:s17], $0x500  }
0xcc: {  	s17 =	sshrl.u32 s8, $0x3;
	s18 =	rddreg [dreg:$0x7]  }
0xcd: {  	[hbm:s18], [sflag:s16] =	dma.local [spmem:s17], $0x500  }
0xce: {  	s17 =	sshrl.u32 s9, $0x3;
	s18 =	rddreg [dreg:$0x8]  }
0xcf: {  	[hbm:s18], [sflag:s16] =	dma.local [spmem:s17], $0x500  }
0xd0: {  	s17 =	sshrl.u32 s10, $0x3;
	s18 =	rddreg [dreg:$0x9]  }
0xd1: {  	[hbm:s18], [sflag:s16] =	dma.local [spmem:s17], $0x500  }
0xd2: {  	s18 =	sshrl.u32 s11, $0x3  }
0xd3: {  	[hbm:s19], [sflag:s16] =	dma.local [spmem:s18], $0x500  }
0xd4: {  	s18 =	sshrl.u32 s12, $0x3  }
0xd5: {  	[hbm:s20], [sflag:s16] =	dma.local [spmem:s18], $0x500  }
0xd6: {  	s17 =	sshrl.u32 @!p0 s14, $0x3;
	s18 =	sshrl.u32 s13, $0x3  }
0xd7: {  	[hbm:s21], [sflag:s16] =	dma.local [spmem:s18], $0x500  }
0xd8: {  	[hbm:s22], [sflag:s16] =	dma.local @!p0 [spmem:s17], $0x500  }
0xd9: {  	_ =	swait.ge [sflag:s26], $0x500  }
0xda: {  	[sflag:s26] =	ssyncset.done $0x0  }
0xdb: {  	[sflag:s26] =	ssyncadd.s32 $0xFFFFFB00  }
0xdc: {  	_ =	swait.ge [sflag:s26], $0x500  }
0xdd: {  	[sflag:s26] =	ssyncset.done $0x0  }
0xde: {  	[sflag:s26] =	ssyncadd.s32 $0xFFFFFB00  }
0xdf: {  	_ =	swait.ge [sflag:s26], $0x500  }
0xe0: {  	[sflag:s26] =	ssyncset.done $0x0  }
0xe1: {  	[sflag:s26] =	ssyncadd.s32 $0xFFFFFB00  }
0xe2: {  	_ =	swait.ge [sflag:s26], $0x500  }
0xe3: {  	[sflag:s26] =	ssyncset.done $0x0  }
0xe4: {  	[sflag:s26] =	ssyncadd.s32 $0xFFFFFB00  }
0xe5: {  	_ =	swait.ge [sflag:s26], $0x500  }
0xe6: {  	[sflag:s26] =	ssyncset.done $0x0  }
0xe7: {  	[sflag:s26] =	ssyncadd.s32 $0xFFFFFB00  }
0xe8: {  	_ =	swait.ge [sflag:s26], $0x500  }
0xe9: {  	[sflag:s26] =	ssyncset.done $0x0  }
0xea: {  	s15 =	sadd.s32 $0x1, s15;
	[sflag:s26] =	ssyncadd.s32 $0xFFFFFB00  }
0xeb: {  	p1 =	sne.s32 s15, s23;
	_ =	swait.ge [sflag:s26], $0x500  }
.Ltmp2:
0xec: {  	[sflag:s26] =	ssyncset.done $0x0;
	(pc) =	sbr.rel @p1 .LBB2_1-.Ltmp2, $4  }
0xed: {  	s16 =	simm.s32 @!p0 $0x7;
	[sflag:s26] =	ssyncadd.s32 $0xFFFFFB00  }
0xee: {  	_ =	swait.ge @!p0 [sflag:s16], $0x500  }
0xef: {  	[sflag:s16] =	ssyncset.done @!p0 $0x0  }
0xf0: {  	[sflag:s16] =	ssyncadd.s32 @!p0 $0xFFFFFB00  }
0xf1: {  	_ =	sfence.sel $0x180000  }
0xf2: {  	[bflag:$0x0] =	sbarrier.arrive $0xFFFF  }
0xf3: {  	_ =	strace $0x9000004D  }
0xf4: {  	s0 =	stileid.u32;
	[bflag:$0x2] =	sbarrier.arrive $0xFFFF  }
0xf5: {  	p0 =	sne.s32 s0, $0x0;
	s0 =	rddreg [dreg:$0x3]  }
0xf6: {  	s0 =	sadd.s32 @!p0 $0x100000, s0  }
0xf7: {  	[sflag:s0] =	ssyncadd.tile.s32 @!p0 $0x1;
	_ =	shalt  }
.Lfunc_end2:
_tile_overlayer_lowered:
.L_overlay_start_2:
0xf8: {  	(tag) =	ssettag $0x2  }
0xf9: {  	s0 =	rddreg [dreg:$0x0];
	s2 =	stileid.u32  }
0xfa: {  	s1 =	rddreg [dreg:$0x1];
	p0 =	sne.s32 s2, $0x0  }
0xfb: {  	s3 =	rddreg [dreg:$0x2];
	[bflag:$0x3] =	sbarrier.arrive $0xFFFF;
	s2 =	simm.s32 @!p0 $0x1C08  }
0xfc: {  	[timem:s3], [sflag:s2] =	dma.local @!p0 [hbm:s0], s1  }
0xfd: {  	s0 =	simm.s32 @!p0 $0x8  }
0xfe: {  	_ =	swait.ge @!p0 [sflag:s0], s1  }
0xff: {  	s1 =	ssub.s32 @!p0 $0x0, s1;
	[sflag:s0] =	ssyncset.done @!p0 $0x0  }
0x100: {  	[sflag:s0] =	ssyncadd.s32 @!p0 s1  }
0x101: {  	[bflag:$0x3] =	sbarrier.arrive $0xFFFF  }
0x102: {  	_ =	shalt  }

// kernel: kernel.8.cloned.1.call-start
scs
__scs_entry_jumppad:
0x0: {  	(pc) =	sbr.rel $0x88, $3  }
0x1: {  	(tag) =	ssettag $0x0;
	lr =	simm.s32 $0x1  }
0x2: {  	[smem:$0x3F9B] =	sst lr;
	_ =	strace $0xD0000000  }
0x3: {  	_ = 	snop  }
0x4: {  	_ = 	snop  }
0x5: {  	_ = 	snop  }
0x6: {  	_ = 	snop  }
0x7: {  	_ = 	snop  }
__scs_overlays_trampoline_lowered:
0x8: {  	[smem:$0x3FAA] =	sst s0  }
0x9: {  	[smem:$0x3FAB] =	sst s1  }
0xa: {  	[smem:$0x3FAC] =	sst s2  }
0xb: {  	[smem:$0x3FAD] =	sst s3  }
0xc: {  	[smem:$0x3FAE] =	sst s4  }
0xd: {  	[smem:$0x3FAF] =	sst s5  }
0xe: {  	[smem:$0x3FB0] =	sst s6  }
0xf: {  	[smem:$0x3FB1] =	sst s7  }
0x10: {  	[smem:$0x3FB2] =	sst s8  }
0x11: {  	[smem:$0x3FB3] =	sst s9;
	s0 =	simm.s32 @!p0 $0x0  }
0x12: {  	s1 =	sld [smem:$0x3F99];
	s0 =	simm.s32 @p0 $0x1  }
0x13: {  	[smem:$0x3FB4] =	sst s0;
	s0 =	simm.s32 @!p1 $0x0  }
0x14: {  	s2 =	sld [smem:$0x3F98];
	s0 =	simm.s32 @p1 $0x1  }
0x15: {  	[smem:$0x3FB5] =	sst s0;
	s0 =	simm.s32 @!p2 $0x0  }
0x16: {  	s3 =	sld [smem:$0x3FDB];
	s0 =	simm.s32 @p2 $0x1  }
0x17: {  	s4 =	simm.s32 $0x1BF5;
	[smem:$0x3FB7] =	sst s0  }
0x18: {  	s0 =	sld [smem:$0x3F9A];
	_ =	swait.ge [sflag:s4], $0x0  }
0x19: {  	s7 =	sld [smem:$0x3F9B]  }
0x1a: {  	s8 =	sadd.s32 $0xFFFFE003, lr  }
0x1b: {  	s9 =	sadd.s32 $0xFFFFFEF7, lr;
	s5 =	simm.s32 $0xFFFFFFFF;
	p2 =	slt.u32 s8, $0xFFFFF086  }
0x1c: {  	p1 =	slt.u32 s9, $0xF7A;
	s5 =	simm.s32 @!p2 $0x0  }
0x1d: {  	s5 =	simm.s32 @p1 $0x1;
	p0 =	seq.s32 s7, s2  }
0x1e: {  	s7 =	smul.u32 @!p0 $0xF7A, s2;
	p2 =	seq.s32 @!p0 s5, $0x0  }
0x1f: {  	s9 =	smul.u32 $0xF7A, s1;
	s8 =	simm.s32 @!p0 $0x1BF5;
	p2 =	por !p2, p0  }
0x20: {  	[sflag:s8] =	ssyncset.s32 @!p0 $0xFFFFF086;
	s6 =	sadd.s32 @!p0 s3, s7;
	s7 =	simm.s32 @!p0 $0x108  }
0x21: {  	s3 =	sadd.s32 s3, s9;
	s6 =	sadd.s32 @!p0 $0x88, s6;
	s7 =	simm.s32 @p2 $0x1082  }
0x22: {  	[simem:s7], [sflag:s8] =	dma.local @!p0 [hbm:s6], $0xF7A  }
0x23: {  	s9 =	sor.u32 $0xD0000000, s2;
	s6 =	simm.s32 $0x108;
	_ =	swait.ge @!p0 [sflag:s8], $0x0  }
0x24: {  	s3 =	sadd.s32 $0x88, s3;
	s6 =	simm.s32 @!p1 $0x1082;
	[sflag:s4] =	ssyncset.s32 $0xFFFFF086  }
0x25: {  	[simem:s6], [sflag:s4] =	dma.local [hbm:s3], $0xF7A  }
0x26: {  	[smem:$0x3F9B] =	sst s1;
	(tag) =	ssettag s2;
	_ =	strace s9  }
0x27: {  	s1 =	sld [smem:$0x3FAB]  }
0x28: {  	s2 =	sld [smem:$0x3FAC]  }
0x29: {  	s4 =	sld [smem:$0x3FAE]  }
0x2a: {  	p0 =	seq.s32 s5, $0x0;
	s5 =	sld [smem:$0x3FAF]  }
0x2b: {  	s6 =	sld [smem:$0x3FB0]  }
0x2c: {  	s7 =	sld [smem:$0x3FB1]  }
0x2d: {  	s3 =	simm.s32 $0x108;
	s8 =	sld [smem:$0x3FB2]  }
0x2e: {  	s3 =	simm.s32 @!p0 $0x1082;
	s9 =	sld [smem:$0x3FB3]  }
0x2f: {  	lr =	sadd.s32 s0, s3;
	s0 =	sld [smem:$0x3FAA]  }
0x30: {  	s3 =	sld [smem:$0x3FAD]  }
0x31: {  	[smem:$0x3FB6] =	sst s10  }
0x32: {  	s10 =	sld [smem:$0x3FB4];
	_ =	sdelay $0x3  }
0x33: {  	p0 =	seq.s32 s10, $0x1;
	s10 =	sld [smem:$0x3FB6];
	_ =	sdelay $0x3  }
0x34: {  	[smem:$0x3FB6] =	sst s10  }
0x35: {  	s10 =	sld [smem:$0x3FB5];
	_ =	sdelay $0x3  }
0x36: {  	p1 =	seq.s32 s10, $0x1;
	s10 =	sld [smem:$0x3FB6];
	_ =	sdelay $0x3  }
0x37: {  	[smem:$0x3FB6] =	sst s10  }
0x38: {  	s10 =	sld [smem:$0x3FB7]  }
0x39: {  	_ = 	snop;
	(pc) =	sbr.ind lr, $3  }
0x3a: {  	_ = 	snop  }
0x3b: {  	_ = 	snop  }
0x3c: {  	p2 =	seq.s32 s10, $0x1;
	s10 =	sld [smem:$0x3FB6]  }
0x3d: {  	_ =	shalt  }
0x3e: {  	_ =	shalt  }
0x3f: {  	_ =	shalt  }
0x40: {  	_ =	shalt  }
0x41: {  	_ =	shalt  }
0x42: {  	_ =	shalt  }
0x43: {  	_ =	shalt  }
0x44: {  	_ =	shalt  }
0x45: {  	_ =	shalt  }
0x46: {  	_ =	shalt  }
0x47: {  	_ =	shalt  }
0x48: {  	_ =	shalt  }
0x49: {  	_ =	shalt  }
0x4a: {  	_ =	shalt  }
0x4b: {  	_ =	shalt  }
0x4c: {  	_ =	shalt  }
0x4d: {  	_ =	shalt  }
0x4e: {  	_ =	shalt  }
0x4f: {  	_ =	shalt  }
0x50: {  	_ =	shalt  }
0x51: {  	_ =	shalt  }
0x52: {  	_ =	shalt  }
0x53: {  	_ =	shalt  }
0x54: {  	_ =	shalt  }
0x55: {  	_ =	shalt  }
0x56: {  	_ =	shalt  }
0x57: {  	_ =	shalt  }
0x58: {  	_ =	shalt  }
0x59: {  	_ =	shalt  }
0x5a: {  	_ =	shalt  }
0x5b: {  	_ =	shalt  }
0x5c: {  	_ =	shalt  }
0x5d: {  	_ =	shalt  }
0x5e: {  	_ =	shalt  }
0x5f: {  	_ =	shalt  }
0x60: {  	_ =	shalt  }
0x61: {  	_ =	shalt  }
0x62: {  	_ =	shalt  }
0x63: {  	_ =	shalt  }
0x64: {  	_ =	shalt  }
0x65: {  	_ =	shalt  }
0x66: {  	_ =	shalt  }
0x67: {  	_ =	shalt  }
0x68: {  	_ =	shalt  }
0x69: {  	_ =	shalt  }
0x6a: {  	_ =	shalt  }
0x6b: {  	_ =	shalt  }
0x6c: {  	_ =	shalt  }
0x6d: {  	_ =	shalt  }
0x6e: {  	_ =	shalt  }
0x6f: {  	_ =	shalt  }
0x70: {  	_ =	shalt  }
0x71: {  	_ =	shalt  }
0x72: {  	_ =	shalt  }
0x73: {  	_ =	shalt  }
0x74: {  	_ =	shalt  }
0x75: {  	_ =	shalt  }
0x76: {  	_ =	shalt  }
0x77: {  	_ =	shalt  }
0x78: {  	_ =	shalt  }
0x79: {  	_ =	shalt  }
0x7a: {  	_ =	shalt  }
0x7b: {  	_ =	shalt  }
0x7c: {  	_ =	shalt  }
0x7d: {  	_ =	shalt  }
0x7e: {  	_ =	shalt  }
0x7f: {  	_ =	shalt  }
0x80: {  	_ =	shalt  }
0x81: {  	_ =	shalt  }
0x82: {  	_ =	shalt  }
0x83: {  	_ =	shalt  }
0x84: {  	_ =	shalt  }
0x85: {  	_ =	shalt  }
0x86: {  	_ =	shalt  }
0x87: {  	_ =	shalt  }
.Lfunc_end0:
.L_simem_size_0:
called_computation_lowered:
.L_overlay_start_0:
0x88: {  	s2 =	sld [smem:$0x3FD9]  }
0x89: {  	s3 =	sld [smem:$0x3FFE];
	_ =	sdelay $0x1  }
0x8a: {  	s1 =	srdreg.scid  }
0x8b: {  	s0 =	sand.u32 $0x1, s1  }
0x8c: {  	s16 =	sshll.u32 s0, $0xA;
	s2 =	sadd.s32 s3, s2  }
0x8d: {  	s2 =	sadd.s32 s2, s16  }
0x8e: {  	[smem:$0x3FC2] =	sst s2  }
0x8f: {  	_ = 	snop  }
0x90: {  	(tm) =	ssettm $0x1  }
0x91: {  	s17 =	sld [smem:$0x3FFB];
	_ =	sdelay $0x3  }
0x92: {  	_ =	strace s17  }
0x93: {  	s2 =	sld [smem:$0x3FFC];
	_ =	sdelay $0x3  }
0x94: {  	_ =	strace s2  }
0x95: {  	s2 =	sld [smem:$0x3FFD];
	_ =	sdelay $0x3  }
0x96: {  	_ =	strace s2  }
0x97: {  	_ =	strace $0x8FFFFFFF  }
0x98: {  	s18 =	sld [smem:$0x3FDB];
	_ =	sdelay $0x1  }
0x99: {  	s19 =	simm.s32 $_scs_section_size  }
0x9a: {  	s4 =	simm.s32 $_size__tile_overlayer_lowered;
	s5 =	simm.s32 $_tile_overlayer_lowered  }
0x9b: {  	s22 =	simm.s32 $0x1BFF;
	s21 =	sshll.u32 s5, $0x1;
	s2 =	sadd.s32 s19, s18  }
0x9c: {  	s6 =	simm.s32 $0x0;
	s20 =	sshll.u32 s4, $0x1;
	s4 =	sadd.s32 s21, s2  }
0x9d: {  	[timem:s6], [sflag:s22] =	dma.local [hbm:s4], s20  }
0x9e: {  	_ =	swait.ge [sflag:s22], s20  }
0x9f: {  	s3 =	ssub.s32 $0x0, s20;
	[sflag:s22] =	ssyncset.done $0x0  }
0xa0: {  	[sflag:s22] =	ssyncadd.s32 s3;
	_ =	sdelay $0x1  }
0xa1: {  	s23 =	simm.s32 $0x1B8B  }
0xa2: {  	_ =	swait.ge [sflag:s23], $0x1  }
0xa3: {  	[sflag:s23] =	ssyncset.done $0x0  }
0xa4: {  	s25 =	simm.s32 $0x1B8E;
	s24 =	sld [smem:$0x3FFE];
	[sflag:s23] =	ssyncadd.s32 $0xFFFFFFFF  }
0xa5: {  	s26 =	simm.s32 $execute0_lowered;
	[smem:$0x3FD2] =	sst s25  }
0xa6: {  	s4 =	sshll.u32 s26, $0x1;
	_ =	strace $0x80000046;
	[dreg:$0x1] =	wrdreg $0xFFFFFFFF  }
0xa7: {  	s28 =	simm.s32 $_size_execute0_lowered;
	s2 =	sadd.s32 s2, s4;
	[dreg:$0x0] =	wrdreg $0x0  }
0xa8: {  	s4 =	sshll.u32 s28, $0x1;
	[dreg:$0x2] =	wrdreg s2  }
0xa9: {  	[dreg:$0x3] =	wrdreg s4  }
0xaa: {  	[dreg:$0x4] =	wrdreg $0xC0  }
0xab: {  	_ =	task [dreg:s6], $0x5FFFF  }
0xac: {  	[dreg:$0x1] =	wrdreg $0xFFFFFFFF  }
0xad: {  	[dreg:$0x0] =	wrdreg $0x60  }
0xae: {  	[dreg:$0x2] =	wrdreg s24  }
0xaf: {  	[dreg:$0x3] =	wrdreg $0x77800  }
0xb0: {  	[dreg:$0x4] =	wrdreg $0x9  }
0xb1: {  	_ =	task.clear_ibuf [dreg:s6], $0x5FFFF;
	_ =	strace $0x90000046  }
0xb2: {  	s29 =	simm.s32 $0x9;
	_ =	strace $0x80000048  }
0xb3: {  	_ =	swait.ge [sflag:s29], $0x1  }
0xb4: {  	[sflag:s29] =	ssyncadd.s32 $0xFFFFFFFF  }
0xb5: {  	_ =	strace $0x90000048  }
0xb6: {  	_ =	sfence  }
0xb7: {  	s30 =	sld [smem:$0x0];
	_ =	sdelay $0x2  }
0xb8: {  	s31 =	sshll.u32 s1, $0xD;
	s1 =	sshrl.u32 s1, $0x2  }
0xb9: {  	s3 =	sand.u32 $0x4000, s31;
	s1 =	sadd.s32 s1, s30  }
0xba: {  	s0 =	sor.u32 s3, s0;
	s1 =	sshll.u32 s1, $0x11  }
0xbb: {  	s0 =	sor.u32 s1, s0  }
0xbc: {  	s0 =	sadd.s32 $0x8F2B, s0  }
0xbd: {  	[sflag:s0] =	ssyncadd.remote.s32 $0x1  }
0xbe: {  	_ =	sfence.sel $0xFFFF  }
0xbf: {  	[dreg:$0x0] =	wrdreg $0xFFFFFFFF;
	(pc) =	sbr.abs _section_cstart, $3  }
0xc0: {  	[dreg:$0x1] =	wrdreg $0xFFFFFFFF  }
0xc1: {  	_ =	task.clear_ibuf [dreg:s6], $0x2FFFF;
	_ =	strace $0x9FFFFFFF  }
0xc2: {  	(tm) =	ssettm $0x7FFFFFFF  }
0xc3: {  	_ =	shalt  }
tec
execute0_lowered:
.L_overlay_start_1:
0x0: {  	(tag) =	ssettag $0x1  }
0x1: {  	s0 =	srdreg.scid  }
0x2: {  	s9 =	sand.u32 $0x1, s0;
	s0 =	stileid.u32  }
0x3: {  	s6 =	smul.u32 $0xA000, s0  }
0x4: {  	s19 =	smul.u32 $0x138800, s9  }
0x5: {  	s11 =	sor.u32 $0x10, s0;
	s21 =	smul.u32 $0x2800, s0  }
0x6: {  	s12 =	sor.u32 $0x20, s0;
	s26 =	smul.u32 $0xA000, s11  }
0x7: {  	s14 =	sor.u32 $0x30, s0;
	s7 =	smul.u32 $0xA000, s12  }
0x8: {  	s15 =	sor.u32 $0x40, s0;
	s8 =	smul.u32 $0xA000, s14  }
0x9: {  	s1 =	rddreg [dreg:$0x0];
	s16 =	sor.u32 $0x50, s0;
	s10 =	smul.u32 $0xA000, s15  }
0xa: {  	s2 =	rddreg [dreg:$0x1];
	s17 =	sor.u32 $0x60, s0;
	s13 =	smul.u32 $0xA000, s16  }
0xb: {  	s4 =	simm.s32 $0x0;
	s20 =	sor.u32 $0x70, s0;
	s18 =	smul.u32 $0xA000, s17  }
0xc: {  	[smem:$0x7FF] =	sst s4;
	s28 =	smul.u32 $0xA000, s20  }
0xd: {  	s3 =	sshll.u32 s9, $0x4;
	_ =	strace $0x80000047;
	s22 =	smul.u32 $0x2800, s11  }
0xe: {  	s24 =	ssub.s32 $0x2, s9;
	p0 =	sgt.u32 s0, $0xC;
	s31 =	smul.u32 $0x2800, s14  }
0xf: {  	s3 =	sor.u32 s0, s3;
	s5 =	sshrl.u32 s24, $0x1;
	s20 =	smul.u32 $0x2800, s20  }
0x10: {  	s3 =	smul.u32 $0x4E2, s3;
	s25 =	sshrl.u32 s6, $0x2;
	s21 =	sadd.s32 s21, s19  }
0x11: {  	s6 =	sshrl.u32 s26, $0x2;
	s7 =	sshrl.u32 s7, $0x2;
	s8 =	sshrl.u32 s8, $0x2  }
0x12: {  	s10 =	sshrl.u32 s10, $0x2;
	s13 =	sshrl.u32 s13, $0x2;
	s18 =	sshrl.u32 s18, $0x2  }
0x13: {  	s21 =	sshrl.u32 s21, $0x3;
	s29 =	sadd.s32 s19, s22;
	s26 =	smul.u32 $0x2800, s17  }
0x14: {  	s22 =	simm.s32 $0x4F80;
	s23 =	sadd.s32 s3, s1;
	s1 =	sadd.s32 $0x16600, s1  }
0x15: {  	s3 =	ssub.s32 s24, s5;
	s5 =	sadd.s32 s25, s2;
	s6 =	sadd.s32 s6, s2  }
0x16: {  	s7 =	sadd.s32 s7, s2;
	s8 =	sadd.s32 s8, s2;
	s9 =	sadd.s32 s10, s2  }
0x17: {  	s10 =	sadd.s32 s13, s2;
	s13 =	sshrl.u32 s28, $0x2;
	s11 =	sadd.s32 s18, s2  }
0x18: {  	s18 =	sshrl.u32 s29, $0x3;
	s24 =	smul.u32 $0x2800, s16;
	s25 =	sadd.s32 s19, s31  }
0x19: {  	s4 =	sadd.s32 $0xC800, s23;
	s23 =	smul.u32 $0x2800, s12;
	s12 =	sadd.s32 s13, s2  }
0x1a: {  	s13 =	sadd.s32 s1, s21;
	s14 =	sadd.s32 s1, s18;
	s16 =	sshrl.u32 s25, $0x3  }
0x1b: {  	s29 =	sadd.s32 s19, s26;
	s25 =	simm.s32 $0x50;
	s26 =	simm.s32 $0x2780  }
0x1c: {  	s16 =	sadd.s32 s1, s16;
	s18 =	sadd.s32 s19, s24;
	s24 =	simm.s32 $0x2  }
0x1d: {  	s30 =	sadd.s32 s19, s23;
	s23 =	smul.u32 $0x2800, s15;
	s18 =	sshrl.u32 s18, $0x3  }
0x1e: {  	s21 =	sshrl.u32 s30, $0x3;
	s18 =	sadd.s32 s1, s18;
	s30 =	sshrl.u32 s29, $0x3  }
0x1f: {  	s15 =	sadd.s32 s1, s21;
	s21 =	sadd.s32 s19, s23;
	s19 =	sadd.s32 s19, s20  }
0x20: {  	s23 =	simm.s32 $0x1;
	s28 =	sshrl.u32 s21, $0x3;
	s31 =	sshrl.u32 s19, $0x3  }
0x21: {  	s19 =	sadd.s32 s1, s30;
	s21 =	smax.u32 s3, $0x1;
	s3 =	simm.s32 $0x0  }
0x22: {  	v0 =	vimm.f32 $1.000000000e+00;
	v1 =	vimm.f32 $0.0e+00;
	s17 =	sadd.s32 s1, s28;
	s20 =	sadd.s32 s1, s31;
	s1 =	simm.s32 $0x26C0  }
.LBB2_1:
0x23: {  	s28 =	simm.s32 $0x0  }
0x24: {  	[tilespmem:s28], [sflag:$0x2] =	stream.linear.gather [hbm4b:s4+s28], $0x2710, $0x38;
	[tilespmem:$0x1B000] =	vst v63  }
0x25: {  	s29 =	simm.s32 $0x200;
	s28 =	simm.s32 $0x0  }
.LBB2_2:
0x26: {  	p1 =	sne.s32 s29, $0x9E00;
	[tilespmem:s28+$0x27F0] =	vst v0  }
0x27: {  	[tilespmem:s28+$0x2780] =	vst v0  }
0x28: {  	[tilespmem:s28+$0x2790] =	vst v0  }
.Ltmp0:
0x29: {  	[tilespmem:s28+$0x27A0] =	vst v0;
	(pc) =	sbr.rel @p1 .LBB2_2-.Ltmp0, $4  }
0x2a: {  	[tilespmem:s28+$0x27B0] =	vst v0  }
0x2b: {  	[tilespmem:s28+$0x27C0] =	vst v0  }
0x2c: {  	[tilespmem:s28+$0x27D0] =	vst v0  }
0x2d: {  	[tilespmem:s28+$0x27E0] =	vst v0;
	s28 =	sshra.s32 s29, $0x2;
	s29 =	sadd.s32 $0x200, s29  }
0x2e: {  	[tilespmem:s28+$0x27F0] =	vst v0  }
0x2f: {  	[tilespmem:s28+$0x2780] =	vst v0  }
0x30: {  	[tilespmem:s28+$0x2790] =	vst v0  }
0x31: {  	[tilespmem:s28+$0x27A0] =	vst v0  }
0x32: {  	[tilespmem:s28+$0x27B0] =	vst v0  }
0x33: {  	[tilespmem:s28+$0x27C0] =	vst v0  }
0x34: {  	[tilespmem:s28+$0x27D0] =	vst v0  }
0x35: {  	[tilespmem:s28+$0x27E0] =	vst v0;
	s28 =	simm.s32 $0x0;
	s29 =	simm.s32 $0x200  }
.LBB2_4:
0x36: {  	p1 =	sne.s32 s29, $0x9E00;
	[tilespmem:s28+$0x4FF0] =	vst v1  }
0x37: {  	[tilespmem:s28+$0x4F80] =	vst v1  }
0x38: {  	[tilespmem:s28+$0x4F90] =	vst v1  }
.Ltmp1:
0x39: {  	[tilespmem:s28+$0x4FA0] =	vst v1;
	(pc) =	sbr.rel @p1 .LBB2_4-.Ltmp1, $4  }
0x3a: {  	[tilespmem:s28+$0x4FB0] =	vst v1  }
0x3b: {  	[tilespmem:s28+$0x4FC0] =	vst v1  }
0x3c: {  	[tilespmem:s28+$0x4FD0] =	vst v1  }
0x3d: {  	[tilespmem:s28+$0x4FE0] =	vst v1;
	s28 =	sshra.s32 s29, $0x2;
	s29 =	sadd.s32 $0x200, s29  }
0x3e: {  	[tilespmem:s28+$0x4FF0] =	vst v1  }
0x3f: {  	[tilespmem:s28+$0x4F80] =	vst v1  }
0x40: {  	[tilespmem:s28+$0x4F90] =	vst v1  }
0x41: {  	[tilespmem:s28+$0x4FA0] =	vst v1  }
0x42: {  	[tilespmem:s28+$0x4FB0] =	vst v1  }
0x43: {  	[tilespmem:s28+$0x4FC0] =	vst v1  }
0x44: {  	[tilespmem:s28+$0x4FD0] =	vst v1  }
0x45: {  	[tilespmem:s28+$0x4FE0] =	vst v1  }
0x46: {  	[spmem:s5] =	stream.linear.scatter [tilespmem:s22], [sflag:$0x1], $0x2800, $0x38;
	[tilespmem:$0x1B000] =	vst v63  }
0x47: {  	_ = 	snop  }
0x48: {  	[spmem:s6] =	stream.linear.scatter [tilespmem:s22], [sflag:$0x1], $0x2800, $0x38;
	[tilespmem:$0x1B000] =	vst v63  }
0x49: {  	_ = 	snop  }
0x4a: {  	[spmem:s7] =	stream.linear.scatter [tilespmem:s22], [sflag:$0x1], $0x2800, $0x38;
	[tilespmem:$0x1B000] =	vst v63  }
0x4b: {  	_ = 	snop  }
0x4c: {  	[spmem:s8] =	stream.linear.scatter [tilespmem:s22], [sflag:$0x1], $0x2800, $0x38;
	[tilespmem:$0x1B000] =	vst v63  }
0x4d: {  	_ = 	snop  }
0x4e: {  	[spmem:s9] =	stream.linear.scatter [tilespmem:s22], [sflag:$0x1], $0x2800, $0x38;
	[tilespmem:$0x1B000] =	vst v63  }
0x4f: {  	_ = 	snop  }
0x50: {  	[spmem:s10] =	stream.linear.scatter [tilespmem:s22], [sflag:$0x1], $0x2800, $0x38;
	[tilespmem:$0x1B000] =	vst v63  }
0x51: {  	_ = 	snop  }
0x52: {  	[spmem:s11] =	stream.linear.scatter [tilespmem:s22], [sflag:$0x1], $0x2800, $0x38;
	[tilespmem:$0x1B000] =	vst v63  }
0x53: {  	s28 =	simm.s32 @!p0 $0x4F80  }
0x54: {  	[spmem:s12] =	stream.linear.scatter @!p0 [tilespmem:s28], [sflag:$0x1], $0x2800, $0x38;
	[tilespmem:$0x1B000] =	vst v63  }
0x55: {  	_ =	swait.ge [sflag:s23], $0x2800  }
0x56: {  	[sflag:s23] =	ssyncset.done $0x0  }
0x57: {  	[sflag:s23] =	ssyncadd.s32 $0xFFFFD800  }
0x58: {  	_ =	swait.ge [sflag:s23], $0x2800  }
0x59: {  	[sflag:s23] =	ssyncset.done $0x0  }
0x5a: {  	[sflag:s23] =	ssyncadd.s32 $0xFFFFD800  }
0x5b: {  	_ =	swait.ge [sflag:s23], $0x2800  }
0x5c: {  	[sflag:s23] =	ssyncset.done $0x0  }
0x5d: {  	[sflag:s23] =	ssyncadd.s32 $0xFFFFD800  }
0x5e: {  	_ =	swait.ge [sflag:s23], $0x2800  }
0x5f: {  	[sflag:s23] =	ssyncset.done $0x0  }
0x60: {  	[sflag:s23] =	ssyncadd.s32 $0xFFFFD800  }
0x61: {  	_ =	swait.ge [sflag:s23], $0x2800  }
0x62: {  	[sflag:s23] =	ssyncset.done $0x0  }
0x63: {  	[sflag:s23] =	ssyncadd.s32 $0xFFFFD800  }
0x64: {  	_ =	swait.ge [sflag:s23], $0x2800  }
0x65: {  	[sflag:s23] =	ssyncset.done $0x0  }
0x66: {  	[sflag:s23] =	ssyncadd.s32 $0xFFFFD800  }
0x67: {  	_ =	swait.ge [sflag:s23], $0x2800  }
0x68: {  	[sflag:s23] =	ssyncset.done $0x0  }
0x69: {  	s28 =	simm.s32 @!p0 $0x1;
	[sflag:s23] =	ssyncadd.s32 $0xFFFFD800  }
0x6a: {  	_ =	swait.ge @!p0 [sflag:s28], $0x2800  }
0x6b: {  	[sflag:s28] =	ssyncset.done @!p0 $0x0  }
0x6c: {  	[sflag:s28] =	ssyncadd.s32 @!p0 $0xFFFFD800  }
0x6d: {  	_ =	swait.ge [sflag:s24], $0x2710  }
0x6e: {  	[sflag:s24] =	ssyncset.done $0x0  }
0x6f: {  	[sflag:s24] =	ssyncadd.s32 $0xFFFFD8F0  }
0x70: {  	s28 =	simm.s32 $0x0;
	[bflag:$0x0] =	sbarrier.arrive $0xFFFF  }
0x71: {  	[spmem:s2] =	stream.indirect.scatter.add.f32 [tilespmem:s26], [sflag:$0x1], $0x80, s28, s25, $0xb8;
	[tilespmem:$0x1B000] =	vst v63  }
0x72: {  	s28 =	simm.s32 $0x50  }
0x73: {  	[spmem:s2] =	stream.indirect.scatter.add.f32 [tilespmem:s26], [sflag:$0x1], $0x80, s28, s25, $0xb8;
	[tilespmem:$0x1B000] =	vst v63  }
0x74: {  	s28 =	simm.s32 $0xA0  }
0x75: {  	[spmem:s2] =	stream.indirect.scatter.add.f32 [tilespmem:s26], [sflag:$0x1], $0x80, s28, s25, $0xb8;
	[tilespmem:$0x1B000] =	vst v63  }
0x76: {  	s28 =	simm.s32 $0xF0  }
0x77: {  	[spmem:s2] =	stream.indirect.scatter.add.f32 [tilespmem:s26], [sflag:$0x1], $0x80, s28, s25, $0xb8;
	[tilespmem:$0x1B000] =	vst v63  }
0x78: {  	s28 =	simm.s32 $0x140  }
0x79: {  	[spmem:s2] =	stream.indirect.scatter.add.f32 [tilespmem:s26], [sflag:$0x1], $0x80, s28, s25, $0xb8;
	[tilespmem:$0x1B000] =	vst v63  }
0x7a: {  	s28 =	simm.s32 $0x190  }
0x7b: {  	[spmem:s2] =	stream.indirect.scatter.add.f32 [tilespmem:s26], [sflag:$0x1], $0x80, s28, s25, $0xb8;
	[tilespmem:$0x1B000] =	vst v63  }
0x7c: {  	s28 =	simm.s32 $0x1E0  }
0x7d: {  	[spmem:s2] =	stream.indirect.scatter.add.f32 [tilespmem:s26], [sflag:$0x1], $0x80, s28, s25, $0xb8;
	[tilespmem:$0x1B000] =	vst v63  }
0x7e: {  	s28 =	simm.s32 $0x230  }
0x7f: {  	[spmem:s2] =	stream.indirect.scatter.add.f32 [tilespmem:s26], [sflag:$0x1], $0x80, s28, s25, $0xb8;
	[tilespmem:$0x1B000] =	vst v63  }
0x80: {  	_ =	swait.ge [sflag:s23], $0x2800  }
0x81: {  	[sflag:s23] =	ssyncset.done $0x0  }
0x82: {  	[sflag:s23] =	ssyncadd.s32 $0xFFFFD800  }
0x83: {  	_ =	swait.ge [sflag:s23], $0x2800  }
0x84: {  	[sflag:s23] =	ssyncset.done $0x0  }
0x85: {  	[sflag:s23] =	ssyncadd.s32 $0xFFFFD800  }
0x86: {  	_ =	swait.ge [sflag:s23], $0x2800  }
0x87: {  	[sflag:s23] =	ssyncset.done $0x0  }
0x88: {  	[sflag:s23] =	ssyncadd.s32 $0xFFFFD800  }
0x89: {  	_ =	swait.ge [sflag:s23], $0x2800  }
0x8a: {  	[sflag:s23] =	ssyncset.done $0x0  }
0x8b: {  	[sflag:s23] =	ssyncadd.s32 $0xFFFFD800  }
0x8c: {  	_ =	swait.ge [sflag:s23], $0x2800  }
0x8d: {  	[sflag:s23] =	ssyncset.done $0x0  }
0x8e: {  	[sflag:s23] =	ssyncadd.s32 $0xFFFFD800  }
0x8f: {  	_ =	swait.ge [sflag:s23], $0x2800  }
0x90: {  	[sflag:s23] =	ssyncset.done $0x0  }
0x91: {  	[sflag:s23] =	ssyncadd.s32 $0xFFFFD800  }
0x92: {  	_ =	swait.ge [sflag:s23], $0x2800  }
0x93: {  	[sflag:s23] =	ssyncset.done $0x0  }
0x94: {  	[sflag:s23] =	ssyncadd.s32 $0xFFFFD800  }
0x95: {  	_ =	swait.ge [sflag:s23], $0x2800  }
0x96: {  	s29 =	simm.s32 $0x1400;
	s28 =	simm.s32 $0xA00;
	[sflag:s23] =	ssyncset.done $0x0  }
.LBB2_6:
0x97: {  	s31 =	sshra.s32 s28, $0x2  }
0x98: {  	[sflag:s23] =	ssyncadd.s32 $0xFFFFD800;
	s28 =	smov.u32 s29;
	s30 =	sadd.s32 $0xA00, s29  }
0x99: {  	[spmem:s2] =	stream.indirect.scatter.add.f32 [tilespmem:s26], [sflag:$0x1], $0x80, s31, s25, $0xb8;
	[tilespmem:$0x1B000] =	vst v63  }
0x9a: {  	p1 =	sne.s32 s29, $0x8C00;
	s29 =	sadd.s32 $0x50, s31  }
0x9b: {  	[spmem:s2] =	stream.indirect.scatter.add.f32 [tilespmem:s26], [sflag:$0x1], $0x80, s29, s25, $0xb8;
	[tilespmem:$0x1B000] =	vst v63  }
0x9c: {  	s29 =	sadd.s32 $0xA0, s31  }
0x9d: {  	[spmem:s2] =	stream.indirect.scatter.add.f32 [tilespmem:s26], [sflag:$0x1], $0x80, s29, s25, $0xb8;
	[tilespmem:$0x1B000] =	vst v63  }
0x9e: {  	s29 =	sadd.s32 $0xF0, s31  }
0x9f: {  	[spmem:s2] =	stream.indirect.scatter.add.f32 [tilespmem:s26], [sflag:$0x1], $0x80, s29, s25, $0xb8;
	[tilespmem:$0x1B000] =	vst v63  }
0xa0: {  	s29 =	sadd.s32 $0x140, s31  }
0xa1: {  	[spmem:s2] =	stream.indirect.scatter.add.f32 [tilespmem:s26], [sflag:$0x1], $0x80, s29, s25, $0xb8;
	[tilespmem:$0x1B000] =	vst v63  }
0xa2: {  	s29 =	sadd.s32 $0x190, s31  }
0xa3: {  	[spmem:s2] =	stream.indirect.scatter.add.f32 [tilespmem:s26], [sflag:$0x1], $0x80, s29, s25, $0xb8;
	[tilespmem:$0x1B000] =	vst v63  }
0xa4: {  	s29 =	sadd.s32 $0x1E0, s31  }
0xa5: {  	[spmem:s2] =	stream.indirect.scatter.add.f32 [tilespmem:s26], [sflag:$0x1], $0x80, s29, s25, $0xb8;
	[tilespmem:$0x1B000] =	vst v63  }
0xa6: {  	s29 =	sadd.s32 $0x230, s31  }
0xa7: {  	[spmem:s2] =	stream.indirect.scatter.add.f32 [tilespmem:s26], [sflag:$0x1], $0x80, s29, s25, $0xb8;
	[tilespmem:$0x1B000] =	vst v63  }
0xa8: {  	_ =	swait.ge [sflag:s23], $0x2800  }
0xa9: {  	[sflag:s23] =	ssyncset.done $0x0  }
0xaa: {  	[sflag:s23] =	ssyncadd.s32 $0xFFFFD800  }
0xab: {  	_ =	swait.ge [sflag:s23], $0x2800  }
0xac: {  	[sflag:s23] =	ssyncset.done $0x0  }
0xad: {  	[sflag:s23] =	ssyncadd.s32 $0xFFFFD800  }
0xae: {  	_ =	swait.ge [sflag:s23], $0x2800  }
0xaf: {  	[sflag:s23] =	ssyncset.done $0x0  }
0xb0: {  	[sflag:s23] =	ssyncadd.s32 $0xFFFFD800  }
0xb1: {  	_ =	swait.ge [sflag:s23], $0x2800  }
0xb2: {  	[sflag:s23] =	ssyncset.done $0x0  }
0xb3: {  	[sflag:s23] =	ssyncadd.s32 $0xFFFFD800  }
0xb4: {  	_ =	swait.ge [sflag:s23], $0x2800  }
0xb5: {  	[sflag:s23] =	ssyncset.done $0x0  }
0xb6: {  	[sflag:s23] =	ssyncadd.s32 $0xFFFFD800  }
0xb7: {  	_ =	swait.ge [sflag:s23], $0x2800  }
0xb8: {  	[sflag:s23] =	ssyncset.done $0x0  }
0xb9: {  	[sflag:s23] =	ssyncadd.s32 $0xFFFFD800  }
.Ltmp2:
0xba: {  	_ =	swait.ge [sflag:s23], $0x2800;
	(pc) =	sbr.rel @p1 .LBB2_6-.Ltmp2, $4  }
0xbb: {  	[sflag:s23] =	ssyncset.done $0x0  }
0xbc: {  	[sflag:s23] =	ssyncadd.s32 $0xFFFFD800  }
0xbd: {  	_ =	swait.ge [sflag:s23], $0x2800  }
0xbe: {  	s29 =	smov.u32 s30;
	[sflag:s23] =	ssyncset.done $0x0  }
0xbf: {  	s28 =	sshra.s32 s28, $0x2;
	[sflag:s23] =	ssyncadd.s32 $0xFFFFD800  }
0xc0: {  	[spmem:s2] =	stream.indirect.scatter.add.f32 [tilespmem:s26], [sflag:$0x1], $0x80, s28, s25, $0xb8;
	[tilespmem:$0x1B000] =	vst v63  }
0xc1: {  	s29 =	sadd.s32 $0x50, s28  }
0xc2: {  	[spmem:s2] =	stream.indirect.scatter.add.f32 [tilespmem:s26], [sflag:$0x1], $0x80, s29, s25, $0xb8;
	[tilespmem:$0x1B000] =	vst v63  }
0xc3: {  	s31 =	sadd.s32 $0xA0, s28  }
0xc4: {  	[spmem:s2] =	stream.indirect.scatter.add.f32 [tilespmem:s26], [sflag:$0x1], $0x80, s31, s25, $0xb8;
	[tilespmem:$0x1B000] =	vst v63  }
0xc5: {  	s30 =	sadd.s32 $0xF0, s28  }
0xc6: {  	[spmem:s2] =	stream.indirect.scatter.add.f32 [tilespmem:s26], [sflag:$0x1], $0x80, s30, s25, $0xb8;
	[tilespmem:$0x1B000] =	vst v63  }
0xc7: {  	s31 =	sadd.s32 $0x140, s28  }
0xc8: {  	[spmem:s2] =	stream.indirect.scatter.add.f32 [tilespmem:s26], [sflag:$0x1], $0x80, s31, s25, $0xb8;
	[tilespmem:$0x1B000] =	vst v63  }
0xc9: {  	s30 =	sadd.s32 $0x190, s28  }
0xca: {  	[spmem:s2] =	stream.indirect.scatter.add.f32 [tilespmem:s26], [sflag:$0x1], $0x80, s30, s25, $0xb8;
	[tilespmem:$0x1B000] =	vst v63  }
0xcb: {  	s31 =	sadd.s32 $0x1E0, s28  }
0xcc: {  	[spmem:s2] =	stream.indirect.scatter.add.f32 [tilespmem:s26], [sflag:$0x1], $0x80, s31, s25, $0xb8;
	[tilespmem:$0x1B000] =	vst v63  }
0xcd: {  	s28 =	sadd.s32 $0x230, s28  }
0xce: {  	[spmem:s2] =	stream.indirect.scatter.add.f32 [tilespmem:s26], [sflag:$0x1], $0x80, s28, s25, $0xb8;
	[tilespmem:$0x1B000] =	vst v63  }
0xcf: {  	_ =	swait.ge [sflag:s23], $0x2800  }
0xd0: {  	[sflag:s23] =	ssyncset.done $0x0  }
0xd1: {  	[sflag:s23] =	ssyncadd.s32 $0xFFFFD800  }
0xd2: {  	_ =	swait.ge [sflag:s23], $0x2800  }
0xd3: {  	[sflag:s23] =	ssyncset.done $0x0  }
0xd4: {  	[sflag:s23] =	ssyncadd.s32 $0xFFFFD800  }
0xd5: {  	_ =	swait.ge [sflag:s23], $0x2800  }
0xd6: {  	[sflag:s23] =	ssyncset.done $0x0  }
0xd7: {  	[sflag:s23] =	ssyncadd.s32 $0xFFFFD800  }
0xd8: {  	_ =	swait.ge [sflag:s23], $0x2800  }
0xd9: {  	[sflag:s23] =	ssyncset.done $0x0  }
0xda: {  	[sflag:s23] =	ssyncadd.s32 $0xFFFFD800  }
0xdb: {  	_ =	swait.ge [sflag:s23], $0x2800  }
0xdc: {  	[sflag:s23] =	ssyncset.done $0x0  }
0xdd: {  	[sflag:s23] =	ssyncadd.s32 $0xFFFFD800  }
0xde: {  	_ =	swait.ge [sflag:s23], $0x2800  }
0xdf: {  	[sflag:s23] =	ssyncset.done $0x0  }
0xe0: {  	[sflag:s23] =	ssyncadd.s32 $0xFFFFD800  }
0xe1: {  	_ =	swait.ge [sflag:s23], $0x2800  }
0xe2: {  	[sflag:s23] =	ssyncset.done $0x0  }
0xe3: {  	[sflag:s23] =	ssyncadd.s32 $0xFFFFD800  }
0xe4: {  	_ =	swait.ge [sflag:s23], $0x2800  }
0xe5: {  	[sflag:s23] =	ssyncset.done $0x0  }
0xe6: {  	s29 =	simm.s32 $0x2580;
	[sflag:s23] =	ssyncadd.s32 $0xFFFFD800  }
0xe7: {  	[spmem:s2] =	stream.indirect.scatter.add.f32 [tilespmem:s26], [sflag:$0x1], $0x80, s29, s25, $0xb8;
	[tilespmem:$0x1B000] =	vst v63  }
0xe8: {  	s30 =	simm.s32 $0x25D0  }
0xe9: {  	[spmem:s2] =	stream.indirect.scatter.add.f32 [tilespmem:s26], [sflag:$0x1], $0x80, s30, s25, $0xb8;
	[tilespmem:$0x1B000] =	vst v63  }
0xea: {  	s31 =	simm.s32 $0x2620  }
0xeb: {  	[spmem:s2] =	stream.indirect.scatter.add.f32 [tilespmem:s26], [sflag:$0x1], $0x80, s31, s25, $0xb8;
	[tilespmem:$0x1B000] =	vst v63  }
0xec: {  	s29 =	simm.s32 $0x2670  }
0xed: {  	[spmem:s2] =	stream.indirect.scatter.add.f32 [tilespmem:s26], [sflag:$0x1], $0x80, s29, s25, $0xb8;
	[tilespmem:$0x1B000] =	vst v63  }
0xee: {  	_ = 	snop  }
0xef: {  	[spmem:s2] =	stream.indirect.scatter.add.f32 [tilespmem:s26], [sflag:$0x1], $0x80, s1, s25, $0xb8;
	[tilespmem:$0x1B000] =	vst v63  }
0xf0: {  	_ =	swait.ge [sflag:s23], $0x2800  }
0xf1: {  	[sflag:s23] =	ssyncset.done $0x0  }
0xf2: {  	[sflag:s23] =	ssyncadd.s32 $0xFFFFD800  }
0xf3: {  	_ =	swait.ge [sflag:s23], $0x2800  }
0xf4: {  	[sflag:s23] =	ssyncset.done $0x0  }
0xf5: {  	[sflag:s23] =	ssyncadd.s32 $0xFFFFD800  }
0xf6: {  	_ =	swait.ge [sflag:s23], $0x2800  }
0xf7: {  	[sflag:s23] =	ssyncset.done $0x0  }
0xf8: {  	[sflag:s23] =	ssyncadd.s32 $0xFFFFD800  }
0xf9: {  	_ =	swait.ge [sflag:s23], $0x2800  }
0xfa: {  	[sflag:s23] =	ssyncset.done $0x0  }
0xfb: {  	[sflag:s23] =	ssyncadd.s32 $0xFFFFD800  }
0xfc: {  	_ =	swait.ge [sflag:s23], $0x2800  }
0xfd: {  	[sflag:s23] =	ssyncset.done $0x0  }
0xfe: {  	s30 =	sshll.u32 s0, $0x6;
	[sflag:s23] =	ssyncadd.s32 $0xFFFFD800  }
0xff: {  	s28 =	sor.u32 $0x1C01, s30;
	s31 =	sshrl.u32 s5, $0x3;
	[bflag:$0x0] =	sbarrier.arrive $0xFFFF  }
0x100: {  	[hbm:s13], [sflag:s28] =	dma.local [spmem:s31], $0x500  }
0x101: {  	s30 =	sshrl.u32 s6, $0x3;
	s31 =	sshrl.u32 s7, $0x3  }
0x102: {  	[hbm:s14], [sflag:s28] =	dma.local [spmem:s30], $0x500  }
0x103: {  	[hbm:s15], [sflag:s28] =	dma.local [spmem:s31], $0x500  }
0x104: {  	s30 =	sshrl.u32 s8, $0x3;
	s31 =	sshrl.u32 s9, $0x3  }
0x105: {  	[hbm:s16], [sflag:s28] =	dma.local [spmem:s30], $0x500  }
0x106: {  	[hbm:s17], [sflag:s28] =	dma.local [spmem:s31], $0x500  }
0x107: {  	s29 =	sshrl.u32 @!p0 s12, $0x3;
	s30 =	sshrl.u32 s10, $0x3;
	s31 =	sshrl.u32 s11, $0x3  }
0x108: {  	[hbm:s18], [sflag:s28] =	dma.local [spmem:s30], $0x500  }
0x109: {  	[hbm:s19], [sflag:s28] =	dma.local [spmem:s31], $0x500  }
0x10a: {  	[hbm:s20], [sflag:s28] =	dma.local @!p0 [spmem:s29], $0x500  }
0x10b: {  	_ =	swait.ge [sflag:s23], $0x500  }
0x10c: {  	[sflag:s23] =	ssyncset.done $0x0  }
0x10d: {  	[sflag:s23] =	ssyncadd.s32 $0xFFFFFB00  }
0x10e: {  	_ =	swait.ge [sflag:s23], $0x500  }
0x10f: {  	[sflag:s23] =	ssyncset.done $0x0  }
0x110: {  	[sflag:s23] =	ssyncadd.s32 $0xFFFFFB00  }
0x111: {  	_ =	swait.ge [sflag:s23], $0x500  }
0x112: {  	[sflag:s23] =	ssyncset.done $0x0  }
0x113: {  	[sflag:s23] =	ssyncadd.s32 $0xFFFFFB00  }
0x114: {  	_ =	swait.ge [sflag:s23], $0x500  }
0x115: {  	[sflag:s23] =	ssyncset.done $0x0  }
0x116: {  	[sflag:s23] =	ssyncadd.s32 $0xFFFFFB00  }
0x117: {  	_ =	swait.ge [sflag:s23], $0x500  }
0x118: {  	[sflag:s23] =	ssyncset.done $0x0  }
0x119: {  	[sflag:s23] =	ssyncadd.s32 $0xFFFFFB00  }
0x11a: {  	_ =	swait.ge [sflag:s23], $0x500  }
0x11b: {  	[sflag:s23] =	ssyncset.done $0x0  }
0x11c: {  	s3 =	sadd.s32 $0x1, s3;
	[sflag:s23] =	ssyncadd.s32 $0xFFFFFB00  }
0x11d: {  	p1 =	sne.s32 s3, s21;
	_ =	swait.ge [sflag:s23], $0x500  }
.Ltmp3:
0x11e: {  	[sflag:s23] =	ssyncset.done $0x0;
	(pc) =	sbr.rel @p1 .LBB2_1-.Ltmp3, $4  }
0x11f: {  	s28 =	simm.s32 @!p0 $0x1;
	[sflag:s23] =	ssyncadd.s32 $0xFFFFFB00  }
0x120: {  	_ =	swait.ge @!p0 [sflag:s28], $0x500  }
0x121: {  	[sflag:s28] =	ssyncset.done @!p0 $0x0  }
0x122: {  	[sflag:s28] =	ssyncadd.s32 @!p0 $0xFFFFFB00  }
0x123: {  	_ =	sfence.sel $0x180000  }
0x124: {  	[bflag:$0x0] =	sbarrier.arrive $0xFFFF  }
0x125: {  	_ =	strace $0x90000047  }
0x126: {  	[bflag:$0x2] =	sbarrier.arrive $0xFFFF  }
0x127: {  	p0 =	sne.s32 s0, $0x0;
	s0 =	rddreg [dreg:$0x2]  }
0x128: {  	s0 =	sadd.s32 @!p0 $0x100000, s0  }
0x129: {  	[sflag:s0] =	ssyncadd.tile.s32 @!p0 $0x1;
	_ =	shalt  }
.Lfunc_end2:
_tile_overlayer_lowered:
.L_overlay_start_2:
0x12a: {  	(tag) =	ssettag $0x2  }
0x12b: {  	s0 =	rddreg [dreg:$0x0];
	s2 =	stileid.u32  }
0x12c: {  	s1 =	rddreg [dreg:$0x1];
	p0 =	sne.s32 s2, $0x0  }
0x12d: {  	s3 =	rddreg [dreg:$0x2];
	[bflag:$0x3] =	sbarrier.arrive $0xFFFF;
	s2 =	simm.s32 @!p0 $0x1C03  }
0x12e: {  	[timem:s3], [sflag:s2] =	dma.local @!p0 [hbm:s0], s1  }
0x12f: {  	s0 =	simm.s32 @!p0 $0x3  }
0x130: {  	_ =	swait.ge @!p0 [sflag:s0], s1  }
0x131: {  	s1 =	ssub.s32 @!p0 $0x0, s1;
	[sflag:s0] =	ssyncset.done @!p0 $0x0  }
0x132: {  	[sflag:s0] =	ssyncadd.s32 @!p0 s1  }
0x133: {  	[bflag:$0x3] =	sbarrier.arrive $0xFFFF  }
0x134: {  	_ =	shalt  }

</sc_bundles>
